<compile_context>
chip_gen: v7x
topology: tpu7x:2x2x1
jax: 0.10.2.dev20260603
libtpu: 0.0.44.dev20260713+nightly
codegen_flags: <defaults>
</compile_context>

<pallas_src>
import functools

import jax
import jax.numpy as jnp
from jax import lax
from jax.experimental import pallas as pl
from jax.experimental.pallas import tpu as pltpu
from jax.experimental.pallas import tpu_sc as plsc

N = 10000
E = 320000
G = 64
L = 16

NC, NS = 2, 16
NW = NC * NS
EPW = E // NW
CH = 80
NCHUNK = EPW // CH
NPAD = 10240
RPT = NPAD // NS
HS = 2000
SLABCH = HS // CH

_mesh = plsc.VectorSubcoreMesh(
    core_axis_name="c", subcore_axis_name="s", num_cores=NC, num_subcores=NS)


def _worker(base_name="c"):
  cid = lax.axis_index("c")
  sid = lax.axis_index("s")
  return sid * NC + cid, cid, sid


def _zero_rows(zero_v, shared, sid):
  def zfill(i, _):
    zero_v[i, :] = jnp.zeros((L,), jnp.float32)
    return 0
  lax.fori_loop(0, RPT, zfill, 0, unroll=8)
  for sh in shared:
    pltpu.sync_copy(zero_v, sh.at[pl.ds(sid * RPT, RPT)])



@functools.partial(
    pl.kernel,
    out_type=jax.ShapeDtypeStruct((NC, NPAD, L), jnp.float32),
    mesh=_mesh,
    compiler_params=pltpu.CompilerParams(use_tc_tiling_on_sc=False),
    scratch_types=[
        pltpu.VMEM((EPW,), jnp.int32),
        pltpu.VMEM((CH,), jnp.int32),
        pltpu.VMEM((CH, L), jnp.float32),
        pltpu.VMEM((RPT, L), jnp.float32),
        pltpu.VMEM_SHARED((NPAD, L), jnp.float32),
    ])
def _sc_counts(dst_hbm, cnt_out, dst_all, dst_v, ones_v, zero_v, cnt_sh):
  wid, cid, sid = _worker()

  def ofill(i, _):
    ones_v[i, :] = jnp.ones((L,), jnp.float32)
    return 0
  lax.fori_loop(0, CH, ofill, 0, unroll=8)
  _zero_rows(zero_v, (cnt_sh,), sid)
  base0 = wid * EPW
  pltpu.sync_copy(dst_hbm.at[pl.ds(base0, EPW)], dst_all)
  plsc.subcore_barrier()

  def chunk(c, _):
    for t in range(CH // L):
      dst_v[pl.ds(t * L, L)] = dst_all[pl.ds(c * CH + t * L, L)]
    pltpu.sync_copy(ones_v, cnt_sh.at[dst_v], add=True)
    return 0

  lax.fori_loop(0, NCHUNK, chunk, 0)
  plsc.subcore_barrier()
  pltpu.sync_copy(cnt_sh.at[pl.ds(sid * RPT, RPT)],
                  cnt_out.at[cid, pl.ds(sid * RPT, RPT)])



@functools.partial(
    pl.kernel,
    out_type=jax.ShapeDtypeStruct((NC, NPAD, L), jnp.float32),
    mesh=_mesh,
    compiler_params=pltpu.CompilerParams(use_tc_tiling_on_sc=False),
    scratch_types=[
        pltpu.VMEM((EPW,), jnp.int32),
        pltpu.VMEM((CH,), jnp.int32),
        pltpu.VMEM((HS, L), jnp.float32),
        pltpu.VMEM((HS // 8, 128), jnp.float32),
        pltpu.VMEM((CH, L), jnp.float32),
        pltpu.VMEM((RPT, L), jnp.float32),
        pltpu.VMEM_SHARED((NPAD, L), jnp.float32),
        pltpu.SemaphoreType.DMA,
    ])
def _sc_msg0(xs_hbm, h0_hbm, dst_hbm, agg_out,
             dst_all, dst_v, xs_slab, h0_slab, msg_v, zero_v, agg_sh, sem):
  wid, cid, sid = _worker()
  _zero_rows(zero_v, (agg_sh,), sid)
  base0 = wid * EPW
  pltpu.sync_copy(dst_hbm.at[pl.ds(base0, EPW)], dst_all)
  plsc.subcore_barrier()

  def chunk(c, _):
    @pl.when(lax.rem(c, SLABCH) == 0)
    def _():
      pltpu.sync_copy(xs_hbm.at[pl.ds(base0 + c * CH, HS)], xs_slab)
      pltpu.sync_copy(
          h0_hbm.at[pl.ds((base0 + c * CH) // 8, HS // 8)], h0_slab)
    j = lax.rem(c, SLABCH)
    jrow = j * (CH // 8)
    jxs = j * CH
    for r in range(CH // 8):
      for cc in range(8):
        msg_v[8 * r + cc, :] = (
            xs_slab[jxs + 8 * r + cc, :]
            * h0_slab[jrow + r, cc * L:(cc + 1) * L])
    for t in range(CH // L):
      dst_v[pl.ds(t * L, L)] = dst_all[pl.ds(c * CH + t * L, L)]
    pltpu.sync_copy(msg_v, agg_sh.at[dst_v], add=True)
    return 0

  lax.fori_loop(0, NCHUNK, chunk, 0)
  plsc.subcore_barrier()
  pltpu.sync_copy(agg_sh.at[pl.ds(sid * RPT, RPT)],
                  agg_out.at[cid, pl.ds(sid * RPT, RPT)])



@functools.partial(
    pl.kernel,
    out_type=jax.ShapeDtypeStruct((E, L), jnp.float32),
    mesh=_mesh,
    compiler_params=pltpu.CompilerParams(use_tc_tiling_on_sc=False),
    scratch_types=[
        pltpu.VMEM((EPW,), jnp.int32),
        pltpu.VMEM((CH,), jnp.int32),
        pltpu.VMEM((CH,), jnp.int32),
        pltpu.VMEM((CH,), jnp.int32),
        pltpu.VMEM((CH,), jnp.int32),
        pltpu.VMEM((CH, L), jnp.float32),
        pltpu.VMEM((CH, L), jnp.float32),
        pltpu.VMEM((CH, L), jnp.float32),
        pltpu.VMEM((CH, L), jnp.float32),
        pltpu.SemaphoreType.DMA,
        pltpu.SemaphoreType.DMA,
    ])
def _sc_gather(x1_hbm, src_hbm, out_hbm, src_all,
               i0, i1, i2, i3, r0, r1, r2, r3, sem_g, sem_w):
  wid, cid, sid = _worker()
  base0 = wid * EPW
  idxs = (i0, i1, i2, i3)
  rows = (r0, r1, r2, r3)
  pltpu.sync_copy(src_hbm.at[pl.ds(base0, EPW)], src_all)

  def idx_chunk(dst_ref, c):
    for t in range(CH // L):
      dst_ref[pl.ds(t * L, L)] = src_all[pl.ds(c * CH + t * L, L)]

  def fire(c, b):
    idx_chunk(idxs[b], c)
    pltpu.async_copy(x1_hbm.at[idxs[b]], rows[b], sem_g)

  def wait_g(b):
    pltpu.make_async_copy(x1_hbm.at[pl.ds(0, CH)], rows[b], sem_g).wait()

  def wait_w(b):
    pltpu.make_async_copy(rows[b], out_hbm.at[pl.ds(0, CH)], sem_w).wait()

  fire(0, 0)
  fire(1, 1)

  def quad(k, _):
    for b in range(4):
      s = 4 * k + b

      @pl.when(s >= 2)
      def _():
        wait_w(b)

      @pl.when(s + 2 < NCHUNK)
      def _():
        fire(s + 2, (b + 2) % 4)
      wait_g(b)
      pltpu.async_copy(rows[b], out_hbm.at[pl.ds(base0 + s * CH, CH)], sem_w)
    return 0

  lax.fori_loop(0, NCHUNK // 4, quad, 0)
  sT = NCHUNK - 1
  wait_g(0)
  pltpu.async_copy(rows[0], out_hbm.at[pl.ds(base0 + sT * CH, CH)], sem_w)
  wait_w(2)
  wait_w(3)
  wait_w(0)



@functools.partial(
    pl.kernel,
    out_type=jax.ShapeDtypeStruct((NC, NPAD, L), jnp.float32),
    mesh=_mesh,
    compiler_params=pltpu.CompilerParams(use_tc_tiling_on_sc=False),
    scratch_types=[
        pltpu.VMEM((EPW,), jnp.int32),
        pltpu.VMEM((CH,), jnp.int32),
        pltpu.VMEM((HS, L), jnp.float32),
        pltpu.VMEM((RPT, L), jnp.float32),
        pltpu.VMEM_SHARED((NPAD, L), jnp.float32),
        pltpu.SemaphoreType.DMA,
    ])
def _sc_scatter(msg_hbm, dst_hbm, agg_out, dst_all, dst_v, msg_slab, zero_v,
                agg_sh, sem):
  wid, cid, sid = _worker()
  _zero_rows(zero_v, (agg_sh,), sid)

  base0 = wid * EPW
  pltpu.sync_copy(dst_hbm.at[pl.ds(base0, EPW)], dst_all)
  plsc.subcore_barrier()

  def chunk(c, _):
    @pl.when(lax.rem(c, SLABCH) == 0)
    def _():
      pltpu.sync_copy(msg_hbm.at[pl.ds(base0 + c * CH, HS)], msg_slab)
    for t in range(CH // L):
      dst_v[pl.ds(t * L, L)] = dst_all[pl.ds(c * CH + t * L, L)]
    pltpu.sync_copy(msg_slab.at[pl.ds(lax.rem(c, SLABCH) * CH, CH)],
                    agg_sh.at[dst_v], add=True)
    return 0

  lax.fori_loop(0, NCHUNK, chunk, 0)
  plsc.subcore_barrier()
  pltpu.sync_copy(agg_sh.at[pl.ds(sid * RPT, RPT)],
                  agg_out.at[cid, pl.ds(sid * RPT, RPT)])



BE = 2560
BR = BE // 8
NB = E // BE


def _pack(x):
  return jnp.concatenate([x[c * BR:(c + 1) * BR, :] for c in range(8)],
                         axis=1)


def _unpack(xp):
  return jnp.concatenate([xp[:, c * L:(c + 1) * L] for c in range(8)],
                         axis=0)


def _h0_body(ea, w1d, b1t, w2d, b2t, out):
  bf = jnp.bfloat16
  f32 = jnp.float32
  eap = _pack(ea[...])
  r = jnp.maximum(
      jnp.dot(eap.astype(bf), w1d[...].astype(bf),
              preferred_element_type=f32) + b1t[...], 0.0)
  out[...] = jnp.dot(r.astype(bf), w2d[...].astype(bf),
                     preferred_element_type=f32) + b2t[...]


def _h0_call(ea, w1d, b1t, w2d, b2t):
  full = lambda i: (0, 0)
  return pl.pallas_call(
      _h0_body,
      grid=(NB,),
      in_specs=[
          pl.BlockSpec((BE, L), lambda i: (i, 0)),
          pl.BlockSpec((128, 128), full),
          pl.BlockSpec((1, 128), full),
          pl.BlockSpec((128, 128), full),
          pl.BlockSpec((1, 128), full),
      ],
      out_specs=pl.BlockSpec((BR, 128), lambda i: (i, 0)),
      out_shape=jax.ShapeDtypeStruct((E // 8, 128), jnp.float32),
  )(ea, w1d, b1t, w2d, b2t)


def _msg1_body(ea, xsp, w1, b1, w2, b2, rmat, smat, out):
  bf = jnp.bfloat16
  f32 = jnp.float32
  r = jnp.maximum(
      jnp.dot(ea[...].astype(bf), w1[...].astype(bf),
              preferred_element_type=f32) + b1[...], 0.0)
  h = jnp.dot(r.astype(bf), w2[...].astype(bf),
              preferred_element_type=f32) + b2[...]
  xs = _unpack(xsp[...])
  xe = jnp.dot(xs.astype(bf), rmat[...].astype(bf),
               preferred_element_type=f32)
  msg = jnp.dot((h * xe).astype(bf), smat[...].astype(bf),
                preferred_element_type=f32)
  out[...] = _pack(msg)


def _msg1_call(ea, xsp, w1, b1, w2, b2, rmat, smat):
  full = lambda i: (0, 0)
  return pl.pallas_call(
      _msg1_body,
      grid=(NB,),
      in_specs=[
          pl.BlockSpec((BE, L), lambda i: (i, 0)),
          pl.BlockSpec((BR, 128), lambda i: (i, 0)),
          pl.BlockSpec((L, 256), full),
          pl.BlockSpec((1, 256), full),
          pl.BlockSpec((256, 256), full),
          pl.BlockSpec((1, 256), full),
          pl.BlockSpec((L, 256), full),
          pl.BlockSpec((256, L), full),
      ],
      out_specs=pl.BlockSpec((BR, 128), lambda i: (i, 0)),
      out_shape=jax.ShapeDtypeStruct((E // 8, 128), jnp.float32),
  )(ea, xsp, w1, b1, w2, b2, rmat, smat)


NR = N // 8


def _node0_body(a0, a1, c0, c1, x0p, root0t, bias0t, x1tab_out, x1p_out,
                invc_out):
  c = c0[:NR] + c1[:NR]
  invc = 1.0 / jnp.maximum(c, 1.0)
  agg = (a0[:NR] + a1[:NR]) * invc
  x1p = jnp.maximum(agg + x0p[...] * root0t[...] + bias0t[...], 0.0)
  x1tab_out[...] = jnp.concatenate(
      [x1p[:, c * L:(c + 1) * L] for c in range(8)], axis=0)
  x1p_out[...] = x1p
  invc_out[...] = invc


def _node0_call(a0, a1, c0, c1, x0p, root0t, bias0t):
  return pl.pallas_call(
      _node0_body,
      out_shape=(jax.ShapeDtypeStruct((N, L), jnp.float32),
                 jax.ShapeDtypeStruct((NR, 128), jnp.float32),
                 jax.ShapeDtypeStruct((NR, 128), jnp.float32)),
  )(a0, a1, c0, c1, x0p, root0t, bias0t)


def _final_body(a0, a1, invc, x1p, root1d, bias1t, batchp, c1, cb1, c2, cb2,
                out):
  agg = (a0[:NR] + a1[:NR]) * invc[...]
  x2p = jnp.maximum(
      agg + jnp.dot(x1p[...], root1d[...]) + bias1t[...], 0.0)
  x2 = jnp.concatenate(
      [x2p[:, c * L:(c + 1) * L] for c in range(8)], axis=0)
  gids = lax.broadcasted_iota(jnp.int32, (G, N), 0)
  onehot = (batchp[...] == gids).astype(jnp.float32)
  psum = jnp.dot(onehot, x2)
  gcnt = jnp.sum(onehot, axis=1, keepdims=True)
  pooled = psum / jnp.maximum(gcnt, 1.0)
  h = jnp.maximum(jnp.dot(pooled, c1[...]) + cb1[...], 0.0)
  out[...] = jnp.dot(h, c2[...]) + cb2[...]


def _final_call(a0, a1, invc, x1p, root1d, bias1t, batchp, c1, cb1, c2, cb2):
  return pl.pallas_call(
      _final_body,
      out_shape=jax.ShapeDtypeStruct((G, 4), jnp.float32),
  )(a0, a1, invc, x1p, root1d, bias1t, batchp, c1, cb1, c2, cb2)



def kernel(node_ids, edge_index, edge_attr, batch,
           W1_0, b1_0, W2_0, b2_0, root0, bias0,
           W1_1, b1_1, W2_1, b2_1, root1, bias1,
           C1, cb1, C2, cb2):
  srcp = edge_index[0].reshape(NB, 8, BR).transpose(0, 2, 1).reshape(E)
  dstp = edge_index[1].reshape(NB, 8, BR).transpose(0, 2, 1).reshape(E)

  x0 = jnp.broadcast_to(node_ids, (N, L))

  cnt0p = _sc_counts(dstp)
  xs0 = _sc_gather(x0, srcp)
  eye8 = jnp.eye(8, dtype=jnp.float32)
  h0 = _h0_call(edge_attr, jnp.kron(eye8, W1_0), jnp.tile(b1_0, 8).reshape(1, 128),
                jnp.kron(eye8, W2_0), jnp.tile(b2_0, 8).reshape(1, 128))
  agg0p = _sc_msg0(xs0, h0, dstp)

  pk = lambda a: a.reshape(NPAD // 8, 128)
  x0p = jnp.repeat(node_ids.reshape(NR, 8), L, axis=1)
  x1tab, x1p, invcp = _node0_call(
      pk(agg0p[0]), pk(agg0p[1]), pk(cnt0p[0]), pk(cnt0p[1]),
      x0p, jnp.tile(root0.reshape(L), 8).reshape(1, 128),
      jnp.tile(bias0, 8).reshape(1, 128))

  srcg = lax.rem(srcp, 8) * NR + srcp // 8
  xsp = _sc_gather(x1tab, srcg).reshape(E // 8, 128)
  rmat = jnp.repeat(jnp.eye(L, dtype=jnp.float32), L, axis=1)
  smat = jnp.tile(jnp.eye(L, dtype=jnp.float32), (L, 1))
  msg1 = _msg1_call(edge_attr, xsp, W1_1, b1_1.reshape(1, 256),
                    W2_1, b2_1.reshape(1, 256), rmat, smat)
  agg1p = _sc_scatter(msg1.reshape(E, L), dstp)

  batchp = batch.reshape(NR, 8).transpose().reshape(1, N)
  out = _final_call(
      pk(agg1p[0]), pk(agg1p[1]), invcp, x1p,
      jnp.kron(jnp.eye(8, dtype=jnp.float32), root1),
      jnp.tile(bias1, 8).reshape(1, 128), batchp,
      C1, cb1.reshape(1, L), C2, cb2.reshape(1, 4))
  return out

# --- scband reference (transcript-rebuilt; emitter-appended) ---
"""Pipeline reference for scband-model-26766236189372 (READ-ONLY COPY).

The authoritative reference and input builder live on the scoring server;
editing this copy changes nothing except your own understanding.
"""

import jax, jax.numpy as jnp
import numpy as np

N = 10000
E = 320000
EA = 16
G = 64

def setup_inputs(seed: int = 0) -> dict:
    key = jax.random.key(seed)
    ks = [jax.random.fold_in(key, i) for i in range(32)]
    inp = {}
    inp['node_ids'] = jax.random.normal(ks[0], (N, 1), dtype=jnp.float32)
    inp['edge_index'] = jax.random.randint(ks[1], (2, E), 0, N, dtype=jnp.int32)
    inp['edge_attr'] = jax.random.normal(ks[2], (E, EA), dtype=jnp.float32)
    inp['batch'] = jnp.sort(jax.random.randint(ks[3], (N,), 0, G, dtype=jnp.int32))
    # Layer 0 (in=1, out=16): edge MLP 16 -> 16 -> 16 (=1*16)
    inp['W1_0'] = jax.random.normal(ks[4], (EA, 16), dtype=jnp.float32) * 0.1
    inp['b1_0'] = jnp.zeros((16,), dtype=jnp.float32)
    inp['W2_0'] = jax.random.normal(ks[5], (16, 16), dtype=jnp.float32) * 0.1
    inp['b2_0'] = jnp.zeros((16,), dtype=jnp.float32)
    inp['root0'] = jax.random.normal(ks[6], (1, 16), dtype=jnp.float32) * 0.1
    inp['bias0'] = jnp.zeros((16,), dtype=jnp.float32)
    # Layer 1 (in=16, out=16): edge MLP 16 -> 256 -> 256 (=16*16)
    inp['W1_1'] = jax.random.normal(ks[7], (EA, 256), dtype=jnp.float32) * 0.1
    inp['b1_1'] = jnp.zeros((256,), dtype=jnp.float32)
    inp['W2_1'] = jax.random.normal(ks[8], (256, 256), dtype=jnp.float32) * 0.05
    inp['b2_1'] = jnp.zeros((256,), dtype=jnp.float32)
    inp['root1'] = jax.random.normal(ks[9], (16, 16), dtype=jnp.float32) * 0.1
    inp['bias1'] = jnp.zeros((16,), dtype=jnp.float32)
    # classifier: Linear(16,16) -> ReLU -> Linear(16,4)
    inp['C1'] = jax.random.normal(ks[10], (16, 16), dtype=jnp.float32) * 0.25
    inp['cb1'] = jnp.zeros((16,), dtype=jnp.float32)
    inp['C2'] = jax.random.normal(ks[11], (16, 4), dtype=jnp.float32) * 0.25
    inp['cb2'] = jnp.zeros((4,), dtype=jnp.float32)
    return inp

def _nnconv(x, src, dst, edge_attr, W1, b1, W2, b2, root, bias, in_dim, out_dim, n_nodes):
    # dynamically generated per-edge weight matrices (NNConv / ECC)
    h = jnp.maximum(edge_attr @ W1 + b1, 0.0) @ W2 + b2
    w = h.reshape(-1, in_dim, out_dim)
    msg = jnp.einsum('ei,eio->eo', x[src], w)
    s = jax.ops.segment_sum(msg, dst, num_segments=n_nodes)
    c = jax.ops.segment_sum(jnp.ones((msg.shape[0],), msg.dtype), dst, num_segments=n_nodes)
    agg = s / jnp.clip(c, 1.0, None)[:, None]
    return agg + x @ root + bias

def _seg_mean(data, ids, n):
    s = jax.ops.segment_sum(data, ids, num_segments=n)
    c = jax.ops.segment_sum(jnp.ones((data.shape[0],), data.dtype), ids, num_segments=n)
    return s / jnp.clip(c, 1.0, None)[:, None]

def reference(node_ids, edge_index, edge_attr, batch, W1_0, b1_0, W2_0, b2_0, root0, bias0, W1_1, b1_1, W2_1, b2_1, root1, bias1, C1, cb1, C2, cb2):
    src = edge_index[0]
    dst = edge_index[1]
    x = node_ids
    x = _nnconv(x, src, dst, edge_attr, W1_0, b1_0, W2_0, b2_0, root0, bias0, 1, 16, N)
    x = jnp.maximum(x, 0.0)  # dropout is identity in eval mode
    x = _nnconv(x, src, dst, edge_attr, W1_1, b1_1, W2_1, b2_1, root1, bias1, 16, 16, N)
    x = jnp.maximum(x, 0.0)
    pooled = _seg_mean(x, batch, G)
    out = jnp.maximum(pooled @ C1 + cb1, 0.0) @ C2 + cb2
    return out

if __name__ == "__main__":
    import jax
    _d = setup_inputs()
    print(jax.jit(kernel)(*tuple(_d.values())))

</pallas_src>

<mosaic_0001>
#map = affine_map<(d0, d1) -> (0, 0)>
#map1 = affine_map<(d0, d1) -> (0)>
#map2 = affine_map<(d0, d1) -> (0, 0, 0)>
module attributes {stable_mosaic.version = 14 : i64} {
  func.func @_sc_msg0(%arg0: i32, %arg1: i32, %arg2: memref<320000x16xf32, #tpu.memory_space<hbm>>, %arg3: memref<40000x128xf32, #tpu.memory_space<hbm>>, %arg4: memref<320000xi32, #tpu.memory_space<hbm>>, %arg5: memref<2x10240x16xf32, #tpu.memory_space<hbm>>, %arg6: memref<10000xi32, #tpu.memory_space<vmem>>, %arg7: memref<80xi32, #tpu.memory_space<vmem>>, %arg8: memref<2000x16xf32, #tpu.memory_space<vmem>>, %arg9: memref<250x128xf32, #tpu.memory_space<vmem>>, %arg10: memref<80x16xf32, #tpu.memory_space<vmem>>, %arg11: memref<640x16xf32, #tpu.memory_space<vmem>>, %arg12: memref<10240x16xf32, #tpu.memory_space<vmem_shared>>, %arg13: memref<!tpu.dma_semaphore, #tpu.memory_space<semaphore_mem>>) attributes {dimension_semantics = [#tpu.dimension_semantics<core_parallel>, #tpu.dimension_semantics<subcore_parallel>], iteration_bounds = array<i64: 2, 16>, scalar_prefetch = 0 : i64, scratch_operands = 8 : i64, tpu.core_type = #tpu.core_type<sc_vector_subcore>, window_params = [{transform_indices = #map}, {transform_indices = #map}, {transform_indices = #map1}, {transform_indices = #map2}]} {
    %mul3A = arith.constant 2 : i32
    %mul3A_0 = arith.muli %arg1, %mul3A : i32
    %add3A = arith.addi %mul3A_0, %arg0 : i32
    %scan3A = arith.constant 0 : i32
    %scan3A_1 = arith.constant 0 : i32
    %scan3A_2 = arith.constant 640 : i32
    %scan3A_3 = arith.addi %scan3A_1, %scan3A_2 : i32
    %scan3A_4 = arith.constant 8 : i32
    %scan3A_5 = scf.for %scan3A_23 = %scan3A_1 to %scan3A_3 step %scan3A_4 iter_args(%scan3A_24 = %scan3A) -> (i32)  : i32 {
      %broadcast_in_dim3A = arith.constant 0.000000e+00 : f32
      %broadcast_in_dim3A_25 = vector.broadcast %broadcast_in_dim3A : f32 to vector<16xf32>
      %swap3A = arith.index_cast %scan3A_23 : i32 to index
      %swap3A_26 = arith.constant 0 : index
      %swap3A_27 = tpu.vector_load %arg11[%swap3A, %swap3A_26] {strides = array<i32>} : memref<640x16xf32, #tpu.memory_space<vmem>>, vector<1x16xf32>,
      %swap3A_28 = vector.shape_cast %swap3A_27 : vector<1x16xf32> to vector<16xf32>
      %swap3A_29 = vector.shape_cast %broadcast_in_dim3A_25 : vector<16xf32> to vector<1x16xf32>
      tpu.vector_store %arg11[%swap3A, %swap3A_26], %swap3A_29 {strides = array<i32>} : memref<640x16xf32, #tpu.memory_space<vmem>>, vector<1x16xf32>,
      %scan3A_30 = arith.constant 0 : i32
      %scan3A_31 = arith.constant 1 : i32
      %scan3A_32 = arith.addi %scan3A_23, %scan3A_31 : i32
      %broadcast_in_dim3A_33 = arith.constant 0.000000e+00 : f32
      %broadcast_in_dim3A_34 = vector.broadcast %broadcast_in_dim3A_33 : f32 to vector<16xf32>
      %swap3A_35 = arith.index_cast %scan3A_32 : i32 to index
      %swap3A_36 = arith.constant 0 : index
      %swap3A_37 = tpu.vector_load %arg11[%swap3A_35, %swap3A_36] {strides = array<i32>} : memref<640x16xf32, #tpu.memory_space<vmem>>, vector<1x16xf32>,
      %swap3A_38 = vector.shape_cast %swap3A_37 : vector<1x16xf32> to vector<16xf32>
      %swap3A_39 = vector.shape_cast %broadcast_in_dim3A_34 : vector<16xf32> to vector<1x16xf32>
      tpu.vector_store %arg11[%swap3A_35, %swap3A_36], %swap3A_39 {strides = array<i32>} : memref<640x16xf32, #tpu.memory_space<vmem>>, vector<1x16xf32>,
      %scan3A_40 = arith.constant 0 : i32
      %scan3A_41 = arith.constant 2 : i32
      %scan3A_42 = arith.addi %scan3A_23, %scan3A_41 : i32
      %broadcast_in_dim3A_43 = arith.constant 0.000000e+00 : f32
      %broadcast_in_dim3A_44 = vector.broadcast %broadcast_in_dim3A_43 : f32 to vector<16xf32>
      %swap3A_45 = arith.index_cast %scan3A_42 : i32 to index
      %swap3A_46 = arith.constant 0 : index
      %swap3A_47 = tpu.vector_load %arg11[%swap3A_45, %swap3A_46] {strides = array<i32>} : memref<640x16xf32, #tpu.memory_space<vmem>>, vector<1x16xf32>,
      %swap3A_48 = vector.shape_cast %swap3A_47 : vector<1x16xf32> to vector<16xf32>
      %swap3A_49 = vector.shape_cast %broadcast_in_dim3A_44 : vector<16xf32> to vector<1x16xf32>
      tpu.vector_store %arg11[%swap3A_45, %swap3A_46], %swap3A_49 {strides = array<i32>} : memref<640x16xf32, #tpu.memory_space<vmem>>, vector<1x16xf32>,
      %scan3A_50 = arith.constant 0 : i32
      %scan3A_51 = arith.constant 3 : i32
      %scan3A_52 = arith.addi %scan3A_23, %scan3A_51 : i32
      %broadcast_in_dim3A_53 = arith.constant 0.000000e+00 : f32
      %broadcast_in_dim3A_54 = vector.broadcast %broadcast_in_dim3A_53 : f32 to vector<16xf32>
      %swap3A_55 = arith.index_cast %scan3A_52 : i32 to index
      %swap3A_56 = arith.constant 0 : index
      %swap3A_57 = tpu.vector_load %arg11[%swap3A_55, %swap3A_56] {strides = array<i32>} : memref<640x16xf32, #tpu.memory_space<vmem>>, vector<1x16xf32>,
      %swap3A_58 = vector.shape_cast %swap3A_57 : vector<1x16xf32> to vector<16xf32>
      %swap3A_59 = vector.shape_cast %broadcast_in_dim3A_54 : vector<16xf32> to vector<1x16xf32>
      tpu.vector_store %arg11[%swap3A_55, %swap3A_56], %swap3A_59 {strides = array<i32>} : memref<640x16xf32, #tpu.memory_space<vmem>>, vector<1x16xf32>,
      %scan3A_60 = arith.constant 0 : i32
      %scan3A_61 = arith.constant 4 : i32
      %scan3A_62 = arith.addi %scan3A_23, %scan3A_61 : i32
      %broadcast_in_dim3A_63 = arith.constant 0.000000e+00 : f32
      %broadcast_in_dim3A_64 = vector.broadcast %broadcast_in_dim3A_63 : f32 to vector<16xf32>
      %swap3A_65 = arith.index_cast %scan3A_62 : i32 to index
      %swap3A_66 = arith.constant 0 : index
      %swap3A_67 = tpu.vector_load %arg11[%swap3A_65, %swap3A_66] {strides = array<i32>} : memref<640x16xf32, #tpu.memory_space<vmem>>, vector<1x16xf32>,
      %swap3A_68 = vector.shape_cast %swap3A_67 : vector<1x16xf32> to vector<16xf32>
      %swap3A_69 = vector.shape_cast %broadcast_in_dim3A_64 : vector<16xf32> to vector<1x16xf32>
      tpu.vector_store %arg11[%swap3A_65, %swap3A_66], %swap3A_69 {strides = array<i32>} : memref<640x16xf32, #tpu.memory_space<vmem>>, vector<1x16xf32>,
      %scan3A_70 = arith.constant 0 : i32
      %scan3A_71 = arith.constant 5 : i32
      %scan3A_72 = arith.addi %scan3A_23, %scan3A_71 : i32
      %broadcast_in_dim3A_73 = arith.constant 0.000000e+00 : f32
      %broadcast_in_dim3A_74 = vector.broadcast %broadcast_in_dim3A_73 : f32 to vector<16xf32>
      %swap3A_75 = arith.index_cast %scan3A_72 : i32 to index
      %swap3A_76 = arith.constant 0 : index
      %swap3A_77 = tpu.vector_load %arg11[%swap3A_75, %swap3A_76] {strides = array<i32>} : memref<640x16xf32, #tpu.memory_space<vmem>>, vector<1x16xf32>,
      %swap3A_78 = vector.shape_cast %swap3A_77 : vector<1x16xf32> to vector<16xf32>
      %swap3A_79 = vector.shape_cast %broadcast_in_dim3A_74 : vector<16xf32> to vector<1x16xf32>
      tpu.vector_store %arg11[%swap3A_75, %swap3A_76], %swap3A_79 {strides = array<i32>} : memref<640x16xf32, #tpu.memory_space<vmem>>, vector<1x16xf32>,
      %scan3A_80 = arith.constant 0 : i32
      %scan3A_81 = arith.constant 6 : i32
      %scan3A_82 = arith.addi %scan3A_23, %scan3A_81 : i32
      %broadcast_in_dim3A_83 = arith.constant 0.000000e+00 : f32
      %broadcast_in_dim3A_84 = vector.broadcast %broadcast_in_dim3A_83 : f32 to vector<16xf32>
      %swap3A_85 = arith.index_cast %scan3A_82 : i32 to index
      %swap3A_86 = arith.constant 0 : index
      %swap3A_87 = tpu.vector_load %arg11[%swap3A_85, %swap3A_86] {strides = array<i32>} : memref<640x16xf32, #tpu.memory_space<vmem>>, vector<1x16xf32>,
      %swap3A_88 = vector.shape_cast %swap3A_87 : vector<1x16xf32> to vector<16xf32>
      %swap3A_89 = vector.shape_cast %broadcast_in_dim3A_84 : vector<16xf32> to vector<1x16xf32>
      tpu.vector_store %arg11[%swap3A_85, %swap3A_86], %swap3A_89 {strides = array<i32>} : memref<640x16xf32, #tpu.memory_space<vmem>>, vector<1x16xf32>,
      %scan3A_90 = arith.constant 0 : i32
      %scan3A_91 = arith.constant 7 : i32
      %scan3A_92 = arith.addi %scan3A_23, %scan3A_91 : i32
      %broadcast_in_dim3A_93 = arith.constant 0.000000e+00 : f32
      %broadcast_in_dim3A_94 = vector.broadcast %broadcast_in_dim3A_93 : f32 to vector<16xf32>
      %swap3A_95 = arith.index_cast %scan3A_92 : i32 to index
      %swap3A_96 = arith.constant 0 : index
      %swap3A_97 = tpu.vector_load %arg11[%swap3A_95, %swap3A_96] {strides = array<i32>} : memref<640x16xf32, #tpu.memory_space<vmem>>, vector<1x16xf32>,
      %swap3A_98 = vector.shape_cast %swap3A_97 : vector<1x16xf32> to vector<16xf32>
      %swap3A_99 = vector.shape_cast %broadcast_in_dim3A_94 : vector<16xf32> to vector<1x16xf32>
      tpu.vector_store %arg11[%swap3A_95, %swap3A_96], %swap3A_99 {strides = array<i32>} : memref<640x16xf32, #tpu.memory_space<vmem>>, vector<1x16xf32>,
      %scan3A_100 = arith.constant 0 : i32
      scf.yield %scan3A_100 : i32
    }
    %scan3A_6 = arith.constant 640 : i32
    %mul3A_7 = arith.constant 640 : i32
    %mul3A_8 = arith.muli %arg1, %mul3A_7 : i32
    "tpu.region"() ({
      %run_scoped3A = tpu.sem_alloc : memref<!tpu.dma_semaphore, #tpu.memory_space<semaphore_mem>>
      %dma_start3A = arith.constant 0 : i32
      %dma_start3A_23 = tpu.memref_slice %arg12[%mul3A_8, %dma_start3A] : memref<10240x16xf32, #tpu.memory_space<vmem_shared>> -> memref<640x16xf32, #tpu.memory_space<vmem_shared>>
      %dma_start3A_24 = arith.constant 0 : i32
      %dma_start3A_25 = tpu.memref_slice %arg12[%mul3A_8, %dma_start3A_24] : memref<10240x16xf32, #tpu.memory_space<vmem_shared>> -> memref<640x16xf32, #tpu.memory_space<vmem_shared>>
      tpu.enqueue_dma source(%arg11 : memref<640x16xf32, #tpu.memory_space<vmem>>) target(%dma_start3A_25 : memref<640x16xf32, #tpu.memory_space<vmem_shared>>) target_semaphore(%run_scoped3A : memref<!tpu.dma_semaphore, #tpu.memory_space<semaphore_mem>>)
      %dma_wait3A = arith.constant 0 : i32
      %dma_wait3A_26 = tpu.memref_slice %arg12[%mul3A_8, %dma_wait3A] : memref<10240x16xf32, #tpu.memory_space<vmem_shared>> -> memref<640x16xf32, #tpu.memory_space<vmem_shared>>
      %dma_wait3A_27 = arith.constant 0 : i32
      %dma_wait3A_28 = tpu.memref_slice %arg12[%mul3A_8, %dma_wait3A_27] : memref<10240x16xf32, #tpu.memory_space<vmem_shared>> -> memref<640x16xf32, #tpu.memory_space<vmem_shared>>
      tpu.wait_dma2 semaphore(%run_scoped3A : memref<!tpu.dma_semaphore, #tpu.memory_space<semaphore_mem>>) src(%arg11 : memref<640x16xf32, #tpu.memory_space<vmem>>) dst(%dma_wait3A_28 : memref<640x16xf32, #tpu.memory_space<vmem_shared>>)
      tpu.yield
    }) : () -> ()
    %mul3A_9 = arith.constant 10000 : i32
    %mul3A_10 = arith.muli %add3A, %mul3A_9 : i32
    "tpu.region"() ({
      %run_scoped3A = tpu.sem_alloc : memref<!tpu.dma_semaphore, #tpu.memory_space<semaphore_mem>>
      %dma_start3A = tpu.memref_slice %arg4[%mul3A_10] : memref<320000xi32, #tpu.memory_space<hbm>> -> memref<10000xi32, #tpu.memory_space<hbm>>
      %dma_start3A_23 = tpu.memref_slice %arg4[%mul3A_10] : memref<320000xi32, #tpu.memory_space<hbm>> -> memref<10000xi32, #tpu.memory_space<hbm>>
      tpu.enqueue_dma source(%dma_start3A_23 : memref<10000xi32, #tpu.memory_space<hbm>>) target(%arg6 : memref<10000xi32, #tpu.memory_space<vmem>>) target_semaphore(%run_scoped3A : memref<!tpu.dma_semaphore, #tpu.memory_space<semaphore_mem>>)
      %dma_wait3A = tpu.memref_slice %arg4[%mul3A_10] : memref<320000xi32, #tpu.memory_space<hbm>> -> memref<10000xi32, #tpu.memory_space<hbm>>
      %dma_wait3A_24 = tpu.memref_slice %arg4[%mul3A_10] : memref<320000xi32, #tpu.memory_space<hbm>> -> memref<10000xi32, #tpu.memory_space<hbm>>
      tpu.wait_dma2 semaphore(%run_scoped3A : memref<!tpu.dma_semaphore, #tpu.memory_space<semaphore_mem>>) src(%dma_wait3A_24 : memref<10000xi32, #tpu.memory_space<hbm>>) dst(%arg6 : memref<10000xi32, #tpu.memory_space<vmem>>)
      tpu.yield
    }) : () -> ()
    %barrier3A = arith.constant 0 : index
    tpu.barrier barrier_id(%barrier3A)
    %scan3A_11 = arith.constant 0 : i32
    %scan3A_12 = arith.constant 0 : i32
    %scan3A_13 = arith.constant 125 : i32
    %scan3A_14 = arith.addi %scan3A_12, %scan3A_13 : i32
    %scan3A_15 = arith.constant 1 : i32
    %scan3A_16 = scf.for %scan3A_23 = %scan3A_12 to %scan3A_14 step %scan3A_15 iter_args(%scan3A_24 = %scan3A_11) -> (i32)  : i32 {
      %rem3A = arith.constant 25 : i32
      %rem3A_25 = arith.remsi %scan3A_23, %rem3A : i32
      %eq3A = arith.constant 0 : i32
      %eq3A_26 = arith.cmpi eq, %rem3A_25, %eq3A : i32
      %convert_element_type3A = arith.extui %eq3A_26 : i1 to i32
      %cond3A = arith.constant 0 : i32
      %cond3A_27 = arith.cmpi ne, %convert_element_type3A, %cond3A : i32
      scf.if %cond3A_27 {
        %mul3A_1768 = arith.constant 80 : i32
        %mul3A_1769 = arith.muli %scan3A_23, %mul3A_1768 : i32
        %add3A_1770 = arith.addi %mul3A_10, %mul3A_1769 : i32
        "tpu.region"() ({
          %run_scoped3A = tpu.sem_alloc : memref<!tpu.dma_semaphore, #tpu.memory_space<semaphore_mem>>
          %dma_start3A = arith.constant 0 : i32
          %dma_start3A_1791 = tpu.memref_slice %arg2[%add3A_1770, %dma_start3A] : memref<320000x16xf32, #tpu.memory_space<hbm>> -> memref<2000x16xf32, #tpu.memory_space<hbm>>
          %dma_start3A_1792 = arith.constant 0 : i32
          %dma_start3A_1793 = tpu.memref_slice %arg2[%add3A_1770, %dma_start3A_1792] : memref<320000x16xf32, #tpu.memory_space<hbm>> -> memref<2000x16xf32, #tpu.memory_space<hbm>>
          tpu.enqueue_dma source(%dma_start3A_1793 : memref<2000x16xf32, #tpu.memory_space<hbm>>) target(%arg8 : memref<2000x16xf32, #tpu.memory_space<vmem>>) target_semaphore(%run_scoped3A : memref<!tpu.dma_semaphore, #tpu.memory_space<semaphore_mem>>)
          %dma_wait3A = arith.constant 0 : i32
          %dma_wait3A_1794 = tpu.memref_slice %arg2[%add3A_1770, %dma_wait3A] : memref<320000x16xf32, #tpu.memory_space<hbm>> -> memref<2000x16xf32, #tpu.memory_space<hbm>>
          %dma_wait3A_1795 = arith.constant 0 : i32
          %dma_wait3A_1796 = tpu.memref_slice %arg2[%add3A_1770, %dma_wait3A_1795] : memref<320000x16xf32, #tpu.memory_space<hbm>> -> memref<2000x16xf32, #tpu.memory_space<hbm>>
          tpu.wait_dma2 semaphore(%run_scoped3A : memref<!tpu.dma_semaphore, #tpu.memory_space<semaphore_mem>>) src(%dma_wait3A_1796 : memref<2000x16xf32, #tpu.memory_space<hbm>>) dst(%arg8 : memref<2000x16xf32, #tpu.memory_space<vmem>>)
          tpu.yield
        }) : () -> ()
        %mul3A_1771 = arith.constant 80 : i32
        %mul3A_1772 = arith.muli %scan3A_23, %mul3A_1771 : i32
        %add3A_1773 = arith.addi %mul3A_10, %mul3A_1772 : i32
        %jit3A = arith.constant 8 : i32
        %div3A = arith.divsi %add3A_1773, %jit3A : i32
        %sign3A = arith.constant 0 : i32
        %sign3A_1774 = arith.cmpi sgt, %add3A_1773, %sign3A : i32
        %sign3A_1775 = arith.extui %sign3A_1774 : i1 to i32
        %sign3A_1776 = arith.constant 0 : i32
        %sign3A_1777 = arith.cmpi slt, %add3A_1773, %sign3A_1776 : i32
        %sign3A_1778 = arith.extui %sign3A_1777 : i1 to i32
        %sign3A_1779 = arith.subi %sign3A_1775, %sign3A_1778 : i32
        %sign3A_1780 = arith.constant 0 : i32
        %sign3A_1781 = arith.cmpi sgt, %jit3A, %sign3A_1780 : i32
        %sign3A_1782 = arith.extui %sign3A_1781 : i1 to i32
        %sign3A_1783 = arith.constant 0 : i32
        %sign3A_1784 = arith.cmpi slt, %jit3A, %sign3A_1783 : i32
        %sign3A_1785 = arith.extui %sign3A_1784 : i1 to i32
        %sign3A_1786 = arith.subi %sign3A_1782, %sign3A_1785 : i32
        %ne3A = arith.cmpi ne, %sign3A_1779, %sign3A_1786 : i32
        %rem3A_1787 = arith.remsi %add3A_1773, %jit3A : i32
        %ne3A_1788 = arith.constant 0 : i32
        %ne3A_1789 = arith.cmpi ne, %rem3A_1787, %ne3A_1788 : i32
        %and3A = arith.andi %ne3A, %ne3A_1789 : i1
        %sub3A = arith.constant 1 : i32
        %sub3A_1790 = arith.subi %div3A, %sub3A : i32
        %select_n3A = arith.select %and3A, %sub3A_1790, %div3A : i32
        "tpu.region"() ({
          %run_scoped3A = tpu.sem_alloc : memref<!tpu.dma_semaphore, #tpu.memory_space<semaphore_mem>>
          %dma_start3A = arith.constant 0 : i32
          %dma_start3A_1791 = tpu.memref_slice %arg3[%select_n3A, %dma_start3A] : memref<40000x128xf32, #tpu.memory_space<hbm>> -> memref<250x128xf32, #tpu.memory_space<hbm>>
          %dma_start3A_1792 = arith.constant 0 : i32
          %dma_start3A_1793 = tpu.memref_slice %arg3[%select_n3A, %dma_start3A_1792] : memref<40000x128xf32, #tpu.memory_space<hbm>> -> memref<250x128xf32, #tpu.memory_space<hbm>>
          tpu.enqueue_dma source(%dma_start3A_1793 : memref<250x128xf32, #tpu.memory_space<hbm>>) target(%arg9 : memref<250x128xf32, #tpu.memory_space<vmem>>) target_semaphore(%run_scoped3A : memref<!tpu.dma_semaphore, #tpu.memory_space<semaphore_mem>>)
          %dma_wait3A = arith.constant 0 : i32
          %dma_wait3A_1794 = tpu.memref_slice %arg3[%select_n3A, %dma_wait3A] : memref<40000x128xf32, #tpu.memory_space<hbm>> -> memref<250x128xf32, #tpu.memory_space<hbm>>
          %dma_wait3A_1795 = arith.constant 0 : i32
          %dma_wait3A_1796 = tpu.memref_slice %arg3[%select_n3A, %dma_wait3A_1795] : memref<40000x128xf32, #tpu.memory_space<hbm>> -> memref<250x128xf32, #tpu.memory_space<hbm>>
          tpu.wait_dma2 semaphore(%run_scoped3A : memref<!tpu.dma_semaphore, #tpu.memory_space<semaphore_mem>>) src(%dma_wait3A_1796 : memref<250x128xf32, #tpu.memory_space<hbm>>) dst(%arg9 : memref<250x128xf32, #tpu.memory_space<vmem>>)
          tpu.yield
        }) : () -> ()
      } else {
      }
      %rem3A_28 = arith.constant 25 : i32
      %rem3A_29 = arith.remsi %scan3A_23, %rem3A_28 : i32
      %mul3A_30 = arith.constant 10 : i32
      %mul3A_31 = arith.muli %rem3A_29, %mul3A_30 : i32
      %mul3A_32 = arith.constant 80 : i32
      %mul3A_33 = arith.muli %rem3A_29, %mul3A_32 : i32
      %add3A_34 = arith.constant 0 : i32
      %add3A_35 = arith.addi %mul3A_33, %add3A_34 : i32
      %add3A_36 = arith.constant 0 : i32
      %add3A_37 = arith.addi %add3A_35, %add3A_36 : i32
      %get3A = arith.index_cast %add3A_37 : i32 to index
      %get3A_38 = arith.constant 0 : index
      %get3A_39 = tpu.vector_load %arg8[%get3A, %get3A_38] {strides = array<i32>} : memref<2000x16xf32, #tpu.memory_space<vmem>>, vector<1x16xf32>,
      %get3A_40 = vector.shape_cast %get3A_39 : vector<1x16xf32> to vector<16xf32>
      %add3A_41 = arith.constant 0 : i32
      %add3A_42 = arith.addi %mul3A_31, %add3A_41 : i32
      %get3A_43 = arith.index_cast %add3A_42 : i32 to index
      %get3A_44 = arith.constant 0 : index
      %get3A_45 = tpu.vector_load %arg9[%get3A_43, %get3A_44] {strides = array<i32>} : memref<250x128xf32, #tpu.memory_space<vmem>>, vector<1x16xf32>,
      %get3A_46 = vector.shape_cast %get3A_45 : vector<1x16xf32> to vector<16xf32>
      %mul3A_47 = arith.mulf %get3A_40, %get3A_46 : vector<16xf32>
      %swap3A = arith.constant 0 : i32
      %swap3A_48 = arith.index_cast %swap3A : i32 to index
      %swap3A_49 = arith.constant 0 : index
      %swap3A_50 = tpu.vector_load %arg10[%swap3A_48, %swap3A_49] {strides = array<i32>} : memref<80x16xf32, #tpu.memory_space<vmem>>, vector<1x16xf32>,
      %swap3A_51 = vector.shape_cast %swap3A_50 : vector<1x16xf32> to vector<16xf32>
      %swap3A_52 = vector.shape_cast %mul3A_47 : vector<16xf32> to vector<1x16xf32>
      tpu.vector_store %arg10[%swap3A_48, %swap3A_49], %swap3A_52 {strides = array<i32>} : memref<80x16xf32, #tpu.memory_space<vmem>>, vector<1x16xf32>,
      %add3A_53 = arith.constant 0 : i32
      %add3A_54 = arith.addi %mul3A_33, %add3A_53 : i32
      %add3A_55 = arith.constant 1 : i32
      %add3A_56 = arith.addi %add3A_54, %add3A_55 : i32
      %get3A_57 = arith.index_cast %add3A_56 : i32 to index
      %get3A_58 = arith.constant 0 : index
      %get3A_59 = tpu.vector_load %arg8[%get3A_57, %get3A_58] {strides = array<i32>} : memref<2000x16xf32, #tpu.memory_space<vmem>>, vector<1x16xf32>,
      %get3A_60 = vector.shape_cast %get3A_59 : vector<1x16xf32> to vector<16xf32>
      %add3A_61 = arith.constant 0 : i32
      %add3A_62 = arith.addi %mul3A_31, %add3A_61 : i32
      %get3A_63 = arith.index_cast %add3A_62 : i32 to index
      %get3A_64 = arith.constant 16 : index
      %get3A_65 = tpu.vector_load %arg9[%get3A_63, %get3A_64] {strides = array<i32>} : memref<250x128xf32, #tpu.memory_space<vmem>>, vector<1x16xf32>,
      %get3A_66 = vector.shape_cast %get3A_65 : vector<1x16xf32> to vector<16xf32>
      %mul3A_67 = arith.mulf %get3A_60, %get3A_66 : vector<16xf32>
      %swap3A_68 = arith.constant 1 : i32
      %swap3A_69 = arith.index_cast %swap3A_68 : i32 to index
      %swap3A_70 = arith.constant 0 : index
      %swap3A_71 = tpu.vector_load %arg10[%swap3A_69, %swap3A_70] {strides = array<i32>} : memref<80x16xf32, #tpu.memory_space<vmem>>, vector<1x16xf32>,
      %swap3A_72 = vector.shape_cast %swap3A_71 : vector<1x16xf32> to vector<16xf32>
      %swap3A_73 = vector.shape_cast %mul3A_67 : vector<16xf32> to vector<1x16xf32>
      tpu.vector_store %arg10[%swap3A_69, %swap3A_70], %swap3A_73 {strides = array<i32>} : memref<80x16xf32, #tpu.memory_space<vmem>>, vector<1x16xf32>,
      %add3A_74 = arith.constant 0 : i32
      %add3A_75 = arith.addi %mul3A_33, %add3A_74 : i32
      %add3A_76 = arith.constant 2 : i32
      %add3A_77 = arith.addi %add3A_75, %add3A_76 : i32
      %get3A_78 = arith.index_cast %add3A_77 : i32 to index
      %get3A_79 = arith.constant 0 : index
      %get3A_80 = tpu.vector_load %arg8[%get3A_78, %get3A_79] {strides = array<i32>} : memref<2000x16xf32, #tpu.memory_space<vmem>>, vector<1x16xf32>,
      %get3A_81 = vector.shape_cast %get3A_80 : vector<1x16xf32> to vector<16xf32>
      %add3A_82 = arith.constant 0 : i32
      %add3A_83 = arith.addi %mul3A_31, %add3A_82 : i32
      %get3A_84 = arith.index_cast %add3A_83 : i32 to index
      %get3A_85 = arith.constant 32 : index
      %get3A_86 = tpu.vector_load %arg9[%get3A_84, %get3A_85] {strides = array<i32>} : memref<250x128xf32, #tpu.memory_space<vmem>>, vector<1x16xf32>,
      %get3A_87 = vector.shape_cast %get3A_86 : vector<1x16xf32> to vector<16xf32>
      %mul3A_88 = arith.mulf %get3A_81, %get3A_87 : vector<16xf32>
      %swap3A_89 = arith.constant 2 : i32
      %swap3A_90 = arith.index_cast %swap3A_89 : i32 to index
      %swap3A_91 = arith.constant 0 : index
      %swap3A_92 = tpu.vector_load %arg10[%swap3A_90, %swap3A_91] {strides = array<i32>} : memref<80x16xf32, #tpu.memory_space<vmem>>, vector<1x16xf32>,
      %swap3A_93 = vector.shape_cast %swap3A_92 : vector<1x16xf32> to vector<16xf32>
      %swap3A_94 = vector.shape_cast %mul3A_88 : vector<16xf32> to vector<1x16xf32>
      tpu.vector_store %arg10[%swap3A_90, %swap3A_91], %swap3A_94 {strides = array<i32>} : memref<80x16xf32, #tpu.memory_space<vmem>>, vector<1x16xf32>,
      %add3A_95 = arith.constant 0 : i32
      %add3A_96 = arith.addi %mul3A_33, %add3A_95 : i32
      %add3A_97 = arith.constant 3 : i32
      %add3A_98 = arith.addi %add3A_96, %add3A_97 : i32
      %get3A_99 = arith.index_cast %add3A_98 : i32 to index
      %get3A_100 = arith.constant 0 : index
      %get3A_101 = tpu.vector_load %arg8[%get3A_99, %get3A_100] {strides = array<i32>} : memref<2000x16xf32, #tpu.memory_space<vmem>>, vector<1x16xf32>,
      %get3A_102 = vector.shape_cast %get3A_101 : vector<1x16xf32> to vector<16xf32>
      %add3A_103 = arith.constant 0 : i32
      %add3A_104 = arith.addi %mul3A_31, %add3A_103 : i32
      %get3A_105 = arith.index_cast %add3A_104 : i32 to index
      %get3A_106 = arith.constant 48 : index
      %get3A_107 = tpu.vector_load %arg9[%get3A_105, %get3A_106] {strides = array<i32>} : memref<250x128xf32, #tpu.memory_space<vmem>>, vector<1x16xf32>,
      %get3A_108 = vector.shape_cast %get3A_107 : vector<1x16xf32> to vector<16xf32>
      %mul3A_109 = arith.mulf %get3A_102, %get3A_108 : vector<16xf32>
      %swap3A_110 = arith.constant 3 : i32
      %swap3A_111 = arith.index_cast %swap3A_110 : i32 to index
      %swap3A_112 = arith.constant 0 : index
      %swap3A_113 = tpu.vector_load %arg10[%swap3A_111, %swap3A_112] {strides = array<i32>} : memref<80x16xf32, #tpu.memory_space<vmem>>, vector<1x16xf32>,
      %swap3A_114 = vector.shape_cast %swap3A_113 : vector<1x16xf32> to vector<16xf32>
      %swap3A_115 = vector.shape_cast %mul3A_109 : vector<16xf32> to vector<1x16xf32>
      tpu.vector_store %arg10[%swap3A_111, %swap3A_112], %swap3A_115 {strides = array<i32>} : memref<80x16xf32, #tpu.memory_space<vmem>>, vector<1x16xf32>,
      %add3A_116 = arith.constant 0 : i32
      %add3A_117 = arith.addi %mul3A_33, %add3A_116 : i32
      %add3A_118 = arith.constant 4 : i32
      %add3A_119 = arith.addi %add3A_117, %add3A_118 : i32
      %get3A_120 = arith.index_cast %add3A_119 : i32 to index
      %get3A_121 = arith.constant 0 : index
      %get3A_122 = tpu.vector_load %arg8[%get3A_120, %get3A_121] {strides = array<i32>} : memref<2000x16xf32, #tpu.memory_space<vmem>>, vector<1x16xf32>,
      %get3A_123 = vector.shape_cast %get3A_122 : vector<1x16xf32> to vector<16xf32>
      %add3A_124 = arith.constant 0 : i32
      %add3A_125 = arith.addi %mul3A_31, %add3A_124 : i32
      %get3A_126 = arith.index_cast %add3A_125 : i32 to index
      %get3A_127 = arith.constant 64 : index
      %get3A_128 = tpu.vector_load %arg9[%get3A_126, %get3A_127] {strides = array<i32>} : memref<250x128xf32, #tpu.memory_space<vmem>>, vector<1x16xf32>,
      %get3A_129 = vector.shape_cast %get3A_128 : vector<1x16xf32> to vector<16xf32>
      %mul3A_130 = arith.mulf %get3A_123, %get3A_129 : vector<16xf32>
      %swap3A_131 = arith.constant 4 : i32
      %swap3A_132 = arith.index_cast %swap3A_131 : i32 to index
      %swap3A_133 = arith.constant 0 : index
      %swap3A_134 = tpu.vector_load %arg10[%swap3A_132, %swap3A_133] {strides = array<i32>} : memref<80x16xf32, #tpu.memory_space<vmem>>, vector<1x16xf32>,
      %swap3A_135 = vector.shape_cast %swap3A_134 : vector<1x16xf32> to vector<16xf32>
      %swap3A_136 = vector.shape_cast %mul3A_130 : vector<16xf32> to vector<1x16xf32>
      tpu.vector_store %arg10[%swap3A_132, %swap3A_133], %swap3A_136 {strides = array<i32>} : memref<80x16xf32, #tpu.memory_space<vmem>>, vector<1x16xf32>,
      %add3A_137 = arith.constant 0 : i32
      %add3A_138 = arith.addi %mul3A_33, %add3A_137 : i32
      %add3A_139 = arith.constant 5 : i32
      %add3A_140 = arith.addi %add3A_138, %add3A_139 : i32
      %get3A_141 = arith.index_cast %add3A_140 : i32 to index
      %get3A_142 = arith.constant 0 : index
      %get3A_143 = tpu.vector_load %arg8[%get3A_141, %get3A_142] {strides = array<i32>} : memref<2000x16xf32, #tpu.memory_space<vmem>>, vector<1x16xf32>,
      %get3A_144 = vector.shape_cast %get3A_143 : vector<1x16xf32> to vector<16xf32>
      %add3A_145 = arith.constant 0 : i32
      %add3A_146 = arith.addi %mul3A_31, %add3A_145 : i32
      %get3A_147 = arith.index_cast %add3A_146 : i32 to index
      %get3A_148 = arith.constant 80 : index
      %get3A_149 = tpu.vector_load %arg9[%get3A_147, %get3A_148] {strides = array<i32>} : memref<250x128xf32, #tpu.memory_space<vmem>>, vector<1x16xf32>,
      %get3A_150 = vector.shape_cast %get3A_149 : vector<1x16xf32> to vector<16xf32>
      %mul3A_151 = arith.mulf %get3A_144, %get3A_150 : vector<16xf32>
      %swap3A_152 = arith.constant 5 : i32
      %swap3A_153 = arith.index_cast %swap3A_152 : i32 to index
      %swap3A_154 = arith.constant 0 : index
      %swap3A_155 = tpu.vector_load %arg10[%swap3A_153, %swap3A_154] {strides = array<i32>} : memref<80x16xf32, #tpu.memory_space<vmem>>, vector<1x16xf32>,
      %swap3A_156 = vector.shape_cast %swap3A_155 : vector<1x16xf32> to vector<16xf32>
      %swap3A_157 = vector.shape_cast %mul3A_151 : vector<16xf32> to vector<1x16xf32>
      tpu.vector_store %arg10[%swap3A_153, %swap3A_154], %swap3A_157 {strides = array<i32>} : memref<80x16xf32, #tpu.memory_space<vmem>>, vector<1x16xf32>,
      %add3A_158 = arith.constant 0 : i32
      %add3A_159 = arith.addi %mul3A_33, %add3A_158 : i32
      %add3A_160 = arith.constant 6 : i32
      %add3A_161 = arith.addi %add3A_159, %add3A_160 : i32
      %get3A_162 = arith.index_cast %add3A_161 : i32 to index
      %get3A_163 = arith.constant 0 : index
      %get3A_164 = tpu.vector_load %arg8[%get3A_162, %get3A_163] {strides = array<i32>} : memref<2000x16xf32, #tpu.memory_space<vmem>>, vector<1x16xf32>,
      %get3A_165 = vector.shape_cast %get3A_164 : vector<1x16xf32> to vector<16xf32>
      %add3A_166 = arith.constant 0 : i32
      %add3A_167 = arith.addi %mul3A_31, %add3A_166 : i32
      %get3A_168 = arith.index_cast %add3A_167 : i32 to index
      %get3A_169 = arith.constant 96 : index
      %get3A_170 = tpu.vector_load %arg9[%get3A_168, %get3A_169] {strides = array<i32>} : memref<250x128xf32, #tpu.memory_space<vmem>>, vector<1x16xf32>,
      %get3A_171 = vector.shape_cast %get3A_170 : vector<1x16xf32> to vector<16xf32>
      %mul3A_172 = arith.mulf %get3A_165, %get3A_171 : vector<16xf32>
      %swap3A_173 = arith.constant 6 : i32
      %swap3A_174 = arith.index_cast %swap3A_173 : i32 to index
      %swap3A_175 = arith.constant 0 : index
      %swap3A_176 = tpu.vector_load %arg10[%swap3A_174, %swap3A_175] {strides = array<i32>} : memref<80x16xf32, #tpu.memory_space<vmem>>, vector<1x16xf32>,
      %swap3A_177 = vector.shape_cast %swap3A_176 : vector<1x16xf32> to vector<16xf32>
      %swap3A_178 = vector.shape_cast %mul3A_172 : vector<16xf32> to vector<1x16xf32>
      tpu.vector_store %arg10[%swap3A_174, %swap3A_175], %swap3A_178 {strides = array<i32>} : memref<80x16xf32, #tpu.memory_space<vmem>>, vector<1x16xf32>,
      %add3A_179 = arith.constant 0 : i32
      %add3A_180 = arith.addi %mul3A_33, %add3A_179 : i32
      %add3A_181 = arith.constant 7 : i32
      %add3A_182 = arith.addi %add3A_180, %add3A_181 : i32
      %get3A_183 = arith.index_cast %add3A_182 : i32 to index
      %get3A_184 = arith.constant 0 : index
      %get3A_185 = tpu.vector_load %arg8[%get3A_183, %get3A_184] {strides = array<i32>} : memref<2000x16xf32, #tpu.memory_space<vmem>>, vector<1x16xf32>,
      %get3A_186 = vector.shape_cast %get3A_185 : vector<1x16xf32> to vector<16xf32>
      %add3A_187 = arith.constant 0 : i32
      %add3A_188 = arith.addi %mul3A_31, %add3A_187 : i32
      %get3A_189 = arith.index_cast %add3A_188 : i32 to index
      %get3A_190 = arith.constant 112 : index
      %get3A_191 = tpu.vector_load %arg9[%get3A_189, %get3A_190] {strides = array<i32>} : memref<250x128xf32, #tpu.memory_space<vmem>>, vector<1x16xf32>,
      %get3A_192 = vector.shape_cast %get3A_191 : vector<1x16xf32> to vector<16xf32>
      %mul3A_193 = arith.mulf %get3A_186, %get3A_192 : vector<16xf32>
      %swap3A_194 = arith.constant 7 : i32
      %swap3A_195 = arith.index_cast %swap3A_194 : i32 to index
      %swap3A_196 = arith.constant 0 : index
      %swap3A_197 = tpu.vector_load %arg10[%swap3A_195, %swap3A_196] {strides = array<i32>} : memref<80x16xf32, #tpu.memory_space<vmem>>, vector<1x16xf32>,
      %swap3A_198 = vector.shape_cast %swap3A_197 : vector<1x16xf32> to vector<16xf32>
      %swap3A_199 = vector.shape_cast %mul3A_193 : vector<16xf32> to vector<1x16xf32>
      tpu.vector_store %arg10[%swap3A_195, %swap3A_196], %swap3A_199 {strides = array<i32>} : memref<80x16xf32, #tpu.memory_space<vmem>>, vector<1x16xf32>,
      %add3A_200 = arith.constant 8 : i32
      %add3A_201 = arith.addi %mul3A_33, %add3A_200 : i32
      %add3A_202 = arith.constant 0 : i32
      %add3A_203 = arith.addi %add3A_201, %add3A_202 : i32
      %get3A_204 = arith.index_cast %add3A_203 : i32 to index
      %get3A_205 = arith.constant 0 : index
      %get3A_206 = tpu.vector_load %arg8[%get3A_204, %get3A_205] {strides = array<i32>} : memref<2000x16xf32, #tpu.memory_space<vmem>>, vector<1x16xf32>,
      %get3A_207 = vector.shape_cast %get3A_206 : vector<1x16xf32> to vector<16xf32>
      %add3A_208 = arith.constant 1 : i32
      %add3A_209 = arith.addi %mul3A_31, %add3A_208 : i32
      %get3A_210 = arith.index_cast %add3A_209 : i32 to index
      %get3A_211 = arith.constant 0 : index
      %get3A_212 = tpu.vector_load %arg9[%get3A_210, %get3A_211] {strides = array<i32>} : memref<250x128xf32, #tpu.memory_space<vmem>>, vector<1x16xf32>,
      %get3A_213 = vector.shape_cast %get3A_212 : vector<1x16xf32> to vector<16xf32>
      %mul3A_214 = arith.mulf %get3A_207, %get3A_213 : vector<16xf32>
      %swap3A_215 = arith.constant 8 : i32
      %swap3A_216 = arith.index_cast %swap3A_215 : i32 to index
      %swap3A_217 = arith.constant 0 : index
      %swap3A_218 = tpu.vector_load %arg10[%swap3A_216, %swap3A_217] {strides = array<i32>} : memref<80x16xf32, #tpu.memory_space<vmem>>, vector<1x16xf32>,
      %swap3A_219 = vector.shape_cast %swap3A_218 : vector<1x16xf32> to vector<16xf32>
      %swap3A_220 = vector.shape_cast %mul3A_214 : vector<16xf32> to vector<1x16xf32>
      tpu.vector_store %arg10[%swap3A_216, %swap3A_217], %swap3A_220 {strides = array<i32>} : memref<80x16xf32, #tpu.memory_space<vmem>>, vector<1x16xf32>,
      %add3A_221 = arith.constant 8 : i32
      %add3A_222 = arith.addi %mul3A_33, %add3A_221 : i32
      %add3A_223 = arith.constant 1 : i32
      %add3A_224 = arith.addi %add3A_222, %add3A_223 : i32
      %get3A_225 = arith.index_cast %add3A_224 : i32 to index
      %get3A_226 = arith.constant 0 : index
      %get3A_227 = tpu.vector_load %arg8[%get3A_225, %get3A_226] {strides = array<i32>} : memref<2000x16xf32, #tpu.memory_space<vmem>>, vector<1x16xf32>,
      %get3A_228 = vector.shape_cast %get3A_227 : vector<1x16xf32> to vector<16xf32>
      %add3A_229 = arith.constant 1 : i32
      %add3A_230 = arith.addi %mul3A_31, %add3A_229 : i32
      %get3A_231 = arith.index_cast %add3A_230 : i32 to index
      %get3A_232 = arith.constant 16 : index
      %get3A_233 = tpu.vector_load %arg9[%get3A_231, %get3A_232] {strides = array<i32>} : memref<250x128xf32, #tpu.memory_space<vmem>>, vector<1x16xf32>,
      %get3A_234 = vector.shape_cast %get3A_233 : vector<1x16xf32> to vector<16xf32>
      %mul3A_235 = arith.mulf %get3A_228, %get3A_234 : vector<16xf32>
      %swap3A_236 = arith.constant 9 : i32
      %swap3A_237 = arith.index_cast %swap3A_236 : i32 to index
      %swap3A_238 = arith.constant 0 : index
      %swap3A_239 = tpu.vector_load %arg10[%swap3A_237, %swap3A_238] {strides = array<i32>} : memref<80x16xf32, #tpu.memory_space<vmem>>, vector<1x16xf32>,
      %swap3A_240 = vector.shape_cast %swap3A_239 : vector<1x16xf32> to vector<16xf32>
      %swap3A_241 = vector.shape_cast %mul3A_235 : vector<16xf32> to vector<1x16xf32>
      tpu.vector_store %arg10[%swap3A_237, %swap3A_238], %swap3A_241 {strides = array<i32>} : memref<80x16xf32, #tpu.memory_space<vmem>>, vector<1x16xf32>,
      %add3A_242 = arith.constant 8 : i32
      %add3A_243 = arith.addi %mul3A_33, %add3A_242 : i32
      %add3A_244 = arith.constant 2 : i32
      %add3A_245 = arith.addi %add3A_243, %add3A_244 : i32
      %get3A_246 = arith.index_cast %add3A_245 : i32 to index
      %get3A_247 = arith.constant 0 : index
      %get3A_248 = tpu.vector_load %arg8[%get3A_246, %get3A_247] {strides = array<i32>} : memref<2000x16xf32, #tpu.memory_space<vmem>>, vector<1x16xf32>,
      %get3A_249 = vector.shape_cast %get3A_248 : vector<1x16xf32> to vector<16xf32>
      %add3A_250 = arith.constant 1 : i32
      %add3A_251 = arith.addi %mul3A_31, %add3A_250 : i32
      %get3A_252 = arith.index_cast %add3A_251 : i32 to index
      %get3A_253 = arith.constant 32 : index
      %get3A_254 = tpu.vector_load %arg9[%get3A_252, %get3A_253] {strides = array<i32>} : memref<250x128xf32, #tpu.memory_space<vmem>>, vector<1x16xf32>,
      %get3A_255 = vector.shape_cast %get3A_254 : vector<1x16xf32> to vector<16xf32>
      %mul3A_256 = arith.mulf %get3A_249, %get3A_255 : vector<16xf32>
      %swap3A_257 = arith.constant 10 : i32
      %swap3A_258 = arith.index_cast %swap3A_257 : i32 to index
      %swap3A_259 = arith.constant 0 : index
      %swap3A_260 = tpu.vector_load %arg10[%swap3A_258, %swap3A_259] {strides = array<i32>} : memref<80x16xf32, #tpu.memory_space<vmem>>, vector<1x16xf32>,
      %swap3A_261 = vector.shape_cast %swap3A_260 : vector<1x16xf32> to vector<16xf32>
      %swap3A_262 = vector.shape_cast %mul3A_256 : vector<16xf32> to vector<1x16xf32>
      tpu.vector_store %arg10[%swap3A_258, %swap3A_259], %swap3A_262 {strides = array<i32>} : memref<80x16xf32, #tpu.memory_space<vmem>>, vector<1x16xf32>,
      %add3A_263 = arith.constant 8 : i32
      %add3A_264 = arith.addi %mul3A_33, %add3A_263 : i32
      %add3A_265 = arith.constant 3 : i32
      %add3A_266 = arith.addi %add3A_264, %add3A_265 : i32
      %get3A_267 = arith.index_cast %add3A_266 : i32 to index
      %get3A_268 = arith.constant 0 : index
      %get3A_269 = tpu.vector_load %arg8[%get3A_267, %get3A_268] {strides = array<i32>} : memref<2000x16xf32, #tpu.memory_space<vmem>>, vector<1x16xf32>,
      %get3A_270 = vector.shape_cast %get3A_269 : vector<1x16xf32> to vector<16xf32>
      %add3A_271 = arith.constant 1 : i32
      %add3A_272 = arith.addi %mul3A_31, %add3A_271 : i32
      %get3A_273 = arith.index_cast %add3A_272 : i32 to index
      %get3A_274 = arith.constant 48 : index
      %get3A_275 = tpu.vector_load %arg9[%get3A_273, %get3A_274] {strides = array<i32>} : memref<250x128xf32, #tpu.memory_space<vmem>>, vector<1x16xf32>,
      %get3A_276 = vector.shape_cast %get3A_275 : vector<1x16xf32> to vector<16xf32>
      %mul3A_277 = arith.mulf %get3A_270, %get3A_276 : vector<16xf32>
      %swap3A_278 = arith.constant 11 : i32
      %swap3A_279 = arith.index_cast %swap3A_278 : i32 to index
      %swap3A_280 = arith.constant 0 : index
      %swap3A_281 = tpu.vector_load %arg10[%swap3A_279, %swap3A_280] {strides = array<i32>} : memref<80x16xf32, #tpu.memory_space<vmem>>, vector<1x16xf32>,
      %swap3A_282 = vector.shape_cast %swap3A_281 : vector<1x16xf32> to vector<16xf32>
      %swap3A_283 = vector.shape_cast %mul3A_277 : vector<16xf32> to vector<1x16xf32>
      tpu.vector_store %arg10[%swap3A_279, %swap3A_280], %swap3A_283 {strides = array<i32>} : memref<80x16xf32, #tpu.memory_space<vmem>>, vector<1x16xf32>,
      %add3A_284 = arith.constant 8 : i32
      %add3A_285 = arith.addi %mul3A_33, %add3A_284 : i32
      %add3A_286 = arith.constant 4 : i32
      %add3A_287 = arith.addi %add3A_285, %add3A_286 : i32
      %get3A_288 = arith.index_cast %add3A_287 : i32 to index
      %get3A_289 = arith.constant 0 : index
      %get3A_290 = tpu.vector_load %arg8[%get3A_288, %get3A_289] {strides = array<i32>} : memref<2000x16xf32, #tpu.memory_space<vmem>>, vector<1x16xf32>,
      %get3A_291 = vector.shape_cast %get3A_290 : vector<1x16xf32> to vector<16xf32>
      %add3A_292 = arith.constant 1 : i32
      %add3A_293 = arith.addi %mul3A_31, %add3A_292 : i32
      %get3A_294 = arith.index_cast %add3A_293 : i32 to index
      %get3A_295 = arith.constant 64 : index
      %get3A_296 = tpu.vector_load %arg9[%get3A_294, %get3A_295] {strides = array<i32>} : memref<250x128xf32, #tpu.memory_space<vmem>>, vector<1x16xf32>,
      %get3A_297 = vector.shape_cast %get3A_296 : vector<1x16xf32> to vector<16xf32>
      %mul3A_298 = arith.mulf %get3A_291, %get3A_297 : vector<16xf32>
      %swap3A_299 = arith.constant 12 : i32
      %swap3A_300 = arith.index_cast %swap3A_299 : i32 to index
      %swap3A_301 = arith.constant 0 : index
      %swap3A_302 = tpu.vector_load %arg10[%swap3A_300, %swap3A_301] {strides = array<i32>} : memref<80x16xf32, #tpu.memory_space<vmem>>, vector<1x16xf32>,
      %swap3A_303 = vector.shape_cast %swap3A_302 : vector<1x16xf32> to vector<16xf32>
      %swap3A_304 = vector.shape_cast %mul3A_298 : vector<16xf32> to vector<1x16xf32>
      tpu.vector_store %arg10[%swap3A_300, %swap3A_301], %swap3A_304 {strides = array<i32>} : memref<80x16xf32, #tpu.memory_space<vmem>>, vector<1x16xf32>,
      %add3A_305 = arith.constant 8 : i32
      %add3A_306 = arith.addi %mul3A_33, %add3A_305 : i32
      %add3A_307 = arith.constant 5 : i32
      %add3A_308 = arith.addi %add3A_306, %add3A_307 : i32
      %get3A_309 = arith.index_cast %add3A_308 : i32 to index
      %get3A_310 = arith.constant 0 : index
      %get3A_311 = tpu.vector_load %arg8[%get3A_309, %get3A_310] {strides = array<i32>} : memref<2000x16xf32, #tpu.memory_space<vmem>>, vector<1x16xf32>,
      %get3A_312 = vector.shape_cast %get3A_311 : vector<1x16xf32> to vector<16xf32>
      %add3A_313 = arith.constant 1 : i32
      %add3A_314 = arith.addi %mul3A_31, %add3A_313 : i32
      %get3A_315 = arith.index_cast %add3A_314 : i32 to index
      %get3A_316 = arith.constant 80 : index
      %get3A_317 = tpu.vector_load %arg9[%get3A_315, %get3A_316] {strides = array<i32>} : memref<250x128xf32, #tpu.memory_space<vmem>>, vector<1x16xf32>,
      %get3A_318 = vector.shape_cast %get3A_317 : vector<1x16xf32> to vector<16xf32>
      %mul3A_319 = arith.mulf %get3A_312, %get3A_318 : vector<16xf32>
      %swap3A_320 = arith.constant 13 : i32
      %swap3A_321 = arith.index_cast %swap3A_320 : i32 to index
      %swap3A_322 = arith.constant 0 : index
      %swap3A_323 = tpu.vector_load %arg10[%swap3A_321, %swap3A_322] {strides = array<i32>} : memref<80x16xf32, #tpu.memory_space<vmem>>, vector<1x16xf32>,
      %swap3A_324 = vector.shape_cast %swap3A_323 : vector<1x16xf32> to vector<16xf32>
      %swap3A_325 = vector.shape_cast %mul3A_319 : vector<16xf32> to vector<1x16xf32>
      tpu.vector_store %arg10[%swap3A_321, %swap3A_322], %swap3A_325 {strides = array<i32>} : memref<80x16xf32, #tpu.memory_space<vmem>>, vector<1x16xf32>,
      %add3A_326 = arith.constant 8 : i32
      %add3A_327 = arith.addi %mul3A_33, %add3A_326 : i32
      %add3A_328 = arith.constant 6 : i32
      %add3A_329 = arith.addi %add3A_327, %add3A_328 : i32
      %get3A_330 = arith.index_cast %add3A_329 : i32 to index
      %get3A_331 = arith.constant 0 : index
      %get3A_332 = tpu.vector_load %arg8[%get3A_330, %get3A_331] {strides = array<i32>} : memref<2000x16xf32, #tpu.memory_space<vmem>>, vector<1x16xf32>,
      %get3A_333 = vector.shape_cast %get3A_332 : vector<1x16xf32> to vector<16xf32>
      %add3A_334 = arith.constant 1 : i32
      %add3A_335 = arith.addi %mul3A_31, %add3A_334 : i32
      %get3A_336 = arith.index_cast %add3A_335 : i32 to index
      %get3A_337 = arith.constant 96 : index
      %get3A_338 = tpu.vector_load %arg9[%get3A_336, %get3A_337] {strides = array<i32>} : memref<250x128xf32, #tpu.memory_space<vmem>>, vector<1x16xf32>,
      %get3A_339 = vector.shape_cast %get3A_338 : vector<1x16xf32> to vector<16xf32>
      %mul3A_340 = arith.mulf %get3A_333, %get3A_339 : vector<16xf32>
      %swap3A_341 = arith.constant 14 : i32
      %swap3A_342 = arith.index_cast %swap3A_341 : i32 to index
      %swap3A_343 = arith.constant 0 : index
      %swap3A_344 = tpu.vector_load %arg10[%swap3A_342, %swap3A_343] {strides = array<i32>} : memref<80x16xf32, #tpu.memory_space<vmem>>, vector<1x16xf32>,
      %swap3A_345 = vector.shape_cast %swap3A_344 : vector<1x16xf32> to vector<16xf32>
      %swap3A_346 = vector.shape_cast %mul3A_340 : vector<16xf32> to vector<1x16xf32>
      tpu.vector_store %arg10[%swap3A_342, %swap3A_343], %swap3A_346 {strides = array<i32>} : memref<80x16xf32, #tpu.memory_space<vmem>>, vector<1x16xf32>,
      %add3A_347 = arith.constant 8 : i32
      %add3A_348 = arith.addi %mul3A_33, %add3A_347 : i32
      %add3A_349 = arith.constant 7 : i32
      %add3A_350 = arith.addi %add3A_348, %add3A_349 : i32
      %get3A_351 = arith.index_cast %add3A_350 : i32 to index
      %get3A_352 = arith.constant 0 : index
      %get3A_353 = tpu.vector_load %arg8[%get3A_351, %get3A_352] {strides = array<i32>} : memref<2000x16xf32, #tpu.memory_space<vmem>>, vector<1x16xf32>,
      %get3A_354 = vector.shape_cast %get3A_353 : vector<1x16xf32> to vector<16xf32>
      %add3A_355 = arith.constant 1 : i32
      %add3A_356 = arith.addi %mul3A_31, %add3A_355 : i32
      %get3A_357 = arith.index_cast %add3A_356 : i32 to index
      %get3A_358 = arith.constant 112 : index
      %get3A_359 = tpu.vector_load %arg9[%get3A_357, %get3A_358] {strides = array<i32>} : memref<250x128xf32, #tpu.memory_space<vmem>>, vector<1x16xf32>,
      %get3A_360 = vector.shape_cast %get3A_359 : vector<1x16xf32> to vector<16xf32>
      %mul3A_361 = arith.mulf %get3A_354, %get3A_360 : vector<16xf32>
      %swap3A_362 = arith.constant 15 : i32
      %swap3A_363 = arith.index_cast %swap3A_362 : i32 to index
      %swap3A_364 = arith.constant 0 : index
      %swap3A_365 = tpu.vector_load %arg10[%swap3A_363, %swap3A_364] {strides = array<i32>} : memref<80x16xf32, #tpu.memory_space<vmem>>, vector<1x16xf32>,
      %swap3A_366 = vector.shape_cast %swap3A_365 : vector<1x16xf32> to vector<16xf32>
      %swap3A_367 = vector.shape_cast %mul3A_361 : vector<16xf32> to vector<1x16xf32>
      tpu.vector_store %arg10[%swap3A_363, %swap3A_364], %swap3A_367 {strides = array<i32>} : memref<80x16xf32, #tpu.memory_space<vmem>>, vector<1x16xf32>,
      %add3A_368 = arith.constant 16 : i32
      %add3A_369 = arith.addi %mul3A_33, %add3A_368 : i32
      %add3A_370 = arith.constant 0 : i32
      %add3A_371 = arith.addi %add3A_369, %add3A_370 : i32
      %get3A_372 = arith.index_cast %add3A_371 : i32 to index
      %get3A_373 = arith.constant 0 : index
      %get3A_374 = tpu.vector_load %arg8[%get3A_372, %get3A_373] {strides = array<i32>} : memref<2000x16xf32, #tpu.memory_space<vmem>>, vector<1x16xf32>,
      %get3A_375 = vector.shape_cast %get3A_374 : vector<1x16xf32> to vector<16xf32>
      %add3A_376 = arith.constant 2 : i32
      %add3A_377 = arith.addi %mul3A_31, %add3A_376 : i32
      %get3A_378 = arith.index_cast %add3A_377 : i32 to index
      %get3A_379 = arith.constant 0 : index
      %get3A_380 = tpu.vector_load %arg9[%get3A_378, %get3A_379] {strides = array<i32>} : memref<250x128xf32, #tpu.memory_space<vmem>>, vector<1x16xf32>,
      %get3A_381 = vector.shape_cast %get3A_380 : vector<1x16xf32> to vector<16xf32>
      %mul3A_382 = arith.mulf %get3A_375, %get3A_381 : vector<16xf32>
      %swap3A_383 = arith.constant 16 : i32
      %swap3A_384 = arith.index_cast %swap3A_383 : i32 to index
      %swap3A_385 = arith.constant 0 : index
      %swap3A_386 = tpu.vector_load %arg10[%swap3A_384, %swap3A_385] {strides = array<i32>} : memref<80x16xf32, #tpu.memory_space<vmem>>, vector<1x16xf32>,
      %swap3A_387 = vector.shape_cast %swap3A_386 : vector<1x16xf32> to vector<16xf32>
      %swap3A_388 = vector.shape_cast %mul3A_382 : vector<16xf32> to vector<1x16xf32>
      tpu.vector_store %arg10[%swap3A_384, %swap3A_385], %swap3A_388 {strides = array<i32>} : memref<80x16xf32, #tpu.memory_space<vmem>>, vector<1x16xf32>,
      %add3A_389 = arith.constant 16 : i32
      %add3A_390 = arith.addi %mul3A_33, %add3A_389 : i32
      %add3A_391 = arith.constant 1 : i32
      %add3A_392 = arith.addi %add3A_390, %add3A_391 : i32
      %get3A_393 = arith.index_cast %add3A_392 : i32 to index
      %get3A_394 = arith.constant 0 : index
      %get3A_395 = tpu.vector_load %arg8[%get3A_393, %get3A_394] {strides = array<i32>} : memref<2000x16xf32, #tpu.memory_space<vmem>>, vector<1x16xf32>,
      %get3A_396 = vector.shape_cast %get3A_395 : vector<1x16xf32> to vector<16xf32>
      %add3A_397 = arith.constant 2 : i32
      %add3A_398 = arith.addi %mul3A_31, %add3A_397 : i32
      %get3A_399 = arith.index_cast %add3A_398 : i32 to index
      %get3A_400 = arith.constant 16 : index
      %get3A_401 = tpu.vector_load %arg9[%get3A_399, %get3A_400] {strides = array<i32>} : memref<250x128xf32, #tpu.memory_space<vmem>>, vector<1x16xf32>,
      %get3A_402 = vector.shape_cast %get3A_401 : vector<1x16xf32> to vector<16xf32>
      %mul3A_403 = arith.mulf %get3A_396, %get3A_402 : vector<16xf32>
      %swap3A_404 = arith.constant 17 : i32
      %swap3A_405 = arith.index_cast %swap3A_404 : i32 to index
      %swap3A_406 = arith.constant 0 : index
      %swap3A_407 = tpu.vector_load %arg10[%swap3A_405, %swap3A_406] {strides = array<i32>} : memref<80x16xf32, #tpu.memory_space<vmem>>, vector<1x16xf32>,
      %swap3A_408 = vector.shape_cast %swap3A_407 : vector<1x16xf32> to vector<16xf32>
      %swap3A_409 = vector.shape_cast %mul3A_403 : vector<16xf32> to vector<1x16xf32>
      tpu.vector_store %arg10[%swap3A_405, %swap3A_406], %swap3A_409 {strides = array<i32>} : memref<80x16xf32, #tpu.memory_space<vmem>>, vector<1x16xf32>,
      %add3A_410 = arith.constant 16 : i32
      %add3A_411 = arith.addi %mul3A_33, %add3A_410 : i32
      %add3A_412 = arith.constant 2 : i32
      %add3A_413 = arith.addi %add3A_411, %add3A_412 : i32
      %get3A_414 = arith.index_cast %add3A_413 : i32 to index
      %get3A_415 = arith.constant 0 : index
      %get3A_416 = tpu.vector_load %arg8[%get3A_414, %get3A_415] {strides = array<i32>} : memref<2000x16xf32, #tpu.memory_space<vmem>>, vector<1x16xf32>,
      %get3A_417 = vector.shape_cast %get3A_416 : vector<1x16xf32> to vector<16xf32>
      %add3A_418 = arith.constant 2 : i32
      %add3A_419 = arith.addi %mul3A_31, %add3A_418 : i32
      %get3A_420 = arith.index_cast %add3A_419 : i32 to index
      %get3A_421 = arith.constant 32 : index
      %get3A_422 = tpu.vector_load %arg9[%get3A_420, %get3A_421] {strides = array<i32>} : memref<250x128xf32, #tpu.memory_space<vmem>>, vector<1x16xf32>,
      %get3A_423 = vector.shape_cast %get3A_422 : vector<1x16xf32> to vector<16xf32>
      %mul3A_424 = arith.mulf %get3A_417, %get3A_423 : vector<16xf32>
      %swap3A_425 = arith.constant 18 : i32
      %swap3A_426 = arith.index_cast %swap3A_425 : i32 to index
      %swap3A_427 = arith.constant 0 : index
      %swap3A_428 = tpu.vector_load %arg10[%swap3A_426, %swap3A_427] {strides = array<i32>} : memref<80x16xf32, #tpu.memory_space<vmem>>, vector<1x16xf32>,
      %swap3A_429 = vector.shape_cast %swap3A_428 : vector<1x16xf32> to vector<16xf32>
      %swap3A_430 = vector.shape_cast %mul3A_424 : vector<16xf32> to vector<1x16xf32>
      tpu.vector_store %arg10[%swap3A_426, %swap3A_427], %swap3A_430 {strides = array<i32>} : memref<80x16xf32, #tpu.memory_space<vmem>>, vector<1x16xf32>,
      %add3A_431 = arith.constant 16 : i32
      %add3A_432 = arith.addi %mul3A_33, %add3A_431 : i32
      %add3A_433 = arith.constant 3 : i32
      %add3A_434 = arith.addi %add3A_432, %add3A_433 : i32
      %get3A_435 = arith.index_cast %add3A_434 : i32 to index
      %get3A_436 = arith.constant 0 : index
      %get3A_437 = tpu.vector_load %arg8[%get3A_435, %get3A_436] {strides = array<i32>} : memref<2000x16xf32, #tpu.memory_space<vmem>>, vector<1x16xf32>,
      %get3A_438 = vector.shape_cast %get3A_437 : vector<1x16xf32> to vector<16xf32>
      %add3A_439 = arith.constant 2 : i32
      %add3A_440 = arith.addi %mul3A_31, %add3A_439 : i32
      %get3A_441 = arith.index_cast %add3A_440 : i32 to index
      %get3A_442 = arith.constant 48 : index
      %get3A_443 = tpu.vector_load %arg9[%get3A_441, %get3A_442] {strides = array<i32>} : memref<250x128xf32, #tpu.memory_space<vmem>>, vector<1x16xf32>,
      %get3A_444 = vector.shape_cast %get3A_443 : vector<1x16xf32> to vector<16xf32>
      %mul3A_445 = arith.mulf %get3A_438, %get3A_444 : vector<16xf32>
      %swap3A_446 = arith.constant 19 : i32
      %swap3A_447 = arith.index_cast %swap3A_446 : i32 to index
      %swap3A_448 = arith.constant 0 : index
      %swap3A_449 = tpu.vector_load %arg10[%swap3A_447, %swap3A_448] {strides = array<i32>} : memref<80x16xf32, #tpu.memory_space<vmem>>, vector<1x16xf32>,
      %swap3A_450 = vector.shape_cast %swap3A_449 : vector<1x16xf32> to vector<16xf32>
      %swap3A_451 = vector.shape_cast %mul3A_445 : vector<16xf32> to vector<1x16xf32>
      tpu.vector_store %arg10[%swap3A_447, %swap3A_448], %swap3A_451 {strides = array<i32>} : memref<80x16xf32, #tpu.memory_space<vmem>>, vector<1x16xf32>,
      %add3A_452 = arith.constant 16 : i32
      %add3A_453 = arith.addi %mul3A_33, %add3A_452 : i32
      %add3A_454 = arith.constant 4 : i32
      %add3A_455 = arith.addi %add3A_453, %add3A_454 : i32
      %get3A_456 = arith.index_cast %add3A_455 : i32 to index
      %get3A_457 = arith.constant 0 : index
      %get3A_458 = tpu.vector_load %arg8[%get3A_456, %get3A_457] {strides = array<i32>} : memref<2000x16xf32, #tpu.memory_space<vmem>>, vector<1x16xf32>,
      %get3A_459 = vector.shape_cast %get3A_458 : vector<1x16xf32> to vector<16xf32>
      %add3A_460 = arith.constant 2 : i32
      %add3A_461 = arith.addi %mul3A_31, %add3A_460 : i32
      %get3A_462 = arith.index_cast %add3A_461 : i32 to index
      %get3A_463 = arith.constant 64 : index
      %get3A_464 = tpu.vector_load %arg9[%get3A_462, %get3A_463] {strides = array<i32>} : memref<250x128xf32, #tpu.memory_space<vmem>>, vector<1x16xf32>,
      %get3A_465 = vector.shape_cast %get3A_464 : vector<1x16xf32> to vector<16xf32>
      %mul3A_466 = arith.mulf %get3A_459, %get3A_465 : vector<16xf32>
      %swap3A_467 = arith.constant 20 : i32
      %swap3A_468 = arith.index_cast %swap3A_467 : i32 to index
      %swap3A_469 = arith.constant 0 : index
      %swap3A_470 = tpu.vector_load %arg10[%swap3A_468, %swap3A_469] {strides = array<i32>} : memref<80x16xf32, #tpu.memory_space<vmem>>, vector<1x16xf32>,
      %swap3A_471 = vector.shape_cast %swap3A_470 : vector<1x16xf32> to vector<16xf32>
      %swap3A_472 = vector.shape_cast %mul3A_466 : vector<16xf32> to vector<1x16xf32>
      tpu.vector_store %arg10[%swap3A_468, %swap3A_469], %swap3A_472 {strides = array<i32>} : memref<80x16xf32, #tpu.memory_space<vmem>>, vector<1x16xf32>,
      %add3A_473 = arith.constant 16 : i32
      %add3A_474 = arith.addi %mul3A_33, %add3A_473 : i32
      %add3A_475 = arith.constant 5 : i32
      %add3A_476 = arith.addi %add3A_474, %add3A_475 : i32
      %get3A_477 = arith.index_cast %add3A_476 : i32 to index
      %get3A_478 = arith.constant 0 : index
      %get3A_479 = tpu.vector_load %arg8[%get3A_477, %get3A_478] {strides = array<i32>} : memref<2000x16xf32, #tpu.memory_space<vmem>>, vector<1x16xf32>,
      %get3A_480 = vector.shape_cast %get3A_479 : vector<1x16xf32> to vector<16xf32>
      %add3A_481 = arith.constant 2 : i32
      %add3A_482 = arith.addi %mul3A_31, %add3A_481 : i32
      %get3A_483 = arith.index_cast %add3A_482 : i32 to index
      %get3A_484 = arith.constant 80 : index
      %get3A_485 = tpu.vector_load %arg9[%get3A_483, %get3A_484] {strides = array<i32>} : memref<250x128xf32, #tpu.memory_space<vmem>>, vector<1x16xf32>,
      %get3A_486 = vector.shape_cast %get3A_485 : vector<1x16xf32> to vector<16xf32>
      %mul3A_487 = arith.mulf %get3A_480, %get3A_486 : vector<16xf32>
      %swap3A_488 = arith.constant 21 : i32
      %swap3A_489 = arith.index_cast %swap3A_488 : i32 to index
      %swap3A_490 = arith.constant 0 : index
      %swap3A_491 = tpu.vector_load %arg10[%swap3A_489, %swap3A_490] {strides = array<i32>} : memref<80x16xf32, #tpu.memory_space<vmem>>, vector<1x16xf32>,
      %swap3A_492 = vector.shape_cast %swap3A_491 : vector<1x16xf32> to vector<16xf32>
      %swap3A_493 = vector.shape_cast %mul3A_487 : vector<16xf32> to vector<1x16xf32>
      tpu.vector_store %arg10[%swap3A_489, %swap3A_490], %swap3A_493 {strides = array<i32>} : memref<80x16xf32, #tpu.memory_space<vmem>>, vector<1x16xf32>,
      %add3A_494 = arith.constant 16 : i32
      %add3A_495 = arith.addi %mul3A_33, %add3A_494 : i32
      %add3A_496 = arith.constant 6 : i32
      %add3A_497 = arith.addi %add3A_495, %add3A_496 : i32
      %get3A_498 = arith.index_cast %add3A_497 : i32 to index
      %get3A_499 = arith.constant 0 : index
      %get3A_500 = tpu.vector_load %arg8[%get3A_498, %get3A_499] {strides = array<i32>} : memref<2000x16xf32, #tpu.memory_space<vmem>>, vector<1x16xf32>,
      %get3A_501 = vector.shape_cast %get3A_500 : vector<1x16xf32> to vector<16xf32>
      %add3A_502 = arith.constant 2 : i32
      %add3A_503 = arith.addi %mul3A_31, %add3A_502 : i32
      %get3A_504 = arith.index_cast %add3A_503 : i32 to index
      %get3A_505 = arith.constant 96 : index
      %get3A_506 = tpu.vector_load %arg9[%get3A_504, %get3A_505] {strides = array<i32>} : memref<250x128xf32, #tpu.memory_space<vmem>>, vector<1x16xf32>,
      %get3A_507 = vector.shape_cast %get3A_506 : vector<1x16xf32> to vector<16xf32>
      %mul3A_508 = arith.mulf %get3A_501, %get3A_507 : vector<16xf32>
      %swap3A_509 = arith.constant 22 : i32
      %swap3A_510 = arith.index_cast %swap3A_509 : i32 to index
      %swap3A_511 = arith.constant 0 : index
      %swap3A_512 = tpu.vector_load %arg10[%swap3A_510, %swap3A_511] {strides = array<i32>} : memref<80x16xf32, #tpu.memory_space<vmem>>, vector<1x16xf32>,
      %swap3A_513 = vector.shape_cast %swap3A_512 : vector<1x16xf32> to vector<16xf32>
      %swap3A_514 = vector.shape_cast %mul3A_508 : vector<16xf32> to vector<1x16xf32>
      tpu.vector_store %arg10[%swap3A_510, %swap3A_511], %swap3A_514 {strides = array<i32>} : memref<80x16xf32, #tpu.memory_space<vmem>>, vector<1x16xf32>,
      %add3A_515 = arith.constant 16 : i32
      %add3A_516 = arith.addi %mul3A_33, %add3A_515 : i32
      %add3A_517 = arith.constant 7 : i32
      %add3A_518 = arith.addi %add3A_516, %add3A_517 : i32
      %get3A_519 = arith.index_cast %add3A_518 : i32 to index
      %get3A_520 = arith.constant 0 : index
      %get3A_521 = tpu.vector_load %arg8[%get3A_519, %get3A_520] {strides = array<i32>} : memref<2000x16xf32, #tpu.memory_space<vmem>>, vector<1x16xf32>,
      %get3A_522 = vector.shape_cast %get3A_521 : vector<1x16xf32> to vector<16xf32>
      %add3A_523 = arith.constant 2 : i32
      %add3A_524 = arith.addi %mul3A_31, %add3A_523 : i32
      %get3A_525 = arith.index_cast %add3A_524 : i32 to index
      %get3A_526 = arith.constant 112 : index
      %get3A_527 = tpu.vector_load %arg9[%get3A_525, %get3A_526] {strides = array<i32>} : memref<250x128xf32, #tpu.memory_space<vmem>>, vector<1x16xf32>,
      %get3A_528 = vector.shape_cast %get3A_527 : vector<1x16xf32> to vector<16xf32>
      %mul3A_529 = arith.mulf %get3A_522, %get3A_528 : vector<16xf32>
      %swap3A_530 = arith.constant 23 : i32
      %swap3A_531 = arith.index_cast %swap3A_530 : i32 to index
      %swap3A_532 = arith.constant 0 : index
      %swap3A_533 = tpu.vector_load %arg10[%swap3A_531, %swap3A_532] {strides = array<i32>} : memref<80x16xf32, #tpu.memory_space<vmem>>, vector<1x16xf32>,
      %swap3A_534 = vector.shape_cast %swap3A_533 : vector<1x16xf32> to vector<16xf32>
      %swap3A_535 = vector.shape_cast %mul3A_529 : vector<16xf32> to vector<1x16xf32>
      tpu.vector_store %arg10[%swap3A_531, %swap3A_532], %swap3A_535 {strides = array<i32>} : memref<80x16xf32, #tpu.memory_space<vmem>>, vector<1x16xf32>,
      %add3A_536 = arith.constant 24 : i32
      %add3A_537 = arith.addi %mul3A_33, %add3A_536 : i32
      %add3A_538 = arith.constant 0 : i32
      %add3A_539 = arith.addi %add3A_537, %add3A_538 : i32
      %get3A_540 = arith.index_cast %add3A_539 : i32 to index
      %get3A_541 = arith.constant 0 : index
      %get3A_542 = tpu.vector_load %arg8[%get3A_540, %get3A_541] {strides = array<i32>} : memref<2000x16xf32, #tpu.memory_space<vmem>>, vector<1x16xf32>,
      %get3A_543 = vector.shape_cast %get3A_542 : vector<1x16xf32> to vector<16xf32>
      %add3A_544 = arith.constant 3 : i32
      %add3A_545 = arith.addi %mul3A_31, %add3A_544 : i32
      %get3A_546 = arith.index_cast %add3A_545 : i32 to index
      %get3A_547 = arith.constant 0 : index
      %get3A_548 = tpu.vector_load %arg9[%get3A_546, %get3A_547] {strides = array<i32>} : memref<250x128xf32, #tpu.memory_space<vmem>>, vector<1x16xf32>,
      %get3A_549 = vector.shape_cast %get3A_548 : vector<1x16xf32> to vector<16xf32>
      %mul3A_550 = arith.mulf %get3A_543, %get3A_549 : vector<16xf32>
      %swap3A_551 = arith.constant 24 : i32
      %swap3A_552 = arith.index_cast %swap3A_551 : i32 to index
      %swap3A_553 = arith.constant 0 : index
      %swap3A_554 = tpu.vector_load %arg10[%swap3A_552, %swap3A_553] {strides = array<i32>} : memref<80x16xf32, #tpu.memory_space<vmem>>, vector<1x16xf32>,
      %swap3A_555 = vector.shape_cast %swap3A_554 : vector<1x16xf32> to vector<16xf32>
      %swap3A_556 = vector.shape_cast %mul3A_550 : vector<16xf32> to vector<1x16xf32>
      tpu.vector_store %arg10[%swap3A_552, %swap3A_553], %swap3A_556 {strides = array<i32>} : memref<80x16xf32, #tpu.memory_space<vmem>>, vector<1x16xf32>,
      %add3A_557 = arith.constant 24 : i32
      %add3A_558 = arith.addi %mul3A_33, %add3A_557 : i32
      %add3A_559 = arith.constant 1 : i32
      %add3A_560 = arith.addi %add3A_558, %add3A_559 : i32
      %get3A_561 = arith.index_cast %add3A_560 : i32 to index
      %get3A_562 = arith.constant 0 : index
      %get3A_563 = tpu.vector_load %arg8[%get3A_561, %get3A_562] {strides = array<i32>} : memref<2000x16xf32, #tpu.memory_space<vmem>>, vector<1x16xf32>,
      %get3A_564 = vector.shape_cast %get3A_563 : vector<1x16xf32> to vector<16xf32>
      %add3A_565 = arith.constant 3 : i32
      %add3A_566 = arith.addi %mul3A_31, %add3A_565 : i32
      %get3A_567 = arith.index_cast %add3A_566 : i32 to index
      %get3A_568 = arith.constant 16 : index
      %get3A_569 = tpu.vector_load %arg9[%get3A_567, %get3A_568] {strides = array<i32>} : memref<250x128xf32, #tpu.memory_space<vmem>>, vector<1x16xf32>,
      %get3A_570 = vector.shape_cast %get3A_569 : vector<1x16xf32> to vector<16xf32>
      %mul3A_571 = arith.mulf %get3A_564, %get3A_570 : vector<16xf32>
      %swap3A_572 = arith.constant 25 : i32
      %swap3A_573 = arith.index_cast %swap3A_572 : i32 to index
      %swap3A_574 = arith.constant 0 : index
      %swap3A_575 = tpu.vector_load %arg10[%swap3A_573, %swap3A_574] {strides = array<i32>} : memref<80x16xf32, #tpu.memory_space<vmem>>, vector<1x16xf32>,
      %swap3A_576 = vector.shape_cast %swap3A_575 : vector<1x16xf32> to vector<16xf32>
      %swap3A_577 = vector.shape_cast %mul3A_571 : vector<16xf32> to vector<1x16xf32>
      tpu.vector_store %arg10[%swap3A_573, %swap3A_574], %swap3A_577 {strides = array<i32>} : memref<80x16xf32, #tpu.memory_space<vmem>>, vector<1x16xf32>,
      %add3A_578 = arith.constant 24 : i32
      %add3A_579 = arith.addi %mul3A_33, %add3A_578 : i32
      %add3A_580 = arith.constant 2 : i32
      %add3A_581 = arith.addi %add3A_579, %add3A_580 : i32
      %get3A_582 = arith.index_cast %add3A_581 : i32 to index
      %get3A_583 = arith.constant 0 : index
      %get3A_584 = tpu.vector_load %arg8[%get3A_582, %get3A_583] {strides = array<i32>} : memref<2000x16xf32, #tpu.memory_space<vmem>>, vector<1x16xf32>,
      %get3A_585 = vector.shape_cast %get3A_584 : vector<1x16xf32> to vector<16xf32>
      %add3A_586 = arith.constant 3 : i32
      %add3A_587 = arith.addi %mul3A_31, %add3A_586 : i32
      %get3A_588 = arith.index_cast %add3A_587 : i32 to index
      %get3A_589 = arith.constant 32 : index
      %get3A_590 = tpu.vector_load %arg9[%get3A_588, %get3A_589] {strides = array<i32>} : memref<250x128xf32, #tpu.memory_space<vmem>>, vector<1x16xf32>,
      %get3A_591 = vector.shape_cast %get3A_590 : vector<1x16xf32> to vector<16xf32>
      %mul3A_592 = arith.mulf %get3A_585, %get3A_591 : vector<16xf32>
      %swap3A_593 = arith.constant 26 : i32
      %swap3A_594 = arith.index_cast %swap3A_593 : i32 to index
      %swap3A_595 = arith.constant 0 : index
      %swap3A_596 = tpu.vector_load %arg10[%swap3A_594, %swap3A_595] {strides = array<i32>} : memref<80x16xf32, #tpu.memory_space<vmem>>, vector<1x16xf32>,
      %swap3A_597 = vector.shape_cast %swap3A_596 : vector<1x16xf32> to vector<16xf32>
      %swap3A_598 = vector.shape_cast %mul3A_592 : vector<16xf32> to vector<1x16xf32>
      tpu.vector_store %arg10[%swap3A_594, %swap3A_595], %swap3A_598 {strides = array<i32>} : memref<80x16xf32, #tpu.memory_space<vmem>>, vector<1x16xf32>,
      %add3A_599 = arith.constant 24 : i32
      %add3A_600 = arith.addi %mul3A_33, %add3A_599 : i32
      %add3A_601 = arith.constant 3 : i32
      %add3A_602 = arith.addi %add3A_600, %add3A_601 : i32
      %get3A_603 = arith.index_cast %add3A_602 : i32 to index
      %get3A_604 = arith.constant 0 : index
      %get3A_605 = tpu.vector_load %arg8[%get3A_603, %get3A_604] {strides = array<i32>} : memref<2000x16xf32, #tpu.memory_space<vmem>>, vector<1x16xf32>,
      %get3A_606 = vector.shape_cast %get3A_605 : vector<1x16xf32> to vector<16xf32>
      %add3A_607 = arith.constant 3 : i32
      %add3A_608 = arith.addi %mul3A_31, %add3A_607 : i32
      %get3A_609 = arith.index_cast %add3A_608 : i32 to index
      %get3A_610 = arith.constant 48 : index
      %get3A_611 = tpu.vector_load %arg9[%get3A_609, %get3A_610] {strides = array<i32>} : memref<250x128xf32, #tpu.memory_space<vmem>>, vector<1x16xf32>,
      %get3A_612 = vector.shape_cast %get3A_611 : vector<1x16xf32> to vector<16xf32>
      %mul3A_613 = arith.mulf %get3A_606, %get3A_612 : vector<16xf32>
      %swap3A_614 = arith.constant 27 : i32
      %swap3A_615 = arith.index_cast %swap3A_614 : i32 to index
      %swap3A_616 = arith.constant 0 : index
      %swap3A_617 = tpu.vector_load %arg10[%swap3A_615, %swap3A_616] {strides = array<i32>} : memref<80x16xf32, #tpu.memory_space<vmem>>, vector<1x16xf32>,
      %swap3A_618 = vector.shape_cast %swap3A_617 : vector<1x16xf32> to vector<16xf32>
      %swap3A_619 = vector.shape_cast %mul3A_613 : vector<16xf32> to vector<1x16xf32>
      tpu.vector_store %arg10[%swap3A_615, %swap3A_616], %swap3A_619 {strides = array<i32>} : memref<80x16xf32, #tpu.memory_space<vmem>>, vector<1x16xf32>,
      %add3A_620 = arith.constant 24 : i32
      %add3A_621 = arith.addi %mul3A_33, %add3A_620 : i32
      %add3A_622 = arith.constant 4 : i32
      %add3A_623 = arith.addi %add3A_621, %add3A_622 : i32
      %get3A_624 = arith.index_cast %add3A_623 : i32 to index
      %get3A_625 = arith.constant 0 : index
      %get3A_626 = tpu.vector_load %arg8[%get3A_624, %get3A_625] {strides = array<i32>} : memref<2000x16xf32, #tpu.memory_space<vmem>>, vector<1x16xf32>,
      %get3A_627 = vector.shape_cast %get3A_626 : vector<1x16xf32> to vector<16xf32>
      %add3A_628 = arith.constant 3 : i32
      %add3A_629 = arith.addi %mul3A_31, %add3A_628 : i32
      %get3A_630 = arith.index_cast %add3A_629 : i32 to index
      %get3A_631 = arith.constant 64 : index
      %get3A_632 = tpu.vector_load %arg9[%get3A_630, %get3A_631] {strides = array<i32>} : memref<250x128xf32, #tpu.memory_space<vmem>>, vector<1x16xf32>,
      %get3A_633 = vector.shape_cast %get3A_632 : vector<1x16xf32> to vector<16xf32>
      %mul3A_634 = arith.mulf %get3A_627, %get3A_633 : vector<16xf32>
      %swap3A_635 = arith.constant 28 : i32
      %swap3A_636 = arith.index_cast %swap3A_635 : i32 to index
      %swap3A_637 = arith.constant 0 : index
      %swap3A_638 = tpu.vector_load %arg10[%swap3A_636, %swap3A_637] {strides = array<i32>} : memref<80x16xf32, #tpu.memory_space<vmem>>, vector<1x16xf32>,
      %swap3A_639 = vector.shape_cast %swap3A_638 : vector<1x16xf32> to vector<16xf32>
      %swap3A_640 = vector.shape_cast %mul3A_634 : vector<16xf32> to vector<1x16xf32>
      tpu.vector_store %arg10[%swap3A_636, %swap3A_637], %swap3A_640 {strides = array<i32>} : memref<80x16xf32, #tpu.memory_space<vmem>>, vector<1x16xf32>,
      %add3A_641 = arith.constant 24 : i32
      %add3A_642 = arith.addi %mul3A_33, %add3A_641 : i32
      %add3A_643 = arith.constant 5 : i32
      %add3A_644 = arith.addi %add3A_642, %add3A_643 : i32
      %get3A_645 = arith.index_cast %add3A_644 : i32 to index
      %get3A_646 = arith.constant 0 : index
      %get3A_647 = tpu.vector_load %arg8[%get3A_645, %get3A_646] {strides = array<i32>} : memref<2000x16xf32, #tpu.memory_space<vmem>>, vector<1x16xf32>,
      %get3A_648 = vector.shape_cast %get3A_647 : vector<1x16xf32> to vector<16xf32>
      %add3A_649 = arith.constant 3 : i32
      %add3A_650 = arith.addi %mul3A_31, %add3A_649 : i32
      %get3A_651 = arith.index_cast %add3A_650 : i32 to index
      %get3A_652 = arith.constant 80 : index
      %get3A_653 = tpu.vector_load %arg9[%get3A_651, %get3A_652] {strides = array<i32>} : memref<250x128xf32, #tpu.memory_space<vmem>>, vector<1x16xf32>,
      %get3A_654 = vector.shape_cast %get3A_653 : vector<1x16xf32> to vector<16xf32>
      %mul3A_655 = arith.mulf %get3A_648, %get3A_654 : vector<16xf32>
      %swap3A_656 = arith.constant 29 : i32
      %swap3A_657 = arith.index_cast %swap3A_656 : i32 to index
      %swap3A_658 = arith.constant 0 : index
      %swap3A_659 = tpu.vector_load %arg10[%swap3A_657, %swap3A_658] {strides = array<i32>} : memref<80x16xf32, #tpu.memory_space<vmem>>, vector<1x16xf32>,
      %swap3A_660 = vector.shape_cast %swap3A_659 : vector<1x16xf32> to vector<16xf32>
      %swap3A_661 = vector.shape_cast %mul3A_655 : vector<16xf32> to vector<1x16xf32>
      tpu.vector_store %arg10[%swap3A_657, %swap3A_658], %swap3A_661 {strides = array<i32>} : memref<80x16xf32, #tpu.memory_space<vmem>>, vector<1x16xf32>,
      %add3A_662 = arith.constant 24 : i32
      %add3A_663 = arith.addi %mul3A_33, %add3A_662 : i32
      %add3A_664 = arith.constant 6 : i32
      %add3A_665 = arith.addi %add3A_663, %add3A_664 : i32
      %get3A_666 = arith.index_cast %add3A_665 : i32 to index
      %get3A_667 = arith.constant 0 : index
      %get3A_668 = tpu.vector_load %arg8[%get3A_666, %get3A_667] {strides = array<i32>} : memref<2000x16xf32, #tpu.memory_space<vmem>>, vector<1x16xf32>,
      %get3A_669 = vector.shape_cast %get3A_668 : vector<1x16xf32> to vector<16xf32>
      %add3A_670 = arith.constant 3 : i32
      %add3A_671 = arith.addi %mul3A_31, %add3A_670 : i32
      %get3A_672 = arith.index_cast %add3A_671 : i32 to index
      %get3A_673 = arith.constant 96 : index
      %get3A_674 = tpu.vector_load %arg9[%get3A_672, %get3A_673] {strides = array<i32>} : memref<250x128xf32, #tpu.memory_space<vmem>>, vector<1x16xf32>,
      %get3A_675 = vector.shape_cast %get3A_674 : vector<1x16xf32> to vector<16xf32>
      %mul3A_676 = arith.mulf %get3A_669, %get3A_675 : vector<16xf32>
      %swap3A_677 = arith.constant 30 : i32
      %swap3A_678 = arith.index_cast %swap3A_677 : i32 to index
      %swap3A_679 = arith.constant 0 : index
      %swap3A_680 = tpu.vector_load %arg10[%swap3A_678, %swap3A_679] {strides = array<i32>} : memref<80x16xf32, #tpu.memory_space<vmem>>, vector<1x16xf32>,
      %swap3A_681 = vector.shape_cast %swap3A_680 : vector<1x16xf32> to vector<16xf32>
      %swap3A_682 = vector.shape_cast %mul3A_676 : vector<16xf32> to vector<1x16xf32>
      tpu.vector_store %arg10[%swap3A_678, %swap3A_679], %swap3A_682 {strides = array<i32>} : memref<80x16xf32, #tpu.memory_space<vmem>>, vector<1x16xf32>,
      %add3A_683 = arith.constant 24 : i32
      %add3A_684 = arith.addi %mul3A_33, %add3A_683 : i32
      %add3A_685 = arith.constant 7 : i32
      %add3A_686 = arith.addi %add3A_684, %add3A_685 : i32
      %get3A_687 = arith.index_cast %add3A_686 : i32 to index
      %get3A_688 = arith.constant 0 : index
      %get3A_689 = tpu.vector_load %arg8[%get3A_687, %get3A_688] {strides = array<i32>} : memref<2000x16xf32, #tpu.memory_space<vmem>>, vector<1x16xf32>,
      %get3A_690 = vector.shape_cast %get3A_689 : vector<1x16xf32> to vector<16xf32>
      %add3A_691 = arith.constant 3 : i32
      %add3A_692 = arith.addi %mul3A_31, %add3A_691 : i32
      %get3A_693 = arith.index_cast %add3A_692 : i32 to index
      %get3A_694 = arith.constant 112 : index
      %get3A_695 = tpu.vector_load %arg9[%get3A_693, %get3A_694] {strides = array<i32>} : memref<250x128xf32, #tpu.memory_space<vmem>>, vector<1x16xf32>,
      %get3A_696 = vector.shape_cast %get3A_695 : vector<1x16xf32> to vector<16xf32>
      %mul3A_697 = arith.mulf %get3A_690, %get3A_696 : vector<16xf32>
      %swap3A_698 = arith.constant 31 : i32
      %swap3A_699 = arith.index_cast %swap3A_698 : i32 to index
      %swap3A_700 = arith.constant 0 : index
      %swap3A_701 = tpu.vector_load %arg10[%swap3A_699, %swap3A_700] {strides = array<i32>} : memref<80x16xf32, #tpu.memory_space<vmem>>, vector<1x16xf32>,
      %swap3A_702 = vector.shape_cast %swap3A_701 : vector<1x16xf32> to vector<16xf32>
      %swap3A_703 = vector.shape_cast %mul3A_697 : vector<16xf32> to vector<1x16xf32>
      tpu.vector_store %arg10[%swap3A_699, %swap3A_700], %swap3A_703 {strides = array<i32>} : memref<80x16xf32, #tpu.memory_space<vmem>>, vector<1x16xf32>,
      %add3A_704 = arith.constant 32 : i32
      %add3A_705 = arith.addi %mul3A_33, %add3A_704 : i32
      %add3A_706 = arith.constant 0 : i32
      %add3A_707 = arith.addi %add3A_705, %add3A_706 : i32
      %get3A_708 = arith.index_cast %add3A_707 : i32 to index
      %get3A_709 = arith.constant 0 : index
      %get3A_710 = tpu.vector_load %arg8[%get3A_708, %get3A_709] {strides = array<i32>} : memref<2000x16xf32, #tpu.memory_space<vmem>>, vector<1x16xf32>,
      %get3A_711 = vector.shape_cast %get3A_710 : vector<1x16xf32> to vector<16xf32>
      %add3A_712 = arith.constant 4 : i32
      %add3A_713 = arith.addi %mul3A_31, %add3A_712 : i32
      %get3A_714 = arith.index_cast %add3A_713 : i32 to index
      %get3A_715 = arith.constant 0 : index
      %get3A_716 = tpu.vector_load %arg9[%get3A_714, %get3A_715] {strides = array<i32>} : memref<250x128xf32, #tpu.memory_space<vmem>>, vector<1x16xf32>,
      %get3A_717 = vector.shape_cast %get3A_716 : vector<1x16xf32> to vector<16xf32>
      %mul3A_718 = arith.mulf %get3A_711, %get3A_717 : vector<16xf32>
      %swap3A_719 = arith.constant 32 : i32
      %swap3A_720 = arith.index_cast %swap3A_719 : i32 to index
      %swap3A_721 = arith.constant 0 : index
      %swap3A_722 = tpu.vector_load %arg10[%swap3A_720, %swap3A_721] {strides = array<i32>} : memref<80x16xf32, #tpu.memory_space<vmem>>, vector<1x16xf32>,
      %swap3A_723 = vector.shape_cast %swap3A_722 : vector<1x16xf32> to vector<16xf32>
      %swap3A_724 = vector.shape_cast %mul3A_718 : vector<16xf32> to vector<1x16xf32>
      tpu.vector_store %arg10[%swap3A_720, %swap3A_721], %swap3A_724 {strides = array<i32>} : memref<80x16xf32, #tpu.memory_space<vmem>>, vector<1x16xf32>,
      %add3A_725 = arith.constant 32 : i32
      %add3A_726 = arith.addi %mul3A_33, %add3A_725 : i32
      %add3A_727 = arith.constant 1 : i32
      %add3A_728 = arith.addi %add3A_726, %add3A_727 : i32
      %get3A_729 = arith.index_cast %add3A_728 : i32 to index
      %get3A_730 = arith.constant 0 : index
      %get3A_731 = tpu.vector_load %arg8[%get3A_729, %get3A_730] {strides = array<i32>} : memref<2000x16xf32, #tpu.memory_space<vmem>>, vector<1x16xf32>,
      %get3A_732 = vector.shape_cast %get3A_731 : vector<1x16xf32> to vector<16xf32>
      %add3A_733 = arith.constant 4 : i32
      %add3A_734 = arith.addi %mul3A_31, %add3A_733 : i32
      %get3A_735 = arith.index_cast %add3A_734 : i32 to index
      %get3A_736 = arith.constant 16 : index
      %get3A_737 = tpu.vector_load %arg9[%get3A_735, %get3A_736] {strides = array<i32>} : memref<250x128xf32, #tpu.memory_space<vmem>>, vector<1x16xf32>,
      %get3A_738 = vector.shape_cast %get3A_737 : vector<1x16xf32> to vector<16xf32>
      %mul3A_739 = arith.mulf %get3A_732, %get3A_738 : vector<16xf32>
      %swap3A_740 = arith.constant 33 : i32
      %swap3A_741 = arith.index_cast %swap3A_740 : i32 to index
      %swap3A_742 = arith.constant 0 : index
      %swap3A_743 = tpu.vector_load %arg10[%swap3A_741, %swap3A_742] {strides = array<i32>} : memref<80x16xf32, #tpu.memory_space<vmem>>, vector<1x16xf32>,
      %swap3A_744 = vector.shape_cast %swap3A_743 : vector<1x16xf32> to vector<16xf32>
      %swap3A_745 = vector.shape_cast %mul3A_739 : vector<16xf32> to vector<1x16xf32>
      tpu.vector_store %arg10[%swap3A_741, %swap3A_742], %swap3A_745 {strides = array<i32>} : memref<80x16xf32, #tpu.memory_space<vmem>>, vector<1x16xf32>,
      %add3A_746 = arith.constant 32 : i32
      %add3A_747 = arith.addi %mul3A_33, %add3A_746 : i32
      %add3A_748 = arith.constant 2 : i32
      %add3A_749 = arith.addi %add3A_747, %add3A_748 : i32
      %get3A_750 = arith.index_cast %add3A_749 : i32 to index
      %get3A_751 = arith.constant 0 : index
      %get3A_752 = tpu.vector_load %arg8[%get3A_750, %get3A_751] {strides = array<i32>} : memref<2000x16xf32, #tpu.memory_space<vmem>>, vector<1x16xf32>,
      %get3A_753 = vector.shape_cast %get3A_752 : vector<1x16xf32> to vector<16xf32>
      %add3A_754 = arith.constant 4 : i32
      %add3A_755 = arith.addi %mul3A_31, %add3A_754 : i32
      %get3A_756 = arith.index_cast %add3A_755 : i32 to index
      %get3A_757 = arith.constant 32 : index
      %get3A_758 = tpu.vector_load %arg9[%get3A_756, %get3A_757] {strides = array<i32>} : memref<250x128xf32, #tpu.memory_space<vmem>>, vector<1x16xf32>,
      %get3A_759 = vector.shape_cast %get3A_758 : vector<1x16xf32> to vector<16xf32>
      %mul3A_760 = arith.mulf %get3A_753, %get3A_759 : vector<16xf32>
      %swap3A_761 = arith.constant 34 : i32
      %swap3A_762 = arith.index_cast %swap3A_761 : i32 to index
      %swap3A_763 = arith.constant 0 : index
      %swap3A_764 = tpu.vector_load %arg10[%swap3A_762, %swap3A_763] {strides = array<i32>} : memref<80x16xf32, #tpu.memory_space<vmem>>, vector<1x16xf32>,
      %swap3A_765 = vector.shape_cast %swap3A_764 : vector<1x16xf32> to vector<16xf32>
      %swap3A_766 = vector.shape_cast %mul3A_760 : vector<16xf32> to vector<1x16xf32>
      tpu.vector_store %arg10[%swap3A_762, %swap3A_763], %swap3A_766 {strides = array<i32>} : memref<80x16xf32, #tpu.memory_space<vmem>>, vector<1x16xf32>,
      %add3A_767 = arith.constant 32 : i32
      %add3A_768 = arith.addi %mul3A_33, %add3A_767 : i32
      %add3A_769 = arith.constant 3 : i32
      %add3A_770 = arith.addi %add3A_768, %add3A_769 : i32
      %get3A_771 = arith.index_cast %add3A_770 : i32 to index
      %get3A_772 = arith.constant 0 : index
      %get3A_773 = tpu.vector_load %arg8[%get3A_771, %get3A_772] {strides = array<i32>} : memref<2000x16xf32, #tpu.memory_space<vmem>>, vector<1x16xf32>,
      %get3A_774 = vector.shape_cast %get3A_773 : vector<1x16xf32> to vector<16xf32>
      %add3A_775 = arith.constant 4 : i32
      %add3A_776 = arith.addi %mul3A_31, %add3A_775 : i32
      %get3A_777 = arith.index_cast %add3A_776 : i32 to index
      %get3A_778 = arith.constant 48 : index
      %get3A_779 = tpu.vector_load %arg9[%get3A_777, %get3A_778] {strides = array<i32>} : memref<250x128xf32, #tpu.memory_space<vmem>>, vector<1x16xf32>,
      %get3A_780 = vector.shape_cast %get3A_779 : vector<1x16xf32> to vector<16xf32>
      %mul3A_781 = arith.mulf %get3A_774, %get3A_780 : vector<16xf32>
      %swap3A_782 = arith.constant 35 : i32
      %swap3A_783 = arith.index_cast %swap3A_782 : i32 to index
      %swap3A_784 = arith.constant 0 : index
      %swap3A_785 = tpu.vector_load %arg10[%swap3A_783, %swap3A_784] {strides = array<i32>} : memref<80x16xf32, #tpu.memory_space<vmem>>, vector<1x16xf32>,
      %swap3A_786 = vector.shape_cast %swap3A_785 : vector<1x16xf32> to vector<16xf32>
      %swap3A_787 = vector.shape_cast %mul3A_781 : vector<16xf32> to vector<1x16xf32>
      tpu.vector_store %arg10[%swap3A_783, %swap3A_784], %swap3A_787 {strides = array<i32>} : memref<80x16xf32, #tpu.memory_space<vmem>>, vector<1x16xf32>,
      %add3A_788 = arith.constant 32 : i32
      %add3A_789 = arith.addi %mul3A_33, %add3A_788 : i32
      %add3A_790 = arith.constant 4 : i32
      %add3A_791 = arith.addi %add3A_789, %add3A_790 : i32
      %get3A_792 = arith.index_cast %add3A_791 : i32 to index
      %get3A_793 = arith.constant 0 : index
      %get3A_794 = tpu.vector_load %arg8[%get3A_792, %get3A_793] {strides = array<i32>} : memref<2000x16xf32, #tpu.memory_space<vmem>>, vector<1x16xf32>,
      %get3A_795 = vector.shape_cast %get3A_794 : vector<1x16xf32> to vector<16xf32>
      %add3A_796 = arith.constant 4 : i32
      %add3A_797 = arith.addi %mul3A_31, %add3A_796 : i32
      %get3A_798 = arith.index_cast %add3A_797 : i32 to index
      %get3A_799 = arith.constant 64 : index
      %get3A_800 = tpu.vector_load %arg9[%get3A_798, %get3A_799] {strides = array<i32>} : memref<250x128xf32, #tpu.memory_space<vmem>>, vector<1x16xf32>,
      %get3A_801 = vector.shape_cast %get3A_800 : vector<1x16xf32> to vector<16xf32>
      %mul3A_802 = arith.mulf %get3A_795, %get3A_801 : vector<16xf32>
      %swap3A_803 = arith.constant 36 : i32
      %swap3A_804 = arith.index_cast %swap3A_803 : i32 to index
      %swap3A_805 = arith.constant 0 : index
      %swap3A_806 = tpu.vector_load %arg10[%swap3A_804, %swap3A_805] {strides = array<i32>} : memref<80x16xf32, #tpu.memory_space<vmem>>, vector<1x16xf32>,
      %swap3A_807 = vector.shape_cast %swap3A_806 : vector<1x16xf32> to vector<16xf32>
      %swap3A_808 = vector.shape_cast %mul3A_802 : vector<16xf32> to vector<1x16xf32>
      tpu.vector_store %arg10[%swap3A_804, %swap3A_805], %swap3A_808 {strides = array<i32>} : memref<80x16xf32, #tpu.memory_space<vmem>>, vector<1x16xf32>,
      %add3A_809 = arith.constant 32 : i32
      %add3A_810 = arith.addi %mul3A_33, %add3A_809 : i32
      %add3A_811 = arith.constant 5 : i32
      %add3A_812 = arith.addi %add3A_810, %add3A_811 : i32
      %get3A_813 = arith.index_cast %add3A_812 : i32 to index
      %get3A_814 = arith.constant 0 : index
      %get3A_815 = tpu.vector_load %arg8[%get3A_813, %get3A_814] {strides = array<i32>} : memref<2000x16xf32, #tpu.memory_space<vmem>>, vector<1x16xf32>,
      %get3A_816 = vector.shape_cast %get3A_815 : vector<1x16xf32> to vector<16xf32>
      %add3A_817 = arith.constant 4 : i32
      %add3A_818 = arith.addi %mul3A_31, %add3A_817 : i32
      %get3A_819 = arith.index_cast %add3A_818 : i32 to index
      %get3A_820 = arith.constant 80 : index
      %get3A_821 = tpu.vector_load %arg9[%get3A_819, %get3A_820] {strides = array<i32>} : memref<250x128xf32, #tpu.memory_space<vmem>>, vector<1x16xf32>,
      %get3A_822 = vector.shape_cast %get3A_821 : vector<1x16xf32> to vector<16xf32>
      %mul3A_823 = arith.mulf %get3A_816, %get3A_822 : vector<16xf32>
      %swap3A_824 = arith.constant 37 : i32
      %swap3A_825 = arith.index_cast %swap3A_824 : i32 to index
      %swap3A_826 = arith.constant 0 : index
      %swap3A_827 = tpu.vector_load %arg10[%swap3A_825, %swap3A_826] {strides = array<i32>} : memref<80x16xf32, #tpu.memory_space<vmem>>, vector<1x16xf32>,
      %swap3A_828 = vector.shape_cast %swap3A_827 : vector<1x16xf32> to vector<16xf32>
      %swap3A_829 = vector.shape_cast %mul3A_823 : vector<16xf32> to vector<1x16xf32>
      tpu.vector_store %arg10[%swap3A_825, %swap3A_826], %swap3A_829 {strides = array<i32>} : memref<80x16xf32, #tpu.memory_space<vmem>>, vector<1x16xf32>,
      %add3A_830 = arith.constant 32 : i32
      %add3A_831 = arith.addi %mul3A_33, %add3A_830 : i32
      %add3A_832 = arith.constant 6 : i32
      %add3A_833 = arith.addi %add3A_831, %add3A_832 : i32
      %get3A_834 = arith.index_cast %add3A_833 : i32 to index
      %get3A_835 = arith.constant 0 : index
      %get3A_836 = tpu.vector_load %arg8[%get3A_834, %get3A_835] {strides = array<i32>} : memref<2000x16xf32, #tpu.memory_space<vmem>>, vector<1x16xf32>,
      %get3A_837 = vector.shape_cast %get3A_836 : vector<1x16xf32> to vector<16xf32>
      %add3A_838 = arith.constant 4 : i32
      %add3A_839 = arith.addi %mul3A_31, %add3A_838 : i32
      %get3A_840 = arith.index_cast %add3A_839 : i32 to index
      %get3A_841 = arith.constant 96 : index
      %get3A_842 = tpu.vector_load %arg9[%get3A_840, %get3A_841] {strides = array<i32>} : memref<250x128xf32, #tpu.memory_space<vmem>>, vector<1x16xf32>,
      %get3A_843 = vector.shape_cast %get3A_842 : vector<1x16xf32> to vector<16xf32>
      %mul3A_844 = arith.mulf %get3A_837, %get3A_843 : vector<16xf32>
      %swap3A_845 = arith.constant 38 : i32
      %swap3A_846 = arith.index_cast %swap3A_845 : i32 to index
      %swap3A_847 = arith.constant 0 : index
      %swap3A_848 = tpu.vector_load %arg10[%swap3A_846, %swap3A_847] {strides = array<i32>} : memref<80x16xf32, #tpu.memory_space<vmem>>, vector<1x16xf32>,
      %swap3A_849 = vector.shape_cast %swap3A_848 : vector<1x16xf32> to vector<16xf32>
      %swap3A_850 = vector.shape_cast %mul3A_844 : vector<16xf32> to vector<1x16xf32>
      tpu.vector_store %arg10[%swap3A_846, %swap3A_847], %swap3A_850 {strides = array<i32>} : memref<80x16xf32, #tpu.memory_space<vmem>>, vector<1x16xf32>,
      %add3A_851 = arith.constant 32 : i32
      %add3A_852 = arith.addi %mul3A_33, %add3A_851 : i32
      %add3A_853 = arith.constant 7 : i32
      %add3A_854 = arith.addi %add3A_852, %add3A_853 : i32
      %get3A_855 = arith.index_cast %add3A_854 : i32 to index
      %get3A_856 = arith.constant 0 : index
      %get3A_857 = tpu.vector_load %arg8[%get3A_855, %get3A_856] {strides = array<i32>} : memref<2000x16xf32, #tpu.memory_space<vmem>>, vector<1x16xf32>,
      %get3A_858 = vector.shape_cast %get3A_857 : vector<1x16xf32> to vector<16xf32>
      %add3A_859 = arith.constant 4 : i32
      %add3A_860 = arith.addi %mul3A_31, %add3A_859 : i32
      %get3A_861 = arith.index_cast %add3A_860 : i32 to index
      %get3A_862 = arith.constant 112 : index
      %get3A_863 = tpu.vector_load %arg9[%get3A_861, %get3A_862] {strides = array<i32>} : memref<250x128xf32, #tpu.memory_space<vmem>>, vector<1x16xf32>,
      %get3A_864 = vector.shape_cast %get3A_863 : vector<1x16xf32> to vector<16xf32>
      %mul3A_865 = arith.mulf %get3A_858, %get3A_864 : vector<16xf32>
      %swap3A_866 = arith.constant 39 : i32
      %swap3A_867 = arith.index_cast %swap3A_866 : i32 to index
      %swap3A_868 = arith.constant 0 : index
      %swap3A_869 = tpu.vector_load %arg10[%swap3A_867, %swap3A_868] {strides = array<i32>} : memref<80x16xf32, #tpu.memory_space<vmem>>, vector<1x16xf32>,
      %swap3A_870 = vector.shape_cast %swap3A_869 : vector<1x16xf32> to vector<16xf32>
      %swap3A_871 = vector.shape_cast %mul3A_865 : vector<16xf32> to vector<1x16xf32>
      tpu.vector_store %arg10[%swap3A_867, %swap3A_868], %swap3A_871 {strides = array<i32>} : memref<80x16xf32, #tpu.memory_space<vmem>>, vector<1x16xf32>,
      %add3A_872 = arith.constant 40 : i32
      %add3A_873 = arith.addi %mul3A_33, %add3A_872 : i32
      %add3A_874 = arith.constant 0 : i32
      %add3A_875 = arith.addi %add3A_873, %add3A_874 : i32
      %get3A_876 = arith.index_cast %add3A_875 : i32 to index
      %get3A_877 = arith.constant 0 : index
      %get3A_878 = tpu.vector_load %arg8[%get3A_876, %get3A_877] {strides = array<i32>} : memref<2000x16xf32, #tpu.memory_space<vmem>>, vector<1x16xf32>,
      %get3A_879 = vector.shape_cast %get3A_878 : vector<1x16xf32> to vector<16xf32>
      %add3A_880 = arith.constant 5 : i32
      %add3A_881 = arith.addi %mul3A_31, %add3A_880 : i32
      %get3A_882 = arith.index_cast %add3A_881 : i32 to index
      %get3A_883 = arith.constant 0 : index
      %get3A_884 = tpu.vector_load %arg9[%get3A_882, %get3A_883] {strides = array<i32>} : memref<250x128xf32, #tpu.memory_space<vmem>>, vector<1x16xf32>,
      %get3A_885 = vector.shape_cast %get3A_884 : vector<1x16xf32> to vector<16xf32>
      %mul3A_886 = arith.mulf %get3A_879, %get3A_885 : vector<16xf32>
      %swap3A_887 = arith.constant 40 : i32
      %swap3A_888 = arith.index_cast %swap3A_887 : i32 to index
      %swap3A_889 = arith.constant 0 : index
      %swap3A_890 = tpu.vector_load %arg10[%swap3A_888, %swap3A_889] {strides = array<i32>} : memref<80x16xf32, #tpu.memory_space<vmem>>, vector<1x16xf32>,
      %swap3A_891 = vector.shape_cast %swap3A_890 : vector<1x16xf32> to vector<16xf32>
      %swap3A_892 = vector.shape_cast %mul3A_886 : vector<16xf32> to vector<1x16xf32>
      tpu.vector_store %arg10[%swap3A_888, %swap3A_889], %swap3A_892 {strides = array<i32>} : memref<80x16xf32, #tpu.memory_space<vmem>>, vector<1x16xf32>,
      %add3A_893 = arith.constant 40 : i32
      %add3A_894 = arith.addi %mul3A_33, %add3A_893 : i32
      %add3A_895 = arith.constant 1 : i32
      %add3A_896 = arith.addi %add3A_894, %add3A_895 : i32
      %get3A_897 = arith.index_cast %add3A_896 : i32 to index
      %get3A_898 = arith.constant 0 : index
      %get3A_899 = tpu.vector_load %arg8[%get3A_897, %get3A_898] {strides = array<i32>} : memref<2000x16xf32, #tpu.memory_space<vmem>>, vector<1x16xf32>,
      %get3A_900 = vector.shape_cast %get3A_899 : vector<1x16xf32> to vector<16xf32>
      %add3A_901 = arith.constant 5 : i32
      %add3A_902 = arith.addi %mul3A_31, %add3A_901 : i32
      %get3A_903 = arith.index_cast %add3A_902 : i32 to index
      %get3A_904 = arith.constant 16 : index
      %get3A_905 = tpu.vector_load %arg9[%get3A_903, %get3A_904] {strides = array<i32>} : memref<250x128xf32, #tpu.memory_space<vmem>>, vector<1x16xf32>,
      %get3A_906 = vector.shape_cast %get3A_905 : vector<1x16xf32> to vector<16xf32>
      %mul3A_907 = arith.mulf %get3A_900, %get3A_906 : vector<16xf32>
      %swap3A_908 = arith.constant 41 : i32
      %swap3A_909 = arith.index_cast %swap3A_908 : i32 to index
      %swap3A_910 = arith.constant 0 : index
      %swap3A_911 = tpu.vector_load %arg10[%swap3A_909, %swap3A_910] {strides = array<i32>} : memref<80x16xf32, #tpu.memory_space<vmem>>, vector<1x16xf32>,
      %swap3A_912 = vector.shape_cast %swap3A_911 : vector<1x16xf32> to vector<16xf32>
      %swap3A_913 = vector.shape_cast %mul3A_907 : vector<16xf32> to vector<1x16xf32>
      tpu.vector_store %arg10[%swap3A_909, %swap3A_910], %swap3A_913 {strides = array<i32>} : memref<80x16xf32, #tpu.memory_space<vmem>>, vector<1x16xf32>,
      %add3A_914 = arith.constant 40 : i32
      %add3A_915 = arith.addi %mul3A_33, %add3A_914 : i32
      %add3A_916 = arith.constant 2 : i32
      %add3A_917 = arith.addi %add3A_915, %add3A_916 : i32
      %get3A_918 = arith.index_cast %add3A_917 : i32 to index
      %get3A_919 = arith.constant 0 : index
      %get3A_920 = tpu.vector_load %arg8[%get3A_918, %get3A_919] {strides = array<i32>} : memref<2000x16xf32, #tpu.memory_space<vmem>>, vector<1x16xf32>,
      %get3A_921 = vector.shape_cast %get3A_920 : vector<1x16xf32> to vector<16xf32>
      %add3A_922 = arith.constant 5 : i32
      %add3A_923 = arith.addi %mul3A_31, %add3A_922 : i32
      %get3A_924 = arith.index_cast %add3A_923 : i32 to index
      %get3A_925 = arith.constant 32 : index
      %get3A_926 = tpu.vector_load %arg9[%get3A_924, %get3A_925] {strides = array<i32>} : memref<250x128xf32, #tpu.memory_space<vmem>>, vector<1x16xf32>,
      %get3A_927 = vector.shape_cast %get3A_926 : vector<1x16xf32> to vector<16xf32>
      %mul3A_928 = arith.mulf %get3A_921, %get3A_927 : vector<16xf32>
      %swap3A_929 = arith.constant 42 : i32
      %swap3A_930 = arith.index_cast %swap3A_929 : i32 to index
      %swap3A_931 = arith.constant 0 : index
      %swap3A_932 = tpu.vector_load %arg10[%swap3A_930, %swap3A_931] {strides = array<i32>} : memref<80x16xf32, #tpu.memory_space<vmem>>, vector<1x16xf32>,
      %swap3A_933 = vector.shape_cast %swap3A_932 : vector<1x16xf32> to vector<16xf32>
      %swap3A_934 = vector.shape_cast %mul3A_928 : vector<16xf32> to vector<1x16xf32>
      tpu.vector_store %arg10[%swap3A_930, %swap3A_931], %swap3A_934 {strides = array<i32>} : memref<80x16xf32, #tpu.memory_space<vmem>>, vector<1x16xf32>,
      %add3A_935 = arith.constant 40 : i32
      %add3A_936 = arith.addi %mul3A_33, %add3A_935 : i32
      %add3A_937 = arith.constant 3 : i32
      %add3A_938 = arith.addi %add3A_936, %add3A_937 : i32
      %get3A_939 = arith.index_cast %add3A_938 : i32 to index
      %get3A_940 = arith.constant 0 : index
      %get3A_941 = tpu.vector_load %arg8[%get3A_939, %get3A_940] {strides = array<i32>} : memref<2000x16xf32, #tpu.memory_space<vmem>>, vector<1x16xf32>,
      %get3A_942 = vector.shape_cast %get3A_941 : vector<1x16xf32> to vector<16xf32>
      %add3A_943 = arith.constant 5 : i32
      %add3A_944 = arith.addi %mul3A_31, %add3A_943 : i32
      %get3A_945 = arith.index_cast %add3A_944 : i32 to index
      %get3A_946 = arith.constant 48 : index
      %get3A_947 = tpu.vector_load %arg9[%get3A_945, %get3A_946] {strides = array<i32>} : memref<250x128xf32, #tpu.memory_space<vmem>>, vector<1x16xf32>,
      %get3A_948 = vector.shape_cast %get3A_947 : vector<1x16xf32> to vector<16xf32>
      %mul3A_949 = arith.mulf %get3A_942, %get3A_948 : vector<16xf32>
      %swap3A_950 = arith.constant 43 : i32
      %swap3A_951 = arith.index_cast %swap3A_950 : i32 to index
      %swap3A_952 = arith.constant 0 : index
      %swap3A_953 = tpu.vector_load %arg10[%swap3A_951, %swap3A_952] {strides = array<i32>} : memref<80x16xf32, #tpu.memory_space<vmem>>, vector<1x16xf32>,
      %swap3A_954 = vector.shape_cast %swap3A_953 : vector<1x16xf32> to vector<16xf32>
      %swap3A_955 = vector.shape_cast %mul3A_949 : vector<16xf32> to vector<1x16xf32>
      tpu.vector_store %arg10[%swap3A_951, %swap3A_952], %swap3A_955 {strides = array<i32>} : memref<80x16xf32, #tpu.memory_space<vmem>>, vector<1x16xf32>,
      %add3A_956 = arith.constant 40 : i32
      %add3A_957 = arith.addi %mul3A_33, %add3A_956 : i32
      %add3A_958 = arith.constant 4 : i32
      %add3A_959 = arith.addi %add3A_957, %add3A_958 : i32
      %get3A_960 = arith.index_cast %add3A_959 : i32 to index
      %get3A_961 = arith.constant 0 : index
      %get3A_962 = tpu.vector_load %arg8[%get3A_960, %get3A_961] {strides = array<i32>} : memref<2000x16xf32, #tpu.memory_space<vmem>>, vector<1x16xf32>,
      %get3A_963 = vector.shape_cast %get3A_962 : vector<1x16xf32> to vector<16xf32>
      %add3A_964 = arith.constant 5 : i32
      %add3A_965 = arith.addi %mul3A_31, %add3A_964 : i32
      %get3A_966 = arith.index_cast %add3A_965 : i32 to index
      %get3A_967 = arith.constant 64 : index
      %get3A_968 = tpu.vector_load %arg9[%get3A_966, %get3A_967] {strides = array<i32>} : memref<250x128xf32, #tpu.memory_space<vmem>>, vector<1x16xf32>,
      %get3A_969 = vector.shape_cast %get3A_968 : vector<1x16xf32> to vector<16xf32>
      %mul3A_970 = arith.mulf %get3A_963, %get3A_969 : vector<16xf32>
      %swap3A_971 = arith.constant 44 : i32
      %swap3A_972 = arith.index_cast %swap3A_971 : i32 to index
      %swap3A_973 = arith.constant 0 : index
      %swap3A_974 = tpu.vector_load %arg10[%swap3A_972, %swap3A_973] {strides = array<i32>} : memref<80x16xf32, #tpu.memory_space<vmem>>, vector<1x16xf32>,
      %swap3A_975 = vector.shape_cast %swap3A_974 : vector<1x16xf32> to vector<16xf32>
      %swap3A_976 = vector.shape_cast %mul3A_970 : vector<16xf32> to vector<1x16xf32>
      tpu.vector_store %arg10[%swap3A_972, %swap3A_973], %swap3A_976 {strides = array<i32>} : memref<80x16xf32, #tpu.memory_space<vmem>>, vector<1x16xf32>,
      %add3A_977 = arith.constant 40 : i32
      %add3A_978 = arith.addi %mul3A_33, %add3A_977 : i32
      %add3A_979 = arith.constant 5 : i32
      %add3A_980 = arith.addi %add3A_978, %add3A_979 : i32
      %get3A_981 = arith.index_cast %add3A_980 : i32 to index
      %get3A_982 = arith.constant 0 : index
      %get3A_983 = tpu.vector_load %arg8[%get3A_981, %get3A_982] {strides = array<i32>} : memref<2000x16xf32, #tpu.memory_space<vmem>>, vector<1x16xf32>,
      %get3A_984 = vector.shape_cast %get3A_983 : vector<1x16xf32> to vector<16xf32>
      %add3A_985 = arith.constant 5 : i32
      %add3A_986 = arith.addi %mul3A_31, %add3A_985 : i32
      %get3A_987 = arith.index_cast %add3A_986 : i32 to index
      %get3A_988 = arith.constant 80 : index
      %get3A_989 = tpu.vector_load %arg9[%get3A_987, %get3A_988] {strides = array<i32>} : memref<250x128xf32, #tpu.memory_space<vmem>>, vector<1x16xf32>,
      %get3A_990 = vector.shape_cast %get3A_989 : vector<1x16xf32> to vector<16xf32>
      %mul3A_991 = arith.mulf %get3A_984, %get3A_990 : vector<16xf32>
      %swap3A_992 = arith.constant 45 : i32
      %swap3A_993 = arith.index_cast %swap3A_992 : i32 to index
      %swap3A_994 = arith.constant 0 : index
      %swap3A_995 = tpu.vector_load %arg10[%swap3A_993, %swap3A_994] {strides = array<i32>} : memref<80x16xf32, #tpu.memory_space<vmem>>, vector<1x16xf32>,
      %swap3A_996 = vector.shape_cast %swap3A_995 : vector<1x16xf32> to vector<16xf32>
      %swap3A_997 = vector.shape_cast %mul3A_991 : vector<16xf32> to vector<1x16xf32>
      tpu.vector_store %arg10[%swap3A_993, %swap3A_994], %swap3A_997 {strides = array<i32>} : memref<80x16xf32, #tpu.memory_space<vmem>>, vector<1x16xf32>,
      %add3A_998 = arith.constant 40 : i32
      %add3A_999 = arith.addi %mul3A_33, %add3A_998 : i32
      %add3A_1000 = arith.constant 6 : i32
      %add3A_1001 = arith.addi %add3A_999, %add3A_1000 : i32
      %get3A_1002 = arith.index_cast %add3A_1001 : i32 to index
      %get3A_1003 = arith.constant 0 : index
      %get3A_1004 = tpu.vector_load %arg8[%get3A_1002, %get3A_1003] {strides = array<i32>} : memref<2000x16xf32, #tpu.memory_space<vmem>>, vector<1x16xf32>,
      %get3A_1005 = vector.shape_cast %get3A_1004 : vector<1x16xf32> to vector<16xf32>
      %add3A_1006 = arith.constant 5 : i32
      %add3A_1007 = arith.addi %mul3A_31, %add3A_1006 : i32
      %get3A_1008 = arith.index_cast %add3A_1007 : i32 to index
      %get3A_1009 = arith.constant 96 : index
      %get3A_1010 = tpu.vector_load %arg9[%get3A_1008, %get3A_1009] {strides = array<i32>} : memref<250x128xf32, #tpu.memory_space<vmem>>, vector<1x16xf32>,
      %get3A_1011 = vector.shape_cast %get3A_1010 : vector<1x16xf32> to vector<16xf32>
      %mul3A_1012 = arith.mulf %get3A_1005, %get3A_1011 : vector<16xf32>
      %swap3A_1013 = arith.constant 46 : i32
      %swap3A_1014 = arith.index_cast %swap3A_1013 : i32 to index
      %swap3A_1015 = arith.constant 0 : index
      %swap3A_1016 = tpu.vector_load %arg10[%swap3A_1014, %swap3A_1015] {strides = array<i32>} : memref<80x16xf32, #tpu.memory_space<vmem>>, vector<1x16xf32>,
      %swap3A_1017 = vector.shape_cast %swap3A_1016 : vector<1x16xf32> to vector<16xf32>
      %swap3A_1018 = vector.shape_cast %mul3A_1012 : vector<16xf32> to vector<1x16xf32>
      tpu.vector_store %arg10[%swap3A_1014, %swap3A_1015], %swap3A_1018 {strides = array<i32>} : memref<80x16xf32, #tpu.memory_space<vmem>>, vector<1x16xf32>,
      %add3A_1019 = arith.constant 40 : i32
      %add3A_1020 = arith.addi %mul3A_33, %add3A_1019 : i32
      %add3A_1021 = arith.constant 7 : i32
      %add3A_1022 = arith.addi %add3A_1020, %add3A_1021 : i32
      %get3A_1023 = arith.index_cast %add3A_1022 : i32 to index
      %get3A_1024 = arith.constant 0 : index
      %get3A_1025 = tpu.vector_load %arg8[%get3A_1023, %get3A_1024] {strides = array<i32>} : memref<2000x16xf32, #tpu.memory_space<vmem>>, vector<1x16xf32>,
      %get3A_1026 = vector.shape_cast %get3A_1025 : vector<1x16xf32> to vector<16xf32>
      %add3A_1027 = arith.constant 5 : i32
      %add3A_1028 = arith.addi %mul3A_31, %add3A_1027 : i32
      %get3A_1029 = arith.index_cast %add3A_1028 : i32 to index
      %get3A_1030 = arith.constant 112 : index
      %get3A_1031 = tpu.vector_load %arg9[%get3A_1029, %get3A_1030] {strides = array<i32>} : memref<250x128xf32, #tpu.memory_space<vmem>>, vector<1x16xf32>,
      %get3A_1032 = vector.shape_cast %get3A_1031 : vector<1x16xf32> to vector<16xf32>
      %mul3A_1033 = arith.mulf %get3A_1026, %get3A_1032 : vector<16xf32>
      %swap3A_1034 = arith.constant 47 : i32
      %swap3A_1035 = arith.index_cast %swap3A_1034 : i32 to index
      %swap3A_1036 = arith.constant 0 : index
      %swap3A_1037 = tpu.vector_load %arg10[%swap3A_1035, %swap3A_1036] {strides = array<i32>} : memref<80x16xf32, #tpu.memory_space<vmem>>, vector<1x16xf32>,
      %swap3A_1038 = vector.shape_cast %swap3A_1037 : vector<1x16xf32> to vector<16xf32>
      %swap3A_1039 = vector.shape_cast %mul3A_1033 : vector<16xf32> to vector<1x16xf32>
      tpu.vector_store %arg10[%swap3A_1035, %swap3A_1036], %swap3A_1039 {strides = array<i32>} : memref<80x16xf32, #tpu.memory_space<vmem>>, vector<1x16xf32>,
      %add3A_1040 = arith.constant 48 : i32
      %add3A_1041 = arith.addi %mul3A_33, %add3A_1040 : i32
      %add3A_1042 = arith.constant 0 : i32
      %add3A_1043 = arith.addi %add3A_1041, %add3A_1042 : i32
      %get3A_1044 = arith.index_cast %add3A_1043 : i32 to index
      %get3A_1045 = arith.constant 0 : index
      %get3A_1046 = tpu.vector_load %arg8[%get3A_1044, %get3A_1045] {strides = array<i32>} : memref<2000x16xf32, #tpu.memory_space<vmem>>, vector<1x16xf32>,
      %get3A_1047 = vector.shape_cast %get3A_1046 : vector<1x16xf32> to vector<16xf32>
      %add3A_1048 = arith.constant 6 : i32
      %add3A_1049 = arith.addi %mul3A_31, %add3A_1048 : i32
      %get3A_1050 = arith.index_cast %add3A_1049 : i32 to index
      %get3A_1051 = arith.constant 0 : index
      %get3A_1052 = tpu.vector_load %arg9[%get3A_1050, %get3A_1051] {strides = array<i32>} : memref<250x128xf32, #tpu.memory_space<vmem>>, vector<1x16xf32>,
      %get3A_1053 = vector.shape_cast %get3A_1052 : vector<1x16xf32> to vector<16xf32>
      %mul3A_1054 = arith.mulf %get3A_1047, %get3A_1053 : vector<16xf32>
      %swap3A_1055 = arith.constant 48 : i32
      %swap3A_1056 = arith.index_cast %swap3A_1055 : i32 to index
      %swap3A_1057 = arith.constant 0 : index
      %swap3A_1058 = tpu.vector_load %arg10[%swap3A_1056, %swap3A_1057] {strides = array<i32>} : memref<80x16xf32, #tpu.memory_space<vmem>>, vector<1x16xf32>,
      %swap3A_1059 = vector.shape_cast %swap3A_1058 : vector<1x16xf32> to vector<16xf32>
      %swap3A_1060 = vector.shape_cast %mul3A_1054 : vector<16xf32> to vector<1x16xf32>
      tpu.vector_store %arg10[%swap3A_1056, %swap3A_1057], %swap3A_1060 {strides = array<i32>} : memref<80x16xf32, #tpu.memory_space<vmem>>, vector<1x16xf32>,
      %add3A_1061 = arith.constant 48 : i32
      %add3A_1062 = arith.addi %mul3A_33, %add3A_1061 : i32
      %add3A_1063 = arith.constant 1 : i32
      %add3A_1064 = arith.addi %add3A_1062, %add3A_1063 : i32
      %get3A_1065 = arith.index_cast %add3A_1064 : i32 to index
      %get3A_1066 = arith.constant 0 : index
      %get3A_1067 = tpu.vector_load %arg8[%get3A_1065, %get3A_1066] {strides = array<i32>} : memref<2000x16xf32, #tpu.memory_space<vmem>>, vector<1x16xf32>,
      %get3A_1068 = vector.shape_cast %get3A_1067 : vector<1x16xf32> to vector<16xf32>
      %add3A_1069 = arith.constant 6 : i32
      %add3A_1070 = arith.addi %mul3A_31, %add3A_1069 : i32
      %get3A_1071 = arith.index_cast %add3A_1070 : i32 to index
      %get3A_1072 = arith.constant 16 : index
      %get3A_1073 = tpu.vector_load %arg9[%get3A_1071, %get3A_1072] {strides = array<i32>} : memref<250x128xf32, #tpu.memory_space<vmem>>, vector<1x16xf32>,
      %get3A_1074 = vector.shape_cast %get3A_1073 : vector<1x16xf32> to vector<16xf32>
      %mul3A_1075 = arith.mulf %get3A_1068, %get3A_1074 : vector<16xf32>
      %swap3A_1076 = arith.constant 49 : i32
      %swap3A_1077 = arith.index_cast %swap3A_1076 : i32 to index
      %swap3A_1078 = arith.constant 0 : index
      %swap3A_1079 = tpu.vector_load %arg10[%swap3A_1077, %swap3A_1078] {strides = array<i32>} : memref<80x16xf32, #tpu.memory_space<vmem>>, vector<1x16xf32>,
      %swap3A_1080 = vector.shape_cast %swap3A_1079 : vector<1x16xf32> to vector<16xf32>
      %swap3A_1081 = vector.shape_cast %mul3A_1075 : vector<16xf32> to vector<1x16xf32>
      tpu.vector_store %arg10[%swap3A_1077, %swap3A_1078], %swap3A_1081 {strides = array<i32>} : memref<80x16xf32, #tpu.memory_space<vmem>>, vector<1x16xf32>,
      %add3A_1082 = arith.constant 48 : i32
      %add3A_1083 = arith.addi %mul3A_33, %add3A_1082 : i32
      %add3A_1084 = arith.constant 2 : i32
      %add3A_1085 = arith.addi %add3A_1083, %add3A_1084 : i32
      %get3A_1086 = arith.index_cast %add3A_1085 : i32 to index
      %get3A_1087 = arith.constant 0 : index
      %get3A_1088 = tpu.vector_load %arg8[%get3A_1086, %get3A_1087] {strides = array<i32>} : memref<2000x16xf32, #tpu.memory_space<vmem>>, vector<1x16xf32>,
      %get3A_1089 = vector.shape_cast %get3A_1088 : vector<1x16xf32> to vector<16xf32>
      %add3A_1090 = arith.constant 6 : i32
      %add3A_1091 = arith.addi %mul3A_31, %add3A_1090 : i32
      %get3A_1092 = arith.index_cast %add3A_1091 : i32 to index
      %get3A_1093 = arith.constant 32 : index
      %get3A_1094 = tpu.vector_load %arg9[%get3A_1092, %get3A_1093] {strides = array<i32>} : memref<250x128xf32, #tpu.memory_space<vmem>>, vector<1x16xf32>,
      %get3A_1095 = vector.shape_cast %get3A_1094 : vector<1x16xf32> to vector<16xf32>
      %mul3A_1096 = arith.mulf %get3A_1089, %get3A_1095 : vector<16xf32>
      %swap3A_1097 = arith.constant 50 : i32
      %swap3A_1098 = arith.index_cast %swap3A_1097 : i32 to index
      %swap3A_1099 = arith.constant 0 : index
      %swap3A_1100 = tpu.vector_load %arg10[%swap3A_1098, %swap3A_1099] {strides = array<i32>} : memref<80x16xf32, #tpu.memory_space<vmem>>, vector<1x16xf32>,
      %swap3A_1101 = vector.shape_cast %swap3A_1100 : vector<1x16xf32> to vector<16xf32>
      %swap3A_1102 = vector.shape_cast %mul3A_1096 : vector<16xf32> to vector<1x16xf32>
      tpu.vector_store %arg10[%swap3A_1098, %swap3A_1099], %swap3A_1102 {strides = array<i32>} : memref<80x16xf32, #tpu.memory_space<vmem>>, vector<1x16xf32>,
      %add3A_1103 = arith.constant 48 : i32
      %add3A_1104 = arith.addi %mul3A_33, %add3A_1103 : i32
      %add3A_1105 = arith.constant 3 : i32
      %add3A_1106 = arith.addi %add3A_1104, %add3A_1105 : i32
      %get3A_1107 = arith.index_cast %add3A_1106 : i32 to index
      %get3A_1108 = arith.constant 0 : index
      %get3A_1109 = tpu.vector_load %arg8[%get3A_1107, %get3A_1108] {strides = array<i32>} : memref<2000x16xf32, #tpu.memory_space<vmem>>, vector<1x16xf32>,
      %get3A_1110 = vector.shape_cast %get3A_1109 : vector<1x16xf32> to vector<16xf32>
      %add3A_1111 = arith.constant 6 : i32
      %add3A_1112 = arith.addi %mul3A_31, %add3A_1111 : i32
      %get3A_1113 = arith.index_cast %add3A_1112 : i32 to index
      %get3A_1114 = arith.constant 48 : index
      %get3A_1115 = tpu.vector_load %arg9[%get3A_1113, %get3A_1114] {strides = array<i32>} : memref<250x128xf32, #tpu.memory_space<vmem>>, vector<1x16xf32>,
      %get3A_1116 = vector.shape_cast %get3A_1115 : vector<1x16xf32> to vector<16xf32>
      %mul3A_1117 = arith.mulf %get3A_1110, %get3A_1116 : vector<16xf32>
      %swap3A_1118 = arith.constant 51 : i32
      %swap3A_1119 = arith.index_cast %swap3A_1118 : i32 to index
      %swap3A_1120 = arith.constant 0 : index
      %swap3A_1121 = tpu.vector_load %arg10[%swap3A_1119, %swap3A_1120] {strides = array<i32>} : memref<80x16xf32, #tpu.memory_space<vmem>>, vector<1x16xf32>,
      %swap3A_1122 = vector.shape_cast %swap3A_1121 : vector<1x16xf32> to vector<16xf32>
      %swap3A_1123 = vector.shape_cast %mul3A_1117 : vector<16xf32> to vector<1x16xf32>
      tpu.vector_store %arg10[%swap3A_1119, %swap3A_1120], %swap3A_1123 {strides = array<i32>} : memref<80x16xf32, #tpu.memory_space<vmem>>, vector<1x16xf32>,
      %add3A_1124 = arith.constant 48 : i32
      %add3A_1125 = arith.addi %mul3A_33, %add3A_1124 : i32
      %add3A_1126 = arith.constant 4 : i32
      %add3A_1127 = arith.addi %add3A_1125, %add3A_1126 : i32
      %get3A_1128 = arith.index_cast %add3A_1127 : i32 to index
      %get3A_1129 = arith.constant 0 : index
      %get3A_1130 = tpu.vector_load %arg8[%get3A_1128, %get3A_1129] {strides = array<i32>} : memref<2000x16xf32, #tpu.memory_space<vmem>>, vector<1x16xf32>,
      %get3A_1131 = vector.shape_cast %get3A_1130 : vector<1x16xf32> to vector<16xf32>
      %add3A_1132 = arith.constant 6 : i32
      %add3A_1133 = arith.addi %mul3A_31, %add3A_1132 : i32
      %get3A_1134 = arith.index_cast %add3A_1133 : i32 to index
      %get3A_1135 = arith.constant 64 : index
      %get3A_1136 = tpu.vector_load %arg9[%get3A_1134, %get3A_1135] {strides = array<i32>} : memref<250x128xf32, #tpu.memory_space<vmem>>, vector<1x16xf32>,
      %get3A_1137 = vector.shape_cast %get3A_1136 : vector<1x16xf32> to vector<16xf32>
      %mul3A_1138 = arith.mulf %get3A_1131, %get3A_1137 : vector<16xf32>
      %swap3A_1139 = arith.constant 52 : i32
      %swap3A_1140 = arith.index_cast %swap3A_1139 : i32 to index
      %swap3A_1141 = arith.constant 0 : index
      %swap3A_1142 = tpu.vector_load %arg10[%swap3A_1140, %swap3A_1141] {strides = array<i32>} : memref<80x16xf32, #tpu.memory_space<vmem>>, vector<1x16xf32>,
      %swap3A_1143 = vector.shape_cast %swap3A_1142 : vector<1x16xf32> to vector<16xf32>
      %swap3A_1144 = vector.shape_cast %mul3A_1138 : vector<16xf32> to vector<1x16xf32>
      tpu.vector_store %arg10[%swap3A_1140, %swap3A_1141], %swap3A_1144 {strides = array<i32>} : memref<80x16xf32, #tpu.memory_space<vmem>>, vector<1x16xf32>,
      %add3A_1145 = arith.constant 48 : i32
      %add3A_1146 = arith.addi %mul3A_33, %add3A_1145 : i32
      %add3A_1147 = arith.constant 5 : i32
      %add3A_1148 = arith.addi %add3A_1146, %add3A_1147 : i32
      %get3A_1149 = arith.index_cast %add3A_1148 : i32 to index
      %get3A_1150 = arith.constant 0 : index
      %get3A_1151 = tpu.vector_load %arg8[%get3A_1149, %get3A_1150] {strides = array<i32>} : memref<2000x16xf32, #tpu.memory_space<vmem>>, vector<1x16xf32>,
      %get3A_1152 = vector.shape_cast %get3A_1151 : vector<1x16xf32> to vector<16xf32>
      %add3A_1153 = arith.constant 6 : i32
      %add3A_1154 = arith.addi %mul3A_31, %add3A_1153 : i32
      %get3A_1155 = arith.index_cast %add3A_1154 : i32 to index
      %get3A_1156 = arith.constant 80 : index
      %get3A_1157 = tpu.vector_load %arg9[%get3A_1155, %get3A_1156] {strides = array<i32>} : memref<250x128xf32, #tpu.memory_space<vmem>>, vector<1x16xf32>,
      %get3A_1158 = vector.shape_cast %get3A_1157 : vector<1x16xf32> to vector<16xf32>
      %mul3A_1159 = arith.mulf %get3A_1152, %get3A_1158 : vector<16xf32>
      %swap3A_1160 = arith.constant 53 : i32
      %swap3A_1161 = arith.index_cast %swap3A_1160 : i32 to index
      %swap3A_1162 = arith.constant 0 : index
      %swap3A_1163 = tpu.vector_load %arg10[%swap3A_1161, %swap3A_1162] {strides = array<i32>} : memref<80x16xf32, #tpu.memory_space<vmem>>, vector<1x16xf32>,
      %swap3A_1164 = vector.shape_cast %swap3A_1163 : vector<1x16xf32> to vector<16xf32>
      %swap3A_1165 = vector.shape_cast %mul3A_1159 : vector<16xf32> to vector<1x16xf32>
      tpu.vector_store %arg10[%swap3A_1161, %swap3A_1162], %swap3A_1165 {strides = array<i32>} : memref<80x16xf32, #tpu.memory_space<vmem>>, vector<1x16xf32>,
      %add3A_1166 = arith.constant 48 : i32
      %add3A_1167 = arith.addi %mul3A_33, %add3A_1166 : i32
      %add3A_1168 = arith.constant 6 : i32
      %add3A_1169 = arith.addi %add3A_1167, %add3A_1168 : i32
      %get3A_1170 = arith.index_cast %add3A_1169 : i32 to index
      %get3A_1171 = arith.constant 0 : index
      %get3A_1172 = tpu.vector_load %arg8[%get3A_1170, %get3A_1171] {strides = array<i32>} : memref<2000x16xf32, #tpu.memory_space<vmem>>, vector<1x16xf32>,
      %get3A_1173 = vector.shape_cast %get3A_1172 : vector<1x16xf32> to vector<16xf32>
      %add3A_1174 = arith.constant 6 : i32
      %add3A_1175 = arith.addi %mul3A_31, %add3A_1174 : i32
      %get3A_1176 = arith.index_cast %add3A_1175 : i32 to index
      %get3A_1177 = arith.constant 96 : index
      %get3A_1178 = tpu.vector_load %arg9[%get3A_1176, %get3A_1177] {strides = array<i32>} : memref<250x128xf32, #tpu.memory_space<vmem>>, vector<1x16xf32>,
      %get3A_1179 = vector.shape_cast %get3A_1178 : vector<1x16xf32> to vector<16xf32>
      %mul3A_1180 = arith.mulf %get3A_1173, %get3A_1179 : vector<16xf32>
      %swap3A_1181 = arith.constant 54 : i32
      %swap3A_1182 = arith.index_cast %swap3A_1181 : i32 to index
      %swap3A_1183 = arith.constant 0 : index
      %swap3A_1184 = tpu.vector_load %arg10[%swap3A_1182, %swap3A_1183] {strides = array<i32>} : memref<80x16xf32, #tpu.memory_space<vmem>>, vector<1x16xf32>,
      %swap3A_1185 = vector.shape_cast %swap3A_1184 : vector<1x16xf32> to vector<16xf32>
      %swap3A_1186 = vector.shape_cast %mul3A_1180 : vector<16xf32> to vector<1x16xf32>
      tpu.vector_store %arg10[%swap3A_1182, %swap3A_1183], %swap3A_1186 {strides = array<i32>} : memref<80x16xf32, #tpu.memory_space<vmem>>, vector<1x16xf32>,
      %add3A_1187 = arith.constant 48 : i32
      %add3A_1188 = arith.addi %mul3A_33, %add3A_1187 : i32
      %add3A_1189 = arith.constant 7 : i32
      %add3A_1190 = arith.addi %add3A_1188, %add3A_1189 : i32
      %get3A_1191 = arith.index_cast %add3A_1190 : i32 to index
      %get3A_1192 = arith.constant 0 : index
      %get3A_1193 = tpu.vector_load %arg8[%get3A_1191, %get3A_1192] {strides = array<i32>} : memref<2000x16xf32, #tpu.memory_space<vmem>>, vector<1x16xf32>,
      %get3A_1194 = vector.shape_cast %get3A_1193 : vector<1x16xf32> to vector<16xf32>
      %add3A_1195 = arith.constant 6 : i32
      %add3A_1196 = arith.addi %mul3A_31, %add3A_1195 : i32
      %get3A_1197 = arith.index_cast %add3A_1196 : i32 to index
      %get3A_1198 = arith.constant 112 : index
      %get3A_1199 = tpu.vector_load %arg9[%get3A_1197, %get3A_1198] {strides = array<i32>} : memref<250x128xf32, #tpu.memory_space<vmem>>, vector<1x16xf32>,
      %get3A_1200 = vector.shape_cast %get3A_1199 : vector<1x16xf32> to vector<16xf32>
      %mul3A_1201 = arith.mulf %get3A_1194, %get3A_1200 : vector<16xf32>
      %swap3A_1202 = arith.constant 55 : i32
      %swap3A_1203 = arith.index_cast %swap3A_1202 : i32 to index
      %swap3A_1204 = arith.constant 0 : index
      %swap3A_1205 = tpu.vector_load %arg10[%swap3A_1203, %swap3A_1204] {strides = array<i32>} : memref<80x16xf32, #tpu.memory_space<vmem>>, vector<1x16xf32>,
      %swap3A_1206 = vector.shape_cast %swap3A_1205 : vector<1x16xf32> to vector<16xf32>
      %swap3A_1207 = vector.shape_cast %mul3A_1201 : vector<16xf32> to vector<1x16xf32>
      tpu.vector_store %arg10[%swap3A_1203, %swap3A_1204], %swap3A_1207 {strides = array<i32>} : memref<80x16xf32, #tpu.memory_space<vmem>>, vector<1x16xf32>,
      %add3A_1208 = arith.constant 56 : i32
      %add3A_1209 = arith.addi %mul3A_33, %add3A_1208 : i32
      %add3A_1210 = arith.constant 0 : i32
      %add3A_1211 = arith.addi %add3A_1209, %add3A_1210 : i32
      %get3A_1212 = arith.index_cast %add3A_1211 : i32 to index
      %get3A_1213 = arith.constant 0 : index
      %get3A_1214 = tpu.vector_load %arg8[%get3A_1212, %get3A_1213] {strides = array<i32>} : memref<2000x16xf32, #tpu.memory_space<vmem>>, vector<1x16xf32>,
      %get3A_1215 = vector.shape_cast %get3A_1214 : vector<1x16xf32> to vector<16xf32>
      %add3A_1216 = arith.constant 7 : i32
      %add3A_1217 = arith.addi %mul3A_31, %add3A_1216 : i32
      %get3A_1218 = arith.index_cast %add3A_1217 : i32 to index
      %get3A_1219 = arith.constant 0 : index
      %get3A_1220 = tpu.vector_load %arg9[%get3A_1218, %get3A_1219] {strides = array<i32>} : memref<250x128xf32, #tpu.memory_space<vmem>>, vector<1x16xf32>,
      %get3A_1221 = vector.shape_cast %get3A_1220 : vector<1x16xf32> to vector<16xf32>
      %mul3A_1222 = arith.mulf %get3A_1215, %get3A_1221 : vector<16xf32>
      %swap3A_1223 = arith.constant 56 : i32
      %swap3A_1224 = arith.index_cast %swap3A_1223 : i32 to index
      %swap3A_1225 = arith.constant 0 : index
      %swap3A_1226 = tpu.vector_load %arg10[%swap3A_1224, %swap3A_1225] {strides = array<i32>} : memref<80x16xf32, #tpu.memory_space<vmem>>, vector<1x16xf32>,
      %swap3A_1227 = vector.shape_cast %swap3A_1226 : vector<1x16xf32> to vector<16xf32>
      %swap3A_1228 = vector.shape_cast %mul3A_1222 : vector<16xf32> to vector<1x16xf32>
      tpu.vector_store %arg10[%swap3A_1224, %swap3A_1225], %swap3A_1228 {strides = array<i32>} : memref<80x16xf32, #tpu.memory_space<vmem>>, vector<1x16xf32>,
      %add3A_1229 = arith.constant 56 : i32
      %add3A_1230 = arith.addi %mul3A_33, %add3A_1229 : i32
      %add3A_1231 = arith.constant 1 : i32
      %add3A_1232 = arith.addi %add3A_1230, %add3A_1231 : i32
      %get3A_1233 = arith.index_cast %add3A_1232 : i32 to index
      %get3A_1234 = arith.constant 0 : index
      %get3A_1235 = tpu.vector_load %arg8[%get3A_1233, %get3A_1234] {strides = array<i32>} : memref<2000x16xf32, #tpu.memory_space<vmem>>, vector<1x16xf32>,
      %get3A_1236 = vector.shape_cast %get3A_1235 : vector<1x16xf32> to vector<16xf32>
      %add3A_1237 = arith.constant 7 : i32
      %add3A_1238 = arith.addi %mul3A_31, %add3A_1237 : i32
      %get3A_1239 = arith.index_cast %add3A_1238 : i32 to index
      %get3A_1240 = arith.constant 16 : index
      %get3A_1241 = tpu.vector_load %arg9[%get3A_1239, %get3A_1240] {strides = array<i32>} : memref<250x128xf32, #tpu.memory_space<vmem>>, vector<1x16xf32>,
      %get3A_1242 = vector.shape_cast %get3A_1241 : vector<1x16xf32> to vector<16xf32>
      %mul3A_1243 = arith.mulf %get3A_1236, %get3A_1242 : vector<16xf32>
      %swap3A_1244 = arith.constant 57 : i32
      %swap3A_1245 = arith.index_cast %swap3A_1244 : i32 to index
      %swap3A_1246 = arith.constant 0 : index
      %swap3A_1247 = tpu.vector_load %arg10[%swap3A_1245, %swap3A_1246] {strides = array<i32>} : memref<80x16xf32, #tpu.memory_space<vmem>>, vector<1x16xf32>,
      %swap3A_1248 = vector.shape_cast %swap3A_1247 : vector<1x16xf32> to vector<16xf32>
      %swap3A_1249 = vector.shape_cast %mul3A_1243 : vector<16xf32> to vector<1x16xf32>
      tpu.vector_store %arg10[%swap3A_1245, %swap3A_1246], %swap3A_1249 {strides = array<i32>} : memref<80x16xf32, #tpu.memory_space<vmem>>, vector<1x16xf32>,
      %add3A_1250 = arith.constant 56 : i32
      %add3A_1251 = arith.addi %mul3A_33, %add3A_1250 : i32
      %add3A_1252 = arith.constant 2 : i32
      %add3A_1253 = arith.addi %add3A_1251, %add3A_1252 : i32
      %get3A_1254 = arith.index_cast %add3A_1253 : i32 to index
      %get3A_1255 = arith.constant 0 : index
      %get3A_1256 = tpu.vector_load %arg8[%get3A_1254, %get3A_1255] {strides = array<i32>} : memref<2000x16xf32, #tpu.memory_space<vmem>>, vector<1x16xf32>,
      %get3A_1257 = vector.shape_cast %get3A_1256 : vector<1x16xf32> to vector<16xf32>
      %add3A_1258 = arith.constant 7 : i32
      %add3A_1259 = arith.addi %mul3A_31, %add3A_1258 : i32
      %get3A_1260 = arith.index_cast %add3A_1259 : i32 to index
      %get3A_1261 = arith.constant 32 : index
      %get3A_1262 = tpu.vector_load %arg9[%get3A_1260, %get3A_1261] {strides = array<i32>} : memref<250x128xf32, #tpu.memory_space<vmem>>, vector<1x16xf32>,
      %get3A_1263 = vector.shape_cast %get3A_1262 : vector<1x16xf32> to vector<16xf32>
      %mul3A_1264 = arith.mulf %get3A_1257, %get3A_1263 : vector<16xf32>
      %swap3A_1265 = arith.constant 58 : i32
      %swap3A_1266 = arith.index_cast %swap3A_1265 : i32 to index
      %swap3A_1267 = arith.constant 0 : index
      %swap3A_1268 = tpu.vector_load %arg10[%swap3A_1266, %swap3A_1267] {strides = array<i32>} : memref<80x16xf32, #tpu.memory_space<vmem>>, vector<1x16xf32>,
      %swap3A_1269 = vector.shape_cast %swap3A_1268 : vector<1x16xf32> to vector<16xf32>
      %swap3A_1270 = vector.shape_cast %mul3A_1264 : vector<16xf32> to vector<1x16xf32>
      tpu.vector_store %arg10[%swap3A_1266, %swap3A_1267], %swap3A_1270 {strides = array<i32>} : memref<80x16xf32, #tpu.memory_space<vmem>>, vector<1x16xf32>,
      %add3A_1271 = arith.constant 56 : i32
      %add3A_1272 = arith.addi %mul3A_33, %add3A_1271 : i32
      %add3A_1273 = arith.constant 3 : i32
      %add3A_1274 = arith.addi %add3A_1272, %add3A_1273 : i32
      %get3A_1275 = arith.index_cast %add3A_1274 : i32 to index
      %get3A_1276 = arith.constant 0 : index
      %get3A_1277 = tpu.vector_load %arg8[%get3A_1275, %get3A_1276] {strides = array<i32>} : memref<2000x16xf32, #tpu.memory_space<vmem>>, vector<1x16xf32>,
      %get3A_1278 = vector.shape_cast %get3A_1277 : vector<1x16xf32> to vector<16xf32>
      %add3A_1279 = arith.constant 7 : i32
      %add3A_1280 = arith.addi %mul3A_31, %add3A_1279 : i32
      %get3A_1281 = arith.index_cast %add3A_1280 : i32 to index
      %get3A_1282 = arith.constant 48 : index
      %get3A_1283 = tpu.vector_load %arg9[%get3A_1281, %get3A_1282] {strides = array<i32>} : memref<250x128xf32, #tpu.memory_space<vmem>>, vector<1x16xf32>,
      %get3A_1284 = vector.shape_cast %get3A_1283 : vector<1x16xf32> to vector<16xf32>
      %mul3A_1285 = arith.mulf %get3A_1278, %get3A_1284 : vector<16xf32>
      %swap3A_1286 = arith.constant 59 : i32
      %swap3A_1287 = arith.index_cast %swap3A_1286 : i32 to index
      %swap3A_1288 = arith.constant 0 : index
      %swap3A_1289 = tpu.vector_load %arg10[%swap3A_1287, %swap3A_1288] {strides = array<i32>} : memref<80x16xf32, #tpu.memory_space<vmem>>, vector<1x16xf32>,
      %swap3A_1290 = vector.shape_cast %swap3A_1289 : vector<1x16xf32> to vector<16xf32>
      %swap3A_1291 = vector.shape_cast %mul3A_1285 : vector<16xf32> to vector<1x16xf32>
      tpu.vector_store %arg10[%swap3A_1287, %swap3A_1288], %swap3A_1291 {strides = array<i32>} : memref<80x16xf32, #tpu.memory_space<vmem>>, vector<1x16xf32>,
      %add3A_1292 = arith.constant 56 : i32
      %add3A_1293 = arith.addi %mul3A_33, %add3A_1292 : i32
      %add3A_1294 = arith.constant 4 : i32
      %add3A_1295 = arith.addi %add3A_1293, %add3A_1294 : i32
      %get3A_1296 = arith.index_cast %add3A_1295 : i32 to index
      %get3A_1297 = arith.constant 0 : index
      %get3A_1298 = tpu.vector_load %arg8[%get3A_1296, %get3A_1297] {strides = array<i32>} : memref<2000x16xf32, #tpu.memory_space<vmem>>, vector<1x16xf32>,
      %get3A_1299 = vector.shape_cast %get3A_1298 : vector<1x16xf32> to vector<16xf32>
      %add3A_1300 = arith.constant 7 : i32
      %add3A_1301 = arith.addi %mul3A_31, %add3A_1300 : i32
      %get3A_1302 = arith.index_cast %add3A_1301 : i32 to index
      %get3A_1303 = arith.constant 64 : index
      %get3A_1304 = tpu.vector_load %arg9[%get3A_1302, %get3A_1303] {strides = array<i32>} : memref<250x128xf32, #tpu.memory_space<vmem>>, vector<1x16xf32>,
      %get3A_1305 = vector.shape_cast %get3A_1304 : vector<1x16xf32> to vector<16xf32>
      %mul3A_1306 = arith.mulf %get3A_1299, %get3A_1305 : vector<16xf32>
      %swap3A_1307 = arith.constant 60 : i32
      %swap3A_1308 = arith.index_cast %swap3A_1307 : i32 to index
      %swap3A_1309 = arith.constant 0 : index
      %swap3A_1310 = tpu.vector_load %arg10[%swap3A_1308, %swap3A_1309] {strides = array<i32>} : memref<80x16xf32, #tpu.memory_space<vmem>>, vector<1x16xf32>,
      %swap3A_1311 = vector.shape_cast %swap3A_1310 : vector<1x16xf32> to vector<16xf32>
      %swap3A_1312 = vector.shape_cast %mul3A_1306 : vector<16xf32> to vector<1x16xf32>
      tpu.vector_store %arg10[%swap3A_1308, %swap3A_1309], %swap3A_1312 {strides = array<i32>} : memref<80x16xf32, #tpu.memory_space<vmem>>, vector<1x16xf32>,
      %add3A_1313 = arith.constant 56 : i32
      %add3A_1314 = arith.addi %mul3A_33, %add3A_1313 : i32
      %add3A_1315 = arith.constant 5 : i32
      %add3A_1316 = arith.addi %add3A_1314, %add3A_1315 : i32
      %get3A_1317 = arith.index_cast %add3A_1316 : i32 to index
      %get3A_1318 = arith.constant 0 : index
      %get3A_1319 = tpu.vector_load %arg8[%get3A_1317, %get3A_1318] {strides = array<i32>} : memref<2000x16xf32, #tpu.memory_space<vmem>>, vector<1x16xf32>,
      %get3A_1320 = vector.shape_cast %get3A_1319 : vector<1x16xf32> to vector<16xf32>
      %add3A_1321 = arith.constant 7 : i32
      %add3A_1322 = arith.addi %mul3A_31, %add3A_1321 : i32
      %get3A_1323 = arith.index_cast %add3A_1322 : i32 to index
      %get3A_1324 = arith.constant 80 : index
      %get3A_1325 = tpu.vector_load %arg9[%get3A_1323, %get3A_1324] {strides = array<i32>} : memref<250x128xf32, #tpu.memory_space<vmem>>, vector<1x16xf32>,
      %get3A_1326 = vector.shape_cast %get3A_1325 : vector<1x16xf32> to vector<16xf32>
      %mul3A_1327 = arith.mulf %get3A_1320, %get3A_1326 : vector<16xf32>
      %swap3A_1328 = arith.constant 61 : i32
      %swap3A_1329 = arith.index_cast %swap3A_1328 : i32 to index
      %swap3A_1330 = arith.constant 0 : index
      %swap3A_1331 = tpu.vector_load %arg10[%swap3A_1329, %swap3A_1330] {strides = array<i32>} : memref<80x16xf32, #tpu.memory_space<vmem>>, vector<1x16xf32>,
      %swap3A_1332 = vector.shape_cast %swap3A_1331 : vector<1x16xf32> to vector<16xf32>
      %swap3A_1333 = vector.shape_cast %mul3A_1327 : vector<16xf32> to vector<1x16xf32>
      tpu.vector_store %arg10[%swap3A_1329, %swap3A_1330], %swap3A_1333 {strides = array<i32>} : memref<80x16xf32, #tpu.memory_space<vmem>>, vector<1x16xf32>,
      %add3A_1334 = arith.constant 56 : i32
      %add3A_1335 = arith.addi %mul3A_33, %add3A_1334 : i32
      %add3A_1336 = arith.constant 6 : i32
      %add3A_1337 = arith.addi %add3A_1335, %add3A_1336 : i32
      %get3A_1338 = arith.index_cast %add3A_1337 : i32 to index
      %get3A_1339 = arith.constant 0 : index
      %get3A_1340 = tpu.vector_load %arg8[%get3A_1338, %get3A_1339] {strides = array<i32>} : memref<2000x16xf32, #tpu.memory_space<vmem>>, vector<1x16xf32>,
      %get3A_1341 = vector.shape_cast %get3A_1340 : vector<1x16xf32> to vector<16xf32>
      %add3A_1342 = arith.constant 7 : i32
      %add3A_1343 = arith.addi %mul3A_31, %add3A_1342 : i32
      %get3A_1344 = arith.index_cast %add3A_1343 : i32 to index
      %get3A_1345 = arith.constant 96 : index
      %get3A_1346 = tpu.vector_load %arg9[%get3A_1344, %get3A_1345] {strides = array<i32>} : memref<250x128xf32, #tpu.memory_space<vmem>>, vector<1x16xf32>,
      %get3A_1347 = vector.shape_cast %get3A_1346 : vector<1x16xf32> to vector<16xf32>
      %mul3A_1348 = arith.mulf %get3A_1341, %get3A_1347 : vector<16xf32>
      %swap3A_1349 = arith.constant 62 : i32
      %swap3A_1350 = arith.index_cast %swap3A_1349 : i32 to index
      %swap3A_1351 = arith.constant 0 : index
      %swap3A_1352 = tpu.vector_load %arg10[%swap3A_1350, %swap3A_1351] {strides = array<i32>} : memref<80x16xf32, #tpu.memory_space<vmem>>, vector<1x16xf32>,
      %swap3A_1353 = vector.shape_cast %swap3A_1352 : vector<1x16xf32> to vector<16xf32>
      %swap3A_1354 = vector.shape_cast %mul3A_1348 : vector<16xf32> to vector<1x16xf32>
      tpu.vector_store %arg10[%swap3A_1350, %swap3A_1351], %swap3A_1354 {strides = array<i32>} : memref<80x16xf32, #tpu.memory_space<vmem>>, vector<1x16xf32>,
      %add3A_1355 = arith.constant 56 : i32
      %add3A_1356 = arith.addi %mul3A_33, %add3A_1355 : i32
      %add3A_1357 = arith.constant 7 : i32
      %add3A_1358 = arith.addi %add3A_1356, %add3A_1357 : i32
      %get3A_1359 = arith.index_cast %add3A_1358 : i32 to index
      %get3A_1360 = arith.constant 0 : index
      %get3A_1361 = tpu.vector_load %arg8[%get3A_1359, %get3A_1360] {strides = array<i32>} : memref<2000x16xf32, #tpu.memory_space<vmem>>, vector<1x16xf32>,
      %get3A_1362 = vector.shape_cast %get3A_1361 : vector<1x16xf32> to vector<16xf32>
      %add3A_1363 = arith.constant 7 : i32
      %add3A_1364 = arith.addi %mul3A_31, %add3A_1363 : i32
      %get3A_1365 = arith.index_cast %add3A_1364 : i32 to index
      %get3A_1366 = arith.constant 112 : index
      %get3A_1367 = tpu.vector_load %arg9[%get3A_1365, %get3A_1366] {strides = array<i32>} : memref<250x128xf32, #tpu.memory_space<vmem>>, vector<1x16xf32>,
      %get3A_1368 = vector.shape_cast %get3A_1367 : vector<1x16xf32> to vector<16xf32>
      %mul3A_1369 = arith.mulf %get3A_1362, %get3A_1368 : vector<16xf32>
      %swap3A_1370 = arith.constant 63 : i32
      %swap3A_1371 = arith.index_cast %swap3A_1370 : i32 to index
      %swap3A_1372 = arith.constant 0 : index
      %swap3A_1373 = tpu.vector_load %arg10[%swap3A_1371, %swap3A_1372] {strides = array<i32>} : memref<80x16xf32, #tpu.memory_space<vmem>>, vector<1x16xf32>,
      %swap3A_1374 = vector.shape_cast %swap3A_1373 : vector<1x16xf32> to vector<16xf32>
      %swap3A_1375 = vector.shape_cast %mul3A_1369 : vector<16xf32> to vector<1x16xf32>
      tpu.vector_store %arg10[%swap3A_1371, %swap3A_1372], %swap3A_1375 {strides = array<i32>} : memref<80x16xf32, #tpu.memory_space<vmem>>, vector<1x16xf32>,
      %add3A_1376 = arith.constant 64 : i32
      %add3A_1377 = arith.addi %mul3A_33, %add3A_1376 : i32
      %add3A_1378 = arith.constant 0 : i32
      %add3A_1379 = arith.addi %add3A_1377, %add3A_1378 : i32
      %get3A_1380 = arith.index_cast %add3A_1379 : i32 to index
      %get3A_1381 = arith.constant 0 : index
      %get3A_1382 = tpu.vector_load %arg8[%get3A_1380, %get3A_1381] {strides = array<i32>} : memref<2000x16xf32, #tpu.memory_space<vmem>>, vector<1x16xf32>,
      %get3A_1383 = vector.shape_cast %get3A_1382 : vector<1x16xf32> to vector<16xf32>
      %add3A_1384 = arith.constant 8 : i32
      %add3A_1385 = arith.addi %mul3A_31, %add3A_1384 : i32
      %get3A_1386 = arith.index_cast %add3A_1385 : i32 to index
      %get3A_1387 = arith.constant 0 : index
      %get3A_1388 = tpu.vector_load %arg9[%get3A_1386, %get3A_1387] {strides = array<i32>} : memref<250x128xf32, #tpu.memory_space<vmem>>, vector<1x16xf32>,
      %get3A_1389 = vector.shape_cast %get3A_1388 : vector<1x16xf32> to vector<16xf32>
      %mul3A_1390 = arith.mulf %get3A_1383, %get3A_1389 : vector<16xf32>
      %swap3A_1391 = arith.constant 64 : i32
      %swap3A_1392 = arith.index_cast %swap3A_1391 : i32 to index
      %swap3A_1393 = arith.constant 0 : index
      %swap3A_1394 = tpu.vector_load %arg10[%swap3A_1392, %swap3A_1393] {strides = array<i32>} : memref<80x16xf32, #tpu.memory_space<vmem>>, vector<1x16xf32>,
      %swap3A_1395 = vector.shape_cast %swap3A_1394 : vector<1x16xf32> to vector<16xf32>
      %swap3A_1396 = vector.shape_cast %mul3A_1390 : vector<16xf32> to vector<1x16xf32>
      tpu.vector_store %arg10[%swap3A_1392, %swap3A_1393], %swap3A_1396 {strides = array<i32>} : memref<80x16xf32, #tpu.memory_space<vmem>>, vector<1x16xf32>,
      %add3A_1397 = arith.constant 64 : i32
      %add3A_1398 = arith.addi %mul3A_33, %add3A_1397 : i32
      %add3A_1399 = arith.constant 1 : i32
      %add3A_1400 = arith.addi %add3A_1398, %add3A_1399 : i32
      %get3A_1401 = arith.index_cast %add3A_1400 : i32 to index
      %get3A_1402 = arith.constant 0 : index
      %get3A_1403 = tpu.vector_load %arg8[%get3A_1401, %get3A_1402] {strides = array<i32>} : memref<2000x16xf32, #tpu.memory_space<vmem>>, vector<1x16xf32>,
      %get3A_1404 = vector.shape_cast %get3A_1403 : vector<1x16xf32> to vector<16xf32>
      %add3A_1405 = arith.constant 8 : i32
      %add3A_1406 = arith.addi %mul3A_31, %add3A_1405 : i32
      %get3A_1407 = arith.index_cast %add3A_1406 : i32 to index
      %get3A_1408 = arith.constant 16 : index
      %get3A_1409 = tpu.vector_load %arg9[%get3A_1407, %get3A_1408] {strides = array<i32>} : memref<250x128xf32, #tpu.memory_space<vmem>>, vector<1x16xf32>,
      %get3A_1410 = vector.shape_cast %get3A_1409 : vector<1x16xf32> to vector<16xf32>
      %mul3A_1411 = arith.mulf %get3A_1404, %get3A_1410 : vector<16xf32>
      %swap3A_1412 = arith.constant 65 : i32
      %swap3A_1413 = arith.index_cast %swap3A_1412 : i32 to index
      %swap3A_1414 = arith.constant 0 : index
      %swap3A_1415 = tpu.vector_load %arg10[%swap3A_1413, %swap3A_1414] {strides = array<i32>} : memref<80x16xf32, #tpu.memory_space<vmem>>, vector<1x16xf32>,
      %swap3A_1416 = vector.shape_cast %swap3A_1415 : vector<1x16xf32> to vector<16xf32>
      %swap3A_1417 = vector.shape_cast %mul3A_1411 : vector<16xf32> to vector<1x16xf32>
      tpu.vector_store %arg10[%swap3A_1413, %swap3A_1414], %swap3A_1417 {strides = array<i32>} : memref<80x16xf32, #tpu.memory_space<vmem>>, vector<1x16xf32>,
      %add3A_1418 = arith.constant 64 : i32
      %add3A_1419 = arith.addi %mul3A_33, %add3A_1418 : i32
      %add3A_1420 = arith.constant 2 : i32
      %add3A_1421 = arith.addi %add3A_1419, %add3A_1420 : i32
      %get3A_1422 = arith.index_cast %add3A_1421 : i32 to index
      %get3A_1423 = arith.constant 0 : index
      %get3A_1424 = tpu.vector_load %arg8[%get3A_1422, %get3A_1423] {strides = array<i32>} : memref<2000x16xf32, #tpu.memory_space<vmem>>, vector<1x16xf32>,
      %get3A_1425 = vector.shape_cast %get3A_1424 : vector<1x16xf32> to vector<16xf32>
      %add3A_1426 = arith.constant 8 : i32
      %add3A_1427 = arith.addi %mul3A_31, %add3A_1426 : i32
      %get3A_1428 = arith.index_cast %add3A_1427 : i32 to index
      %get3A_1429 = arith.constant 32 : index
      %get3A_1430 = tpu.vector_load %arg9[%get3A_1428, %get3A_1429] {strides = array<i32>} : memref<250x128xf32, #tpu.memory_space<vmem>>, vector<1x16xf32>,
      %get3A_1431 = vector.shape_cast %get3A_1430 : vector<1x16xf32> to vector<16xf32>
      %mul3A_1432 = arith.mulf %get3A_1425, %get3A_1431 : vector<16xf32>
      %swap3A_1433 = arith.constant 66 : i32
      %swap3A_1434 = arith.index_cast %swap3A_1433 : i32 to index
      %swap3A_1435 = arith.constant 0 : index
      %swap3A_1436 = tpu.vector_load %arg10[%swap3A_1434, %swap3A_1435] {strides = array<i32>} : memref<80x16xf32, #tpu.memory_space<vmem>>, vector<1x16xf32>,
      %swap3A_1437 = vector.shape_cast %swap3A_1436 : vector<1x16xf32> to vector<16xf32>
      %swap3A_1438 = vector.shape_cast %mul3A_1432 : vector<16xf32> to vector<1x16xf32>
      tpu.vector_store %arg10[%swap3A_1434, %swap3A_1435], %swap3A_1438 {strides = array<i32>} : memref<80x16xf32, #tpu.memory_space<vmem>>, vector<1x16xf32>,
      %add3A_1439 = arith.constant 64 : i32
      %add3A_1440 = arith.addi %mul3A_33, %add3A_1439 : i32
      %add3A_1441 = arith.constant 3 : i32
      %add3A_1442 = arith.addi %add3A_1440, %add3A_1441 : i32
      %get3A_1443 = arith.index_cast %add3A_1442 : i32 to index
      %get3A_1444 = arith.constant 0 : index
      %get3A_1445 = tpu.vector_load %arg8[%get3A_1443, %get3A_1444] {strides = array<i32>} : memref<2000x16xf32, #tpu.memory_space<vmem>>, vector<1x16xf32>,
      %get3A_1446 = vector.shape_cast %get3A_1445 : vector<1x16xf32> to vector<16xf32>
      %add3A_1447 = arith.constant 8 : i32
      %add3A_1448 = arith.addi %mul3A_31, %add3A_1447 : i32
      %get3A_1449 = arith.index_cast %add3A_1448 : i32 to index
      %get3A_1450 = arith.constant 48 : index
      %get3A_1451 = tpu.vector_load %arg9[%get3A_1449, %get3A_1450] {strides = array<i32>} : memref<250x128xf32, #tpu.memory_space<vmem>>, vector<1x16xf32>,
      %get3A_1452 = vector.shape_cast %get3A_1451 : vector<1x16xf32> to vector<16xf32>
      %mul3A_1453 = arith.mulf %get3A_1446, %get3A_1452 : vector<16xf32>
      %swap3A_1454 = arith.constant 67 : i32
      %swap3A_1455 = arith.index_cast %swap3A_1454 : i32 to index
      %swap3A_1456 = arith.constant 0 : index
      %swap3A_1457 = tpu.vector_load %arg10[%swap3A_1455, %swap3A_1456] {strides = array<i32>} : memref<80x16xf32, #tpu.memory_space<vmem>>, vector<1x16xf32>,
      %swap3A_1458 = vector.shape_cast %swap3A_1457 : vector<1x16xf32> to vector<16xf32>
      %swap3A_1459 = vector.shape_cast %mul3A_1453 : vector<16xf32> to vector<1x16xf32>
      tpu.vector_store %arg10[%swap3A_1455, %swap3A_1456], %swap3A_1459 {strides = array<i32>} : memref<80x16xf32, #tpu.memory_space<vmem>>, vector<1x16xf32>,
      %add3A_1460 = arith.constant 64 : i32
      %add3A_1461 = arith.addi %mul3A_33, %add3A_1460 : i32
      %add3A_1462 = arith.constant 4 : i32
      %add3A_1463 = arith.addi %add3A_1461, %add3A_1462 : i32
      %get3A_1464 = arith.index_cast %add3A_1463 : i32 to index
      %get3A_1465 = arith.constant 0 : index
      %get3A_1466 = tpu.vector_load %arg8[%get3A_1464, %get3A_1465] {strides = array<i32>} : memref<2000x16xf32, #tpu.memory_space<vmem>>, vector<1x16xf32>,
      %get3A_1467 = vector.shape_cast %get3A_1466 : vector<1x16xf32> to vector<16xf32>
      %add3A_1468 = arith.constant 8 : i32
      %add3A_1469 = arith.addi %mul3A_31, %add3A_1468 : i32
      %get3A_1470 = arith.index_cast %add3A_1469 : i32 to index
      %get3A_1471 = arith.constant 64 : index
      %get3A_1472 = tpu.vector_load %arg9[%get3A_1470, %get3A_1471] {strides = array<i32>} : memref<250x128xf32, #tpu.memory_space<vmem>>, vector<1x16xf32>,
      %get3A_1473 = vector.shape_cast %get3A_1472 : vector<1x16xf32> to vector<16xf32>
      %mul3A_1474 = arith.mulf %get3A_1467, %get3A_1473 : vector<16xf32>
      %swap3A_1475 = arith.constant 68 : i32
      %swap3A_1476 = arith.index_cast %swap3A_1475 : i32 to index
      %swap3A_1477 = arith.constant 0 : index
      %swap3A_1478 = tpu.vector_load %arg10[%swap3A_1476, %swap3A_1477] {strides = array<i32>} : memref<80x16xf32, #tpu.memory_space<vmem>>, vector<1x16xf32>,
      %swap3A_1479 = vector.shape_cast %swap3A_1478 : vector<1x16xf32> to vector<16xf32>
      %swap3A_1480 = vector.shape_cast %mul3A_1474 : vector<16xf32> to vector<1x16xf32>
      tpu.vector_store %arg10[%swap3A_1476, %swap3A_1477], %swap3A_1480 {strides = array<i32>} : memref<80x16xf32, #tpu.memory_space<vmem>>, vector<1x16xf32>,
      %add3A_1481 = arith.constant 64 : i32
      %add3A_1482 = arith.addi %mul3A_33, %add3A_1481 : i32
      %add3A_1483 = arith.constant 5 : i32
      %add3A_1484 = arith.addi %add3A_1482, %add3A_1483 : i32
      %get3A_1485 = arith.index_cast %add3A_1484 : i32 to index
      %get3A_1486 = arith.constant 0 : index
      %get3A_1487 = tpu.vector_load %arg8[%get3A_1485, %get3A_1486] {strides = array<i32>} : memref<2000x16xf32, #tpu.memory_space<vmem>>, vector<1x16xf32>,
      %get3A_1488 = vector.shape_cast %get3A_1487 : vector<1x16xf32> to vector<16xf32>
      %add3A_1489 = arith.constant 8 : i32
      %add3A_1490 = arith.addi %mul3A_31, %add3A_1489 : i32
      %get3A_1491 = arith.index_cast %add3A_1490 : i32 to index
      %get3A_1492 = arith.constant 80 : index
      %get3A_1493 = tpu.vector_load %arg9[%get3A_1491, %get3A_1492] {strides = array<i32>} : memref<250x128xf32, #tpu.memory_space<vmem>>, vector<1x16xf32>,
      %get3A_1494 = vector.shape_cast %get3A_1493 : vector<1x16xf32> to vector<16xf32>
      %mul3A_1495 = arith.mulf %get3A_1488, %get3A_1494 : vector<16xf32>
      %swap3A_1496 = arith.constant 69 : i32
      %swap3A_1497 = arith.index_cast %swap3A_1496 : i32 to index
      %swap3A_1498 = arith.constant 0 : index
      %swap3A_1499 = tpu.vector_load %arg10[%swap3A_1497, %swap3A_1498] {strides = array<i32>} : memref<80x16xf32, #tpu.memory_space<vmem>>, vector<1x16xf32>,
      %swap3A_1500 = vector.shape_cast %swap3A_1499 : vector<1x16xf32> to vector<16xf32>
      %swap3A_1501 = vector.shape_cast %mul3A_1495 : vector<16xf32> to vector<1x16xf32>
      tpu.vector_store %arg10[%swap3A_1497, %swap3A_1498], %swap3A_1501 {strides = array<i32>} : memref<80x16xf32, #tpu.memory_space<vmem>>, vector<1x16xf32>,
      %add3A_1502 = arith.constant 64 : i32
      %add3A_1503 = arith.addi %mul3A_33, %add3A_1502 : i32
      %add3A_1504 = arith.constant 6 : i32
      %add3A_1505 = arith.addi %add3A_1503, %add3A_1504 : i32
      %get3A_1506 = arith.index_cast %add3A_1505 : i32 to index
      %get3A_1507 = arith.constant 0 : index
      %get3A_1508 = tpu.vector_load %arg8[%get3A_1506, %get3A_1507] {strides = array<i32>} : memref<2000x16xf32, #tpu.memory_space<vmem>>, vector<1x16xf32>,
      %get3A_1509 = vector.shape_cast %get3A_1508 : vector<1x16xf32> to vector<16xf32>
      %add3A_1510 = arith.constant 8 : i32
      %add3A_1511 = arith.addi %mul3A_31, %add3A_1510 : i32
      %get3A_1512 = arith.index_cast %add3A_1511 : i32 to index
      %get3A_1513 = arith.constant 96 : index
      %get3A_1514 = tpu.vector_load %arg9[%get3A_1512, %get3A_1513] {strides = array<i32>} : memref<250x128xf32, #tpu.memory_space<vmem>>, vector<1x16xf32>,
      %get3A_1515 = vector.shape_cast %get3A_1514 : vector<1x16xf32> to vector<16xf32>
      %mul3A_1516 = arith.mulf %get3A_1509, %get3A_1515 : vector<16xf32>
      %swap3A_1517 = arith.constant 70 : i32
      %swap3A_1518 = arith.index_cast %swap3A_1517 : i32 to index
      %swap3A_1519 = arith.constant 0 : index
      %swap3A_1520 = tpu.vector_load %arg10[%swap3A_1518, %swap3A_1519] {strides = array<i32>} : memref<80x16xf32, #tpu.memory_space<vmem>>, vector<1x16xf32>,
      %swap3A_1521 = vector.shape_cast %swap3A_1520 : vector<1x16xf32> to vector<16xf32>
      %swap3A_1522 = vector.shape_cast %mul3A_1516 : vector<16xf32> to vector<1x16xf32>
      tpu.vector_store %arg10[%swap3A_1518, %swap3A_1519], %swap3A_1522 {strides = array<i32>} : memref<80x16xf32, #tpu.memory_space<vmem>>, vector<1x16xf32>,
      %add3A_1523 = arith.constant 64 : i32
      %add3A_1524 = arith.addi %mul3A_33, %add3A_1523 : i32
      %add3A_1525 = arith.constant 7 : i32
      %add3A_1526 = arith.addi %add3A_1524, %add3A_1525 : i32
      %get3A_1527 = arith.index_cast %add3A_1526 : i32 to index
      %get3A_1528 = arith.constant 0 : index
      %get3A_1529 = tpu.vector_load %arg8[%get3A_1527, %get3A_1528] {strides = array<i32>} : memref<2000x16xf32, #tpu.memory_space<vmem>>, vector<1x16xf32>,
      %get3A_1530 = vector.shape_cast %get3A_1529 : vector<1x16xf32> to vector<16xf32>
      %add3A_1531 = arith.constant 8 : i32
      %add3A_1532 = arith.addi %mul3A_31, %add3A_1531 : i32
      %get3A_1533 = arith.index_cast %add3A_1532 : i32 to index
      %get3A_1534 = arith.constant 112 : index
      %get3A_1535 = tpu.vector_load %arg9[%get3A_1533, %get3A_1534] {strides = array<i32>} : memref<250x128xf32, #tpu.memory_space<vmem>>, vector<1x16xf32>,
      %get3A_1536 = vector.shape_cast %get3A_1535 : vector<1x16xf32> to vector<16xf32>
      %mul3A_1537 = arith.mulf %get3A_1530, %get3A_1536 : vector<16xf32>
      %swap3A_1538 = arith.constant 71 : i32
      %swap3A_1539 = arith.index_cast %swap3A_1538 : i32 to index
      %swap3A_1540 = arith.constant 0 : index
      %swap3A_1541 = tpu.vector_load %arg10[%swap3A_1539, %swap3A_1540] {strides = array<i32>} : memref<80x16xf32, #tpu.memory_space<vmem>>, vector<1x16xf32>,
      %swap3A_1542 = vector.shape_cast %swap3A_1541 : vector<1x16xf32> to vector<16xf32>
      %swap3A_1543 = vector.shape_cast %mul3A_1537 : vector<16xf32> to vector<1x16xf32>
      tpu.vector_store %arg10[%swap3A_1539, %swap3A_1540], %swap3A_1543 {strides = array<i32>} : memref<80x16xf32, #tpu.memory_space<vmem>>, vector<1x16xf32>,
      %add3A_1544 = arith.constant 72 : i32
      %add3A_1545 = arith.addi %mul3A_33, %add3A_1544 : i32
      %add3A_1546 = arith.constant 0 : i32
      %add3A_1547 = arith.addi %add3A_1545, %add3A_1546 : i32
      %get3A_1548 = arith.index_cast %add3A_1547 : i32 to index
      %get3A_1549 = arith.constant 0 : index
      %get3A_1550 = tpu.vector_load %arg8[%get3A_1548, %get3A_1549] {strides = array<i32>} : memref<2000x16xf32, #tpu.memory_space<vmem>>, vector<1x16xf32>,
      %get3A_1551 = vector.shape_cast %get3A_1550 : vector<1x16xf32> to vector<16xf32>
      %add3A_1552 = arith.constant 9 : i32
      %add3A_1553 = arith.addi %mul3A_31, %add3A_1552 : i32
      %get3A_1554 = arith.index_cast %add3A_1553 : i32 to index
      %get3A_1555 = arith.constant 0 : index
      %get3A_1556 = tpu.vector_load %arg9[%get3A_1554, %get3A_1555] {strides = array<i32>} : memref<250x128xf32, #tpu.memory_space<vmem>>, vector<1x16xf32>,
      %get3A_1557 = vector.shape_cast %get3A_1556 : vector<1x16xf32> to vector<16xf32>
      %mul3A_1558 = arith.mulf %get3A_1551, %get3A_1557 : vector<16xf32>
      %swap3A_1559 = arith.constant 72 : i32
      %swap3A_1560 = arith.index_cast %swap3A_1559 : i32 to index
      %swap3A_1561 = arith.constant 0 : index
      %swap3A_1562 = tpu.vector_load %arg10[%swap3A_1560, %swap3A_1561] {strides = array<i32>} : memref<80x16xf32, #tpu.memory_space<vmem>>, vector<1x16xf32>,
      %swap3A_1563 = vector.shape_cast %swap3A_1562 : vector<1x16xf32> to vector<16xf32>
      %swap3A_1564 = vector.shape_cast %mul3A_1558 : vector<16xf32> to vector<1x16xf32>
      tpu.vector_store %arg10[%swap3A_1560, %swap3A_1561], %swap3A_1564 {strides = array<i32>} : memref<80x16xf32, #tpu.memory_space<vmem>>, vector<1x16xf32>,
      %add3A_1565 = arith.constant 72 : i32
      %add3A_1566 = arith.addi %mul3A_33, %add3A_1565 : i32
      %add3A_1567 = arith.constant 1 : i32
      %add3A_1568 = arith.addi %add3A_1566, %add3A_1567 : i32
      %get3A_1569 = arith.index_cast %add3A_1568 : i32 to index
      %get3A_1570 = arith.constant 0 : index
      %get3A_1571 = tpu.vector_load %arg8[%get3A_1569, %get3A_1570] {strides = array<i32>} : memref<2000x16xf32, #tpu.memory_space<vmem>>, vector<1x16xf32>,
      %get3A_1572 = vector.shape_cast %get3A_1571 : vector<1x16xf32> to vector<16xf32>
      %add3A_1573 = arith.constant 9 : i32
      %add3A_1574 = arith.addi %mul3A_31, %add3A_1573 : i32
      %get3A_1575 = arith.index_cast %add3A_1574 : i32 to index
      %get3A_1576 = arith.constant 16 : index
      %get3A_1577 = tpu.vector_load %arg9[%get3A_1575, %get3A_1576] {strides = array<i32>} : memref<250x128xf32, #tpu.memory_space<vmem>>, vector<1x16xf32>,
      %get3A_1578 = vector.shape_cast %get3A_1577 : vector<1x16xf32> to vector<16xf32>
      %mul3A_1579 = arith.mulf %get3A_1572, %get3A_1578 : vector<16xf32>
      %swap3A_1580 = arith.constant 73 : i32
      %swap3A_1581 = arith.index_cast %swap3A_1580 : i32 to index
      %swap3A_1582 = arith.constant 0 : index
      %swap3A_1583 = tpu.vector_load %arg10[%swap3A_1581, %swap3A_1582] {strides = array<i32>} : memref<80x16xf32, #tpu.memory_space<vmem>>, vector<1x16xf32>,
      %swap3A_1584 = vector.shape_cast %swap3A_1583 : vector<1x16xf32> to vector<16xf32>
      %swap3A_1585 = vector.shape_cast %mul3A_1579 : vector<16xf32> to vector<1x16xf32>
      tpu.vector_store %arg10[%swap3A_1581, %swap3A_1582], %swap3A_1585 {strides = array<i32>} : memref<80x16xf32, #tpu.memory_space<vmem>>, vector<1x16xf32>,
      %add3A_1586 = arith.constant 72 : i32
      %add3A_1587 = arith.addi %mul3A_33, %add3A_1586 : i32
      %add3A_1588 = arith.constant 2 : i32
      %add3A_1589 = arith.addi %add3A_1587, %add3A_1588 : i32
      %get3A_1590 = arith.index_cast %add3A_1589 : i32 to index
      %get3A_1591 = arith.constant 0 : index
      %get3A_1592 = tpu.vector_load %arg8[%get3A_1590, %get3A_1591] {strides = array<i32>} : memref<2000x16xf32, #tpu.memory_space<vmem>>, vector<1x16xf32>,
      %get3A_1593 = vector.shape_cast %get3A_1592 : vector<1x16xf32> to vector<16xf32>
      %add3A_1594 = arith.constant 9 : i32
      %add3A_1595 = arith.addi %mul3A_31, %add3A_1594 : i32
      %get3A_1596 = arith.index_cast %add3A_1595 : i32 to index
      %get3A_1597 = arith.constant 32 : index
      %get3A_1598 = tpu.vector_load %arg9[%get3A_1596, %get3A_1597] {strides = array<i32>} : memref<250x128xf32, #tpu.memory_space<vmem>>, vector<1x16xf32>,
      %get3A_1599 = vector.shape_cast %get3A_1598 : vector<1x16xf32> to vector<16xf32>
      %mul3A_1600 = arith.mulf %get3A_1593, %get3A_1599 : vector<16xf32>
      %swap3A_1601 = arith.constant 74 : i32
      %swap3A_1602 = arith.index_cast %swap3A_1601 : i32 to index
      %swap3A_1603 = arith.constant 0 : index
      %swap3A_1604 = tpu.vector_load %arg10[%swap3A_1602, %swap3A_1603] {strides = array<i32>} : memref<80x16xf32, #tpu.memory_space<vmem>>, vector<1x16xf32>,
      %swap3A_1605 = vector.shape_cast %swap3A_1604 : vector<1x16xf32> to vector<16xf32>
      %swap3A_1606 = vector.shape_cast %mul3A_1600 : vector<16xf32> to vector<1x16xf32>
      tpu.vector_store %arg10[%swap3A_1602, %swap3A_1603], %swap3A_1606 {strides = array<i32>} : memref<80x16xf32, #tpu.memory_space<vmem>>, vector<1x16xf32>,
      %add3A_1607 = arith.constant 72 : i32
      %add3A_1608 = arith.addi %mul3A_33, %add3A_1607 : i32
      %add3A_1609 = arith.constant 3 : i32
      %add3A_1610 = arith.addi %add3A_1608, %add3A_1609 : i32
      %get3A_1611 = arith.index_cast %add3A_1610 : i32 to index
      %get3A_1612 = arith.constant 0 : index
      %get3A_1613 = tpu.vector_load %arg8[%get3A_1611, %get3A_1612] {strides = array<i32>} : memref<2000x16xf32, #tpu.memory_space<vmem>>, vector<1x16xf32>,
      %get3A_1614 = vector.shape_cast %get3A_1613 : vector<1x16xf32> to vector<16xf32>
      %add3A_1615 = arith.constant 9 : i32
      %add3A_1616 = arith.addi %mul3A_31, %add3A_1615 : i32
      %get3A_1617 = arith.index_cast %add3A_1616 : i32 to index
      %get3A_1618 = arith.constant 48 : index
      %get3A_1619 = tpu.vector_load %arg9[%get3A_1617, %get3A_1618] {strides = array<i32>} : memref<250x128xf32, #tpu.memory_space<vmem>>, vector<1x16xf32>,
      %get3A_1620 = vector.shape_cast %get3A_1619 : vector<1x16xf32> to vector<16xf32>
      %mul3A_1621 = arith.mulf %get3A_1614, %get3A_1620 : vector<16xf32>
      %swap3A_1622 = arith.constant 75 : i32
      %swap3A_1623 = arith.index_cast %swap3A_1622 : i32 to index
      %swap3A_1624 = arith.constant 0 : index
      %swap3A_1625 = tpu.vector_load %arg10[%swap3A_1623, %swap3A_1624] {strides = array<i32>} : memref<80x16xf32, #tpu.memory_space<vmem>>, vector<1x16xf32>,
      %swap3A_1626 = vector.shape_cast %swap3A_1625 : vector<1x16xf32> to vector<16xf32>
      %swap3A_1627 = vector.shape_cast %mul3A_1621 : vector<16xf32> to vector<1x16xf32>
      tpu.vector_store %arg10[%swap3A_1623, %swap3A_1624], %swap3A_1627 {strides = array<i32>} : memref<80x16xf32, #tpu.memory_space<vmem>>, vector<1x16xf32>,
      %add3A_1628 = arith.constant 72 : i32
      %add3A_1629 = arith.addi %mul3A_33, %add3A_1628 : i32
      %add3A_1630 = arith.constant 4 : i32
      %add3A_1631 = arith.addi %add3A_1629, %add3A_1630 : i32
      %get3A_1632 = arith.index_cast %add3A_1631 : i32 to index
      %get3A_1633 = arith.constant 0 : index
      %get3A_1634 = tpu.vector_load %arg8[%get3A_1632, %get3A_1633] {strides = array<i32>} : memref<2000x16xf32, #tpu.memory_space<vmem>>, vector<1x16xf32>,
      %get3A_1635 = vector.shape_cast %get3A_1634 : vector<1x16xf32> to vector<16xf32>
      %add3A_1636 = arith.constant 9 : i32
      %add3A_1637 = arith.addi %mul3A_31, %add3A_1636 : i32
      %get3A_1638 = arith.index_cast %add3A_1637 : i32 to index
      %get3A_1639 = arith.constant 64 : index
      %get3A_1640 = tpu.vector_load %arg9[%get3A_1638, %get3A_1639] {strides = array<i32>} : memref<250x128xf32, #tpu.memory_space<vmem>>, vector<1x16xf32>,
      %get3A_1641 = vector.shape_cast %get3A_1640 : vector<1x16xf32> to vector<16xf32>
      %mul3A_1642 = arith.mulf %get3A_1635, %get3A_1641 : vector<16xf32>
      %swap3A_1643 = arith.constant 76 : i32
      %swap3A_1644 = arith.index_cast %swap3A_1643 : i32 to index
      %swap3A_1645 = arith.constant 0 : index
      %swap3A_1646 = tpu.vector_load %arg10[%swap3A_1644, %swap3A_1645] {strides = array<i32>} : memref<80x16xf32, #tpu.memory_space<vmem>>, vector<1x16xf32>,
      %swap3A_1647 = vector.shape_cast %swap3A_1646 : vector<1x16xf32> to vector<16xf32>
      %swap3A_1648 = vector.shape_cast %mul3A_1642 : vector<16xf32> to vector<1x16xf32>
      tpu.vector_store %arg10[%swap3A_1644, %swap3A_1645], %swap3A_1648 {strides = array<i32>} : memref<80x16xf32, #tpu.memory_space<vmem>>, vector<1x16xf32>,
      %add3A_1649 = arith.constant 72 : i32
      %add3A_1650 = arith.addi %mul3A_33, %add3A_1649 : i32
      %add3A_1651 = arith.constant 5 : i32
      %add3A_1652 = arith.addi %add3A_1650, %add3A_1651 : i32
      %get3A_1653 = arith.index_cast %add3A_1652 : i32 to index
      %get3A_1654 = arith.constant 0 : index
      %get3A_1655 = tpu.vector_load %arg8[%get3A_1653, %get3A_1654] {strides = array<i32>} : memref<2000x16xf32, #tpu.memory_space<vmem>>, vector<1x16xf32>,
      %get3A_1656 = vector.shape_cast %get3A_1655 : vector<1x16xf32> to vector<16xf32>
      %add3A_1657 = arith.constant 9 : i32
      %add3A_1658 = arith.addi %mul3A_31, %add3A_1657 : i32
      %get3A_1659 = arith.index_cast %add3A_1658 : i32 to index
      %get3A_1660 = arith.constant 80 : index
      %get3A_1661 = tpu.vector_load %arg9[%get3A_1659, %get3A_1660] {strides = array<i32>} : memref<250x128xf32, #tpu.memory_space<vmem>>, vector<1x16xf32>,
      %get3A_1662 = vector.shape_cast %get3A_1661 : vector<1x16xf32> to vector<16xf32>
      %mul3A_1663 = arith.mulf %get3A_1656, %get3A_1662 : vector<16xf32>
      %swap3A_1664 = arith.constant 77 : i32
      %swap3A_1665 = arith.index_cast %swap3A_1664 : i32 to index
      %swap3A_1666 = arith.constant 0 : index
      %swap3A_1667 = tpu.vector_load %arg10[%swap3A_1665, %swap3A_1666] {strides = array<i32>} : memref<80x16xf32, #tpu.memory_space<vmem>>, vector<1x16xf32>,
      %swap3A_1668 = vector.shape_cast %swap3A_1667 : vector<1x16xf32> to vector<16xf32>
      %swap3A_1669 = vector.shape_cast %mul3A_1663 : vector<16xf32> to vector<1x16xf32>
      tpu.vector_store %arg10[%swap3A_1665, %swap3A_1666], %swap3A_1669 {strides = array<i32>} : memref<80x16xf32, #tpu.memory_space<vmem>>, vector<1x16xf32>,
      %add3A_1670 = arith.constant 72 : i32
      %add3A_1671 = arith.addi %mul3A_33, %add3A_1670 : i32
      %add3A_1672 = arith.constant 6 : i32
      %add3A_1673 = arith.addi %add3A_1671, %add3A_1672 : i32
      %get3A_1674 = arith.index_cast %add3A_1673 : i32 to index
      %get3A_1675 = arith.constant 0 : index
      %get3A_1676 = tpu.vector_load %arg8[%get3A_1674, %get3A_1675] {strides = array<i32>} : memref<2000x16xf32, #tpu.memory_space<vmem>>, vector<1x16xf32>,
      %get3A_1677 = vector.shape_cast %get3A_1676 : vector<1x16xf32> to vector<16xf32>
      %add3A_1678 = arith.constant 9 : i32
      %add3A_1679 = arith.addi %mul3A_31, %add3A_1678 : i32
      %get3A_1680 = arith.index_cast %add3A_1679 : i32 to index
      %get3A_1681 = arith.constant 96 : index
      %get3A_1682 = tpu.vector_load %arg9[%get3A_1680, %get3A_1681] {strides = array<i32>} : memref<250x128xf32, #tpu.memory_space<vmem>>, vector<1x16xf32>,
      %get3A_1683 = vector.shape_cast %get3A_1682 : vector<1x16xf32> to vector<16xf32>
      %mul3A_1684 = arith.mulf %get3A_1677, %get3A_1683 : vector<16xf32>
      %swap3A_1685 = arith.constant 78 : i32
      %swap3A_1686 = arith.index_cast %swap3A_1685 : i32 to index
      %swap3A_1687 = arith.constant 0 : index
      %swap3A_1688 = tpu.vector_load %arg10[%swap3A_1686, %swap3A_1687] {strides = array<i32>} : memref<80x16xf32, #tpu.memory_space<vmem>>, vector<1x16xf32>,
      %swap3A_1689 = vector.shape_cast %swap3A_1688 : vector<1x16xf32> to vector<16xf32>
      %swap3A_1690 = vector.shape_cast %mul3A_1684 : vector<16xf32> to vector<1x16xf32>
      tpu.vector_store %arg10[%swap3A_1686, %swap3A_1687], %swap3A_1690 {strides = array<i32>} : memref<80x16xf32, #tpu.memory_space<vmem>>, vector<1x16xf32>,
      %add3A_1691 = arith.constant 72 : i32
      %add3A_1692 = arith.addi %mul3A_33, %add3A_1691 : i32
      %add3A_1693 = arith.constant 7 : i32
      %add3A_1694 = arith.addi %add3A_1692, %add3A_1693 : i32
      %get3A_1695 = arith.index_cast %add3A_1694 : i32 to index
      %get3A_1696 = arith.constant 0 : index
      %get3A_1697 = tpu.vector_load %arg8[%get3A_1695, %get3A_1696] {strides = array<i32>} : memref<2000x16xf32, #tpu.memory_space<vmem>>, vector<1x16xf32>,
      %get3A_1698 = vector.shape_cast %get3A_1697 : vector<1x16xf32> to vector<16xf32>
      %add3A_1699 = arith.constant 9 : i32
      %add3A_1700 = arith.addi %mul3A_31, %add3A_1699 : i32
      %get3A_1701 = arith.index_cast %add3A_1700 : i32 to index
      %get3A_1702 = arith.constant 112 : index
      %get3A_1703 = tpu.vector_load %arg9[%get3A_1701, %get3A_1702] {strides = array<i32>} : memref<250x128xf32, #tpu.memory_space<vmem>>, vector<1x16xf32>,
      %get3A_1704 = vector.shape_cast %get3A_1703 : vector<1x16xf32> to vector<16xf32>
      %mul3A_1705 = arith.mulf %get3A_1698, %get3A_1704 : vector<16xf32>
      %swap3A_1706 = arith.constant 79 : i32
      %swap3A_1707 = arith.index_cast %swap3A_1706 : i32 to index
      %swap3A_1708 = arith.constant 0 : index
      %swap3A_1709 = tpu.vector_load %arg10[%swap3A_1707, %swap3A_1708] {strides = array<i32>} : memref<80x16xf32, #tpu.memory_space<vmem>>, vector<1x16xf32>,
      %swap3A_1710 = vector.shape_cast %swap3A_1709 : vector<1x16xf32> to vector<16xf32>
      %swap3A_1711 = vector.shape_cast %mul3A_1705 : vector<16xf32> to vector<1x16xf32>
      tpu.vector_store %arg10[%swap3A_1707, %swap3A_1708], %swap3A_1711 {strides = array<i32>} : memref<80x16xf32, #tpu.memory_space<vmem>>, vector<1x16xf32>,
      %mul3A_1712 = arith.constant 80 : i32
      %mul3A_1713 = arith.muli %scan3A_23, %mul3A_1712 : i32
      %add3A_1714 = arith.constant 0 : i32
      %add3A_1715 = arith.addi %mul3A_1713, %add3A_1714 : i32
      %get3A_1716 = arith.index_cast %add3A_1715 : i32 to index
      %get3A_1717 = tpu.vector_load %arg6[%get3A_1716] {strides = array<i32>} : memref<10000xi32, #tpu.memory_space<vmem>>, vector<16xi32>,
      %get3A_1718 = vector.shape_cast %get3A_1717 : vector<16xi32> to vector<16xi32>
      %swap3A_1719 = arith.constant 0 : index
      %swap3A_1720 = tpu.vector_load %arg7[%swap3A_1719] {strides = array<i32>} : memref<80xi32, #tpu.memory_space<vmem>>, vector<16xi32>,
      %swap3A_1721 = vector.shape_cast %swap3A_1720 : vector<16xi32> to vector<16xi32>
      %swap3A_1722 = vector.shape_cast %get3A_1718 : vector<16xi32> to vector<16xi32>
      tpu.vector_store %arg7[%swap3A_1719], %swap3A_1722 {strides = array<i32>} : memref<80xi32, #tpu.memory_space<vmem>>, vector<16xi32>,
      %mul3A_1723 = arith.constant 80 : i32
      %mul3A_1724 = arith.muli %scan3A_23, %mul3A_1723 : i32
      %add3A_1725 = arith.constant 16 : i32
      %add3A_1726 = arith.addi %mul3A_1724, %add3A_1725 : i32
      %get3A_1727 = arith.index_cast %add3A_1726 : i32 to index
      %get3A_1728 = tpu.vector_load %arg6[%get3A_1727] {strides = array<i32>} : memref<10000xi32, #tpu.memory_space<vmem>>, vector<16xi32>,
      %get3A_1729 = vector.shape_cast %get3A_1728 : vector<16xi32> to vector<16xi32>
      %swap3A_1730 = arith.constant 16 : index
      %swap3A_1731 = tpu.vector_load %arg7[%swap3A_1730] {strides = array<i32>} : memref<80xi32, #tpu.memory_space<vmem>>, vector<16xi32>,
      %swap3A_1732 = vector.shape_cast %swap3A_1731 : vector<16xi32> to vector<16xi32>
      %swap3A_1733 = vector.shape_cast %get3A_1729 : vector<16xi32> to vector<16xi32>
      tpu.vector_store %arg7[%swap3A_1730], %swap3A_1733 {strides = array<i32>} : memref<80xi32, #tpu.memory_space<vmem>>, vector<16xi32>,
      %mul3A_1734 = arith.constant 80 : i32
      %mul3A_1735 = arith.muli %scan3A_23, %mul3A_1734 : i32
      %add3A_1736 = arith.constant 32 : i32
      %add3A_1737 = arith.addi %mul3A_1735, %add3A_1736 : i32
      %get3A_1738 = arith.index_cast %add3A_1737 : i32 to index
      %get3A_1739 = tpu.vector_load %arg6[%get3A_1738] {strides = array<i32>} : memref<10000xi32, #tpu.memory_space<vmem>>, vector<16xi32>,
      %get3A_1740 = vector.shape_cast %get3A_1739 : vector<16xi32> to vector<16xi32>
      %swap3A_1741 = arith.constant 32 : index
      %swap3A_1742 = tpu.vector_load %arg7[%swap3A_1741] {strides = array<i32>} : memref<80xi32, #tpu.memory_space<vmem>>, vector<16xi32>,
      %swap3A_1743 = vector.shape_cast %swap3A_1742 : vector<16xi32> to vector<16xi32>
      %swap3A_1744 = vector.shape_cast %get3A_1740 : vector<16xi32> to vector<16xi32>
      tpu.vector_store %arg7[%swap3A_1741], %swap3A_1744 {strides = array<i32>} : memref<80xi32, #tpu.memory_space<vmem>>, vector<16xi32>,
      %mul3A_1745 = arith.constant 80 : i32
      %mul3A_1746 = arith.muli %scan3A_23, %mul3A_1745 : i32
      %add3A_1747 = arith.constant 48 : i32
      %add3A_1748 = arith.addi %mul3A_1746, %add3A_1747 : i32
      %get3A_1749 = arith.index_cast %add3A_1748 : i32 to index
      %get3A_1750 = tpu.vector_load %arg6[%get3A_1749] {strides = array<i32>} : memref<10000xi32, #tpu.memory_space<vmem>>, vector<16xi32>,
      %get3A_1751 = vector.shape_cast %get3A_1750 : vector<16xi32> to vector<16xi32>
      %swap3A_1752 = arith.constant 48 : index
      %swap3A_1753 = tpu.vector_load %arg7[%swap3A_1752] {strides = array<i32>} : memref<80xi32, #tpu.memory_space<vmem>>, vector<16xi32>,
      %swap3A_1754 = vector.shape_cast %swap3A_1753 : vector<16xi32> to vector<16xi32>
      %swap3A_1755 = vector.shape_cast %get3A_1751 : vector<16xi32> to vector<16xi32>
      tpu.vector_store %arg7[%swap3A_1752], %swap3A_1755 {strides = array<i32>} : memref<80xi32, #tpu.memory_space<vmem>>, vector<16xi32>,
      %mul3A_1756 = arith.constant 80 : i32
      %mul3A_1757 = arith.muli %scan3A_23, %mul3A_1756 : i32
      %add3A_1758 = arith.constant 64 : i32
      %add3A_1759 = arith.addi %mul3A_1757, %add3A_1758 : i32
      %get3A_1760 = arith.index_cast %add3A_1759 : i32 to index
      %get3A_1761 = tpu.vector_load %arg6[%get3A_1760] {strides = array<i32>} : memref<10000xi32, #tpu.memory_space<vmem>>, vector<16xi32>,
      %get3A_1762 = vector.shape_cast %get3A_1761 : vector<16xi32> to vector<16xi32>
      %swap3A_1763 = arith.constant 64 : index
      %swap3A_1764 = tpu.vector_load %arg7[%swap3A_1763] {strides = array<i32>} : memref<80xi32, #tpu.memory_space<vmem>>, vector<16xi32>,
      %swap3A_1765 = vector.shape_cast %swap3A_1764 : vector<16xi32> to vector<16xi32>
      %swap3A_1766 = vector.shape_cast %get3A_1762 : vector<16xi32> to vector<16xi32>
      tpu.vector_store %arg7[%swap3A_1763], %swap3A_1766 {strides = array<i32>} : memref<80xi32, #tpu.memory_space<vmem>>, vector<16xi32>,
      "tpu.region"() ({
        %run_scoped3A = tpu.sem_alloc : memref<!tpu.dma_semaphore, #tpu.memory_space<semaphore_mem>>
        %dma_start3A = arith.constant 0 : i32
        %dma_start3A_1768 = arith.constant 0 : i32
        %dma_start3A_1769 = tpu.memref_slice %arg12[%dma_start3A, %dma_start3A_1768] : memref<10240x16xf32, #tpu.memory_space<vmem_shared>> -> memref<10240x16xf32, #tpu.memory_space<vmem_shared>>
        tpu.enqueue_indirect_dma source(%arg10 : memref<80x16xf32, #tpu.memory_space<vmem>>) target(%dma_start3A_1769 : memref<10240x16xf32, #tpu.memory_space<vmem_shared>>) offsets(%arg7 : memref<80xi32, #tpu.memory_space<vmem>>) semaphore(%run_scoped3A : memref<!tpu.dma_semaphore, #tpu.memory_space<semaphore_mem>>) {add = true}
        %dma_wait3A = arith.constant 0 : i32
        %dma_wait3A_1770 = arith.constant 0 : i32
        %dma_wait3A_1771 = tpu.memref_slice %arg12[%dma_wait3A, %dma_wait3A_1770] : memref<10240x16xf32, #tpu.memory_space<vmem_shared>> -> memref<10240x16xf32, #tpu.memory_space<vmem_shared>>
        tpu.wait_indirect_dma semaphore(%run_scoped3A : memref<!tpu.dma_semaphore, #tpu.memory_space<semaphore_mem>>) src(%arg10 : memref<80x16xf32, #tpu.memory_space<vmem>>) dst(%dma_wait3A_1771 : memref<10240x16xf32, #tpu.memory_space<vmem_shared>>)
        tpu.yield
      }) : () -> ()
      %scan3A_1767 = arith.constant 0 : i32
      scf.yield %scan3A_1767 : i32
    }
    %scan3A_17 = arith.constant 125 : i32
    %barrier3A_18 = arith.constant 0 : index
    tpu.barrier barrier_id(%barrier3A_18)
    %mul3A_19 = arith.constant 640 : i32
    %mul3A_20 = arith.muli %arg1, %mul3A_19 : i32
    %mul3A_21 = arith.constant 640 : i32
    %mul3A_22 = arith.muli %arg1, %mul3A_21 : i32
    "tpu.region"() ({
      %run_scoped3A = tpu.sem_alloc : memref<!tpu.dma_semaphore, #tpu.memory_space<semaphore_mem>>
      %dma_start3A = arith.constant 0 : i32
      %dma_start3A_23 = tpu.memref_slice %arg5[%arg0, %mul3A_22, %dma_start3A] : memref<2x10240x16xf32, #tpu.memory_space<hbm>> -> memref<1x640x16xf32, #tpu.memory_space<hbm>>
      %dma_start3A_24 = tpu.memref_squeeze %dma_start3A_23 : memref<1x640x16xf32, #tpu.memory_space<hbm>> -> memref<640x16xf32, #tpu.memory_space<hbm>>
      %dma_start3A_25 = arith.constant 0 : i32
      %dma_start3A_26 = tpu.memref_slice %arg12[%mul3A_20, %dma_start3A_25] : memref<10240x16xf32, #tpu.memory_space<vmem_shared>> -> memref<640x16xf32, #tpu.memory_space<vmem_shared>>
      tpu.enqueue_dma source(%dma_start3A_26 : memref<640x16xf32, #tpu.memory_space<vmem_shared>>) target(%dma_start3A_24 : memref<640x16xf32, #tpu.memory_space<hbm>>) target_semaphore(%run_scoped3A : memref<!tpu.dma_semaphore, #tpu.memory_space<semaphore_mem>>)
      %dma_wait3A = arith.constant 0 : i32
      %dma_wait3A_27 = tpu.memref_slice %arg5[%arg0, %mul3A_22, %dma_wait3A] : memref<2x10240x16xf32, #tpu.memory_space<hbm>> -> memref<1x640x16xf32, #tpu.memory_space<hbm>>
      %dma_wait3A_28 = tpu.memref_squeeze %dma_wait3A_27 : memref<1x640x16xf32, #tpu.memory_space<hbm>> -> memref<640x16xf32, #tpu.memory_space<hbm>>
      %dma_wait3A_29 = arith.constant 0 : i32
      %dma_wait3A_30 = tpu.memref_slice %arg12[%mul3A_20, %dma_wait3A_29] : memref<10240x16xf32, #tpu.memory_space<vmem_shared>> -> memref<640x16xf32, #tpu.memory_space<vmem_shared>>
      tpu.wait_dma2 semaphore(%run_scoped3A : memref<!tpu.dma_semaphore, #tpu.memory_space<semaphore_mem>>) src(%dma_wait3A_30 : memref<640x16xf32, #tpu.memory_space<vmem_shared>>) dst(%dma_wait3A_28 : memref<640x16xf32, #tpu.memory_space<hbm>>)
      tpu.yield
    }) : () -> ()
    return
  }
}

#map = affine_map<(d0, d1) -> (0, 0)>
#map1 = affine_map<(d0, d1) -> (0)>
module attributes {stable_mosaic.version = 14 : i64} {
  func.func @_sc_gather(%arg0: i32, %arg1: i32, %arg2: memref<10000x16xf32, #tpu.memory_space<hbm>>, %arg3: memref<320000xi32, #tpu.memory_space<hbm>>, %arg4: memref<320000x16xf32, #tpu.memory_space<hbm>>, %arg5: memref<10000xi32, #tpu.memory_space<vmem>>, %arg6: memref<80xi32, #tpu.memory_space<vmem>>, %arg7: memref<80xi32, #tpu.memory_space<vmem>>, %arg8: memref<80xi32, #tpu.memory_space<vmem>>, %arg9: memref<80xi32, #tpu.memory_space<vmem>>, %arg10: memref<80x16xf32, #tpu.memory_space<vmem>>, %arg11: memref<80x16xf32, #tpu.memory_space<vmem>>, %arg12: memref<80x16xf32, #tpu.memory_space<vmem>>, %arg13: memref<80x16xf32, #tpu.memory_space<vmem>>, %arg14: memref<!tpu.dma_semaphore, #tpu.memory_space<semaphore_mem>>, %arg15: memref<!tpu.dma_semaphore, #tpu.memory_space<semaphore_mem>>) attributes {dimension_semantics = [#tpu.dimension_semantics<core_parallel>, #tpu.dimension_semantics<subcore_parallel>], iteration_bounds = array<i64: 2, 16>, scalar_prefetch = 0 : i64, scratch_operands = 11 : i64, tpu.core_type = #tpu.core_type<sc_vector_subcore>, window_params = [{transform_indices = #map}, {transform_indices = #map1}, {transform_indices = #map}]} {
    %mul3A = arith.constant 2 : i32
    %mul3A_0 = arith.muli %arg1, %mul3A : i32
    %add3A = arith.addi %mul3A_0, %arg0 : i32
    %mul3A_1 = arith.constant 10000 : i32
    %mul3A_2 = arith.muli %add3A, %mul3A_1 : i32
    "tpu.region"() ({
      %run_scoped3A = tpu.sem_alloc : memref<!tpu.dma_semaphore, #tpu.memory_space<semaphore_mem>>
      %dma_start3A_111 = tpu.memref_slice %arg3[%mul3A_2] : memref<320000xi32, #tpu.memory_space<hbm>> -> memref<10000xi32, #tpu.memory_space<hbm>>
      %dma_start3A_112 = tpu.memref_slice %arg3[%mul3A_2] : memref<320000xi32, #tpu.memory_space<hbm>> -> memref<10000xi32, #tpu.memory_space<hbm>>
      tpu.enqueue_dma source(%dma_start3A_112 : memref<10000xi32, #tpu.memory_space<hbm>>) target(%arg5 : memref<10000xi32, #tpu.memory_space<vmem>>) target_semaphore(%run_scoped3A : memref<!tpu.dma_semaphore, #tpu.memory_space<semaphore_mem>>)
      %dma_wait3A_113 = tpu.memref_slice %arg3[%mul3A_2] : memref<320000xi32, #tpu.memory_space<hbm>> -> memref<10000xi32, #tpu.memory_space<hbm>>
      %dma_wait3A_114 = tpu.memref_slice %arg3[%mul3A_2] : memref<320000xi32, #tpu.memory_space<hbm>> -> memref<10000xi32, #tpu.memory_space<hbm>>
      tpu.wait_dma2 semaphore(%run_scoped3A : memref<!tpu.dma_semaphore, #tpu.memory_space<semaphore_mem>>) src(%dma_wait3A_114 : memref<10000xi32, #tpu.memory_space<hbm>>) dst(%arg5 : memref<10000xi32, #tpu.memory_space<vmem>>)
      tpu.yield
    }) : () -> ()
    %get3A = arith.constant 0 : index
    %get3A_3 = tpu.vector_load %arg5[%get3A] {strides = array<i32>} : memref<10000xi32, #tpu.memory_space<vmem>>, vector<16xi32>,
    %get3A_4 = vector.shape_cast %get3A_3 : vector<16xi32> to vector<16xi32>
    %swap3A = arith.constant 0 : index
    %swap3A_5 = tpu.vector_load %arg6[%swap3A] {strides = array<i32>} : memref<80xi32, #tpu.memory_space<vmem>>, vector<16xi32>,
    %swap3A_6 = vector.shape_cast %swap3A_5 : vector<16xi32> to vector<16xi32>
    %swap3A_7 = vector.shape_cast %get3A_4 : vector<16xi32> to vector<16xi32>
    tpu.vector_store %arg6[%swap3A], %swap3A_7 {strides = array<i32>} : memref<80xi32, #tpu.memory_space<vmem>>, vector<16xi32>,
    %get3A_8 = arith.constant 16 : index
    %get3A_9 = tpu.vector_load %arg5[%get3A_8] {strides = array<i32>} : memref<10000xi32, #tpu.memory_space<vmem>>, vector<16xi32>,
    %get3A_10 = vector.shape_cast %get3A_9 : vector<16xi32> to vector<16xi32>
    %swap3A_11 = arith.constant 16 : index
    %swap3A_12 = tpu.vector_load %arg6[%swap3A_11] {strides = array<i32>} : memref<80xi32, #tpu.memory_space<vmem>>, vector<16xi32>,
    %swap3A_13 = vector.shape_cast %swap3A_12 : vector<16xi32> to vector<16xi32>
    %swap3A_14 = vector.shape_cast %get3A_10 : vector<16xi32> to vector<16xi32>
    tpu.vector_store %arg6[%swap3A_11], %swap3A_14 {strides = array<i32>} : memref<80xi32, #tpu.memory_space<vmem>>, vector<16xi32>,
    %get3A_15 = arith.constant 32 : index
    %get3A_16 = tpu.vector_load %arg5[%get3A_15] {strides = array<i32>} : memref<10000xi32, #tpu.memory_space<vmem>>, vector<16xi32>,
    %get3A_17 = vector.shape_cast %get3A_16 : vector<16xi32> to vector<16xi32>
    %swap3A_18 = arith.constant 32 : index
    %swap3A_19 = tpu.vector_load %arg6[%swap3A_18] {strides = array<i32>} : memref<80xi32, #tpu.memory_space<vmem>>, vector<16xi32>,
    %swap3A_20 = vector.shape_cast %swap3A_19 : vector<16xi32> to vector<16xi32>
    %swap3A_21 = vector.shape_cast %get3A_17 : vector<16xi32> to vector<16xi32>
    tpu.vector_store %arg6[%swap3A_18], %swap3A_21 {strides = array<i32>} : memref<80xi32, #tpu.memory_space<vmem>>, vector<16xi32>,
    %get3A_22 = arith.constant 48 : index
    %get3A_23 = tpu.vector_load %arg5[%get3A_22] {strides = array<i32>} : memref<10000xi32, #tpu.memory_space<vmem>>, vector<16xi32>,
    %get3A_24 = vector.shape_cast %get3A_23 : vector<16xi32> to vector<16xi32>
    %swap3A_25 = arith.constant 48 : index
    %swap3A_26 = tpu.vector_load %arg6[%swap3A_25] {strides = array<i32>} : memref<80xi32, #tpu.memory_space<vmem>>, vector<16xi32>,
    %swap3A_27 = vector.shape_cast %swap3A_26 : vector<16xi32> to vector<16xi32>
    %swap3A_28 = vector.shape_cast %get3A_24 : vector<16xi32> to vector<16xi32>
    tpu.vector_store %arg6[%swap3A_25], %swap3A_28 {strides = array<i32>} : memref<80xi32, #tpu.memory_space<vmem>>, vector<16xi32>,
    %get3A_29 = arith.constant 64 : index
    %get3A_30 = tpu.vector_load %arg5[%get3A_29] {strides = array<i32>} : memref<10000xi32, #tpu.memory_space<vmem>>, vector<16xi32>,
    %get3A_31 = vector.shape_cast %get3A_30 : vector<16xi32> to vector<16xi32>
    %swap3A_32 = arith.constant 64 : index
    %swap3A_33 = tpu.vector_load %arg6[%swap3A_32] {strides = array<i32>} : memref<80xi32, #tpu.memory_space<vmem>>, vector<16xi32>,
    %swap3A_34 = vector.shape_cast %swap3A_33 : vector<16xi32> to vector<16xi32>
    %swap3A_35 = vector.shape_cast %get3A_31 : vector<16xi32> to vector<16xi32>
    tpu.vector_store %arg6[%swap3A_32], %swap3A_35 {strides = array<i32>} : memref<80xi32, #tpu.memory_space<vmem>>, vector<16xi32>,
    %dma_start3A = arith.constant 0 : i32
    %dma_start3A_36 = arith.constant 0 : i32
    %dma_start3A_37 = tpu.memref_slice %arg2[%dma_start3A, %dma_start3A_36] : memref<10000x16xf32, #tpu.memory_space<hbm>> -> memref<10000x16xf32, #tpu.memory_space<hbm>>
    tpu.enqueue_indirect_dma source(%dma_start3A_37 : memref<10000x16xf32, #tpu.memory_space<hbm>>) target(%arg10 : memref<80x16xf32, #tpu.memory_space<vmem>>) offsets(%arg6 : memref<80xi32, #tpu.memory_space<vmem>>) semaphore(%arg14 : memref<!tpu.dma_semaphore, #tpu.memory_space<semaphore_mem>>)
    %get3A_38 = arith.constant 80 : index
    %get3A_39 = tpu.vector_load %arg5[%get3A_38] {strides = array<i32>} : memref<10000xi32, #tpu.memory_space<vmem>>, vector<16xi32>,
    %get3A_40 = vector.shape_cast %get3A_39 : vector<16xi32> to vector<16xi32>
    %swap3A_41 = arith.constant 0 : index
    %swap3A_42 = tpu.vector_load %arg7[%swap3A_41] {strides = array<i32>} : memref<80xi32, #tpu.memory_space<vmem>>, vector<16xi32>,
    %swap3A_43 = vector.shape_cast %swap3A_42 : vector<16xi32> to vector<16xi32>
    %swap3A_44 = vector.shape_cast %get3A_40 : vector<16xi32> to vector<16xi32>
    tpu.vector_store %arg7[%swap3A_41], %swap3A_44 {strides = array<i32>} : memref<80xi32, #tpu.memory_space<vmem>>, vector<16xi32>,
    %get3A_45 = arith.constant 96 : index
    %get3A_46 = tpu.vector_load %arg5[%get3A_45] {strides = array<i32>} : memref<10000xi32, #tpu.memory_space<vmem>>, vector<16xi32>,
    %get3A_47 = vector.shape_cast %get3A_46 : vector<16xi32> to vector<16xi32>
    %swap3A_48 = arith.constant 16 : index
    %swap3A_49 = tpu.vector_load %arg7[%swap3A_48] {strides = array<i32>} : memref<80xi32, #tpu.memory_space<vmem>>, vector<16xi32>,
    %swap3A_50 = vector.shape_cast %swap3A_49 : vector<16xi32> to vector<16xi32>
    %swap3A_51 = vector.shape_cast %get3A_47 : vector<16xi32> to vector<16xi32>
    tpu.vector_store %arg7[%swap3A_48], %swap3A_51 {strides = array<i32>} : memref<80xi32, #tpu.memory_space<vmem>>, vector<16xi32>,
    %get3A_52 = arith.constant 112 : index
    %get3A_53 = tpu.vector_load %arg5[%get3A_52] {strides = array<i32>} : memref<10000xi32, #tpu.memory_space<vmem>>, vector<16xi32>,
    %get3A_54 = vector.shape_cast %get3A_53 : vector<16xi32> to vector<16xi32>
    %swap3A_55 = arith.constant 32 : index
    %swap3A_56 = tpu.vector_load %arg7[%swap3A_55] {strides = array<i32>} : memref<80xi32, #tpu.memory_space<vmem>>, vector<16xi32>,
    %swap3A_57 = vector.shape_cast %swap3A_56 : vector<16xi32> to vector<16xi32>
    %swap3A_58 = vector.shape_cast %get3A_54 : vector<16xi32> to vector<16xi32>
    tpu.vector_store %arg7[%swap3A_55], %swap3A_58 {strides = array<i32>} : memref<80xi32, #tpu.memory_space<vmem>>, vector<16xi32>,
    %get3A_59 = arith.constant 128 : index
    %get3A_60 = tpu.vector_load %arg5[%get3A_59] {strides = array<i32>} : memref<10000xi32, #tpu.memory_space<vmem>>, vector<16xi32>,
    %get3A_61 = vector.shape_cast %get3A_60 : vector<16xi32> to vector<16xi32>
    %swap3A_62 = arith.constant 48 : index
    %swap3A_63 = tpu.vector_load %arg7[%swap3A_62] {strides = array<i32>} : memref<80xi32, #tpu.memory_space<vmem>>, vector<16xi32>,
    %swap3A_64 = vector.shape_cast %swap3A_63 : vector<16xi32> to vector<16xi32>
    %swap3A_65 = vector.shape_cast %get3A_61 : vector<16xi32> to vector<16xi32>
    tpu.vector_store %arg7[%swap3A_62], %swap3A_65 {strides = array<i32>} : memref<80xi32, #tpu.memory_space<vmem>>, vector<16xi32>,
    %get3A_66 = arith.constant 144 : index
    %get3A_67 = tpu.vector_load %arg5[%get3A_66] {strides = array<i32>} : memref<10000xi32, #tpu.memory_space<vmem>>, vector<16xi32>,
    %get3A_68 = vector.shape_cast %get3A_67 : vector<16xi32> to vector<16xi32>
    %swap3A_69 = arith.constant 64 : index
    %swap3A_70 = tpu.vector_load %arg7[%swap3A_69] {strides = array<i32>} : memref<80xi32, #tpu.memory_space<vmem>>, vector<16xi32>,
    %swap3A_71 = vector.shape_cast %swap3A_70 : vector<16xi32> to vector<16xi32>
    %swap3A_72 = vector.shape_cast %get3A_68 : vector<16xi32> to vector<16xi32>
    tpu.vector_store %arg7[%swap3A_69], %swap3A_72 {strides = array<i32>} : memref<80xi32, #tpu.memory_space<vmem>>, vector<16xi32>,
    %dma_start3A_73 = arith.constant 0 : i32
    %dma_start3A_74 = arith.constant 0 : i32
    %dma_start3A_75 = tpu.memref_slice %arg2[%dma_start3A_73, %dma_start3A_74] : memref<10000x16xf32, #tpu.memory_space<hbm>> -> memref<10000x16xf32, #tpu.memory_space<hbm>>
    tpu.enqueue_indirect_dma source(%dma_start3A_75 : memref<10000x16xf32, #tpu.memory_space<hbm>>) target(%arg11 : memref<80x16xf32, #tpu.memory_space<vmem>>) offsets(%arg7 : memref<80xi32, #tpu.memory_space<vmem>>) semaphore(%arg14 : memref<!tpu.dma_semaphore, #tpu.memory_space<semaphore_mem>>)
    %scan3A = arith.constant 0 : i32
    %scan3A_76 = arith.constant 0 : i32
    %scan3A_77 = arith.constant 31 : i32
    %scan3A_78 = arith.addi %scan3A_76, %scan3A_77 : i32
    %scan3A_79 = arith.constant 1 : i32
    %scan3A_80 = scf.for %scan3A_111 = %scan3A_76 to %scan3A_78 step %scan3A_79 iter_args(%scan3A_112 = %scan3A) -> (i32)  : i32 {
      %mul3A_113 = arith.constant 4 : i32
      %mul3A_114 = arith.muli %mul3A_113, %scan3A_111 : i32
      %add3A_115 = arith.constant 0 : i32
      %add3A_116 = arith.addi %mul3A_114, %add3A_115 : i32
      %ge3A = arith.constant 2 : i32
      %ge3A_117 = arith.cmpi sge, %add3A_116, %ge3A : i32
      %convert_element_type3A = arith.extui %ge3A_117 : i1 to i32
      %cond3A = arith.constant 0 : i32
      %cond3A_118 = arith.cmpi ne, %convert_element_type3A, %cond3A : i32
      scf.if %cond3A_118 {
        %dma_wait3A_226 = arith.constant 0 : i32
        %dma_wait3A_227 = arith.constant 0 : i32
        %dma_wait3A_228 = tpu.memref_slice %arg4[%dma_wait3A_226, %dma_wait3A_227] : memref<320000x16xf32, #tpu.memory_space<hbm>> -> memref<80x16xf32, #tpu.memory_space<hbm>>
        %dma_wait3A_229 = arith.constant 0 : i32
        %dma_wait3A_230 = arith.constant 0 : i32
        %dma_wait3A_231 = tpu.memref_slice %arg4[%dma_wait3A_229, %dma_wait3A_230] : memref<320000x16xf32, #tpu.memory_space<hbm>> -> memref<80x16xf32, #tpu.memory_space<hbm>>
        tpu.wait_dma2 semaphore(%arg15 : memref<!tpu.dma_semaphore, #tpu.memory_space<semaphore_mem>>) src(%arg10 : memref<80x16xf32, #tpu.memory_space<vmem>>) dst(%dma_wait3A_231 : memref<80x16xf32, #tpu.memory_space<hbm>>)
      } else {
      }
      %add3A_119 = arith.constant 2 : i32
      %add3A_120 = arith.addi %add3A_116, %add3A_119 : i32
      %lt3A = arith.constant 125 : i32
      %lt3A_121 = arith.cmpi slt, %add3A_120, %lt3A : i32
      %convert_element_type3A_122 = arith.extui %lt3A_121 : i1 to i32
      %cond3A_123 = arith.constant 0 : i32
      %cond3A_124 = arith.cmpi ne, %convert_element_type3A_122, %cond3A_123 : i32
      scf.if %cond3A_124 {
        %add3A_226 = arith.constant 2 : i32
        %add3A_227 = arith.addi %add3A_116, %add3A_226 : i32
        %mul3A_228 = arith.constant 80 : i32
        %mul3A_229 = arith.muli %add3A_227, %mul3A_228 : i32
        %add3A_230 = arith.constant 0 : i32
        %add3A_231 = arith.addi %mul3A_229, %add3A_230 : i32
        %get3A_232 = arith.index_cast %add3A_231 : i32 to index
        %get3A_233 = tpu.vector_load %arg5[%get3A_232] {strides = array<i32>} : memref<10000xi32, #tpu.memory_space<vmem>>, vector<16xi32>,
        %get3A_234 = vector.shape_cast %get3A_233 : vector<16xi32> to vector<16xi32>
        %swap3A_235 = arith.constant 0 : index
        %swap3A_236 = tpu.vector_load %arg8[%swap3A_235] {strides = array<i32>} : memref<80xi32, #tpu.memory_space<vmem>>, vector<16xi32>,
        %swap3A_237 = vector.shape_cast %swap3A_236 : vector<16xi32> to vector<16xi32>
        %swap3A_238 = vector.shape_cast %get3A_234 : vector<16xi32> to vector<16xi32>
        tpu.vector_store %arg8[%swap3A_235], %swap3A_238 {strides = array<i32>} : memref<80xi32, #tpu.memory_space<vmem>>, vector<16xi32>,
        %mul3A_239 = arith.constant 80 : i32
        %mul3A_240 = arith.muli %add3A_227, %mul3A_239 : i32
        %add3A_241 = arith.constant 16 : i32
        %add3A_242 = arith.addi %mul3A_240, %add3A_241 : i32
        %get3A_243 = arith.index_cast %add3A_242 : i32 to index
        %get3A_244 = tpu.vector_load %arg5[%get3A_243] {strides = array<i32>} : memref<10000xi32, #tpu.memory_space<vmem>>, vector<16xi32>,
        %get3A_245 = vector.shape_cast %get3A_244 : vector<16xi32> to vector<16xi32>
        %swap3A_246 = arith.constant 16 : index
        %swap3A_247 = tpu.vector_load %arg8[%swap3A_246] {strides = array<i32>} : memref<80xi32, #tpu.memory_space<vmem>>, vector<16xi32>,
        %swap3A_248 = vector.shape_cast %swap3A_247 : vector<16xi32> to vector<16xi32>
        %swap3A_249 = vector.shape_cast %get3A_245 : vector<16xi32> to vector<16xi32>
        tpu.vector_store %arg8[%swap3A_246], %swap3A_249 {strides = array<i32>} : memref<80xi32, #tpu.memory_space<vmem>>, vector<16xi32>,
        %mul3A_250 = arith.constant 80 : i32
        %mul3A_251 = arith.muli %add3A_227, %mul3A_250 : i32
        %add3A_252 = arith.constant 32 : i32
        %add3A_253 = arith.addi %mul3A_251, %add3A_252 : i32
        %get3A_254 = arith.index_cast %add3A_253 : i32 to index
        %get3A_255 = tpu.vector_load %arg5[%get3A_254] {strides = array<i32>} : memref<10000xi32, #tpu.memory_space<vmem>>, vector<16xi32>,
        %get3A_256 = vector.shape_cast %get3A_255 : vector<16xi32> to vector<16xi32>
        %swap3A_257 = arith.constant 32 : index
        %swap3A_258 = tpu.vector_load %arg8[%swap3A_257] {strides = array<i32>} : memref<80xi32, #tpu.memory_space<vmem>>, vector<16xi32>,
        %swap3A_259 = vector.shape_cast %swap3A_258 : vector<16xi32> to vector<16xi32>
        %swap3A_260 = vector.shape_cast %get3A_256 : vector<16xi32> to vector<16xi32>
        tpu.vector_store %arg8[%swap3A_257], %swap3A_260 {strides = array<i32>} : memref<80xi32, #tpu.memory_space<vmem>>, vector<16xi32>,
        %mul3A_261 = arith.constant 80 : i32
        %mul3A_262 = arith.muli %add3A_227, %mul3A_261 : i32
        %add3A_263 = arith.constant 48 : i32
        %add3A_264 = arith.addi %mul3A_262, %add3A_263 : i32
        %get3A_265 = arith.index_cast %add3A_264 : i32 to index
        %get3A_266 = tpu.vector_load %arg5[%get3A_265] {strides = array<i32>} : memref<10000xi32, #tpu.memory_space<vmem>>, vector<16xi32>,
        %get3A_267 = vector.shape_cast %get3A_266 : vector<16xi32> to vector<16xi32>
        %swap3A_268 = arith.constant 48 : index
        %swap3A_269 = tpu.vector_load %arg8[%swap3A_268] {strides = array<i32>} : memref<80xi32, #tpu.memory_space<vmem>>, vector<16xi32>,
        %swap3A_270 = vector.shape_cast %swap3A_269 : vector<16xi32> to vector<16xi32>
        %swap3A_271 = vector.shape_cast %get3A_267 : vector<16xi32> to vector<16xi32>
        tpu.vector_store %arg8[%swap3A_268], %swap3A_271 {strides = array<i32>} : memref<80xi32, #tpu.memory_space<vmem>>, vector<16xi32>,
        %mul3A_272 = arith.constant 80 : i32
        %mul3A_273 = arith.muli %add3A_227, %mul3A_272 : i32
        %add3A_274 = arith.constant 64 : i32
        %add3A_275 = arith.addi %mul3A_273, %add3A_274 : i32
        %get3A_276 = arith.index_cast %add3A_275 : i32 to index
        %get3A_277 = tpu.vector_load %arg5[%get3A_276] {strides = array<i32>} : memref<10000xi32, #tpu.memory_space<vmem>>, vector<16xi32>,
        %get3A_278 = vector.shape_cast %get3A_277 : vector<16xi32> to vector<16xi32>
        %swap3A_279 = arith.constant 64 : index
        %swap3A_280 = tpu.vector_load %arg8[%swap3A_279] {strides = array<i32>} : memref<80xi32, #tpu.memory_space<vmem>>, vector<16xi32>,
        %swap3A_281 = vector.shape_cast %swap3A_280 : vector<16xi32> to vector<16xi32>
        %swap3A_282 = vector.shape_cast %get3A_278 : vector<16xi32> to vector<16xi32>
        tpu.vector_store %arg8[%swap3A_279], %swap3A_282 {strides = array<i32>} : memref<80xi32, #tpu.memory_space<vmem>>, vector<16xi32>,
        %dma_start3A_283 = arith.constant 0 : i32
        %dma_start3A_284 = arith.constant 0 : i32
        %dma_start3A_285 = tpu.memref_slice %arg2[%dma_start3A_283, %dma_start3A_284] : memref<10000x16xf32, #tpu.memory_space<hbm>> -> memref<10000x16xf32, #tpu.memory_space<hbm>>
        tpu.enqueue_indirect_dma source(%dma_start3A_285 : memref<10000x16xf32, #tpu.memory_space<hbm>>) target(%arg12 : memref<80x16xf32, #tpu.memory_space<vmem>>) offsets(%arg8 : memref<80xi32, #tpu.memory_space<vmem>>) semaphore(%arg14 : memref<!tpu.dma_semaphore, #tpu.memory_space<semaphore_mem>>)
      } else {
      }
      %dma_wait3A_125 = arith.constant 0 : i32
      %dma_wait3A_126 = arith.constant 0 : i32
      %dma_wait3A_127 = tpu.memref_slice %arg2[%dma_wait3A_125, %dma_wait3A_126] : memref<10000x16xf32, #tpu.memory_space<hbm>> -> memref<80x16xf32, #tpu.memory_space<hbm>>
      %dma_wait3A_128 = arith.constant 0 : i32
      %dma_wait3A_129 = arith.constant 0 : i32
      %dma_wait3A_130 = tpu.memref_slice %arg2[%dma_wait3A_128, %dma_wait3A_129] : memref<10000x16xf32, #tpu.memory_space<hbm>> -> memref<80x16xf32, #tpu.memory_space<hbm>>
      tpu.wait_dma2 semaphore(%arg14 : memref<!tpu.dma_semaphore, #tpu.memory_space<semaphore_mem>>) src(%dma_wait3A_130 : memref<80x16xf32, #tpu.memory_space<hbm>>) dst(%arg10 : memref<80x16xf32, #tpu.memory_space<vmem>>)
      %mul3A_131 = arith.constant 80 : i32
      %mul3A_132 = arith.muli %add3A_116, %mul3A_131 : i32
      %add3A_133 = arith.addi %mul3A_2, %mul3A_132 : i32
      %dma_start3A_134 = arith.constant 0 : i32
      %dma_start3A_135 = tpu.memref_slice %arg4[%add3A_133, %dma_start3A_134] : memref<320000x16xf32, #tpu.memory_space<hbm>> -> memref<80x16xf32, #tpu.memory_space<hbm>>
      %dma_start3A_136 = arith.constant 0 : i32
      %dma_start3A_137 = tpu.memref_slice %arg4[%add3A_133, %dma_start3A_136] : memref<320000x16xf32, #tpu.memory_space<hbm>> -> memref<80x16xf32, #tpu.memory_space<hbm>>
      tpu.enqueue_dma source(%arg10 : memref<80x16xf32, #tpu.memory_space<vmem>>) target(%dma_start3A_137 : memref<80x16xf32, #tpu.memory_space<hbm>>) target_semaphore(%arg15 : memref<!tpu.dma_semaphore, #tpu.memory_space<semaphore_mem>>)
      %mul3A_138 = arith.constant 4 : i32
      %mul3A_139 = arith.muli %mul3A_138, %scan3A_111 : i32
      %add3A_140 = arith.constant 1 : i32
      %add3A_141 = arith.addi %mul3A_139, %add3A_140 : i32
      %ge3A_142 = arith.constant 2 : i32
      %ge3A_143 = arith.cmpi sge, %add3A_141, %ge3A_142 : i32
      %convert_element_type3A_144 = arith.extui %ge3A_143 : i1 to i32
      %cond3A_145 = arith.constant 0 : i32
      %cond3A_146 = arith.cmpi ne, %convert_element_type3A_144, %cond3A_145 : i32
      scf.if %cond3A_146 {
        %dma_wait3A_226 = arith.constant 0 : i32
        %dma_wait3A_227 = arith.constant 0 : i32
        %dma_wait3A_228 = tpu.memref_slice %arg4[%dma_wait3A_226, %dma_wait3A_227] : memref<320000x16xf32, #tpu.memory_space<hbm>> -> memref<80x16xf32, #tpu.memory_space<hbm>>
        %dma_wait3A_229 = arith.constant 0 : i32
        %dma_wait3A_230 = arith.constant 0 : i32
        %dma_wait3A_231 = tpu.memref_slice %arg4[%dma_wait3A_229, %dma_wait3A_230] : memref<320000x16xf32, #tpu.memory_space<hbm>> -> memref<80x16xf32, #tpu.memory_space<hbm>>
        tpu.wait_dma2 semaphore(%arg15 : memref<!tpu.dma_semaphore, #tpu.memory_space<semaphore_mem>>) src(%arg11 : memref<80x16xf32, #tpu.memory_space<vmem>>) dst(%dma_wait3A_231 : memref<80x16xf32, #tpu.memory_space<hbm>>)
      } else {
      }
      %add3A_147 = arith.constant 2 : i32
      %add3A_148 = arith.addi %add3A_141, %add3A_147 : i32
      %lt3A_149 = arith.constant 125 : i32
      %lt3A_150 = arith.cmpi slt, %add3A_148, %lt3A_149 : i32
      %convert_element_type3A_151 = arith.extui %lt3A_150 : i1 to i32
      %cond3A_152 = arith.constant 0 : i32
      %cond3A_153 = arith.cmpi ne, %convert_element_type3A_151, %cond3A_152 : i32
      scf.if %cond3A_153 {
        %add3A_226 = arith.constant 2 : i32
        %add3A_227 = arith.addi %add3A_141, %add3A_226 : i32
        %mul3A_228 = arith.constant 80 : i32
        %mul3A_229 = arith.muli %add3A_227, %mul3A_228 : i32
        %add3A_230 = arith.constant 0 : i32
        %add3A_231 = arith.addi %mul3A_229, %add3A_230 : i32
        %get3A_232 = arith.index_cast %add3A_231 : i32 to index
        %get3A_233 = tpu.vector_load %arg5[%get3A_232] {strides = array<i32>} : memref<10000xi32, #tpu.memory_space<vmem>>, vector<16xi32>,
        %get3A_234 = vector.shape_cast %get3A_233 : vector<16xi32> to vector<16xi32>
        %swap3A_235 = arith.constant 0 : index
        %swap3A_236 = tpu.vector_load %arg9[%swap3A_235] {strides = array<i32>} : memref<80xi32, #tpu.memory_space<vmem>>, vector<16xi32>,
        %swap3A_237 = vector.shape_cast %swap3A_236 : vector<16xi32> to vector<16xi32>
        %swap3A_238 = vector.shape_cast %get3A_234 : vector<16xi32> to vector<16xi32>
        tpu.vector_store %arg9[%swap3A_235], %swap3A_238 {strides = array<i32>} : memref<80xi32, #tpu.memory_space<vmem>>, vector<16xi32>,
        %mul3A_239 = arith.constant 80 : i32
        %mul3A_240 = arith.muli %add3A_227, %mul3A_239 : i32
        %add3A_241 = arith.constant 16 : i32
        %add3A_242 = arith.addi %mul3A_240, %add3A_241 : i32
        %get3A_243 = arith.index_cast %add3A_242 : i32 to index
        %get3A_244 = tpu.vector_load %arg5[%get3A_243] {strides = array<i32>} : memref<10000xi32, #tpu.memory_space<vmem>>, vector<16xi32>,
        %get3A_245 = vector.shape_cast %get3A_244 : vector<16xi32> to vector<16xi32>
        %swap3A_246 = arith.constant 16 : index
        %swap3A_247 = tpu.vector_load %arg9[%swap3A_246] {strides = array<i32>} : memref<80xi32, #tpu.memory_space<vmem>>, vector<16xi32>,
        %swap3A_248 = vector.shape_cast %swap3A_247 : vector<16xi32> to vector<16xi32>
        %swap3A_249 = vector.shape_cast %get3A_245 : vector<16xi32> to vector<16xi32>
        tpu.vector_store %arg9[%swap3A_246], %swap3A_249 {strides = array<i32>} : memref<80xi32, #tpu.memory_space<vmem>>, vector<16xi32>,
        %mul3A_250 = arith.constant 80 : i32
        %mul3A_251 = arith.muli %add3A_227, %mul3A_250 : i32
        %add3A_252 = arith.constant 32 : i32
        %add3A_253 = arith.addi %mul3A_251, %add3A_252 : i32
        %get3A_254 = arith.index_cast %add3A_253 : i32 to index
        %get3A_255 = tpu.vector_load %arg5[%get3A_254] {strides = array<i32>} : memref<10000xi32, #tpu.memory_space<vmem>>, vector<16xi32>,
        %get3A_256 = vector.shape_cast %get3A_255 : vector<16xi32> to vector<16xi32>
        %swap3A_257 = arith.constant 32 : index
        %swap3A_258 = tpu.vector_load %arg9[%swap3A_257] {strides = array<i32>} : memref<80xi32, #tpu.memory_space<vmem>>, vector<16xi32>,
        %swap3A_259 = vector.shape_cast %swap3A_258 : vector<16xi32> to vector<16xi32>
        %swap3A_260 = vector.shape_cast %get3A_256 : vector<16xi32> to vector<16xi32>
        tpu.vector_store %arg9[%swap3A_257], %swap3A_260 {strides = array<i32>} : memref<80xi32, #tpu.memory_space<vmem>>, vector<16xi32>,
        %mul3A_261 = arith.constant 80 : i32
        %mul3A_262 = arith.muli %add3A_227, %mul3A_261 : i32
        %add3A_263 = arith.constant 48 : i32
        %add3A_264 = arith.addi %mul3A_262, %add3A_263 : i32
        %get3A_265 = arith.index_cast %add3A_264 : i32 to index
        %get3A_266 = tpu.vector_load %arg5[%get3A_265] {strides = array<i32>} : memref<10000xi32, #tpu.memory_space<vmem>>, vector<16xi32>,
        %get3A_267 = vector.shape_cast %get3A_266 : vector<16xi32> to vector<16xi32>
        %swap3A_268 = arith.constant 48 : index
        %swap3A_269 = tpu.vector_load %arg9[%swap3A_268] {strides = array<i32>} : memref<80xi32, #tpu.memory_space<vmem>>, vector<16xi32>,
        %swap3A_270 = vector.shape_cast %swap3A_269 : vector<16xi32> to vector<16xi32>
        %swap3A_271 = vector.shape_cast %get3A_267 : vector<16xi32> to vector<16xi32>
        tpu.vector_store %arg9[%swap3A_268], %swap3A_271 {strides = array<i32>} : memref<80xi32, #tpu.memory_space<vmem>>, vector<16xi32>,
        %mul3A_272 = arith.constant 80 : i32
        %mul3A_273 = arith.muli %add3A_227, %mul3A_272 : i32
        %add3A_274 = arith.constant 64 : i32
        %add3A_275 = arith.addi %mul3A_273, %add3A_274 : i32
        %get3A_276 = arith.index_cast %add3A_275 : i32 to index
        %get3A_277 = tpu.vector_load %arg5[%get3A_276] {strides = array<i32>} : memref<10000xi32, #tpu.memory_space<vmem>>, vector<16xi32>,
        %get3A_278 = vector.shape_cast %get3A_277 : vector<16xi32> to vector<16xi32>
        %swap3A_279 = arith.constant 64 : index
        %swap3A_280 = tpu.vector_load %arg9[%swap3A_279] {strides = array<i32>} : memref<80xi32, #tpu.memory_space<vmem>>, vector<16xi32>,
        %swap3A_281 = vector.shape_cast %swap3A_280 : vector<16xi32> to vector<16xi32>
        %swap3A_282 = vector.shape_cast %get3A_278 : vector<16xi32> to vector<16xi32>
        tpu.vector_store %arg9[%swap3A_279], %swap3A_282 {strides = array<i32>} : memref<80xi32, #tpu.memory_space<vmem>>, vector<16xi32>,
        %dma_start3A_283 = arith.constant 0 : i32
        %dma_start3A_284 = arith.constant 0 : i32
        %dma_start3A_285 = tpu.memref_slice %arg2[%dma_start3A_283, %dma_start3A_284] : memref<10000x16xf32, #tpu.memory_space<hbm>> -> memref<10000x16xf32, #tpu.memory_space<hbm>>
        tpu.enqueue_indirect_dma source(%dma_start3A_285 : memref<10000x16xf32, #tpu.memory_space<hbm>>) target(%arg13 : memref<80x16xf32, #tpu.memory_space<vmem>>) offsets(%arg9 : memref<80xi32, #tpu.memory_space<vmem>>) semaphore(%arg14 : memref<!tpu.dma_semaphore, #tpu.memory_space<semaphore_mem>>)
      } else {
      }
      %dma_wait3A_154 = arith.constant 0 : i32
      %dma_wait3A_155 = arith.constant 0 : i32
      %dma_wait3A_156 = tpu.memref_slice %arg2[%dma_wait3A_154, %dma_wait3A_155] : memref<10000x16xf32, #tpu.memory_space<hbm>> -> memref<80x16xf32, #tpu.memory_space<hbm>>
      %dma_wait3A_157 = arith.constant 0 : i32
      %dma_wait3A_158 = arith.constant 0 : i32
      %dma_wait3A_159 = tpu.memref_slice %arg2[%dma_wait3A_157, %dma_wait3A_158] : memref<10000x16xf32, #tpu.memory_space<hbm>> -> memref<80x16xf32, #tpu.memory_space<hbm>>
      tpu.wait_dma2 semaphore(%arg14 : memref<!tpu.dma_semaphore, #tpu.memory_space<semaphore_mem>>) src(%dma_wait3A_159 : memref<80x16xf32, #tpu.memory_space<hbm>>) dst(%arg11 : memref<80x16xf32, #tpu.memory_space<vmem>>)
      %mul3A_160 = arith.constant 80 : i32
      %mul3A_161 = arith.muli %add3A_141, %mul3A_160 : i32
      %add3A_162 = arith.addi %mul3A_2, %mul3A_161 : i32
      %dma_start3A_163 = arith.constant 0 : i32
      %dma_start3A_164 = tpu.memref_slice %arg4[%add3A_162, %dma_start3A_163] : memref<320000x16xf32, #tpu.memory_space<hbm>> -> memref<80x16xf32, #tpu.memory_space<hbm>>
      %dma_start3A_165 = arith.constant 0 : i32
      %dma_start3A_166 = tpu.memref_slice %arg4[%add3A_162, %dma_start3A_165] : memref<320000x16xf32, #tpu.memory_space<hbm>> -> memref<80x16xf32, #tpu.memory_space<hbm>>
      tpu.enqueue_dma source(%arg11 : memref<80x16xf32, #tpu.memory_space<vmem>>) target(%dma_start3A_166 : memref<80x16xf32, #tpu.memory_space<hbm>>) target_semaphore(%arg15 : memref<!tpu.dma_semaphore, #tpu.memory_space<semaphore_mem>>)
      %mul3A_167 = arith.constant 4 : i32
      %mul3A_168 = arith.muli %mul3A_167, %scan3A_111 : i32
      %add3A_169 = arith.constant 2 : i32
      %add3A_170 = arith.addi %mul3A_168, %add3A_169 : i32
      %ge3A_171 = arith.constant 2 : i32
      %ge3A_172 = arith.cmpi sge, %add3A_170, %ge3A_171 : i32
      %convert_element_type3A_173 = arith.extui %ge3A_172 : i1 to i32
      %cond3A_174 = arith.constant 0 : i32
      %cond3A_175 = arith.cmpi ne, %convert_element_type3A_173, %cond3A_174 : i32
      scf.if %cond3A_175 {
        %dma_wait3A_226 = arith.constant 0 : i32
        %dma_wait3A_227 = arith.constant 0 : i32
        %dma_wait3A_228 = tpu.memref_slice %arg4[%dma_wait3A_226, %dma_wait3A_227] : memref<320000x16xf32, #tpu.memory_space<hbm>> -> memref<80x16xf32, #tpu.memory_space<hbm>>
        %dma_wait3A_229 = arith.constant 0 : i32
        %dma_wait3A_230 = arith.constant 0 : i32
        %dma_wait3A_231 = tpu.memref_slice %arg4[%dma_wait3A_229, %dma_wait3A_230] : memref<320000x16xf32, #tpu.memory_space<hbm>> -> memref<80x16xf32, #tpu.memory_space<hbm>>
        tpu.wait_dma2 semaphore(%arg15 : memref<!tpu.dma_semaphore, #tpu.memory_space<semaphore_mem>>) src(%arg12 : memref<80x16xf32, #tpu.memory_space<vmem>>) dst(%dma_wait3A_231 : memref<80x16xf32, #tpu.memory_space<hbm>>)
      } else {
      }
      %add3A_176 = arith.constant 2 : i32
      %add3A_177 = arith.addi %add3A_170, %add3A_176 : i32
      %lt3A_178 = arith.constant 125 : i32
      %lt3A_179 = arith.cmpi slt, %add3A_177, %lt3A_178 : i32
      %convert_element_type3A_180 = arith.extui %lt3A_179 : i1 to i32
      %cond3A_181 = arith.constant 0 : i32
      %cond3A_182 = arith.cmpi ne, %convert_element_type3A_180, %cond3A_181 : i32
      scf.if %cond3A_182 {
        %add3A_226 = arith.constant 2 : i32
        %add3A_227 = arith.addi %add3A_170, %add3A_226 : i32
        %mul3A_228 = arith.constant 80 : i32
        %mul3A_229 = arith.muli %add3A_227, %mul3A_228 : i32
        %add3A_230 = arith.constant 0 : i32
        %add3A_231 = arith.addi %mul3A_229, %add3A_230 : i32
        %get3A_232 = arith.index_cast %add3A_231 : i32 to index
        %get3A_233 = tpu.vector_load %arg5[%get3A_232] {strides = array<i32>} : memref<10000xi32, #tpu.memory_space<vmem>>, vector<16xi32>,
        %get3A_234 = vector.shape_cast %get3A_233 : vector<16xi32> to vector<16xi32>
        %swap3A_235 = arith.constant 0 : index
        %swap3A_236 = tpu.vector_load %arg6[%swap3A_235] {strides = array<i32>} : memref<80xi32, #tpu.memory_space<vmem>>, vector<16xi32>,
        %swap3A_237 = vector.shape_cast %swap3A_236 : vector<16xi32> to vector<16xi32>
        %swap3A_238 = vector.shape_cast %get3A_234 : vector<16xi32> to vector<16xi32>
        tpu.vector_store %arg6[%swap3A_235], %swap3A_238 {strides = array<i32>} : memref<80xi32, #tpu.memory_space<vmem>>, vector<16xi32>,
        %mul3A_239 = arith.constant 80 : i32
        %mul3A_240 = arith.muli %add3A_227, %mul3A_239 : i32
        %add3A_241 = arith.constant 16 : i32
        %add3A_242 = arith.addi %mul3A_240, %add3A_241 : i32
        %get3A_243 = arith.index_cast %add3A_242 : i32 to index
        %get3A_244 = tpu.vector_load %arg5[%get3A_243] {strides = array<i32>} : memref<10000xi32, #tpu.memory_space<vmem>>, vector<16xi32>,
        %get3A_245 = vector.shape_cast %get3A_244 : vector<16xi32> to vector<16xi32>
        %swap3A_246 = arith.constant 16 : index
        %swap3A_247 = tpu.vector_load %arg6[%swap3A_246] {strides = array<i32>} : memref<80xi32, #tpu.memory_space<vmem>>, vector<16xi32>,
        %swap3A_248 = vector.shape_cast %swap3A_247 : vector<16xi32> to vector<16xi32>
        %swap3A_249 = vector.shape_cast %get3A_245 : vector<16xi32> to vector<16xi32>
        tpu.vector_store %arg6[%swap3A_246], %swap3A_249 {strides = array<i32>} : memref<80xi32, #tpu.memory_space<vmem>>, vector<16xi32>,
        %mul3A_250 = arith.constant 80 : i32
        %mul3A_251 = arith.muli %add3A_227, %mul3A_250 : i32
        %add3A_252 = arith.constant 32 : i32
        %add3A_253 = arith.addi %mul3A_251, %add3A_252 : i32
        %get3A_254 = arith.index_cast %add3A_253 : i32 to index
        %get3A_255 = tpu.vector_load %arg5[%get3A_254] {strides = array<i32>} : memref<10000xi32, #tpu.memory_space<vmem>>, vector<16xi32>,
        %get3A_256 = vector.shape_cast %get3A_255 : vector<16xi32> to vector<16xi32>
        %swap3A_257 = arith.constant 32 : index
        %swap3A_258 = tpu.vector_load %arg6[%swap3A_257] {strides = array<i32>} : memref<80xi32, #tpu.memory_space<vmem>>, vector<16xi32>,
        %swap3A_259 = vector.shape_cast %swap3A_258 : vector<16xi32> to vector<16xi32>
        %swap3A_260 = vector.shape_cast %get3A_256 : vector<16xi32> to vector<16xi32>
        tpu.vector_store %arg6[%swap3A_257], %swap3A_260 {strides = array<i32>} : memref<80xi32, #tpu.memory_space<vmem>>, vector<16xi32>,
        %mul3A_261 = arith.constant 80 : i32
        %mul3A_262 = arith.muli %add3A_227, %mul3A_261 : i32
        %add3A_263 = arith.constant 48 : i32
        %add3A_264 = arith.addi %mul3A_262, %add3A_263 : i32
        %get3A_265 = arith.index_cast %add3A_264 : i32 to index
        %get3A_266 = tpu.vector_load %arg5[%get3A_265] {strides = array<i32>} : memref<10000xi32, #tpu.memory_space<vmem>>, vector<16xi32>,
        %get3A_267 = vector.shape_cast %get3A_266 : vector<16xi32> to vector<16xi32>
        %swap3A_268 = arith.constant 48 : index
        %swap3A_269 = tpu.vector_load %arg6[%swap3A_268] {strides = array<i32>} : memref<80xi32, #tpu.memory_space<vmem>>, vector<16xi32>,
        %swap3A_270 = vector.shape_cast %swap3A_269 : vector<16xi32> to vector<16xi32>
        %swap3A_271 = vector.shape_cast %get3A_267 : vector<16xi32> to vector<16xi32>
        tpu.vector_store %arg6[%swap3A_268], %swap3A_271 {strides = array<i32>} : memref<80xi32, #tpu.memory_space<vmem>>, vector<16xi32>,
        %mul3A_272 = arith.constant 80 : i32
        %mul3A_273 = arith.muli %add3A_227, %mul3A_272 : i32
        %add3A_274 = arith.constant 64 : i32
        %add3A_275 = arith.addi %mul3A_273, %add3A_274 : i32
        %get3A_276 = arith.index_cast %add3A_275 : i32 to index
        %get3A_277 = tpu.vector_load %arg5[%get3A_276] {strides = array<i32>} : memref<10000xi32, #tpu.memory_space<vmem>>, vector<16xi32>,
        %get3A_278 = vector.shape_cast %get3A_277 : vector<16xi32> to vector<16xi32>
        %swap3A_279 = arith.constant 64 : index
        %swap3A_280 = tpu.vector_load %arg6[%swap3A_279] {strides = array<i32>} : memref<80xi32, #tpu.memory_space<vmem>>, vector<16xi32>,
        %swap3A_281 = vector.shape_cast %swap3A_280 : vector<16xi32> to vector<16xi32>
        %swap3A_282 = vector.shape_cast %get3A_278 : vector<16xi32> to vector<16xi32>
        tpu.vector_store %arg6[%swap3A_279], %swap3A_282 {strides = array<i32>} : memref<80xi32, #tpu.memory_space<vmem>>, vector<16xi32>,
        %dma_start3A_283 = arith.constant 0 : i32
        %dma_start3A_284 = arith.constant 0 : i32
        %dma_start3A_285 = tpu.memref_slice %arg2[%dma_start3A_283, %dma_start3A_284] : memref<10000x16xf32, #tpu.memory_space<hbm>> -> memref<10000x16xf32, #tpu.memory_space<hbm>>
        tpu.enqueue_indirect_dma source(%dma_start3A_285 : memref<10000x16xf32, #tpu.memory_space<hbm>>) target(%arg10 : memref<80x16xf32, #tpu.memory_space<vmem>>) offsets(%arg6 : memref<80xi32, #tpu.memory_space<vmem>>) semaphore(%arg14 : memref<!tpu.dma_semaphore, #tpu.memory_space<semaphore_mem>>)
      } else {
      }
      %dma_wait3A_183 = arith.constant 0 : i32
      %dma_wait3A_184 = arith.constant 0 : i32
      %dma_wait3A_185 = tpu.memref_slice %arg2[%dma_wait3A_183, %dma_wait3A_184] : memref<10000x16xf32, #tpu.memory_space<hbm>> -> memref<80x16xf32, #tpu.memory_space<hbm>>
      %dma_wait3A_186 = arith.constant 0 : i32
      %dma_wait3A_187 = arith.constant 0 : i32
      %dma_wait3A_188 = tpu.memref_slice %arg2[%dma_wait3A_186, %dma_wait3A_187] : memref<10000x16xf32, #tpu.memory_space<hbm>> -> memref<80x16xf32, #tpu.memory_space<hbm>>
      tpu.wait_dma2 semaphore(%arg14 : memref<!tpu.dma_semaphore, #tpu.memory_space<semaphore_mem>>) src(%dma_wait3A_188 : memref<80x16xf32, #tpu.memory_space<hbm>>) dst(%arg12 : memref<80x16xf32, #tpu.memory_space<vmem>>)
      %mul3A_189 = arith.constant 80 : i32
      %mul3A_190 = arith.muli %add3A_170, %mul3A_189 : i32
      %add3A_191 = arith.addi %mul3A_2, %mul3A_190 : i32
      %dma_start3A_192 = arith.constant 0 : i32
      %dma_start3A_193 = tpu.memref_slice %arg4[%add3A_191, %dma_start3A_192] : memref<320000x16xf32, #tpu.memory_space<hbm>> -> memref<80x16xf32, #tpu.memory_space<hbm>>
      %dma_start3A_194 = arith.constant 0 : i32
      %dma_start3A_195 = tpu.memref_slice %arg4[%add3A_191, %dma_start3A_194] : memref<320000x16xf32, #tpu.memory_space<hbm>> -> memref<80x16xf32, #tpu.memory_space<hbm>>
      tpu.enqueue_dma source(%arg12 : memref<80x16xf32, #tpu.memory_space<vmem>>) target(%dma_start3A_195 : memref<80x16xf32, #tpu.memory_space<hbm>>) target_semaphore(%arg15 : memref<!tpu.dma_semaphore, #tpu.memory_space<semaphore_mem>>)
      %mul3A_196 = arith.constant 4 : i32
      %mul3A_197 = arith.muli %mul3A_196, %scan3A_111 : i32
      %add3A_198 = arith.constant 3 : i32
      %add3A_199 = arith.addi %mul3A_197, %add3A_198 : i32
      %ge3A_200 = arith.constant 2 : i32
      %ge3A_201 = arith.cmpi sge, %add3A_199, %ge3A_200 : i32
      %convert_element_type3A_202 = arith.extui %ge3A_201 : i1 to i32
      %cond3A_203 = arith.constant 0 : i32
      %cond3A_204 = arith.cmpi ne, %convert_element_type3A_202, %cond3A_203 : i32
      scf.if %cond3A_204 {
        %dma_wait3A_226 = arith.constant 0 : i32
        %dma_wait3A_227 = arith.constant 0 : i32
        %dma_wait3A_228 = tpu.memref_slice %arg4[%dma_wait3A_226, %dma_wait3A_227] : memref<320000x16xf32, #tpu.memory_space<hbm>> -> memref<80x16xf32, #tpu.memory_space<hbm>>
        %dma_wait3A_229 = arith.constant 0 : i32
        %dma_wait3A_230 = arith.constant 0 : i32
        %dma_wait3A_231 = tpu.memref_slice %arg4[%dma_wait3A_229, %dma_wait3A_230] : memref<320000x16xf32, #tpu.memory_space<hbm>> -> memref<80x16xf32, #tpu.memory_space<hbm>>
        tpu.wait_dma2 semaphore(%arg15 : memref<!tpu.dma_semaphore, #tpu.memory_space<semaphore_mem>>) src(%arg13 : memref<80x16xf32, #tpu.memory_space<vmem>>) dst(%dma_wait3A_231 : memref<80x16xf32, #tpu.memory_space<hbm>>)
      } else {
      }
      %add3A_205 = arith.constant 2 : i32
      %add3A_206 = arith.addi %add3A_199, %add3A_205 : i32
      %lt3A_207 = arith.constant 125 : i32
      %lt3A_208 = arith.cmpi slt, %add3A_206, %lt3A_207 : i32
      %convert_element_type3A_209 = arith.extui %lt3A_208 : i1 to i32
      %cond3A_210 = arith.constant 0 : i32
      %cond3A_211 = arith.cmpi ne, %convert_element_type3A_209, %cond3A_210 : i32
      scf.if %cond3A_211 {
        %add3A_226 = arith.constant 2 : i32
        %add3A_227 = arith.addi %add3A_199, %add3A_226 : i32
        %mul3A_228 = arith.constant 80 : i32
        %mul3A_229 = arith.muli %add3A_227, %mul3A_228 : i32
        %add3A_230 = arith.constant 0 : i32
        %add3A_231 = arith.addi %mul3A_229, %add3A_230 : i32
        %get3A_232 = arith.index_cast %add3A_231 : i32 to index
        %get3A_233 = tpu.vector_load %arg5[%get3A_232] {strides = array<i32>} : memref<10000xi32, #tpu.memory_space<vmem>>, vector<16xi32>,
        %get3A_234 = vector.shape_cast %get3A_233 : vector<16xi32> to vector<16xi32>
        %swap3A_235 = arith.constant 0 : index
        %swap3A_236 = tpu.vector_load %arg7[%swap3A_235] {strides = array<i32>} : memref<80xi32, #tpu.memory_space<vmem>>, vector<16xi32>,
        %swap3A_237 = vector.shape_cast %swap3A_236 : vector<16xi32> to vector<16xi32>
        %swap3A_238 = vector.shape_cast %get3A_234 : vector<16xi32> to vector<16xi32>
        tpu.vector_store %arg7[%swap3A_235], %swap3A_238 {strides = array<i32>} : memref<80xi32, #tpu.memory_space<vmem>>, vector<16xi32>,
        %mul3A_239 = arith.constant 80 : i32
        %mul3A_240 = arith.muli %add3A_227, %mul3A_239 : i32
        %add3A_241 = arith.constant 16 : i32
        %add3A_242 = arith.addi %mul3A_240, %add3A_241 : i32
        %get3A_243 = arith.index_cast %add3A_242 : i32 to index
        %get3A_244 = tpu.vector_load %arg5[%get3A_243] {strides = array<i32>} : memref<10000xi32, #tpu.memory_space<vmem>>, vector<16xi32>,
        %get3A_245 = vector.shape_cast %get3A_244 : vector<16xi32> to vector<16xi32>
        %swap3A_246 = arith.constant 16 : index
        %swap3A_247 = tpu.vector_load %arg7[%swap3A_246] {strides = array<i32>} : memref<80xi32, #tpu.memory_space<vmem>>, vector<16xi32>,
        %swap3A_248 = vector.shape_cast %swap3A_247 : vector<16xi32> to vector<16xi32>
        %swap3A_249 = vector.shape_cast %get3A_245 : vector<16xi32> to vector<16xi32>
        tpu.vector_store %arg7[%swap3A_246], %swap3A_249 {strides = array<i32>} : memref<80xi32, #tpu.memory_space<vmem>>, vector<16xi32>,
        %mul3A_250 = arith.constant 80 : i32
        %mul3A_251 = arith.muli %add3A_227, %mul3A_250 : i32
        %add3A_252 = arith.constant 32 : i32
        %add3A_253 = arith.addi %mul3A_251, %add3A_252 : i32
        %get3A_254 = arith.index_cast %add3A_253 : i32 to index
        %get3A_255 = tpu.vector_load %arg5[%get3A_254] {strides = array<i32>} : memref<10000xi32, #tpu.memory_space<vmem>>, vector<16xi32>,
        %get3A_256 = vector.shape_cast %get3A_255 : vector<16xi32> to vector<16xi32>
        %swap3A_257 = arith.constant 32 : index
        %swap3A_258 = tpu.vector_load %arg7[%swap3A_257] {strides = array<i32>} : memref<80xi32, #tpu.memory_space<vmem>>, vector<16xi32>,
        %swap3A_259 = vector.shape_cast %swap3A_258 : vector<16xi32> to vector<16xi32>
        %swap3A_260 = vector.shape_cast %get3A_256 : vector<16xi32> to vector<16xi32>
        tpu.vector_store %arg7[%swap3A_257], %swap3A_260 {strides = array<i32>} : memref<80xi32, #tpu.memory_space<vmem>>, vector<16xi32>,
        %mul3A_261 = arith.constant 80 : i32
        %mul3A_262 = arith.muli %add3A_227, %mul3A_261 : i32
        %add3A_263 = arith.constant 48 : i32
        %add3A_264 = arith.addi %mul3A_262, %add3A_263 : i32
        %get3A_265 = arith.index_cast %add3A_264 : i32 to index
        %get3A_266 = tpu.vector_load %arg5[%get3A_265] {strides = array<i32>} : memref<10000xi32, #tpu.memory_space<vmem>>, vector<16xi32>,
        %get3A_267 = vector.shape_cast %get3A_266 : vector<16xi32> to vector<16xi32>
        %swap3A_268 = arith.constant 48 : index
        %swap3A_269 = tpu.vector_load %arg7[%swap3A_268] {strides = array<i32>} : memref<80xi32, #tpu.memory_space<vmem>>, vector<16xi32>,
        %swap3A_270 = vector.shape_cast %swap3A_269 : vector<16xi32> to vector<16xi32>
        %swap3A_271 = vector.shape_cast %get3A_267 : vector<16xi32> to vector<16xi32>
        tpu.vector_store %arg7[%swap3A_268], %swap3A_271 {strides = array<i32>} : memref<80xi32, #tpu.memory_space<vmem>>, vector<16xi32>,
        %mul3A_272 = arith.constant 80 : i32
        %mul3A_273 = arith.muli %add3A_227, %mul3A_272 : i32
        %add3A_274 = arith.constant 64 : i32
        %add3A_275 = arith.addi %mul3A_273, %add3A_274 : i32
        %get3A_276 = arith.index_cast %add3A_275 : i32 to index
        %get3A_277 = tpu.vector_load %arg5[%get3A_276] {strides = array<i32>} : memref<10000xi32, #tpu.memory_space<vmem>>, vector<16xi32>,
        %get3A_278 = vector.shape_cast %get3A_277 : vector<16xi32> to vector<16xi32>
        %swap3A_279 = arith.constant 64 : index
        %swap3A_280 = tpu.vector_load %arg7[%swap3A_279] {strides = array<i32>} : memref<80xi32, #tpu.memory_space<vmem>>, vector<16xi32>,
        %swap3A_281 = vector.shape_cast %swap3A_280 : vector<16xi32> to vector<16xi32>
        %swap3A_282 = vector.shape_cast %get3A_278 : vector<16xi32> to vector<16xi32>
        tpu.vector_store %arg7[%swap3A_279], %swap3A_282 {strides = array<i32>} : memref<80xi32, #tpu.memory_space<vmem>>, vector<16xi32>,
        %dma_start3A_283 = arith.constant 0 : i32
        %dma_start3A_284 = arith.constant 0 : i32
        %dma_start3A_285 = tpu.memref_slice %arg2[%dma_start3A_283, %dma_start3A_284] : memref<10000x16xf32, #tpu.memory_space<hbm>> -> memref<10000x16xf32, #tpu.memory_space<hbm>>
        tpu.enqueue_indirect_dma source(%dma_start3A_285 : memref<10000x16xf32, #tpu.memory_space<hbm>>) target(%arg11 : memref<80x16xf32, #tpu.memory_space<vmem>>) offsets(%arg7 : memref<80xi32, #tpu.memory_space<vmem>>) semaphore(%arg14 : memref<!tpu.dma_semaphore, #tpu.memory_space<semaphore_mem>>)
      } else {
      }
      %dma_wait3A_212 = arith.constant 0 : i32
      %dma_wait3A_213 = arith.constant 0 : i32
      %dma_wait3A_214 = tpu.memref_slice %arg2[%dma_wait3A_212, %dma_wait3A_213] : memref<10000x16xf32, #tpu.memory_space<hbm>> -> memref<80x16xf32, #tpu.memory_space<hbm>>
      %dma_wait3A_215 = arith.constant 0 : i32
      %dma_wait3A_216 = arith.constant 0 : i32
      %dma_wait3A_217 = tpu.memref_slice %arg2[%dma_wait3A_215, %dma_wait3A_216] : memref<10000x16xf32, #tpu.memory_space<hbm>> -> memref<80x16xf32, #tpu.memory_space<hbm>>
      tpu.wait_dma2 semaphore(%arg14 : memref<!tpu.dma_semaphore, #tpu.memory_space<semaphore_mem>>) src(%dma_wait3A_217 : memref<80x16xf32, #tpu.memory_space<hbm>>) dst(%arg13 : memref<80x16xf32, #tpu.memory_space<vmem>>)
      %mul3A_218 = arith.constant 80 : i32
      %mul3A_219 = arith.muli %add3A_199, %mul3A_218 : i32
      %add3A_220 = arith.addi %mul3A_2, %mul3A_219 : i32
      %dma_start3A_221 = arith.constant 0 : i32
      %dma_start3A_222 = tpu.memref_slice %arg4[%add3A_220, %dma_start3A_221] : memref<320000x16xf32, #tpu.memory_space<hbm>> -> memref<80x16xf32, #tpu.memory_space<hbm>>
      %dma_start3A_223 = arith.constant 0 : i32
      %dma_start3A_224 = tpu.memref_slice %arg4[%add3A_220, %dma_start3A_223] : memref<320000x16xf32, #tpu.memory_space<hbm>> -> memref<80x16xf32, #tpu.memory_space<hbm>>
      tpu.enqueue_dma source(%arg13 : memref<80x16xf32, #tpu.memory_space<vmem>>) target(%dma_start3A_224 : memref<80x16xf32, #tpu.memory_space<hbm>>) target_semaphore(%arg15 : memref<!tpu.dma_semaphore, #tpu.memory_space<semaphore_mem>>)
      %scan3A_225 = arith.constant 0 : i32
      scf.yield %scan3A_225 : i32
    }
    %scan3A_81 = arith.constant 31 : i32
    %dma_wait3A = arith.constant 0 : i32
    %dma_wait3A_82 = arith.constant 0 : i32
    %dma_wait3A_83 = tpu.memref_slice %arg2[%dma_wait3A, %dma_wait3A_82] : memref<10000x16xf32, #tpu.memory_space<hbm>> -> memref<80x16xf32, #tpu.memory_space<hbm>>
    %dma_wait3A_84 = arith.constant 0 : i32
    %dma_wait3A_85 = arith.constant 0 : i32
    %dma_wait3A_86 = tpu.memref_slice %arg2[%dma_wait3A_84, %dma_wait3A_85] : memref<10000x16xf32, #tpu.memory_space<hbm>> -> memref<80x16xf32, #tpu.memory_space<hbm>>
    tpu.wait_dma2 semaphore(%arg14 : memref<!tpu.dma_semaphore, #tpu.memory_space<semaphore_mem>>) src(%dma_wait3A_86 : memref<80x16xf32, #tpu.memory_space<hbm>>) dst(%arg10 : memref<80x16xf32, #tpu.memory_space<vmem>>)
    %add3A_87 = arith.constant 9920 : i32
    %add3A_88 = arith.addi %mul3A_2, %add3A_87 : i32
    %dma_start3A_89 = arith.constant 0 : i32
    %dma_start3A_90 = tpu.memref_slice %arg4[%add3A_88, %dma_start3A_89] : memref<320000x16xf32, #tpu.memory_space<hbm>> -> memref<80x16xf32, #tpu.memory_space<hbm>>
    %dma_start3A_91 = arith.constant 0 : i32
    %dma_start3A_92 = tpu.memref_slice %arg4[%add3A_88, %dma_start3A_91] : memref<320000x16xf32, #tpu.memory_space<hbm>> -> memref<80x16xf32, #tpu.memory_space<hbm>>
    tpu.enqueue_dma source(%arg10 : memref<80x16xf32, #tpu.memory_space<vmem>>) target(%dma_start3A_92 : memref<80x16xf32, #tpu.memory_space<hbm>>) target_semaphore(%arg15 : memref<!tpu.dma_semaphore, #tpu.memory_space<semaphore_mem>>)
    %dma_wait3A_93 = arith.constant 0 : i32
    %dma_wait3A_94 = arith.constant 0 : i32
    %dma_wait3A_95 = tpu.memref_slice %arg4[%dma_wait3A_93, %dma_wait3A_94] : memref<320000x16xf32, #tpu.memory_space<hbm>> -> memref<80x16xf32, #tpu.memory_space<hbm>>
    %dma_wait3A_96 = arith.constant 0 : i32
    %dma_wait3A_97 = arith.constant 0 : i32
    %dma_wait3A_98 = tpu.memref_slice %arg4[%dma_wait3A_96, %dma_wait3A_97] : memref<320000x16xf32, #tpu.memory_space<hbm>> -> memref<80x16xf32, #tpu.memory_space<hbm>>
    tpu.wait_dma2 semaphore(%arg15 : memref<!tpu.dma_semaphore, #tpu.memory_space<semaphore_mem>>) src(%arg12 : memref<80x16xf32, #tpu.memory_space<vmem>>) dst(%dma_wait3A_98 : memref<80x16xf32, #tpu.memory_space<hbm>>)
    %dma_wait3A_99 = arith.constant 0 : i32
    %dma_wait3A_100 = arith.constant 0 : i32
    %dma_wait3A_101 = tpu.memref_slice %arg4[%dma_wait3A_99, %dma_wait3A_100] : memref<320000x16xf32, #tpu.memory_space<hbm>> -> memref<80x16xf32, #tpu.memory_space<hbm>>
    %dma_wait3A_102 = arith.constant 0 : i32
    %dma_wait3A_103 = arith.constant 0 : i32
    %dma_wait3A_104 = tpu.memref_slice %arg4[%dma_wait3A_102, %dma_wait3A_103] : memref<320000x16xf32, #tpu.memory_space<hbm>> -> memref<80x16xf32, #tpu.memory_space<hbm>>
    tpu.wait_dma2 semaphore(%arg15 : memref<!tpu.dma_semaphore, #tpu.memory_space<semaphore_mem>>) src(%arg13 : memref<80x16xf32, #tpu.memory_space<vmem>>) dst(%dma_wait3A_104 : memref<80x16xf32, #tpu.memory_space<hbm>>)
    %dma_wait3A_105 = arith.constant 0 : i32
    %dma_wait3A_106 = arith.constant 0 : i32
    %dma_wait3A_107 = tpu.memref_slice %arg4[%dma_wait3A_105, %dma_wait3A_106] : memref<320000x16xf32, #tpu.memory_space<hbm>> -> memref<80x16xf32, #tpu.memory_space<hbm>>
    %dma_wait3A_108 = arith.constant 0 : i32
    %dma_wait3A_109 = arith.constant 0 : i32
    %dma_wait3A_110 = tpu.memref_slice %arg4[%dma_wait3A_108, %dma_wait3A_109] : memref<320000x16xf32, #tpu.memory_space<hbm>> -> memref<80x16xf32, #tpu.memory_space<hbm>>
    tpu.wait_dma2 semaphore(%arg15 : memref<!tpu.dma_semaphore, #tpu.memory_space<semaphore_mem>>) src(%arg10 : memref<80x16xf32, #tpu.memory_space<vmem>>) dst(%dma_wait3A_110 : memref<80x16xf32, #tpu.memory_space<hbm>>)
    return
  }
}

#map = affine_map<(d0, d1) -> (0, 0)>
#map1 = affine_map<(d0, d1) -> (0)>
module attributes {stable_mosaic.version = 14 : i64} {
  func.func @_sc_gather(%arg0: i32, %arg1: i32, %arg2: memref<10000x16xf32, #tpu.memory_space<hbm>>, %arg3: memref<320000xi32, #tpu.memory_space<hbm>>, %arg4: memref<320000x16xf32, #tpu.memory_space<hbm>>, %arg5: memref<10000xi32, #tpu.memory_space<vmem>>, %arg6: memref<80xi32, #tpu.memory_space<vmem>>, %arg7: memref<80xi32, #tpu.memory_space<vmem>>, %arg8: memref<80xi32, #tpu.memory_space<vmem>>, %arg9: memref<80xi32, #tpu.memory_space<vmem>>, %arg10: memref<80x16xf32, #tpu.memory_space<vmem>>, %arg11: memref<80x16xf32, #tpu.memory_space<vmem>>, %arg12: memref<80x16xf32, #tpu.memory_space<vmem>>, %arg13: memref<80x16xf32, #tpu.memory_space<vmem>>, %arg14: memref<!tpu.dma_semaphore, #tpu.memory_space<semaphore_mem>>, %arg15: memref<!tpu.dma_semaphore, #tpu.memory_space<semaphore_mem>>) attributes {dimension_semantics = [#tpu.dimension_semantics<core_parallel>, #tpu.dimension_semantics<subcore_parallel>], iteration_bounds = array<i64: 2, 16>, scalar_prefetch = 0 : i64, scratch_operands = 11 : i64, tpu.core_type = #tpu.core_type<sc_vector_subcore>, window_params = [{transform_indices = #map}, {transform_indices = #map1}, {transform_indices = #map}]} {
    %mul3A = arith.constant 2 : i32
    %mul3A_0 = arith.muli %arg1, %mul3A : i32
    %add3A = arith.addi %mul3A_0, %arg0 : i32
    %mul3A_1 = arith.constant 10000 : i32
    %mul3A_2 = arith.muli %add3A, %mul3A_1 : i32
    "tpu.region"() ({
      %run_scoped3A = tpu.sem_alloc : memref<!tpu.dma_semaphore, #tpu.memory_space<semaphore_mem>>
      %dma_start3A_111 = tpu.memref_slice %arg3[%mul3A_2] : memref<320000xi32, #tpu.memory_space<hbm>> -> memref<10000xi32, #tpu.memory_space<hbm>>
      %dma_start3A_112 = tpu.memref_slice %arg3[%mul3A_2] : memref<320000xi32, #tpu.memory_space<hbm>> -> memref<10000xi32, #tpu.memory_space<hbm>>
      tpu.enqueue_dma source(%dma_start3A_112 : memref<10000xi32, #tpu.memory_space<hbm>>) target(%arg5 : memref<10000xi32, #tpu.memory_space<vmem>>) target_semaphore(%run_scoped3A : memref<!tpu.dma_semaphore, #tpu.memory_space<semaphore_mem>>)
      %dma_wait3A_113 = tpu.memref_slice %arg3[%mul3A_2] : memref<320000xi32, #tpu.memory_space<hbm>> -> memref<10000xi32, #tpu.memory_space<hbm>>
      %dma_wait3A_114 = tpu.memref_slice %arg3[%mul3A_2] : memref<320000xi32, #tpu.memory_space<hbm>> -> memref<10000xi32, #tpu.memory_space<hbm>>
      tpu.wait_dma2 semaphore(%run_scoped3A : memref<!tpu.dma_semaphore, #tpu.memory_space<semaphore_mem>>) src(%dma_wait3A_114 : memref<10000xi32, #tpu.memory_space<hbm>>) dst(%arg5 : memref<10000xi32, #tpu.memory_space<vmem>>)
      tpu.yield
    }) : () -> ()
    %get3A = arith.constant 0 : index
    %get3A_3 = tpu.vector_load %arg5[%get3A] {strides = array<i32>} : memref<10000xi32, #tpu.memory_space<vmem>>, vector<16xi32>,
    %get3A_4 = vector.shape_cast %get3A_3 : vector<16xi32> to vector<16xi32>
    %swap3A = arith.constant 0 : index
    %swap3A_5 = tpu.vector_load %arg6[%swap3A] {strides = array<i32>} : memref<80xi32, #tpu.memory_space<vmem>>, vector<16xi32>,
    %swap3A_6 = vector.shape_cast %swap3A_5 : vector<16xi32> to vector<16xi32>
    %swap3A_7 = vector.shape_cast %get3A_4 : vector<16xi32> to vector<16xi32>
    tpu.vector_store %arg6[%swap3A], %swap3A_7 {strides = array<i32>} : memref<80xi32, #tpu.memory_space<vmem>>, vector<16xi32>,
    %get3A_8 = arith.constant 16 : index
    %get3A_9 = tpu.vector_load %arg5[%get3A_8] {strides = array<i32>} : memref<10000xi32, #tpu.memory_space<vmem>>, vector<16xi32>,
    %get3A_10 = vector.shape_cast %get3A_9 : vector<16xi32> to vector<16xi32>
    %swap3A_11 = arith.constant 16 : index
    %swap3A_12 = tpu.vector_load %arg6[%swap3A_11] {strides = array<i32>} : memref<80xi32, #tpu.memory_space<vmem>>, vector<16xi32>,
    %swap3A_13 = vector.shape_cast %swap3A_12 : vector<16xi32> to vector<16xi32>
    %swap3A_14 = vector.shape_cast %get3A_10 : vector<16xi32> to vector<16xi32>
    tpu.vector_store %arg6[%swap3A_11], %swap3A_14 {strides = array<i32>} : memref<80xi32, #tpu.memory_space<vmem>>, vector<16xi32>,
    %get3A_15 = arith.constant 32 : index
    %get3A_16 = tpu.vector_load %arg5[%get3A_15] {strides = array<i32>} : memref<10000xi32, #tpu.memory_space<vmem>>, vector<16xi32>,
    %get3A_17 = vector.shape_cast %get3A_16 : vector<16xi32> to vector<16xi32>
    %swap3A_18 = arith.constant 32 : index
    %swap3A_19 = tpu.vector_load %arg6[%swap3A_18] {strides = array<i32>} : memref<80xi32, #tpu.memory_space<vmem>>, vector<16xi32>,
    %swap3A_20 = vector.shape_cast %swap3A_19 : vector<16xi32> to vector<16xi32>
    %swap3A_21 = vector.shape_cast %get3A_17 : vector<16xi32> to vector<16xi32>
    tpu.vector_store %arg6[%swap3A_18], %swap3A_21 {strides = array<i32>} : memref<80xi32, #tpu.memory_space<vmem>>, vector<16xi32>,
    %get3A_22 = arith.constant 48 : index
    %get3A_23 = tpu.vector_load %arg5[%get3A_22] {strides = array<i32>} : memref<10000xi32, #tpu.memory_space<vmem>>, vector<16xi32>,
    %get3A_24 = vector.shape_cast %get3A_23 : vector<16xi32> to vector<16xi32>
    %swap3A_25 = arith.constant 48 : index
    %swap3A_26 = tpu.vector_load %arg6[%swap3A_25] {strides = array<i32>} : memref<80xi32, #tpu.memory_space<vmem>>, vector<16xi32>,
    %swap3A_27 = vector.shape_cast %swap3A_26 : vector<16xi32> to vector<16xi32>
    %swap3A_28 = vector.shape_cast %get3A_24 : vector<16xi32> to vector<16xi32>
    tpu.vector_store %arg6[%swap3A_25], %swap3A_28 {strides = array<i32>} : memref<80xi32, #tpu.memory_space<vmem>>, vector<16xi32>,
    %get3A_29 = arith.constant 64 : index
    %get3A_30 = tpu.vector_load %arg5[%get3A_29] {strides = array<i32>} : memref<10000xi32, #tpu.memory_space<vmem>>, vector<16xi32>,
    %get3A_31 = vector.shape_cast %get3A_30 : vector<16xi32> to vector<16xi32>
    %swap3A_32 = arith.constant 64 : index
    %swap3A_33 = tpu.vector_load %arg6[%swap3A_32] {strides = array<i32>} : memref<80xi32, #tpu.memory_space<vmem>>, vector<16xi32>,
    %swap3A_34 = vector.shape_cast %swap3A_33 : vector<16xi32> to vector<16xi32>
    %swap3A_35 = vector.shape_cast %get3A_31 : vector<16xi32> to vector<16xi32>
    tpu.vector_store %arg6[%swap3A_32], %swap3A_35 {strides = array<i32>} : memref<80xi32, #tpu.memory_space<vmem>>, vector<16xi32>,
    %dma_start3A = arith.constant 0 : i32
    %dma_start3A_36 = arith.constant 0 : i32
    %dma_start3A_37 = tpu.memref_slice %arg2[%dma_start3A, %dma_start3A_36] : memref<10000x16xf32, #tpu.memory_space<hbm>> -> memref<10000x16xf32, #tpu.memory_space<hbm>>
    tpu.enqueue_indirect_dma source(%dma_start3A_37 : memref<10000x16xf32, #tpu.memory_space<hbm>>) target(%arg10 : memref<80x16xf32, #tpu.memory_space<vmem>>) offsets(%arg6 : memref<80xi32, #tpu.memory_space<vmem>>) semaphore(%arg14 : memref<!tpu.dma_semaphore, #tpu.memory_space<semaphore_mem>>)
    %get3A_38 = arith.constant 80 : index
    %get3A_39 = tpu.vector_load %arg5[%get3A_38] {strides = array<i32>} : memref<10000xi32, #tpu.memory_space<vmem>>, vector<16xi32>,
    %get3A_40 = vector.shape_cast %get3A_39 : vector<16xi32> to vector<16xi32>
    %swap3A_41 = arith.constant 0 : index
    %swap3A_42 = tpu.vector_load %arg7[%swap3A_41] {strides = array<i32>} : memref<80xi32, #tpu.memory_space<vmem>>, vector<16xi32>,
    %swap3A_43 = vector.shape_cast %swap3A_42 : vector<16xi32> to vector<16xi32>
    %swap3A_44 = vector.shape_cast %get3A_40 : vector<16xi32> to vector<16xi32>
    tpu.vector_store %arg7[%swap3A_41], %swap3A_44 {strides = array<i32>} : memref<80xi32, #tpu.memory_space<vmem>>, vector<16xi32>,
    %get3A_45 = arith.constant 96 : index
    %get3A_46 = tpu.vector_load %arg5[%get3A_45] {strides = array<i32>} : memref<10000xi32, #tpu.memory_space<vmem>>, vector<16xi32>,
    %get3A_47 = vector.shape_cast %get3A_46 : vector<16xi32> to vector<16xi32>
    %swap3A_48 = arith.constant 16 : index
    %swap3A_49 = tpu.vector_load %arg7[%swap3A_48] {strides = array<i32>} : memref<80xi32, #tpu.memory_space<vmem>>, vector<16xi32>,
    %swap3A_50 = vector.shape_cast %swap3A_49 : vector<16xi32> to vector<16xi32>
    %swap3A_51 = vector.shape_cast %get3A_47 : vector<16xi32> to vector<16xi32>
    tpu.vector_store %arg7[%swap3A_48], %swap3A_51 {strides = array<i32>} : memref<80xi32, #tpu.memory_space<vmem>>, vector<16xi32>,
    %get3A_52 = arith.constant 112 : index
    %get3A_53 = tpu.vector_load %arg5[%get3A_52] {strides = array<i32>} : memref<10000xi32, #tpu.memory_space<vmem>>, vector<16xi32>,
    %get3A_54 = vector.shape_cast %get3A_53 : vector<16xi32> to vector<16xi32>
    %swap3A_55 = arith.constant 32 : index
    %swap3A_56 = tpu.vector_load %arg7[%swap3A_55] {strides = array<i32>} : memref<80xi32, #tpu.memory_space<vmem>>, vector<16xi32>,
    %swap3A_57 = vector.shape_cast %swap3A_56 : vector<16xi32> to vector<16xi32>
    %swap3A_58 = vector.shape_cast %get3A_54 : vector<16xi32> to vector<16xi32>
    tpu.vector_store %arg7[%swap3A_55], %swap3A_58 {strides = array<i32>} : memref<80xi32, #tpu.memory_space<vmem>>, vector<16xi32>,
    %get3A_59 = arith.constant 128 : index
    %get3A_60 = tpu.vector_load %arg5[%get3A_59] {strides = array<i32>} : memref<10000xi32, #tpu.memory_space<vmem>>, vector<16xi32>,
    %get3A_61 = vector.shape_cast %get3A_60 : vector<16xi32> to vector<16xi32>
    %swap3A_62 = arith.constant 48 : index
    %swap3A_63 = tpu.vector_load %arg7[%swap3A_62] {strides = array<i32>} : memref<80xi32, #tpu.memory_space<vmem>>, vector<16xi32>,
    %swap3A_64 = vector.shape_cast %swap3A_63 : vector<16xi32> to vector<16xi32>
    %swap3A_65 = vector.shape_cast %get3A_61 : vector<16xi32> to vector<16xi32>
    tpu.vector_store %arg7[%swap3A_62], %swap3A_65 {strides = array<i32>} : memref<80xi32, #tpu.memory_space<vmem>>, vector<16xi32>,
    %get3A_66 = arith.constant 144 : index
    %get3A_67 = tpu.vector_load %arg5[%get3A_66] {strides = array<i32>} : memref<10000xi32, #tpu.memory_space<vmem>>, vector<16xi32>,
    %get3A_68 = vector.shape_cast %get3A_67 : vector<16xi32> to vector<16xi32>
    %swap3A_69 = arith.constant 64 : index
    %swap3A_70 = tpu.vector_load %arg7[%swap3A_69] {strides = array<i32>} : memref<80xi32, #tpu.memory_space<vmem>>, vector<16xi32>,
    %swap3A_71 = vector.shape_cast %swap3A_70 : vector<16xi32> to vector<16xi32>
    %swap3A_72 = vector.shape_cast %get3A_68 : vector<16xi32> to vector<16xi32>
    tpu.vector_store %arg7[%swap3A_69], %swap3A_72 {strides = array<i32>} : memref<80xi32, #tpu.memory_space<vmem>>, vector<16xi32>,
    %dma_start3A_73 = arith.constant 0 : i32
    %dma_start3A_74 = arith.constant 0 : i32
    %dma_start3A_75 = tpu.memref_slice %arg2[%dma_start3A_73, %dma_start3A_74] : memref<10000x16xf32, #tpu.memory_space<hbm>> -> memref<10000x16xf32, #tpu.memory_space<hbm>>
    tpu.enqueue_indirect_dma source(%dma_start3A_75 : memref<10000x16xf32, #tpu.memory_space<hbm>>) target(%arg11 : memref<80x16xf32, #tpu.memory_space<vmem>>) offsets(%arg7 : memref<80xi32, #tpu.memory_space<vmem>>) semaphore(%arg14 : memref<!tpu.dma_semaphore, #tpu.memory_space<semaphore_mem>>)
    %scan3A = arith.constant 0 : i32
    %scan3A_76 = arith.constant 0 : i32
    %scan3A_77 = arith.constant 31 : i32
    %scan3A_78 = arith.addi %scan3A_76, %scan3A_77 : i32
    %scan3A_79 = arith.constant 1 : i32
    %scan3A_80 = scf.for %scan3A_111 = %scan3A_76 to %scan3A_78 step %scan3A_79 iter_args(%scan3A_112 = %scan3A) -> (i32)  : i32 {
      %mul3A_113 = arith.constant 4 : i32
      %mul3A_114 = arith.muli %mul3A_113, %scan3A_111 : i32
      %add3A_115 = arith.constant 0 : i32
      %add3A_116 = arith.addi %mul3A_114, %add3A_115 : i32
      %ge3A = arith.constant 2 : i32
      %ge3A_117 = arith.cmpi sge, %add3A_116, %ge3A : i32
      %convert_element_type3A = arith.extui %ge3A_117 : i1 to i32
      %cond3A = arith.constant 0 : i32
      %cond3A_118 = arith.cmpi ne, %convert_element_type3A, %cond3A : i32
      scf.if %cond3A_118 {
        %dma_wait3A_226 = arith.constant 0 : i32
        %dma_wait3A_227 = arith.constant 0 : i32
        %dma_wait3A_228 = tpu.memref_slice %arg4[%dma_wait3A_226, %dma_wait3A_227] : memref<320000x16xf32, #tpu.memory_space<hbm>> -> memref<80x16xf32, #tpu.memory_space<hbm>>
        %dma_wait3A_229 = arith.constant 0 : i32
        %dma_wait3A_230 = arith.constant 0 : i32
        %dma_wait3A_231 = tpu.memref_slice %arg4[%dma_wait3A_229, %dma_wait3A_230] : memref<320000x16xf32, #tpu.memory_space<hbm>> -> memref<80x16xf32, #tpu.memory_space<hbm>>
        tpu.wait_dma2 semaphore(%arg15 : memref<!tpu.dma_semaphore, #tpu.memory_space<semaphore_mem>>) src(%arg10 : memref<80x16xf32, #tpu.memory_space<vmem>>) dst(%dma_wait3A_231 : memref<80x16xf32, #tpu.memory_space<hbm>>)
      } else {
      }
      %add3A_119 = arith.constant 2 : i32
      %add3A_120 = arith.addi %add3A_116, %add3A_119 : i32
      %lt3A = arith.constant 125 : i32
      %lt3A_121 = arith.cmpi slt, %add3A_120, %lt3A : i32
      %convert_element_type3A_122 = arith.extui %lt3A_121 : i1 to i32
      %cond3A_123 = arith.constant 0 : i32
      %cond3A_124 = arith.cmpi ne, %convert_element_type3A_122, %cond3A_123 : i32
      scf.if %cond3A_124 {
        %add3A_226 = arith.constant 2 : i32
        %add3A_227 = arith.addi %add3A_116, %add3A_226 : i32
        %mul3A_228 = arith.constant 80 : i32
        %mul3A_229 = arith.muli %add3A_227, %mul3A_228 : i32
        %add3A_230 = arith.constant 0 : i32
        %add3A_231 = arith.addi %mul3A_229, %add3A_230 : i32
        %get3A_232 = arith.index_cast %add3A_231 : i32 to index
        %get3A_233 = tpu.vector_load %arg5[%get3A_232] {strides = array<i32>} : memref<10000xi32, #tpu.memory_space<vmem>>, vector<16xi32>,
        %get3A_234 = vector.shape_cast %get3A_233 : vector<16xi32> to vector<16xi32>
        %swap3A_235 = arith.constant 0 : index
        %swap3A_236 = tpu.vector_load %arg8[%swap3A_235] {strides = array<i32>} : memref<80xi32, #tpu.memory_space<vmem>>, vector<16xi32>,
        %swap3A_237 = vector.shape_cast %swap3A_236 : vector<16xi32> to vector<16xi32>
        %swap3A_238 = vector.shape_cast %get3A_234 : vector<16xi32> to vector<16xi32>
        tpu.vector_store %arg8[%swap3A_235], %swap3A_238 {strides = array<i32>} : memref<80xi32, #tpu.memory_space<vmem>>, vector<16xi32>,
        %mul3A_239 = arith.constant 80 : i32
        %mul3A_240 = arith.muli %add3A_227, %mul3A_239 : i32
        %add3A_241 = arith.constant 16 : i32
        %add3A_242 = arith.addi %mul3A_240, %add3A_241 : i32
        %get3A_243 = arith.index_cast %add3A_242 : i32 to index
        %get3A_244 = tpu.vector_load %arg5[%get3A_243] {strides = array<i32>} : memref<10000xi32, #tpu.memory_space<vmem>>, vector<16xi32>,
        %get3A_245 = vector.shape_cast %get3A_244 : vector<16xi32> to vector<16xi32>
        %swap3A_246 = arith.constant 16 : index
        %swap3A_247 = tpu.vector_load %arg8[%swap3A_246] {strides = array<i32>} : memref<80xi32, #tpu.memory_space<vmem>>, vector<16xi32>,
        %swap3A_248 = vector.shape_cast %swap3A_247 : vector<16xi32> to vector<16xi32>
        %swap3A_249 = vector.shape_cast %get3A_245 : vector<16xi32> to vector<16xi32>
        tpu.vector_store %arg8[%swap3A_246], %swap3A_249 {strides = array<i32>} : memref<80xi32, #tpu.memory_space<vmem>>, vector<16xi32>,
        %mul3A_250 = arith.constant 80 : i32
        %mul3A_251 = arith.muli %add3A_227, %mul3A_250 : i32
        %add3A_252 = arith.constant 32 : i32
        %add3A_253 = arith.addi %mul3A_251, %add3A_252 : i32
        %get3A_254 = arith.index_cast %add3A_253 : i32 to index
        %get3A_255 = tpu.vector_load %arg5[%get3A_254] {strides = array<i32>} : memref<10000xi32, #tpu.memory_space<vmem>>, vector<16xi32>,
        %get3A_256 = vector.shape_cast %get3A_255 : vector<16xi32> to vector<16xi32>
        %swap3A_257 = arith.constant 32 : index
        %swap3A_258 = tpu.vector_load %arg8[%swap3A_257] {strides = array<i32>} : memref<80xi32, #tpu.memory_space<vmem>>, vector<16xi32>,
        %swap3A_259 = vector.shape_cast %swap3A_258 : vector<16xi32> to vector<16xi32>
        %swap3A_260 = vector.shape_cast %get3A_256 : vector<16xi32> to vector<16xi32>
        tpu.vector_store %arg8[%swap3A_257], %swap3A_260 {strides = array<i32>} : memref<80xi32, #tpu.memory_space<vmem>>, vector<16xi32>,
        %mul3A_261 = arith.constant 80 : i32
        %mul3A_262 = arith.muli %add3A_227, %mul3A_261 : i32
        %add3A_263 = arith.constant 48 : i32
        %add3A_264 = arith.addi %mul3A_262, %add3A_263 : i32
        %get3A_265 = arith.index_cast %add3A_264 : i32 to index
        %get3A_266 = tpu.vector_load %arg5[%get3A_265] {strides = array<i32>} : memref<10000xi32, #tpu.memory_space<vmem>>, vector<16xi32>,
        %get3A_267 = vector.shape_cast %get3A_266 : vector<16xi32> to vector<16xi32>
        %swap3A_268 = arith.constant 48 : index
        %swap3A_269 = tpu.vector_load %arg8[%swap3A_268] {strides = array<i32>} : memref<80xi32, #tpu.memory_space<vmem>>, vector<16xi32>,
        %swap3A_270 = vector.shape_cast %swap3A_269 : vector<16xi32> to vector<16xi32>
        %swap3A_271 = vector.shape_cast %get3A_267 : vector<16xi32> to vector<16xi32>
        tpu.vector_store %arg8[%swap3A_268], %swap3A_271 {strides = array<i32>} : memref<80xi32, #tpu.memory_space<vmem>>, vector<16xi32>,
        %mul3A_272 = arith.constant 80 : i32
        %mul3A_273 = arith.muli %add3A_227, %mul3A_272 : i32
        %add3A_274 = arith.constant 64 : i32
        %add3A_275 = arith.addi %mul3A_273, %add3A_274 : i32
        %get3A_276 = arith.index_cast %add3A_275 : i32 to index
        %get3A_277 = tpu.vector_load %arg5[%get3A_276] {strides = array<i32>} : memref<10000xi32, #tpu.memory_space<vmem>>, vector<16xi32>,
        %get3A_278 = vector.shape_cast %get3A_277 : vector<16xi32> to vector<16xi32>
        %swap3A_279 = arith.constant 64 : index
        %swap3A_280 = tpu.vector_load %arg8[%swap3A_279] {strides = array<i32>} : memref<80xi32, #tpu.memory_space<vmem>>, vector<16xi32>,
        %swap3A_281 = vector.shape_cast %swap3A_280 : vector<16xi32> to vector<16xi32>
        %swap3A_282 = vector.shape_cast %get3A_278 : vector<16xi32> to vector<16xi32>
        tpu.vector_store %arg8[%swap3A_279], %swap3A_282 {strides = array<i32>} : memref<80xi32, #tpu.memory_space<vmem>>, vector<16xi32>,
        %dma_start3A_283 = arith.constant 0 : i32
        %dma_start3A_284 = arith.constant 0 : i32
        %dma_start3A_285 = tpu.memref_slice %arg2[%dma_start3A_283, %dma_start3A_284] : memref<10000x16xf32, #tpu.memory_space<hbm>> -> memref<10000x16xf32, #tpu.memory_space<hbm>>
        tpu.enqueue_indirect_dma source(%dma_start3A_285 : memref<10000x16xf32, #tpu.memory_space<hbm>>) target(%arg12 : memref<80x16xf32, #tpu.memory_space<vmem>>) offsets(%arg8 : memref<80xi32, #tpu.memory_space<vmem>>) semaphore(%arg14 : memref<!tpu.dma_semaphore, #tpu.memory_space<semaphore_mem>>)
      } else {
      }
      %dma_wait3A_125 = arith.constant 0 : i32
      %dma_wait3A_126 = arith.constant 0 : i32
      %dma_wait3A_127 = tpu.memref_slice %arg2[%dma_wait3A_125, %dma_wait3A_126] : memref<10000x16xf32, #tpu.memory_space<hbm>> -> memref<80x16xf32, #tpu.memory_space<hbm>>
      %dma_wait3A_128 = arith.constant 0 : i32
      %dma_wait3A_129 = arith.constant 0 : i32
      %dma_wait3A_130 = tpu.memref_slice %arg2[%dma_wait3A_128, %dma_wait3A_129] : memref<10000x16xf32, #tpu.memory_space<hbm>> -> memref<80x16xf32, #tpu.memory_space<hbm>>
      tpu.wait_dma2 semaphore(%arg14 : memref<!tpu.dma_semaphore, #tpu.memory_space<semaphore_mem>>) src(%dma_wait3A_130 : memref<80x16xf32, #tpu.memory_space<hbm>>) dst(%arg10 : memref<80x16xf32, #tpu.memory_space<vmem>>)
      %mul3A_131 = arith.constant 80 : i32
      %mul3A_132 = arith.muli %add3A_116, %mul3A_131 : i32
      %add3A_133 = arith.addi %mul3A_2, %mul3A_132 : i32
      %dma_start3A_134 = arith.constant 0 : i32
      %dma_start3A_135 = tpu.memref_slice %arg4[%add3A_133, %dma_start3A_134] : memref<320000x16xf32, #tpu.memory_space<hbm>> -> memref<80x16xf32, #tpu.memory_space<hbm>>
      %dma_start3A_136 = arith.constant 0 : i32
      %dma_start3A_137 = tpu.memref_slice %arg4[%add3A_133, %dma_start3A_136] : memref<320000x16xf32, #tpu.memory_space<hbm>> -> memref<80x16xf32, #tpu.memory_space<hbm>>
      tpu.enqueue_dma source(%arg10 : memref<80x16xf32, #tpu.memory_space<vmem>>) target(%dma_start3A_137 : memref<80x16xf32, #tpu.memory_space<hbm>>) target_semaphore(%arg15 : memref<!tpu.dma_semaphore, #tpu.memory_space<semaphore_mem>>)
      %mul3A_138 = arith.constant 4 : i32
      %mul3A_139 = arith.muli %mul3A_138, %scan3A_111 : i32
      %add3A_140 = arith.constant 1 : i32
      %add3A_141 = arith.addi %mul3A_139, %add3A_140 : i32
      %ge3A_142 = arith.constant 2 : i32
      %ge3A_143 = arith.cmpi sge, %add3A_141, %ge3A_142 : i32
      %convert_element_type3A_144 = arith.extui %ge3A_143 : i1 to i32
      %cond3A_145 = arith.constant 0 : i32
      %cond3A_146 = arith.cmpi ne, %convert_element_type3A_144, %cond3A_145 : i32
      scf.if %cond3A_146 {
        %dma_wait3A_226 = arith.constant 0 : i32
        %dma_wait3A_227 = arith.constant 0 : i32
        %dma_wait3A_228 = tpu.memref_slice %arg4[%dma_wait3A_226, %dma_wait3A_227] : memref<320000x16xf32, #tpu.memory_space<hbm>> -> memref<80x16xf32, #tpu.memory_space<hbm>>
        %dma_wait3A_229 = arith.constant 0 : i32
        %dma_wait3A_230 = arith.constant 0 : i32
        %dma_wait3A_231 = tpu.memref_slice %arg4[%dma_wait3A_229, %dma_wait3A_230] : memref<320000x16xf32, #tpu.memory_space<hbm>> -> memref<80x16xf32, #tpu.memory_space<hbm>>
        tpu.wait_dma2 semaphore(%arg15 : memref<!tpu.dma_semaphore, #tpu.memory_space<semaphore_mem>>) src(%arg11 : memref<80x16xf32, #tpu.memory_space<vmem>>) dst(%dma_wait3A_231 : memref<80x16xf32, #tpu.memory_space<hbm>>)
      } else {
      }
      %add3A_147 = arith.constant 2 : i32
      %add3A_148 = arith.addi %add3A_141, %add3A_147 : i32
      %lt3A_149 = arith.constant 125 : i32
      %lt3A_150 = arith.cmpi slt, %add3A_148, %lt3A_149 : i32
      %convert_element_type3A_151 = arith.extui %lt3A_150 : i1 to i32
      %cond3A_152 = arith.constant 0 : i32
      %cond3A_153 = arith.cmpi ne, %convert_element_type3A_151, %cond3A_152 : i32
      scf.if %cond3A_153 {
        %add3A_226 = arith.constant 2 : i32
        %add3A_227 = arith.addi %add3A_141, %add3A_226 : i32
        %mul3A_228 = arith.constant 80 : i32
        %mul3A_229 = arith.muli %add3A_227, %mul3A_228 : i32
        %add3A_230 = arith.constant 0 : i32
        %add3A_231 = arith.addi %mul3A_229, %add3A_230 : i32
        %get3A_232 = arith.index_cast %add3A_231 : i32 to index
        %get3A_233 = tpu.vector_load %arg5[%get3A_232] {strides = array<i32>} : memref<10000xi32, #tpu.memory_space<vmem>>, vector<16xi32>,
        %get3A_234 = vector.shape_cast %get3A_233 : vector<16xi32> to vector<16xi32>
        %swap3A_235 = arith.constant 0 : index
        %swap3A_236 = tpu.vector_load %arg9[%swap3A_235] {strides = array<i32>} : memref<80xi32, #tpu.memory_space<vmem>>, vector<16xi32>,
        %swap3A_237 = vector.shape_cast %swap3A_236 : vector<16xi32> to vector<16xi32>
        %swap3A_238 = vector.shape_cast %get3A_234 : vector<16xi32> to vector<16xi32>
        tpu.vector_store %arg9[%swap3A_235], %swap3A_238 {strides = array<i32>} : memref<80xi32, #tpu.memory_space<vmem>>, vector<16xi32>,
        %mul3A_239 = arith.constant 80 : i32
        %mul3A_240 = arith.muli %add3A_227, %mul3A_239 : i32
        %add3A_241 = arith.constant 16 : i32
        %add3A_242 = arith.addi %mul3A_240, %add3A_241 : i32
        %get3A_243 = arith.index_cast %add3A_242 : i32 to index
        %get3A_244 = tpu.vector_load %arg5[%get3A_243] {strides = array<i32>} : memref<10000xi32, #tpu.memory_space<vmem>>, vector<16xi32>,
        %get3A_245 = vector.shape_cast %get3A_244 : vector<16xi32> to vector<16xi32>
        %swap3A_246 = arith.constant 16 : index
        %swap3A_247 = tpu.vector_load %arg9[%swap3A_246] {strides = array<i32>} : memref<80xi32, #tpu.memory_space<vmem>>, vector<16xi32>,
        %swap3A_248 = vector.shape_cast %swap3A_247 : vector<16xi32> to vector<16xi32>
        %swap3A_249 = vector.shape_cast %get3A_245 : vector<16xi32> to vector<16xi32>
        tpu.vector_store %arg9[%swap3A_246], %swap3A_249 {strides = array<i32>} : memref<80xi32, #tpu.memory_space<vmem>>, vector<16xi32>,
        %mul3A_250 = arith.constant 80 : i32
        %mul3A_251 = arith.muli %add3A_227, %mul3A_250 : i32
        %add3A_252 = arith.constant 32 : i32
        %add3A_253 = arith.addi %mul3A_251, %add3A_252 : i32
        %get3A_254 = arith.index_cast %add3A_253 : i32 to index
        %get3A_255 = tpu.vector_load %arg5[%get3A_254] {strides = array<i32>} : memref<10000xi32, #tpu.memory_space<vmem>>, vector<16xi32>,
        %get3A_256 = vector.shape_cast %get3A_255 : vector<16xi32> to vector<16xi32>
        %swap3A_257 = arith.constant 32 : index
        %swap3A_258 = tpu.vector_load %arg9[%swap3A_257] {strides = array<i32>} : memref<80xi32, #tpu.memory_space<vmem>>, vector<16xi32>,
        %swap3A_259 = vector.shape_cast %swap3A_258 : vector<16xi32> to vector<16xi32>
        %swap3A_260 = vector.shape_cast %get3A_256 : vector<16xi32> to vector<16xi32>
        tpu.vector_store %arg9[%swap3A_257], %swap3A_260 {strides = array<i32>} : memref<80xi32, #tpu.memory_space<vmem>>, vector<16xi32>,
        %mul3A_261 = arith.constant 80 : i32
        %mul3A_262 = arith.muli %add3A_227, %mul3A_261 : i32
        %add3A_263 = arith.constant 48 : i32
        %add3A_264 = arith.addi %mul3A_262, %add3A_263 : i32
        %get3A_265 = arith.index_cast %add3A_264 : i32 to index
        %get3A_266 = tpu.vector_load %arg5[%get3A_265] {strides = array<i32>} : memref<10000xi32, #tpu.memory_space<vmem>>, vector<16xi32>,
        %get3A_267 = vector.shape_cast %get3A_266 : vector<16xi32> to vector<16xi32>
        %swap3A_268 = arith.constant 48 : index
        %swap3A_269 = tpu.vector_load %arg9[%swap3A_268] {strides = array<i32>} : memref<80xi32, #tpu.memory_space<vmem>>, vector<16xi32>,
        %swap3A_270 = vector.shape_cast %swap3A_269 : vector<16xi32> to vector<16xi32>
        %swap3A_271 = vector.shape_cast %get3A_267 : vector<16xi32> to vector<16xi32>
        tpu.vector_store %arg9[%swap3A_268], %swap3A_271 {strides = array<i32>} : memref<80xi32, #tpu.memory_space<vmem>>, vector<16xi32>,
        %mul3A_272 = arith.constant 80 : i32
        %mul3A_273 = arith.muli %add3A_227, %mul3A_272 : i32
        %add3A_274 = arith.constant 64 : i32
        %add3A_275 = arith.addi %mul3A_273, %add3A_274 : i32
        %get3A_276 = arith.index_cast %add3A_275 : i32 to index
        %get3A_277 = tpu.vector_load %arg5[%get3A_276] {strides = array<i32>} : memref<10000xi32, #tpu.memory_space<vmem>>, vector<16xi32>,
        %get3A_278 = vector.shape_cast %get3A_277 : vector<16xi32> to vector<16xi32>
        %swap3A_279 = arith.constant 64 : index
        %swap3A_280 = tpu.vector_load %arg9[%swap3A_279] {strides = array<i32>} : memref<80xi32, #tpu.memory_space<vmem>>, vector<16xi32>,
        %swap3A_281 = vector.shape_cast %swap3A_280 : vector<16xi32> to vector<16xi32>
        %swap3A_282 = vector.shape_cast %get3A_278 : vector<16xi32> to vector<16xi32>
        tpu.vector_store %arg9[%swap3A_279], %swap3A_282 {strides = array<i32>} : memref<80xi32, #tpu.memory_space<vmem>>, vector<16xi32>,
        %dma_start3A_283 = arith.constant 0 : i32
        %dma_start3A_284 = arith.constant 0 : i32
        %dma_start3A_285 = tpu.memref_slice %arg2[%dma_start3A_283, %dma_start3A_284] : memref<10000x16xf32, #tpu.memory_space<hbm>> -> memref<10000x16xf32, #tpu.memory_space<hbm>>
        tpu.enqueue_indirect_dma source(%dma_start3A_285 : memref<10000x16xf32, #tpu.memory_space<hbm>>) target(%arg13 : memref<80x16xf32, #tpu.memory_space<vmem>>) offsets(%arg9 : memref<80xi32, #tpu.memory_space<vmem>>) semaphore(%arg14 : memref<!tpu.dma_semaphore, #tpu.memory_space<semaphore_mem>>)
      } else {
      }
      %dma_wait3A_154 = arith.constant 0 : i32
      %dma_wait3A_155 = arith.constant 0 : i32
      %dma_wait3A_156 = tpu.memref_slice %arg2[%dma_wait3A_154, %dma_wait3A_155] : memref<10000x16xf32, #tpu.memory_space<hbm>> -> memref<80x16xf32, #tpu.memory_space<hbm>>
      %dma_wait3A_157 = arith.constant 0 : i32
      %dma_wait3A_158 = arith.constant 0 : i32
      %dma_wait3A_159 = tpu.memref_slice %arg2[%dma_wait3A_157, %dma_wait3A_158] : memref<10000x16xf32, #tpu.memory_space<hbm>> -> memref<80x16xf32, #tpu.memory_space<hbm>>
      tpu.wait_dma2 semaphore(%arg14 : memref<!tpu.dma_semaphore, #tpu.memory_space<semaphore_mem>>) src(%dma_wait3A_159 : memref<80x16xf32, #tpu.memory_space<hbm>>) dst(%arg11 : memref<80x16xf32, #tpu.memory_space<vmem>>)
      %mul3A_160 = arith.constant 80 : i32
      %mul3A_161 = arith.muli %add3A_141, %mul3A_160 : i32
      %add3A_162 = arith.addi %mul3A_2, %mul3A_161 : i32
      %dma_start3A_163 = arith.constant 0 : i32
      %dma_start3A_164 = tpu.memref_slice %arg4[%add3A_162, %dma_start3A_163] : memref<320000x16xf32, #tpu.memory_space<hbm>> -> memref<80x16xf32, #tpu.memory_space<hbm>>
      %dma_start3A_165 = arith.constant 0 : i32
      %dma_start3A_166 = tpu.memref_slice %arg4[%add3A_162, %dma_start3A_165] : memref<320000x16xf32, #tpu.memory_space<hbm>> -> memref<80x16xf32, #tpu.memory_space<hbm>>
      tpu.enqueue_dma source(%arg11 : memref<80x16xf32, #tpu.memory_space<vmem>>) target(%dma_start3A_166 : memref<80x16xf32, #tpu.memory_space<hbm>>) target_semaphore(%arg15 : memref<!tpu.dma_semaphore, #tpu.memory_space<semaphore_mem>>)
      %mul3A_167 = arith.constant 4 : i32
      %mul3A_168 = arith.muli %mul3A_167, %scan3A_111 : i32
      %add3A_169 = arith.constant 2 : i32
      %add3A_170 = arith.addi %mul3A_168, %add3A_169 : i32
      %ge3A_171 = arith.constant 2 : i32
      %ge3A_172 = arith.cmpi sge, %add3A_170, %ge3A_171 : i32
      %convert_element_type3A_173 = arith.extui %ge3A_172 : i1 to i32
      %cond3A_174 = arith.constant 0 : i32
      %cond3A_175 = arith.cmpi ne, %convert_element_type3A_173, %cond3A_174 : i32
      scf.if %cond3A_175 {
        %dma_wait3A_226 = arith.constant 0 : i32
        %dma_wait3A_227 = arith.constant 0 : i32
        %dma_wait3A_228 = tpu.memref_slice %arg4[%dma_wait3A_226, %dma_wait3A_227] : memref<320000x16xf32, #tpu.memory_space<hbm>> -> memref<80x16xf32, #tpu.memory_space<hbm>>
        %dma_wait3A_229 = arith.constant 0 : i32
        %dma_wait3A_230 = arith.constant 0 : i32
        %dma_wait3A_231 = tpu.memref_slice %arg4[%dma_wait3A_229, %dma_wait3A_230] : memref<320000x16xf32, #tpu.memory_space<hbm>> -> memref<80x16xf32, #tpu.memory_space<hbm>>
        tpu.wait_dma2 semaphore(%arg15 : memref<!tpu.dma_semaphore, #tpu.memory_space<semaphore_mem>>) src(%arg12 : memref<80x16xf32, #tpu.memory_space<vmem>>) dst(%dma_wait3A_231 : memref<80x16xf32, #tpu.memory_space<hbm>>)
      } else {
      }
      %add3A_176 = arith.constant 2 : i32
      %add3A_177 = arith.addi %add3A_170, %add3A_176 : i32
      %lt3A_178 = arith.constant 125 : i32
      %lt3A_179 = arith.cmpi slt, %add3A_177, %lt3A_178 : i32
      %convert_element_type3A_180 = arith.extui %lt3A_179 : i1 to i32
      %cond3A_181 = arith.constant 0 : i32
      %cond3A_182 = arith.cmpi ne, %convert_element_type3A_180, %cond3A_181 : i32
      scf.if %cond3A_182 {
        %add3A_226 = arith.constant 2 : i32
        %add3A_227 = arith.addi %add3A_170, %add3A_226 : i32
        %mul3A_228 = arith.constant 80 : i32
        %mul3A_229 = arith.muli %add3A_227, %mul3A_228 : i32
        %add3A_230 = arith.constant 0 : i32
        %add3A_231 = arith.addi %mul3A_229, %add3A_230 : i32
        %get3A_232 = arith.index_cast %add3A_231 : i32 to index
        %get3A_233 = tpu.vector_load %arg5[%get3A_232] {strides = array<i32>} : memref<10000xi32, #tpu.memory_space<vmem>>, vector<16xi32>,
        %get3A_234 = vector.shape_cast %get3A_233 : vector<16xi32> to vector<16xi32>
        %swap3A_235 = arith.constant 0 : index
        %swap3A_236 = tpu.vector_load %arg6[%swap3A_235] {strides = array<i32>} : memref<80xi32, #tpu.memory_space<vmem>>, vector<16xi32>,
        %swap3A_237 = vector.shape_cast %swap3A_236 : vector<16xi32> to vector<16xi32>
        %swap3A_238 = vector.shape_cast %get3A_234 : vector<16xi32> to vector<16xi32>
        tpu.vector_store %arg6[%swap3A_235], %swap3A_238 {strides = array<i32>} : memref<80xi32, #tpu.memory_space<vmem>>, vector<16xi32>,
        %mul3A_239 = arith.constant 80 : i32
        %mul3A_240 = arith.muli %add3A_227, %mul3A_239 : i32
        %add3A_241 = arith.constant 16 : i32
        %add3A_242 = arith.addi %mul3A_240, %add3A_241 : i32
        %get3A_243 = arith.index_cast %add3A_242 : i32 to index
        %get3A_244 = tpu.vector_load %arg5[%get3A_243] {strides = array<i32>} : memref<10000xi32, #tpu.memory_space<vmem>>, vector<16xi32>,
        %get3A_245 = vector.shape_cast %get3A_244 : vector<16xi32> to vector<16xi32>
        %swap3A_246 = arith.constant 16 : index
        %swap3A_247 = tpu.vector_load %arg6[%swap3A_246] {strides = array<i32>} : memref<80xi32, #tpu.memory_space<vmem>>, vector<16xi32>,
        %swap3A_248 = vector.shape_cast %swap3A_247 : vector<16xi32> to vector<16xi32>
        %swap3A_249 = vector.shape_cast %get3A_245 : vector<16xi32> to vector<16xi32>
        tpu.vector_store %arg6[%swap3A_246], %swap3A_249 {strides = array<i32>} : memref<80xi32, #tpu.memory_space<vmem>>, vector<16xi32>,
        %mul3A_250 = arith.constant 80 : i32
        %mul3A_251 = arith.muli %add3A_227, %mul3A_250 : i32
        %add3A_252 = arith.constant 32 : i32
        %add3A_253 = arith.addi %mul3A_251, %add3A_252 : i32
        %get3A_254 = arith.index_cast %add3A_253 : i32 to index
        %get3A_255 = tpu.vector_load %arg5[%get3A_254] {strides = array<i32>} : memref<10000xi32, #tpu.memory_space<vmem>>, vector<16xi32>,
        %get3A_256 = vector.shape_cast %get3A_255 : vector<16xi32> to vector<16xi32>
        %swap3A_257 = arith.constant 32 : index
        %swap3A_258 = tpu.vector_load %arg6[%swap3A_257] {strides = array<i32>} : memref<80xi32, #tpu.memory_space<vmem>>, vector<16xi32>,
        %swap3A_259 = vector.shape_cast %swap3A_258 : vector<16xi32> to vector<16xi32>
        %swap3A_260 = vector.shape_cast %get3A_256 : vector<16xi32> to vector<16xi32>
        tpu.vector_store %arg6[%swap3A_257], %swap3A_260 {strides = array<i32>} : memref<80xi32, #tpu.memory_space<vmem>>, vector<16xi32>,
        %mul3A_261 = arith.constant 80 : i32
        %mul3A_262 = arith.muli %add3A_227, %mul3A_261 : i32
        %add3A_263 = arith.constant 48 : i32
        %add3A_264 = arith.addi %mul3A_262, %add3A_263 : i32
        %get3A_265 = arith.index_cast %add3A_264 : i32 to index
        %get3A_266 = tpu.vector_load %arg5[%get3A_265] {strides = array<i32>} : memref<10000xi32, #tpu.memory_space<vmem>>, vector<16xi32>,
        %get3A_267 = vector.shape_cast %get3A_266 : vector<16xi32> to vector<16xi32>
        %swap3A_268 = arith.constant 48 : index
        %swap3A_269 = tpu.vector_load %arg6[%swap3A_268] {strides = array<i32>} : memref<80xi32, #tpu.memory_space<vmem>>, vector<16xi32>,
        %swap3A_270 = vector.shape_cast %swap3A_269 : vector<16xi32> to vector<16xi32>
        %swap3A_271 = vector.shape_cast %get3A_267 : vector<16xi32> to vector<16xi32>
        tpu.vector_store %arg6[%swap3A_268], %swap3A_271 {strides = array<i32>} : memref<80xi32, #tpu.memory_space<vmem>>, vector<16xi32>,
        %mul3A_272 = arith.constant 80 : i32
        %mul3A_273 = arith.muli %add3A_227, %mul3A_272 : i32
        %add3A_274 = arith.constant 64 : i32
        %add3A_275 = arith.addi %mul3A_273, %add3A_274 : i32
        %get3A_276 = arith.index_cast %add3A_275 : i32 to index
        %get3A_277 = tpu.vector_load %arg5[%get3A_276] {strides = array<i32>} : memref<10000xi32, #tpu.memory_space<vmem>>, vector<16xi32>,
        %get3A_278 = vector.shape_cast %get3A_277 : vector<16xi32> to vector<16xi32>
        %swap3A_279 = arith.constant 64 : index
        %swap3A_280 = tpu.vector_load %arg6[%swap3A_279] {strides = array<i32>} : memref<80xi32, #tpu.memory_space<vmem>>, vector<16xi32>,
        %swap3A_281 = vector.shape_cast %swap3A_280 : vector<16xi32> to vector<16xi32>
        %swap3A_282 = vector.shape_cast %get3A_278 : vector<16xi32> to vector<16xi32>
        tpu.vector_store %arg6[%swap3A_279], %swap3A_282 {strides = array<i32>} : memref<80xi32, #tpu.memory_space<vmem>>, vector<16xi32>,
        %dma_start3A_283 = arith.constant 0 : i32
        %dma_start3A_284 = arith.constant 0 : i32
        %dma_start3A_285 = tpu.memref_slice %arg2[%dma_start3A_283, %dma_start3A_284] : memref<10000x16xf32, #tpu.memory_space<hbm>> -> memref<10000x16xf32, #tpu.memory_space<hbm>>
        tpu.enqueue_indirect_dma source(%dma_start3A_285 : memref<10000x16xf32, #tpu.memory_space<hbm>>) target(%arg10 : memref<80x16xf32, #tpu.memory_space<vmem>>) offsets(%arg6 : memref<80xi32, #tpu.memory_space<vmem>>) semaphore(%arg14 : memref<!tpu.dma_semaphore, #tpu.memory_space<semaphore_mem>>)
      } else {
      }
      %dma_wait3A_183 = arith.constant 0 : i32
      %dma_wait3A_184 = arith.constant 0 : i32
      %dma_wait3A_185 = tpu.memref_slice %arg2[%dma_wait3A_183, %dma_wait3A_184] : memref<10000x16xf32, #tpu.memory_space<hbm>> -> memref<80x16xf32, #tpu.memory_space<hbm>>
      %dma_wait3A_186 = arith.constant 0 : i32
      %dma_wait3A_187 = arith.constant 0 : i32
      %dma_wait3A_188 = tpu.memref_slice %arg2[%dma_wait3A_186, %dma_wait3A_187] : memref<10000x16xf32, #tpu.memory_space<hbm>> -> memref<80x16xf32, #tpu.memory_space<hbm>>
      tpu.wait_dma2 semaphore(%arg14 : memref<!tpu.dma_semaphore, #tpu.memory_space<semaphore_mem>>) src(%dma_wait3A_188 : memref<80x16xf32, #tpu.memory_space<hbm>>) dst(%arg12 : memref<80x16xf32, #tpu.memory_space<vmem>>)
      %mul3A_189 = arith.constant 80 : i32
      %mul3A_190 = arith.muli %add3A_170, %mul3A_189 : i32
      %add3A_191 = arith.addi %mul3A_2, %mul3A_190 : i32
      %dma_start3A_192 = arith.constant 0 : i32
      %dma_start3A_193 = tpu.memref_slice %arg4[%add3A_191, %dma_start3A_192] : memref<320000x16xf32, #tpu.memory_space<hbm>> -> memref<80x16xf32, #tpu.memory_space<hbm>>
      %dma_start3A_194 = arith.constant 0 : i32
      %dma_start3A_195 = tpu.memref_slice %arg4[%add3A_191, %dma_start3A_194] : memref<320000x16xf32, #tpu.memory_space<hbm>> -> memref<80x16xf32, #tpu.memory_space<hbm>>
      tpu.enqueue_dma source(%arg12 : memref<80x16xf32, #tpu.memory_space<vmem>>) target(%dma_start3A_195 : memref<80x16xf32, #tpu.memory_space<hbm>>) target_semaphore(%arg15 : memref<!tpu.dma_semaphore, #tpu.memory_space<semaphore_mem>>)
      %mul3A_196 = arith.constant 4 : i32
      %mul3A_197 = arith.muli %mul3A_196, %scan3A_111 : i32
      %add3A_198 = arith.constant 3 : i32
      %add3A_199 = arith.addi %mul3A_197, %add3A_198 : i32
      %ge3A_200 = arith.constant 2 : i32
      %ge3A_201 = arith.cmpi sge, %add3A_199, %ge3A_200 : i32
      %convert_element_type3A_202 = arith.extui %ge3A_201 : i1 to i32
      %cond3A_203 = arith.constant 0 : i32
      %cond3A_204 = arith.cmpi ne, %convert_element_type3A_202, %cond3A_203 : i32
      scf.if %cond3A_204 {
        %dma_wait3A_226 = arith.constant 0 : i32
        %dma_wait3A_227 = arith.constant 0 : i32
        %dma_wait3A_228 = tpu.memref_slice %arg4[%dma_wait3A_226, %dma_wait3A_227] : memref<320000x16xf32, #tpu.memory_space<hbm>> -> memref<80x16xf32, #tpu.memory_space<hbm>>
        %dma_wait3A_229 = arith.constant 0 : i32
        %dma_wait3A_230 = arith.constant 0 : i32
        %dma_wait3A_231 = tpu.memref_slice %arg4[%dma_wait3A_229, %dma_wait3A_230] : memref<320000x16xf32, #tpu.memory_space<hbm>> -> memref<80x16xf32, #tpu.memory_space<hbm>>
        tpu.wait_dma2 semaphore(%arg15 : memref<!tpu.dma_semaphore, #tpu.memory_space<semaphore_mem>>) src(%arg13 : memref<80x16xf32, #tpu.memory_space<vmem>>) dst(%dma_wait3A_231 : memref<80x16xf32, #tpu.memory_space<hbm>>)
      } else {
      }
      %add3A_205 = arith.constant 2 : i32
      %add3A_206 = arith.addi %add3A_199, %add3A_205 : i32
      %lt3A_207 = arith.constant 125 : i32
      %lt3A_208 = arith.cmpi slt, %add3A_206, %lt3A_207 : i32
      %convert_element_type3A_209 = arith.extui %lt3A_208 : i1 to i32
      %cond3A_210 = arith.constant 0 : i32
      %cond3A_211 = arith.cmpi ne, %convert_element_type3A_209, %cond3A_210 : i32
      scf.if %cond3A_211 {
        %add3A_226 = arith.constant 2 : i32
        %add3A_227 = arith.addi %add3A_199, %add3A_226 : i32
        %mul3A_228 = arith.constant 80 : i32
        %mul3A_229 = arith.muli %add3A_227, %mul3A_228 : i32
        %add3A_230 = arith.constant 0 : i32
        %add3A_231 = arith.addi %mul3A_229, %add3A_230 : i32
        %get3A_232 = arith.index_cast %add3A_231 : i32 to index
        %get3A_233 = tpu.vector_load %arg5[%get3A_232] {strides = array<i32>} : memref<10000xi32, #tpu.memory_space<vmem>>, vector<16xi32>,
        %get3A_234 = vector.shape_cast %get3A_233 : vector<16xi32> to vector<16xi32>
        %swap3A_235 = arith.constant 0 : index
        %swap3A_236 = tpu.vector_load %arg7[%swap3A_235] {strides = array<i32>} : memref<80xi32, #tpu.memory_space<vmem>>, vector<16xi32>,
        %swap3A_237 = vector.shape_cast %swap3A_236 : vector<16xi32> to vector<16xi32>
        %swap3A_238 = vector.shape_cast %get3A_234 : vector<16xi32> to vector<16xi32>
        tpu.vector_store %arg7[%swap3A_235], %swap3A_238 {strides = array<i32>} : memref<80xi32, #tpu.memory_space<vmem>>, vector<16xi32>,
        %mul3A_239 = arith.constant 80 : i32
        %mul3A_240 = arith.muli %add3A_227, %mul3A_239 : i32
        %add3A_241 = arith.constant 16 : i32
        %add3A_242 = arith.addi %mul3A_240, %add3A_241 : i32
        %get3A_243 = arith.index_cast %add3A_242 : i32 to index
        %get3A_244 = tpu.vector_load %arg5[%get3A_243] {strides = array<i32>} : memref<10000xi32, #tpu.memory_space<vmem>>, vector<16xi32>,
        %get3A_245 = vector.shape_cast %get3A_244 : vector<16xi32> to vector<16xi32>
        %swap3A_246 = arith.constant 16 : index
        %swap3A_247 = tpu.vector_load %arg7[%swap3A_246] {strides = array<i32>} : memref<80xi32, #tpu.memory_space<vmem>>, vector<16xi32>,
        %swap3A_248 = vector.shape_cast %swap3A_247 : vector<16xi32> to vector<16xi32>
        %swap3A_249 = vector.shape_cast %get3A_245 : vector<16xi32> to vector<16xi32>
        tpu.vector_store %arg7[%swap3A_246], %swap3A_249 {strides = array<i32>} : memref<80xi32, #tpu.memory_space<vmem>>, vector<16xi32>,
        %mul3A_250 = arith.constant 80 : i32
        %mul3A_251 = arith.muli %add3A_227, %mul3A_250 : i32
        %add3A_252 = arith.constant 32 : i32
        %add3A_253 = arith.addi %mul3A_251, %add3A_252 : i32
        %get3A_254 = arith.index_cast %add3A_253 : i32 to index
        %get3A_255 = tpu.vector_load %arg5[%get3A_254] {strides = array<i32>} : memref<10000xi32, #tpu.memory_space<vmem>>, vector<16xi32>,
        %get3A_256 = vector.shape_cast %get3A_255 : vector<16xi32> to vector<16xi32>
        %swap3A_257 = arith.constant 32 : index
        %swap3A_258 = tpu.vector_load %arg7[%swap3A_257] {strides = array<i32>} : memref<80xi32, #tpu.memory_space<vmem>>, vector<16xi32>,
        %swap3A_259 = vector.shape_cast %swap3A_258 : vector<16xi32> to vector<16xi32>
        %swap3A_260 = vector.shape_cast %get3A_256 : vector<16xi32> to vector<16xi32>
        tpu.vector_store %arg7[%swap3A_257], %swap3A_260 {strides = array<i32>} : memref<80xi32, #tpu.memory_space<vmem>>, vector<16xi32>,
        %mul3A_261 = arith.constant 80 : i32
        %mul3A_262 = arith.muli %add3A_227, %mul3A_261 : i32
        %add3A_263 = arith.constant 48 : i32
        %add3A_264 = arith.addi %mul3A_262, %add3A_263 : i32
        %get3A_265 = arith.index_cast %add3A_264 : i32 to index
        %get3A_266 = tpu.vector_load %arg5[%get3A_265] {strides = array<i32>} : memref<10000xi32, #tpu.memory_space<vmem>>, vector<16xi32>,
        %get3A_267 = vector.shape_cast %get3A_266 : vector<16xi32> to vector<16xi32>
        %swap3A_268 = arith.constant 48 : index
        %swap3A_269 = tpu.vector_load %arg7[%swap3A_268] {strides = array<i32>} : memref<80xi32, #tpu.memory_space<vmem>>, vector<16xi32>,
        %swap3A_270 = vector.shape_cast %swap3A_269 : vector<16xi32> to vector<16xi32>
        %swap3A_271 = vector.shape_cast %get3A_267 : vector<16xi32> to vector<16xi32>
        tpu.vector_store %arg7[%swap3A_268], %swap3A_271 {strides = array<i32>} : memref<80xi32, #tpu.memory_space<vmem>>, vector<16xi32>,
        %mul3A_272 = arith.constant 80 : i32
        %mul3A_273 = arith.muli %add3A_227, %mul3A_272 : i32
        %add3A_274 = arith.constant 64 : i32
        %add3A_275 = arith.addi %mul3A_273, %add3A_274 : i32
        %get3A_276 = arith.index_cast %add3A_275 : i32 to index
        %get3A_277 = tpu.vector_load %arg5[%get3A_276] {strides = array<i32>} : memref<10000xi32, #tpu.memory_space<vmem>>, vector<16xi32>,
        %get3A_278 = vector.shape_cast %get3A_277 : vector<16xi32> to vector<16xi32>
        %swap3A_279 = arith.constant 64 : index
        %swap3A_280 = tpu.vector_load %arg7[%swap3A_279] {strides = array<i32>} : memref<80xi32, #tpu.memory_space<vmem>>, vector<16xi32>,
        %swap3A_281 = vector.shape_cast %swap3A_280 : vector<16xi32> to vector<16xi32>
        %swap3A_282 = vector.shape_cast %get3A_278 : vector<16xi32> to vector<16xi32>
        tpu.vector_store %arg7[%swap3A_279], %swap3A_282 {strides = array<i32>} : memref<80xi32, #tpu.memory_space<vmem>>, vector<16xi32>,
        %dma_start3A_283 = arith.constant 0 : i32
        %dma_start3A_284 = arith.constant 0 : i32
        %dma_start3A_285 = tpu.memref_slice %arg2[%dma_start3A_283, %dma_start3A_284] : memref<10000x16xf32, #tpu.memory_space<hbm>> -> memref<10000x16xf32, #tpu.memory_space<hbm>>
        tpu.enqueue_indirect_dma source(%dma_start3A_285 : memref<10000x16xf32, #tpu.memory_space<hbm>>) target(%arg11 : memref<80x16xf32, #tpu.memory_space<vmem>>) offsets(%arg7 : memref<80xi32, #tpu.memory_space<vmem>>) semaphore(%arg14 : memref<!tpu.dma_semaphore, #tpu.memory_space<semaphore_mem>>)
      } else {
      }
      %dma_wait3A_212 = arith.constant 0 : i32
      %dma_wait3A_213 = arith.constant 0 : i32
      %dma_wait3A_214 = tpu.memref_slice %arg2[%dma_wait3A_212, %dma_wait3A_213] : memref<10000x16xf32, #tpu.memory_space<hbm>> -> memref<80x16xf32, #tpu.memory_space<hbm>>
      %dma_wait3A_215 = arith.constant 0 : i32
      %dma_wait3A_216 = arith.constant 0 : i32
      %dma_wait3A_217 = tpu.memref_slice %arg2[%dma_wait3A_215, %dma_wait3A_216] : memref<10000x16xf32, #tpu.memory_space<hbm>> -> memref<80x16xf32, #tpu.memory_space<hbm>>
      tpu.wait_dma2 semaphore(%arg14 : memref<!tpu.dma_semaphore, #tpu.memory_space<semaphore_mem>>) src(%dma_wait3A_217 : memref<80x16xf32, #tpu.memory_space<hbm>>) dst(%arg13 : memref<80x16xf32, #tpu.memory_space<vmem>>)
      %mul3A_218 = arith.constant 80 : i32
      %mul3A_219 = arith.muli %add3A_199, %mul3A_218 : i32
      %add3A_220 = arith.addi %mul3A_2, %mul3A_219 : i32
      %dma_start3A_221 = arith.constant 0 : i32
      %dma_start3A_222 = tpu.memref_slice %arg4[%add3A_220, %dma_start3A_221] : memref<320000x16xf32, #tpu.memory_space<hbm>> -> memref<80x16xf32, #tpu.memory_space<hbm>>
      %dma_start3A_223 = arith.constant 0 : i32
      %dma_start3A_224 = tpu.memref_slice %arg4[%add3A_220, %dma_start3A_223] : memref<320000x16xf32, #tpu.memory_space<hbm>> -> memref<80x16xf32, #tpu.memory_space<hbm>>
      tpu.enqueue_dma source(%arg13 : memref<80x16xf32, #tpu.memory_space<vmem>>) target(%dma_start3A_224 : memref<80x16xf32, #tpu.memory_space<hbm>>) target_semaphore(%arg15 : memref<!tpu.dma_semaphore, #tpu.memory_space<semaphore_mem>>)
      %scan3A_225 = arith.constant 0 : i32
      scf.yield %scan3A_225 : i32
    }
    %scan3A_81 = arith.constant 31 : i32
    %dma_wait3A = arith.constant 0 : i32
    %dma_wait3A_82 = arith.constant 0 : i32
    %dma_wait3A_83 = tpu.memref_slice %arg2[%dma_wait3A, %dma_wait3A_82] : memref<10000x16xf32, #tpu.memory_space<hbm>> -> memref<80x16xf32, #tpu.memory_space<hbm>>
    %dma_wait3A_84 = arith.constant 0 : i32
    %dma_wait3A_85 = arith.constant 0 : i32
    %dma_wait3A_86 = tpu.memref_slice %arg2[%dma_wait3A_84, %dma_wait3A_85] : memref<10000x16xf32, #tpu.memory_space<hbm>> -> memref<80x16xf32, #tpu.memory_space<hbm>>
    tpu.wait_dma2 semaphore(%arg14 : memref<!tpu.dma_semaphore, #tpu.memory_space<semaphore_mem>>) src(%dma_wait3A_86 : memref<80x16xf32, #tpu.memory_space<hbm>>) dst(%arg10 : memref<80x16xf32, #tpu.memory_space<vmem>>)
    %add3A_87 = arith.constant 9920 : i32
    %add3A_88 = arith.addi %mul3A_2, %add3A_87 : i32
    %dma_start3A_89 = arith.constant 0 : i32
    %dma_start3A_90 = tpu.memref_slice %arg4[%add3A_88, %dma_start3A_89] : memref<320000x16xf32, #tpu.memory_space<hbm>> -> memref<80x16xf32, #tpu.memory_space<hbm>>
    %dma_start3A_91 = arith.constant 0 : i32
    %dma_start3A_92 = tpu.memref_slice %arg4[%add3A_88, %dma_start3A_91] : memref<320000x16xf32, #tpu.memory_space<hbm>> -> memref<80x16xf32, #tpu.memory_space<hbm>>
    tpu.enqueue_dma source(%arg10 : memref<80x16xf32, #tpu.memory_space<vmem>>) target(%dma_start3A_92 : memref<80x16xf32, #tpu.memory_space<hbm>>) target_semaphore(%arg15 : memref<!tpu.dma_semaphore, #tpu.memory_space<semaphore_mem>>)
    %dma_wait3A_93 = arith.constant 0 : i32
    %dma_wait3A_94 = arith.constant 0 : i32
    %dma_wait3A_95 = tpu.memref_slice %arg4[%dma_wait3A_93, %dma_wait3A_94] : memref<320000x16xf32, #tpu.memory_space<hbm>> -> memref<80x16xf32, #tpu.memory_space<hbm>>
    %dma_wait3A_96 = arith.constant 0 : i32
    %dma_wait3A_97 = arith.constant 0 : i32
    %dma_wait3A_98 = tpu.memref_slice %arg4[%dma_wait3A_96, %dma_wait3A_97] : memref<320000x16xf32, #tpu.memory_space<hbm>> -> memref<80x16xf32, #tpu.memory_space<hbm>>
    tpu.wait_dma2 semaphore(%arg15 : memref<!tpu.dma_semaphore, #tpu.memory_space<semaphore_mem>>) src(%arg12 : memref<80x16xf32, #tpu.memory_space<vmem>>) dst(%dma_wait3A_98 : memref<80x16xf32, #tpu.memory_space<hbm>>)
    %dma_wait3A_99 = arith.constant 0 : i32
    %dma_wait3A_100 = arith.constant 0 : i32
    %dma_wait3A_101 = tpu.memref_slice %arg4[%dma_wait3A_99, %dma_wait3A_100] : memref<320000x16xf32, #tpu.memory_space<hbm>> -> memref<80x16xf32, #tpu.memory_space<hbm>>
    %dma_wait3A_102 = arith.constant 0 : i32
    %dma_wait3A_103 = arith.constant 0 : i32
    %dma_wait3A_104 = tpu.memref_slice %arg4[%dma_wait3A_102, %dma_wait3A_103] : memref<320000x16xf32, #tpu.memory_space<hbm>> -> memref<80x16xf32, #tpu.memory_space<hbm>>
    tpu.wait_dma2 semaphore(%arg15 : memref<!tpu.dma_semaphore, #tpu.memory_space<semaphore_mem>>) src(%arg13 : memref<80x16xf32, #tpu.memory_space<vmem>>) dst(%dma_wait3A_104 : memref<80x16xf32, #tpu.memory_space<hbm>>)
    %dma_wait3A_105 = arith.constant 0 : i32
    %dma_wait3A_106 = arith.constant 0 : i32
    %dma_wait3A_107 = tpu.memref_slice %arg4[%dma_wait3A_105, %dma_wait3A_106] : memref<320000x16xf32, #tpu.memory_space<hbm>> -> memref<80x16xf32, #tpu.memory_space<hbm>>
    %dma_wait3A_108 = arith.constant 0 : i32
    %dma_wait3A_109 = arith.constant 0 : i32
    %dma_wait3A_110 = tpu.memref_slice %arg4[%dma_wait3A_108, %dma_wait3A_109] : memref<320000x16xf32, #tpu.memory_space<hbm>> -> memref<80x16xf32, #tpu.memory_space<hbm>>
    tpu.wait_dma2 semaphore(%arg15 : memref<!tpu.dma_semaphore, #tpu.memory_space<semaphore_mem>>) src(%arg10 : memref<80x16xf32, #tpu.memory_space<vmem>>) dst(%dma_wait3A_110 : memref<80x16xf32, #tpu.memory_space<hbm>>)
    return
  }
}

#map = affine_map<(d0, d1) -> (0)>
#map1 = affine_map<(d0, d1) -> (0, 0, 0)>
module attributes {stable_mosaic.version = 14 : i64} {
  func.func @_sc_counts(%arg0: i32, %arg1: i32, %arg2: memref<320000xi32, #tpu.memory_space<hbm>>, %arg3: memref<2x10240x16xf32, #tpu.memory_space<hbm>>, %arg4: memref<10000xi32, #tpu.memory_space<vmem>>, %arg5: memref<80xi32, #tpu.memory_space<vmem>>, %arg6: memref<80x16xf32, #tpu.memory_space<vmem>>, %arg7: memref<640x16xf32, #tpu.memory_space<vmem>>, %arg8: memref<10240x16xf32, #tpu.memory_space<vmem_shared>>) attributes {dimension_semantics = [#tpu.dimension_semantics<core_parallel>, #tpu.dimension_semantics<subcore_parallel>], iteration_bounds = array<i64: 2, 16>, scalar_prefetch = 0 : i64, scratch_operands = 5 : i64, tpu.core_type = #tpu.core_type<sc_vector_subcore>, window_params = [{transform_indices = #map}, {transform_indices = #map1}]} {
    %mul3A = arith.constant 2 : i32
    %mul3A_0 = arith.muli %arg1, %mul3A : i32
    %add3A = arith.addi %mul3A_0, %arg0 : i32
    %scan3A = arith.constant 0 : i32
    %scan3A_1 = arith.constant 0 : i32
    %scan3A_2 = arith.constant 80 : i32
    %scan3A_3 = arith.addi %scan3A_1, %scan3A_2 : i32
    %scan3A_4 = arith.constant 8 : i32
    %scan3A_5 = scf.for %scan3A_30 = %scan3A_1 to %scan3A_3 step %scan3A_4 iter_args(%scan3A_31 = %scan3A) -> (i32)  : i32 {
      %broadcast_in_dim3A = arith.constant 1.000000e+00 : f32
      %broadcast_in_dim3A_32 = vector.broadcast %broadcast_in_dim3A : f32 to vector<16xf32>
      %swap3A = arith.index_cast %scan3A_30 : i32 to index
      %swap3A_33 = arith.constant 0 : index
      %swap3A_34 = tpu.vector_load %arg6[%swap3A, %swap3A_33] {strides = array<i32>} : memref<80x16xf32, #tpu.memory_space<vmem>>, vector<1x16xf32>,
      %swap3A_35 = vector.shape_cast %swap3A_34 : vector<1x16xf32> to vector<16xf32>
      %swap3A_36 = vector.shape_cast %broadcast_in_dim3A_32 : vector<16xf32> to vector<1x16xf32>
      tpu.vector_store %arg6[%swap3A, %swap3A_33], %swap3A_36 {strides = array<i32>} : memref<80x16xf32, #tpu.memory_space<vmem>>, vector<1x16xf32>,
      %scan3A_37 = arith.constant 0 : i32
      %scan3A_38 = arith.constant 1 : i32
      %scan3A_39 = arith.addi %scan3A_30, %scan3A_38 : i32
      %broadcast_in_dim3A_40 = arith.constant 1.000000e+00 : f32
      %broadcast_in_dim3A_41 = vector.broadcast %broadcast_in_dim3A_40 : f32 to vector<16xf32>
      %swap3A_42 = arith.index_cast %scan3A_39 : i32 to index
      %swap3A_43 = arith.constant 0 : index
      %swap3A_44 = tpu.vector_load %arg6[%swap3A_42, %swap3A_43] {strides = array<i32>} : memref<80x16xf32, #tpu.memory_space<vmem>>, vector<1x16xf32>,
      %swap3A_45 = vector.shape_cast %swap3A_44 : vector<1x16xf32> to vector<16xf32>
      %swap3A_46 = vector.shape_cast %broadcast_in_dim3A_41 : vector<16xf32> to vector<1x16xf32>
      tpu.vector_store %arg6[%swap3A_42, %swap3A_43], %swap3A_46 {strides = array<i32>} : memref<80x16xf32, #tpu.memory_space<vmem>>, vector<1x16xf32>,
      %scan3A_47 = arith.constant 0 : i32
      %scan3A_48 = arith.constant 2 : i32
      %scan3A_49 = arith.addi %scan3A_30, %scan3A_48 : i32
      %broadcast_in_dim3A_50 = arith.constant 1.000000e+00 : f32
      %broadcast_in_dim3A_51 = vector.broadcast %broadcast_in_dim3A_50 : f32 to vector<16xf32>
      %swap3A_52 = arith.index_cast %scan3A_49 : i32 to index
      %swap3A_53 = arith.constant 0 : index
      %swap3A_54 = tpu.vector_load %arg6[%swap3A_52, %swap3A_53] {strides = array<i32>} : memref<80x16xf32, #tpu.memory_space<vmem>>, vector<1x16xf32>,
      %swap3A_55 = vector.shape_cast %swap3A_54 : vector<1x16xf32> to vector<16xf32>
      %swap3A_56 = vector.shape_cast %broadcast_in_dim3A_51 : vector<16xf32> to vector<1x16xf32>
      tpu.vector_store %arg6[%swap3A_52, %swap3A_53], %swap3A_56 {strides = array<i32>} : memref<80x16xf32, #tpu.memory_space<vmem>>, vector<1x16xf32>,
      %scan3A_57 = arith.constant 0 : i32
      %scan3A_58 = arith.constant 3 : i32
      %scan3A_59 = arith.addi %scan3A_30, %scan3A_58 : i32
      %broadcast_in_dim3A_60 = arith.constant 1.000000e+00 : f32
      %broadcast_in_dim3A_61 = vector.broadcast %broadcast_in_dim3A_60 : f32 to vector<16xf32>
      %swap3A_62 = arith.index_cast %scan3A_59 : i32 to index
      %swap3A_63 = arith.constant 0 : index
      %swap3A_64 = tpu.vector_load %arg6[%swap3A_62, %swap3A_63] {strides = array<i32>} : memref<80x16xf32, #tpu.memory_space<vmem>>, vector<1x16xf32>,
      %swap3A_65 = vector.shape_cast %swap3A_64 : vector<1x16xf32> to vector<16xf32>
      %swap3A_66 = vector.shape_cast %broadcast_in_dim3A_61 : vector<16xf32> to vector<1x16xf32>
      tpu.vector_store %arg6[%swap3A_62, %swap3A_63], %swap3A_66 {strides = array<i32>} : memref<80x16xf32, #tpu.memory_space<vmem>>, vector<1x16xf32>,
      %scan3A_67 = arith.constant 0 : i32
      %scan3A_68 = arith.constant 4 : i32
      %scan3A_69 = arith.addi %scan3A_30, %scan3A_68 : i32
      %broadcast_in_dim3A_70 = arith.constant 1.000000e+00 : f32
      %broadcast_in_dim3A_71 = vector.broadcast %broadcast_in_dim3A_70 : f32 to vector<16xf32>
      %swap3A_72 = arith.index_cast %scan3A_69 : i32 to index
      %swap3A_73 = arith.constant 0 : index
      %swap3A_74 = tpu.vector_load %arg6[%swap3A_72, %swap3A_73] {strides = array<i32>} : memref<80x16xf32, #tpu.memory_space<vmem>>, vector<1x16xf32>,
      %swap3A_75 = vector.shape_cast %swap3A_74 : vector<1x16xf32> to vector<16xf32>
      %swap3A_76 = vector.shape_cast %broadcast_in_dim3A_71 : vector<16xf32> to vector<1x16xf32>
      tpu.vector_store %arg6[%swap3A_72, %swap3A_73], %swap3A_76 {strides = array<i32>} : memref<80x16xf32, #tpu.memory_space<vmem>>, vector<1x16xf32>,
      %scan3A_77 = arith.constant 0 : i32
      %scan3A_78 = arith.constant 5 : i32
      %scan3A_79 = arith.addi %scan3A_30, %scan3A_78 : i32
      %broadcast_in_dim3A_80 = arith.constant 1.000000e+00 : f32
      %broadcast_in_dim3A_81 = vector.broadcast %broadcast_in_dim3A_80 : f32 to vector<16xf32>
      %swap3A_82 = arith.index_cast %scan3A_79 : i32 to index
      %swap3A_83 = arith.constant 0 : index
      %swap3A_84 = tpu.vector_load %arg6[%swap3A_82, %swap3A_83] {strides = array<i32>} : memref<80x16xf32, #tpu.memory_space<vmem>>, vector<1x16xf32>,
      %swap3A_85 = vector.shape_cast %swap3A_84 : vector<1x16xf32> to vector<16xf32>
      %swap3A_86 = vector.shape_cast %broadcast_in_dim3A_81 : vector<16xf32> to vector<1x16xf32>
      tpu.vector_store %arg6[%swap3A_82, %swap3A_83], %swap3A_86 {strides = array<i32>} : memref<80x16xf32, #tpu.memory_space<vmem>>, vector<1x16xf32>,
      %scan3A_87 = arith.constant 0 : i32
      %scan3A_88 = arith.constant 6 : i32
      %scan3A_89 = arith.addi %scan3A_30, %scan3A_88 : i32
      %broadcast_in_dim3A_90 = arith.constant 1.000000e+00 : f32
      %broadcast_in_dim3A_91 = vector.broadcast %broadcast_in_dim3A_90 : f32 to vector<16xf32>
      %swap3A_92 = arith.index_cast %scan3A_89 : i32 to index
      %swap3A_93 = arith.constant 0 : index
      %swap3A_94 = tpu.vector_load %arg6[%swap3A_92, %swap3A_93] {strides = array<i32>} : memref<80x16xf32, #tpu.memory_space<vmem>>, vector<1x16xf32>,
      %swap3A_95 = vector.shape_cast %swap3A_94 : vector<1x16xf32> to vector<16xf32>
      %swap3A_96 = vector.shape_cast %broadcast_in_dim3A_91 : vector<16xf32> to vector<1x16xf32>
      tpu.vector_store %arg6[%swap3A_92, %swap3A_93], %swap3A_96 {strides = array<i32>} : memref<80x16xf32, #tpu.memory_space<vmem>>, vector<1x16xf32>,
      %scan3A_97 = arith.constant 0 : i32
      %scan3A_98 = arith.constant 7 : i32
      %scan3A_99 = arith.addi %scan3A_30, %scan3A_98 : i32
      %broadcast_in_dim3A_100 = arith.constant 1.000000e+00 : f32
      %broadcast_in_dim3A_101 = vector.broadcast %broadcast_in_dim3A_100 : f32 to vector<16xf32>
      %swap3A_102 = arith.index_cast %scan3A_99 : i32 to index
      %swap3A_103 = arith.constant 0 : index
      %swap3A_104 = tpu.vector_load %arg6[%swap3A_102, %swap3A_103] {strides = array<i32>} : memref<80x16xf32, #tpu.memory_space<vmem>>, vector<1x16xf32>,
      %swap3A_105 = vector.shape_cast %swap3A_104 : vector<1x16xf32> to vector<16xf32>
      %swap3A_106 = vector.shape_cast %broadcast_in_dim3A_101 : vector<16xf32> to vector<1x16xf32>
      tpu.vector_store %arg6[%swap3A_102, %swap3A_103], %swap3A_106 {strides = array<i32>} : memref<80x16xf32, #tpu.memory_space<vmem>>, vector<1x16xf32>,
      %scan3A_107 = arith.constant 0 : i32
      scf.yield %scan3A_107 : i32
    }
    %scan3A_6 = arith.constant 80 : i32
    %scan3A_7 = arith.constant 0 : i32
    %scan3A_8 = arith.constant 0 : i32
    %scan3A_9 = arith.constant 640 : i32
    %scan3A_10 = arith.addi %scan3A_8, %scan3A_9 : i32
    %scan3A_11 = arith.constant 8 : i32
    %scan3A_12 = scf.for %scan3A_30 = %scan3A_8 to %scan3A_10 step %scan3A_11 iter_args(%scan3A_31 = %scan3A_7) -> (i32)  : i32 {
      %broadcast_in_dim3A = arith.constant 0.000000e+00 : f32
      %broadcast_in_dim3A_32 = vector.broadcast %broadcast_in_dim3A : f32 to vector<16xf32>
      %swap3A = arith.index_cast %scan3A_30 : i32 to index
      %swap3A_33 = arith.constant 0 : index
      %swap3A_34 = tpu.vector_load %arg7[%swap3A, %swap3A_33] {strides = array<i32>} : memref<640x16xf32, #tpu.memory_space<vmem>>, vector<1x16xf32>,
      %swap3A_35 = vector.shape_cast %swap3A_34 : vector<1x16xf32> to vector<16xf32>
      %swap3A_36 = vector.shape_cast %broadcast_in_dim3A_32 : vector<16xf32> to vector<1x16xf32>
      tpu.vector_store %arg7[%swap3A, %swap3A_33], %swap3A_36 {strides = array<i32>} : memref<640x16xf32, #tpu.memory_space<vmem>>, vector<1x16xf32>,
      %scan3A_37 = arith.constant 0 : i32
      %scan3A_38 = arith.constant 1 : i32
      %scan3A_39 = arith.addi %scan3A_30, %scan3A_38 : i32
      %broadcast_in_dim3A_40 = arith.constant 0.000000e+00 : f32
      %broadcast_in_dim3A_41 = vector.broadcast %broadcast_in_dim3A_40 : f32 to vector<16xf32>
      %swap3A_42 = arith.index_cast %scan3A_39 : i32 to index
      %swap3A_43 = arith.constant 0 : index
      %swap3A_44 = tpu.vector_load %arg7[%swap3A_42, %swap3A_43] {strides = array<i32>} : memref<640x16xf32, #tpu.memory_space<vmem>>, vector<1x16xf32>,
      %swap3A_45 = vector.shape_cast %swap3A_44 : vector<1x16xf32> to vector<16xf32>
      %swap3A_46 = vector.shape_cast %broadcast_in_dim3A_41 : vector<16xf32> to vector<1x16xf32>
      tpu.vector_store %arg7[%swap3A_42, %swap3A_43], %swap3A_46 {strides = array<i32>} : memref<640x16xf32, #tpu.memory_space<vmem>>, vector<1x16xf32>,
      %scan3A_47 = arith.constant 0 : i32
      %scan3A_48 = arith.constant 2 : i32
      %scan3A_49 = arith.addi %scan3A_30, %scan3A_48 : i32
      %broadcast_in_dim3A_50 = arith.constant 0.000000e+00 : f32
      %broadcast_in_dim3A_51 = vector.broadcast %broadcast_in_dim3A_50 : f32 to vector<16xf32>
      %swap3A_52 = arith.index_cast %scan3A_49 : i32 to index
      %swap3A_53 = arith.constant 0 : index
      %swap3A_54 = tpu.vector_load %arg7[%swap3A_52, %swap3A_53] {strides = array<i32>} : memref<640x16xf32, #tpu.memory_space<vmem>>, vector<1x16xf32>,
      %swap3A_55 = vector.shape_cast %swap3A_54 : vector<1x16xf32> to vector<16xf32>
      %swap3A_56 = vector.shape_cast %broadcast_in_dim3A_51 : vector<16xf32> to vector<1x16xf32>
      tpu.vector_store %arg7[%swap3A_52, %swap3A_53], %swap3A_56 {strides = array<i32>} : memref<640x16xf32, #tpu.memory_space<vmem>>, vector<1x16xf32>,
      %scan3A_57 = arith.constant 0 : i32
      %scan3A_58 = arith.constant 3 : i32
      %scan3A_59 = arith.addi %scan3A_30, %scan3A_58 : i32
      %broadcast_in_dim3A_60 = arith.constant 0.000000e+00 : f32
      %broadcast_in_dim3A_61 = vector.broadcast %broadcast_in_dim3A_60 : f32 to vector<16xf32>
      %swap3A_62 = arith.index_cast %scan3A_59 : i32 to index
      %swap3A_63 = arith.constant 0 : index
      %swap3A_64 = tpu.vector_load %arg7[%swap3A_62, %swap3A_63] {strides = array<i32>} : memref<640x16xf32, #tpu.memory_space<vmem>>, vector<1x16xf32>,
      %swap3A_65 = vector.shape_cast %swap3A_64 : vector<1x16xf32> to vector<16xf32>
      %swap3A_66 = vector.shape_cast %broadcast_in_dim3A_61 : vector<16xf32> to vector<1x16xf32>
      tpu.vector_store %arg7[%swap3A_62, %swap3A_63], %swap3A_66 {strides = array<i32>} : memref<640x16xf32, #tpu.memory_space<vmem>>, vector<1x16xf32>,
      %scan3A_67 = arith.constant 0 : i32
      %scan3A_68 = arith.constant 4 : i32
      %scan3A_69 = arith.addi %scan3A_30, %scan3A_68 : i32
      %broadcast_in_dim3A_70 = arith.constant 0.000000e+00 : f32
      %broadcast_in_dim3A_71 = vector.broadcast %broadcast_in_dim3A_70 : f32 to vector<16xf32>
      %swap3A_72 = arith.index_cast %scan3A_69 : i32 to index
      %swap3A_73 = arith.constant 0 : index
      %swap3A_74 = tpu.vector_load %arg7[%swap3A_72, %swap3A_73] {strides = array<i32>} : memref<640x16xf32, #tpu.memory_space<vmem>>, vector<1x16xf32>,
      %swap3A_75 = vector.shape_cast %swap3A_74 : vector<1x16xf32> to vector<16xf32>
      %swap3A_76 = vector.shape_cast %broadcast_in_dim3A_71 : vector<16xf32> to vector<1x16xf32>
      tpu.vector_store %arg7[%swap3A_72, %swap3A_73], %swap3A_76 {strides = array<i32>} : memref<640x16xf32, #tpu.memory_space<vmem>>, vector<1x16xf32>,
      %scan3A_77 = arith.constant 0 : i32
      %scan3A_78 = arith.constant 5 : i32
      %scan3A_79 = arith.addi %scan3A_30, %scan3A_78 : i32
      %broadcast_in_dim3A_80 = arith.constant 0.000000e+00 : f32
      %broadcast_in_dim3A_81 = vector.broadcast %broadcast_in_dim3A_80 : f32 to vector<16xf32>
      %swap3A_82 = arith.index_cast %scan3A_79 : i32 to index
      %swap3A_83 = arith.constant 0 : index
      %swap3A_84 = tpu.vector_load %arg7[%swap3A_82, %swap3A_83] {strides = array<i32>} : memref<640x16xf32, #tpu.memory_space<vmem>>, vector<1x16xf32>,
      %swap3A_85 = vector.shape_cast %swap3A_84 : vector<1x16xf32> to vector<16xf32>
      %swap3A_86 = vector.shape_cast %broadcast_in_dim3A_81 : vector<16xf32> to vector<1x16xf32>
      tpu.vector_store %arg7[%swap3A_82, %swap3A_83], %swap3A_86 {strides = array<i32>} : memref<640x16xf32, #tpu.memory_space<vmem>>, vector<1x16xf32>,
      %scan3A_87 = arith.constant 0 : i32
      %scan3A_88 = arith.constant 6 : i32
      %scan3A_89 = arith.addi %scan3A_30, %scan3A_88 : i32
      %broadcast_in_dim3A_90 = arith.constant 0.000000e+00 : f32
      %broadcast_in_dim3A_91 = vector.broadcast %broadcast_in_dim3A_90 : f32 to vector<16xf32>
      %swap3A_92 = arith.index_cast %scan3A_89 : i32 to index
      %swap3A_93 = arith.constant 0 : index
      %swap3A_94 = tpu.vector_load %arg7[%swap3A_92, %swap3A_93] {strides = array<i32>} : memref<640x16xf32, #tpu.memory_space<vmem>>, vector<1x16xf32>,
      %swap3A_95 = vector.shape_cast %swap3A_94 : vector<1x16xf32> to vector<16xf32>
      %swap3A_96 = vector.shape_cast %broadcast_in_dim3A_91 : vector<16xf32> to vector<1x16xf32>
      tpu.vector_store %arg7[%swap3A_92, %swap3A_93], %swap3A_96 {strides = array<i32>} : memref<640x16xf32, #tpu.memory_space<vmem>>, vector<1x16xf32>,
      %scan3A_97 = arith.constant 0 : i32
      %scan3A_98 = arith.constant 7 : i32
      %scan3A_99 = arith.addi %scan3A_30, %scan3A_98 : i32
      %broadcast_in_dim3A_100 = arith.constant 0.000000e+00 : f32
      %broadcast_in_dim3A_101 = vector.broadcast %broadcast_in_dim3A_100 : f32 to vector<16xf32>
      %swap3A_102 = arith.index_cast %scan3A_99 : i32 to index
      %swap3A_103 = arith.constant 0 : index
      %swap3A_104 = tpu.vector_load %arg7[%swap3A_102, %swap3A_103] {strides = array<i32>} : memref<640x16xf32, #tpu.memory_space<vmem>>, vector<1x16xf32>,
      %swap3A_105 = vector.shape_cast %swap3A_104 : vector<1x16xf32> to vector<16xf32>
      %swap3A_106 = vector.shape_cast %broadcast_in_dim3A_101 : vector<16xf32> to vector<1x16xf32>
      tpu.vector_store %arg7[%swap3A_102, %swap3A_103], %swap3A_106 {strides = array<i32>} : memref<640x16xf32, #tpu.memory_space<vmem>>, vector<1x16xf32>,
      %scan3A_107 = arith.constant 0 : i32
      scf.yield %scan3A_107 : i32
    }
    %scan3A_13 = arith.constant 640 : i32
    %mul3A_14 = arith.constant 640 : i32
    %mul3A_15 = arith.muli %arg1, %mul3A_14 : i32
    "tpu.region"() ({
      %run_scoped3A = tpu.sem_alloc : memref<!tpu.dma_semaphore, #tpu.memory_space<semaphore_mem>>
      %dma_start3A = arith.constant 0 : i32
      %dma_start3A_30 = tpu.memref_slice %arg8[%mul3A_15, %dma_start3A] : memref<10240x16xf32, #tpu.memory_space<vmem_shared>> -> memref<640x16xf32, #tpu.memory_space<vmem_shared>>
      %dma_start3A_31 = arith.constant 0 : i32
      %dma_start3A_32 = tpu.memref_slice %arg8[%mul3A_15, %dma_start3A_31] : memref<10240x16xf32, #tpu.memory_space<vmem_shared>> -> memref<640x16xf32, #tpu.memory_space<vmem_shared>>
      tpu.enqueue_dma source(%arg7 : memref<640x16xf32, #tpu.memory_space<vmem>>) target(%dma_start3A_32 : memref<640x16xf32, #tpu.memory_space<vmem_shared>>) target_semaphore(%run_scoped3A : memref<!tpu.dma_semaphore, #tpu.memory_space<semaphore_mem>>)
      %dma_wait3A = arith.constant 0 : i32
      %dma_wait3A_33 = tpu.memref_slice %arg8[%mul3A_15, %dma_wait3A] : memref<10240x16xf32, #tpu.memory_space<vmem_shared>> -> memref<640x16xf32, #tpu.memory_space<vmem_shared>>
      %dma_wait3A_34 = arith.constant 0 : i32
      %dma_wait3A_35 = tpu.memref_slice %arg8[%mul3A_15, %dma_wait3A_34] : memref<10240x16xf32, #tpu.memory_space<vmem_shared>> -> memref<640x16xf32, #tpu.memory_space<vmem_shared>>
      tpu.wait_dma2 semaphore(%run_scoped3A : memref<!tpu.dma_semaphore, #tpu.memory_space<semaphore_mem>>) src(%arg7 : memref<640x16xf32, #tpu.memory_space<vmem>>) dst(%dma_wait3A_35 : memref<640x16xf32, #tpu.memory_space<vmem_shared>>)
      tpu.yield
    }) : () -> ()
    %mul3A_16 = arith.constant 10000 : i32
    %mul3A_17 = arith.muli %add3A, %mul3A_16 : i32
    "tpu.region"() ({
      %run_scoped3A = tpu.sem_alloc : memref<!tpu.dma_semaphore, #tpu.memory_space<semaphore_mem>>
      %dma_start3A = tpu.memref_slice %arg2[%mul3A_17] : memref<320000xi32, #tpu.memory_space<hbm>> -> memref<10000xi32, #tpu.memory_space<hbm>>
      %dma_start3A_30 = tpu.memref_slice %arg2[%mul3A_17] : memref<320000xi32, #tpu.memory_space<hbm>> -> memref<10000xi32, #tpu.memory_space<hbm>>
      tpu.enqueue_dma source(%dma_start3A_30 : memref<10000xi32, #tpu.memory_space<hbm>>) target(%arg4 : memref<10000xi32, #tpu.memory_space<vmem>>) target_semaphore(%run_scoped3A : memref<!tpu.dma_semaphore, #tpu.memory_space<semaphore_mem>>)
      %dma_wait3A = tpu.memref_slice %arg2[%mul3A_17] : memref<320000xi32, #tpu.memory_space<hbm>> -> memref<10000xi32, #tpu.memory_space<hbm>>
      %dma_wait3A_31 = tpu.memref_slice %arg2[%mul3A_17] : memref<320000xi32, #tpu.memory_space<hbm>> -> memref<10000xi32, #tpu.memory_space<hbm>>
      tpu.wait_dma2 semaphore(%run_scoped3A : memref<!tpu.dma_semaphore, #tpu.memory_space<semaphore_mem>>) src(%dma_wait3A_31 : memref<10000xi32, #tpu.memory_space<hbm>>) dst(%arg4 : memref<10000xi32, #tpu.memory_space<vmem>>)
      tpu.yield
    }) : () -> ()
    %barrier3A = arith.constant 0 : index
    tpu.barrier barrier_id(%barrier3A)
    %scan3A_18 = arith.constant 0 : i32
    %scan3A_19 = arith.constant 0 : i32
    %scan3A_20 = arith.constant 125 : i32
    %scan3A_21 = arith.addi %scan3A_19, %scan3A_20 : i32
    %scan3A_22 = arith.constant 1 : i32
    %scan3A_23 = scf.for %scan3A_30 = %scan3A_19 to %scan3A_21 step %scan3A_22 iter_args(%scan3A_31 = %scan3A_18) -> (i32)  : i32 {
      %mul3A_32 = arith.constant 80 : i32
      %mul3A_33 = arith.muli %scan3A_30, %mul3A_32 : i32
      %add3A_34 = arith.constant 0 : i32
      %add3A_35 = arith.addi %mul3A_33, %add3A_34 : i32
      %get3A = arith.index_cast %add3A_35 : i32 to index
      %get3A_36 = tpu.vector_load %arg4[%get3A] {strides = array<i32>} : memref<10000xi32, #tpu.memory_space<vmem>>, vector<16xi32>,
      %get3A_37 = vector.shape_cast %get3A_36 : vector<16xi32> to vector<16xi32>
      %swap3A = arith.constant 0 : index
      %swap3A_38 = tpu.vector_load %arg5[%swap3A] {strides = array<i32>} : memref<80xi32, #tpu.memory_space<vmem>>, vector<16xi32>,
      %swap3A_39 = vector.shape_cast %swap3A_38 : vector<16xi32> to vector<16xi32>
      %swap3A_40 = vector.shape_cast %get3A_37 : vector<16xi32> to vector<16xi32>
      tpu.vector_store %arg5[%swap3A], %swap3A_40 {strides = array<i32>} : memref<80xi32, #tpu.memory_space<vmem>>, vector<16xi32>,
      %mul3A_41 = arith.constant 80 : i32
      %mul3A_42 = arith.muli %scan3A_30, %mul3A_41 : i32
      %add3A_43 = arith.constant 16 : i32
      %add3A_44 = arith.addi %mul3A_42, %add3A_43 : i32
      %get3A_45 = arith.index_cast %add3A_44 : i32 to index
      %get3A_46 = tpu.vector_load %arg4[%get3A_45] {strides = array<i32>} : memref<10000xi32, #tpu.memory_space<vmem>>, vector<16xi32>,
      %get3A_47 = vector.shape_cast %get3A_46 : vector<16xi32> to vector<16xi32>
      %swap3A_48 = arith.constant 16 : index
      %swap3A_49 = tpu.vector_load %arg5[%swap3A_48] {strides = array<i32>} : memref<80xi32, #tpu.memory_space<vmem>>, vector<16xi32>,
      %swap3A_50 = vector.shape_cast %swap3A_49 : vector<16xi32> to vector<16xi32>
      %swap3A_51 = vector.shape_cast %get3A_47 : vector<16xi32> to vector<16xi32>
      tpu.vector_store %arg5[%swap3A_48], %swap3A_51 {strides = array<i32>} : memref<80xi32, #tpu.memory_space<vmem>>, vector<16xi32>,
      %mul3A_52 = arith.constant 80 : i32
      %mul3A_53 = arith.muli %scan3A_30, %mul3A_52 : i32
      %add3A_54 = arith.constant 32 : i32
      %add3A_55 = arith.addi %mul3A_53, %add3A_54 : i32
      %get3A_56 = arith.index_cast %add3A_55 : i32 to index
      %get3A_57 = tpu.vector_load %arg4[%get3A_56] {strides = array<i32>} : memref<10000xi32, #tpu.memory_space<vmem>>, vector<16xi32>,
      %get3A_58 = vector.shape_cast %get3A_57 : vector<16xi32> to vector<16xi32>
      %swap3A_59 = arith.constant 32 : index
      %swap3A_60 = tpu.vector_load %arg5[%swap3A_59] {strides = array<i32>} : memref<80xi32, #tpu.memory_space<vmem>>, vector<16xi32>,
      %swap3A_61 = vector.shape_cast %swap3A_60 : vector<16xi32> to vector<16xi32>
      %swap3A_62 = vector.shape_cast %get3A_58 : vector<16xi32> to vector<16xi32>
      tpu.vector_store %arg5[%swap3A_59], %swap3A_62 {strides = array<i32>} : memref<80xi32, #tpu.memory_space<vmem>>, vector<16xi32>,
      %mul3A_63 = arith.constant 80 : i32
      %mul3A_64 = arith.muli %scan3A_30, %mul3A_63 : i32
      %add3A_65 = arith.constant 48 : i32
      %add3A_66 = arith.addi %mul3A_64, %add3A_65 : i32
      %get3A_67 = arith.index_cast %add3A_66 : i32 to index
      %get3A_68 = tpu.vector_load %arg4[%get3A_67] {strides = array<i32>} : memref<10000xi32, #tpu.memory_space<vmem>>, vector<16xi32>,
      %get3A_69 = vector.shape_cast %get3A_68 : vector<16xi32> to vector<16xi32>
      %swap3A_70 = arith.constant 48 : index
      %swap3A_71 = tpu.vector_load %arg5[%swap3A_70] {strides = array<i32>} : memref<80xi32, #tpu.memory_space<vmem>>, vector<16xi32>,
      %swap3A_72 = vector.shape_cast %swap3A_71 : vector<16xi32> to vector<16xi32>
      %swap3A_73 = vector.shape_cast %get3A_69 : vector<16xi32> to vector<16xi32>
      tpu.vector_store %arg5[%swap3A_70], %swap3A_73 {strides = array<i32>} : memref<80xi32, #tpu.memory_space<vmem>>, vector<16xi32>,
      %mul3A_74 = arith.constant 80 : i32
      %mul3A_75 = arith.muli %scan3A_30, %mul3A_74 : i32
      %add3A_76 = arith.constant 64 : i32
      %add3A_77 = arith.addi %mul3A_75, %add3A_76 : i32
      %get3A_78 = arith.index_cast %add3A_77 : i32 to index
      %get3A_79 = tpu.vector_load %arg4[%get3A_78] {strides = array<i32>} : memref<10000xi32, #tpu.memory_space<vmem>>, vector<16xi32>,
      %get3A_80 = vector.shape_cast %get3A_79 : vector<16xi32> to vector<16xi32>
      %swap3A_81 = arith.constant 64 : index
      %swap3A_82 = tpu.vector_load %arg5[%swap3A_81] {strides = array<i32>} : memref<80xi32, #tpu.memory_space<vmem>>, vector<16xi32>,
      %swap3A_83 = vector.shape_cast %swap3A_82 : vector<16xi32> to vector<16xi32>
      %swap3A_84 = vector.shape_cast %get3A_80 : vector<16xi32> to vector<16xi32>
      tpu.vector_store %arg5[%swap3A_81], %swap3A_84 {strides = array<i32>} : memref<80xi32, #tpu.memory_space<vmem>>, vector<16xi32>,
      "tpu.region"() ({
        %run_scoped3A = tpu.sem_alloc : memref<!tpu.dma_semaphore, #tpu.memory_space<semaphore_mem>>
        %dma_start3A = arith.constant 0 : i32
        %dma_start3A_86 = arith.constant 0 : i32
        %dma_start3A_87 = tpu.memref_slice %arg8[%dma_start3A, %dma_start3A_86] : memref<10240x16xf32, #tpu.memory_space<vmem_shared>> -> memref<10240x16xf32, #tpu.memory_space<vmem_shared>>
        tpu.enqueue_indirect_dma source(%arg6 : memref<80x16xf32, #tpu.memory_space<vmem>>) target(%dma_start3A_87 : memref<10240x16xf32, #tpu.memory_space<vmem_shared>>) offsets(%arg5 : memref<80xi32, #tpu.memory_space<vmem>>) semaphore(%run_scoped3A : memref<!tpu.dma_semaphore, #tpu.memory_space<semaphore_mem>>) {add = true}
        %dma_wait3A = arith.constant 0 : i32
        %dma_wait3A_88 = arith.constant 0 : i32
        %dma_wait3A_89 = tpu.memref_slice %arg8[%dma_wait3A, %dma_wait3A_88] : memref<10240x16xf32, #tpu.memory_space<vmem_shared>> -> memref<10240x16xf32, #tpu.memory_space<vmem_shared>>
        tpu.wait_indirect_dma semaphore(%run_scoped3A : memref<!tpu.dma_semaphore, #tpu.memory_space<semaphore_mem>>) src(%arg6 : memref<80x16xf32, #tpu.memory_space<vmem>>) dst(%dma_wait3A_89 : memref<10240x16xf32, #tpu.memory_space<vmem_shared>>)
        tpu.yield
      }) : () -> ()
      %scan3A_85 = arith.constant 0 : i32
      scf.yield %scan3A_85 : i32
    }
    %scan3A_24 = arith.constant 125 : i32
    %barrier3A_25 = arith.constant 0 : index
    tpu.barrier barrier_id(%barrier3A_25)
    %mul3A_26 = arith.constant 640 : i32
    %mul3A_27 = arith.muli %arg1, %mul3A_26 : i32
    %mul3A_28 = arith.constant 640 : i32
    %mul3A_29 = arith.muli %arg1, %mul3A_28 : i32
    "tpu.region"() ({
      %run_scoped3A = tpu.sem_alloc : memref<!tpu.dma_semaphore, #tpu.memory_space<semaphore_mem>>
      %dma_start3A = arith.constant 0 : i32
      %dma_start3A_30 = tpu.memref_slice %arg3[%arg0, %mul3A_29, %dma_start3A] : memref<2x10240x16xf32, #tpu.memory_space<hbm>> -> memref<1x640x16xf32, #tpu.memory_space<hbm>>
      %dma_start3A_31 = tpu.memref_squeeze %dma_start3A_30 : memref<1x640x16xf32, #tpu.memory_space<hbm>> -> memref<640x16xf32, #tpu.memory_space<hbm>>
      %dma_start3A_32 = arith.constant 0 : i32
      %dma_start3A_33 = tpu.memref_slice %arg8[%mul3A_27, %dma_start3A_32] : memref<10240x16xf32, #tpu.memory_space<vmem_shared>> -> memref<640x16xf32, #tpu.memory_space<vmem_shared>>
      tpu.enqueue_dma source(%dma_start3A_33 : memref<640x16xf32, #tpu.memory_space<vmem_shared>>) target(%dma_start3A_31 : memref<640x16xf32, #tpu.memory_space<hbm>>) target_semaphore(%run_scoped3A : memref<!tpu.dma_semaphore, #tpu.memory_space<semaphore_mem>>)
      %dma_wait3A = arith.constant 0 : i32
      %dma_wait3A_34 = tpu.memref_slice %arg3[%arg0, %mul3A_29, %dma_wait3A] : memref<2x10240x16xf32, #tpu.memory_space<hbm>> -> memref<1x640x16xf32, #tpu.memory_space<hbm>>
      %dma_wait3A_35 = tpu.memref_squeeze %dma_wait3A_34 : memref<1x640x16xf32, #tpu.memory_space<hbm>> -> memref<640x16xf32, #tpu.memory_space<hbm>>
      %dma_wait3A_36 = arith.constant 0 : i32
      %dma_wait3A_37 = tpu.memref_slice %arg8[%mul3A_27, %dma_wait3A_36] : memref<10240x16xf32, #tpu.memory_space<vmem_shared>> -> memref<640x16xf32, #tpu.memory_space<vmem_shared>>
      tpu.wait_dma2 semaphore(%run_scoped3A : memref<!tpu.dma_semaphore, #tpu.memory_space<semaphore_mem>>) src(%dma_wait3A_37 : memref<640x16xf32, #tpu.memory_space<vmem_shared>>) dst(%dma_wait3A_35 : memref<640x16xf32, #tpu.memory_space<hbm>>)
      tpu.yield
    }) : () -> ()
    return
  }
}

#map = affine_map<(d0, d1) -> (0, 0)>
#map1 = affine_map<(d0, d1) -> (0)>
#map2 = affine_map<(d0, d1) -> (0, 0, 0)>
module attributes {stable_mosaic.version = 14 : i64} {
  func.func @_sc_scatter(%arg0: i32, %arg1: i32, %arg2: memref<320000x16xf32, #tpu.memory_space<hbm>>, %arg3: memref<320000xi32, #tpu.memory_space<hbm>>, %arg4: memref<2x10240x16xf32, #tpu.memory_space<hbm>>, %arg5: memref<10000xi32, #tpu.memory_space<vmem>>, %arg6: memref<80xi32, #tpu.memory_space<vmem>>, %arg7: memref<2000x16xf32, #tpu.memory_space<vmem>>, %arg8: memref<640x16xf32, #tpu.memory_space<vmem>>, %arg9: memref<10240x16xf32, #tpu.memory_space<vmem_shared>>, %arg10: memref<!tpu.dma_semaphore, #tpu.memory_space<semaphore_mem>>) attributes {dimension_semantics = [#tpu.dimension_semantics<core_parallel>, #tpu.dimension_semantics<subcore_parallel>], iteration_bounds = array<i64: 2, 16>, scalar_prefetch = 0 : i64, scratch_operands = 6 : i64, tpu.core_type = #tpu.core_type<sc_vector_subcore>, window_params = [{transform_indices = #map}, {transform_indices = #map1}, {transform_indices = #map2}]} {
    %mul3A = arith.constant 2 : i32
    %mul3A_0 = arith.muli %arg1, %mul3A : i32
    %add3A = arith.addi %mul3A_0, %arg0 : i32
    %scan3A = arith.constant 0 : i32
    %scan3A_1 = arith.constant 0 : i32
    %scan3A_2 = arith.constant 640 : i32
    %scan3A_3 = arith.addi %scan3A_1, %scan3A_2 : i32
    %scan3A_4 = arith.constant 8 : i32
    %scan3A_5 = scf.for %scan3A_23 = %scan3A_1 to %scan3A_3 step %scan3A_4 iter_args(%scan3A_24 = %scan3A) -> (i32)  : i32 {
      %broadcast_in_dim3A = arith.constant 0.000000e+00 : f32
      %broadcast_in_dim3A_25 = vector.broadcast %broadcast_in_dim3A : f32 to vector<16xf32>
      %swap3A = arith.index_cast %scan3A_23 : i32 to index
      %swap3A_26 = arith.constant 0 : index
      %swap3A_27 = tpu.vector_load %arg8[%swap3A, %swap3A_26] {strides = array<i32>} : memref<640x16xf32, #tpu.memory_space<vmem>>, vector<1x16xf32>,
      %swap3A_28 = vector.shape_cast %swap3A_27 : vector<1x16xf32> to vector<16xf32>
      %swap3A_29 = vector.shape_cast %broadcast_in_dim3A_25 : vector<16xf32> to vector<1x16xf32>
      tpu.vector_store %arg8[%swap3A, %swap3A_26], %swap3A_29 {strides = array<i32>} : memref<640x16xf32, #tpu.memory_space<vmem>>, vector<1x16xf32>,
      %scan3A_30 = arith.constant 0 : i32
      %scan3A_31 = arith.constant 1 : i32
      %scan3A_32 = arith.addi %scan3A_23, %scan3A_31 : i32
      %broadcast_in_dim3A_33 = arith.constant 0.000000e+00 : f32
      %broadcast_in_dim3A_34 = vector.broadcast %broadcast_in_dim3A_33 : f32 to vector<16xf32>
      %swap3A_35 = arith.index_cast %scan3A_32 : i32 to index
      %swap3A_36 = arith.constant 0 : index
      %swap3A_37 = tpu.vector_load %arg8[%swap3A_35, %swap3A_36] {strides = array<i32>} : memref<640x16xf32, #tpu.memory_space<vmem>>, vector<1x16xf32>,
      %swap3A_38 = vector.shape_cast %swap3A_37 : vector<1x16xf32> to vector<16xf32>
      %swap3A_39 = vector.shape_cast %broadcast_in_dim3A_34 : vector<16xf32> to vector<1x16xf32>
      tpu.vector_store %arg8[%swap3A_35, %swap3A_36], %swap3A_39 {strides = array<i32>} : memref<640x16xf32, #tpu.memory_space<vmem>>, vector<1x16xf32>,
      %scan3A_40 = arith.constant 0 : i32
      %scan3A_41 = arith.constant 2 : i32
      %scan3A_42 = arith.addi %scan3A_23, %scan3A_41 : i32
      %broadcast_in_dim3A_43 = arith.constant 0.000000e+00 : f32
      %broadcast_in_dim3A_44 = vector.broadcast %broadcast_in_dim3A_43 : f32 to vector<16xf32>
      %swap3A_45 = arith.index_cast %scan3A_42 : i32 to index
      %swap3A_46 = arith.constant 0 : index
      %swap3A_47 = tpu.vector_load %arg8[%swap3A_45, %swap3A_46] {strides = array<i32>} : memref<640x16xf32, #tpu.memory_space<vmem>>, vector<1x16xf32>,
      %swap3A_48 = vector.shape_cast %swap3A_47 : vector<1x16xf32> to vector<16xf32>
      %swap3A_49 = vector.shape_cast %broadcast_in_dim3A_44 : vector<16xf32> to vector<1x16xf32>
      tpu.vector_store %arg8[%swap3A_45, %swap3A_46], %swap3A_49 {strides = array<i32>} : memref<640x16xf32, #tpu.memory_space<vmem>>, vector<1x16xf32>,
      %scan3A_50 = arith.constant 0 : i32
      %scan3A_51 = arith.constant 3 : i32
      %scan3A_52 = arith.addi %scan3A_23, %scan3A_51 : i32
      %broadcast_in_dim3A_53 = arith.constant 0.000000e+00 : f32
      %broadcast_in_dim3A_54 = vector.broadcast %broadcast_in_dim3A_53 : f32 to vector<16xf32>
      %swap3A_55 = arith.index_cast %scan3A_52 : i32 to index
      %swap3A_56 = arith.constant 0 : index
      %swap3A_57 = tpu.vector_load %arg8[%swap3A_55, %swap3A_56] {strides = array<i32>} : memref<640x16xf32, #tpu.memory_space<vmem>>, vector<1x16xf32>,
      %swap3A_58 = vector.shape_cast %swap3A_57 : vector<1x16xf32> to vector<16xf32>
      %swap3A_59 = vector.shape_cast %broadcast_in_dim3A_54 : vector<16xf32> to vector<1x16xf32>
      tpu.vector_store %arg8[%swap3A_55, %swap3A_56], %swap3A_59 {strides = array<i32>} : memref<640x16xf32, #tpu.memory_space<vmem>>, vector<1x16xf32>,
      %scan3A_60 = arith.constant 0 : i32
      %scan3A_61 = arith.constant 4 : i32
      %scan3A_62 = arith.addi %scan3A_23, %scan3A_61 : i32
      %broadcast_in_dim3A_63 = arith.constant 0.000000e+00 : f32
      %broadcast_in_dim3A_64 = vector.broadcast %broadcast_in_dim3A_63 : f32 to vector<16xf32>
      %swap3A_65 = arith.index_cast %scan3A_62 : i32 to index
      %swap3A_66 = arith.constant 0 : index
      %swap3A_67 = tpu.vector_load %arg8[%swap3A_65, %swap3A_66] {strides = array<i32>} : memref<640x16xf32, #tpu.memory_space<vmem>>, vector<1x16xf32>,
      %swap3A_68 = vector.shape_cast %swap3A_67 : vector<1x16xf32> to vector<16xf32>
      %swap3A_69 = vector.shape_cast %broadcast_in_dim3A_64 : vector<16xf32> to vector<1x16xf32>
      tpu.vector_store %arg8[%swap3A_65, %swap3A_66], %swap3A_69 {strides = array<i32>} : memref<640x16xf32, #tpu.memory_space<vmem>>, vector<1x16xf32>,
      %scan3A_70 = arith.constant 0 : i32
      %scan3A_71 = arith.constant 5 : i32
      %scan3A_72 = arith.addi %scan3A_23, %scan3A_71 : i32
      %broadcast_in_dim3A_73 = arith.constant 0.000000e+00 : f32
      %broadcast_in_dim3A_74 = vector.broadcast %broadcast_in_dim3A_73 : f32 to vector<16xf32>
      %swap3A_75 = arith.index_cast %scan3A_72 : i32 to index
      %swap3A_76 = arith.constant 0 : index
      %swap3A_77 = tpu.vector_load %arg8[%swap3A_75, %swap3A_76] {strides = array<i32>} : memref<640x16xf32, #tpu.memory_space<vmem>>, vector<1x16xf32>,
      %swap3A_78 = vector.shape_cast %swap3A_77 : vector<1x16xf32> to vector<16xf32>
      %swap3A_79 = vector.shape_cast %broadcast_in_dim3A_74 : vector<16xf32> to vector<1x16xf32>
      tpu.vector_store %arg8[%swap3A_75, %swap3A_76], %swap3A_79 {strides = array<i32>} : memref<640x16xf32, #tpu.memory_space<vmem>>, vector<1x16xf32>,
      %scan3A_80 = arith.constant 0 : i32
      %scan3A_81 = arith.constant 6 : i32
      %scan3A_82 = arith.addi %scan3A_23, %scan3A_81 : i32
      %broadcast_in_dim3A_83 = arith.constant 0.000000e+00 : f32
      %broadcast_in_dim3A_84 = vector.broadcast %broadcast_in_dim3A_83 : f32 to vector<16xf32>
      %swap3A_85 = arith.index_cast %scan3A_82 : i32 to index
      %swap3A_86 = arith.constant 0 : index
      %swap3A_87 = tpu.vector_load %arg8[%swap3A_85, %swap3A_86] {strides = array<i32>} : memref<640x16xf32, #tpu.memory_space<vmem>>, vector<1x16xf32>,
      %swap3A_88 = vector.shape_cast %swap3A_87 : vector<1x16xf32> to vector<16xf32>
      %swap3A_89 = vector.shape_cast %broadcast_in_dim3A_84 : vector<16xf32> to vector<1x16xf32>
      tpu.vector_store %arg8[%swap3A_85, %swap3A_86], %swap3A_89 {strides = array<i32>} : memref<640x16xf32, #tpu.memory_space<vmem>>, vector<1x16xf32>,
      %scan3A_90 = arith.constant 0 : i32
      %scan3A_91 = arith.constant 7 : i32
      %scan3A_92 = arith.addi %scan3A_23, %scan3A_91 : i32
      %broadcast_in_dim3A_93 = arith.constant 0.000000e+00 : f32
      %broadcast_in_dim3A_94 = vector.broadcast %broadcast_in_dim3A_93 : f32 to vector<16xf32>
      %swap3A_95 = arith.index_cast %scan3A_92 : i32 to index
      %swap3A_96 = arith.constant 0 : index
      %swap3A_97 = tpu.vector_load %arg8[%swap3A_95, %swap3A_96] {strides = array<i32>} : memref<640x16xf32, #tpu.memory_space<vmem>>, vector<1x16xf32>,
      %swap3A_98 = vector.shape_cast %swap3A_97 : vector<1x16xf32> to vector<16xf32>
      %swap3A_99 = vector.shape_cast %broadcast_in_dim3A_94 : vector<16xf32> to vector<1x16xf32>
      tpu.vector_store %arg8[%swap3A_95, %swap3A_96], %swap3A_99 {strides = array<i32>} : memref<640x16xf32, #tpu.memory_space<vmem>>, vector<1x16xf32>,
      %scan3A_100 = arith.constant 0 : i32
      scf.yield %scan3A_100 : i32
    }
    %scan3A_6 = arith.constant 640 : i32
    %mul3A_7 = arith.constant 640 : i32
    %mul3A_8 = arith.muli %arg1, %mul3A_7 : i32
    "tpu.region"() ({
      %run_scoped3A = tpu.sem_alloc : memref<!tpu.dma_semaphore, #tpu.memory_space<semaphore_mem>>
      %dma_start3A = arith.constant 0 : i32
      %dma_start3A_23 = tpu.memref_slice %arg9[%mul3A_8, %dma_start3A] : memref<10240x16xf32, #tpu.memory_space<vmem_shared>> -> memref<640x16xf32, #tpu.memory_space<vmem_shared>>
      %dma_start3A_24 = arith.constant 0 : i32
      %dma_start3A_25 = tpu.memref_slice %arg9[%mul3A_8, %dma_start3A_24] : memref<10240x16xf32, #tpu.memory_space<vmem_shared>> -> memref<640x16xf32, #tpu.memory_space<vmem_shared>>
      tpu.enqueue_dma source(%arg8 : memref<640x16xf32, #tpu.memory_space<vmem>>) target(%dma_start3A_25 : memref<640x16xf32, #tpu.memory_space<vmem_shared>>) target_semaphore(%run_scoped3A : memref<!tpu.dma_semaphore, #tpu.memory_space<semaphore_mem>>)
      %dma_wait3A = arith.constant 0 : i32
      %dma_wait3A_26 = tpu.memref_slice %arg9[%mul3A_8, %dma_wait3A] : memref<10240x16xf32, #tpu.memory_space<vmem_shared>> -> memref<640x16xf32, #tpu.memory_space<vmem_shared>>
      %dma_wait3A_27 = arith.constant 0 : i32
      %dma_wait3A_28 = tpu.memref_slice %arg9[%mul3A_8, %dma_wait3A_27] : memref<10240x16xf32, #tpu.memory_space<vmem_shared>> -> memref<640x16xf32, #tpu.memory_space<vmem_shared>>
      tpu.wait_dma2 semaphore(%run_scoped3A : memref<!tpu.dma_semaphore, #tpu.memory_space<semaphore_mem>>) src(%arg8 : memref<640x16xf32, #tpu.memory_space<vmem>>) dst(%dma_wait3A_28 : memref<640x16xf32, #tpu.memory_space<vmem_shared>>)
      tpu.yield
    }) : () -> ()
    %mul3A_9 = arith.constant 10000 : i32
    %mul3A_10 = arith.muli %add3A, %mul3A_9 : i32
    "tpu.region"() ({
      %run_scoped3A = tpu.sem_alloc : memref<!tpu.dma_semaphore, #tpu.memory_space<semaphore_mem>>
      %dma_start3A = tpu.memref_slice %arg3[%mul3A_10] : memref<320000xi32, #tpu.memory_space<hbm>> -> memref<10000xi32, #tpu.memory_space<hbm>>
      %dma_start3A_23 = tpu.memref_slice %arg3[%mul3A_10] : memref<320000xi32, #tpu.memory_space<hbm>> -> memref<10000xi32, #tpu.memory_space<hbm>>
      tpu.enqueue_dma source(%dma_start3A_23 : memref<10000xi32, #tpu.memory_space<hbm>>) target(%arg5 : memref<10000xi32, #tpu.memory_space<vmem>>) target_semaphore(%run_scoped3A : memref<!tpu.dma_semaphore, #tpu.memory_space<semaphore_mem>>)
      %dma_wait3A = tpu.memref_slice %arg3[%mul3A_10] : memref<320000xi32, #tpu.memory_space<hbm>> -> memref<10000xi32, #tpu.memory_space<hbm>>
      %dma_wait3A_24 = tpu.memref_slice %arg3[%mul3A_10] : memref<320000xi32, #tpu.memory_space<hbm>> -> memref<10000xi32, #tpu.memory_space<hbm>>
      tpu.wait_dma2 semaphore(%run_scoped3A : memref<!tpu.dma_semaphore, #tpu.memory_space<semaphore_mem>>) src(%dma_wait3A_24 : memref<10000xi32, #tpu.memory_space<hbm>>) dst(%arg5 : memref<10000xi32, #tpu.memory_space<vmem>>)
      tpu.yield
    }) : () -> ()
    %barrier3A = arith.constant 0 : index
    tpu.barrier barrier_id(%barrier3A)
    %scan3A_11 = arith.constant 0 : i32
    %scan3A_12 = arith.constant 0 : i32
    %scan3A_13 = arith.constant 125 : i32
    %scan3A_14 = arith.addi %scan3A_12, %scan3A_13 : i32
    %scan3A_15 = arith.constant 1 : i32
    %scan3A_16 = scf.for %scan3A_23 = %scan3A_12 to %scan3A_14 step %scan3A_15 iter_args(%scan3A_24 = %scan3A_11) -> (i32)  : i32 {
      %rem3A = arith.constant 25 : i32
      %rem3A_25 = arith.remsi %scan3A_23, %rem3A : i32
      %eq3A = arith.constant 0 : i32
      %eq3A_26 = arith.cmpi eq, %rem3A_25, %eq3A : i32
      %convert_element_type3A = arith.extui %eq3A_26 : i1 to i32
      %cond3A = arith.constant 0 : i32
      %cond3A_27 = arith.cmpi ne, %convert_element_type3A, %cond3A : i32
      scf.if %cond3A_27 {
        %mul3A_86 = arith.constant 80 : i32
        %mul3A_87 = arith.muli %scan3A_23, %mul3A_86 : i32
        %add3A_88 = arith.addi %mul3A_10, %mul3A_87 : i32
        "tpu.region"() ({
          %run_scoped3A = tpu.sem_alloc : memref<!tpu.dma_semaphore, #tpu.memory_space<semaphore_mem>>
          %dma_start3A = arith.constant 0 : i32
          %dma_start3A_89 = tpu.memref_slice %arg2[%add3A_88, %dma_start3A] : memref<320000x16xf32, #tpu.memory_space<hbm>> -> memref<2000x16xf32, #tpu.memory_space<hbm>>
          %dma_start3A_90 = arith.constant 0 : i32
          %dma_start3A_91 = tpu.memref_slice %arg2[%add3A_88, %dma_start3A_90] : memref<320000x16xf32, #tpu.memory_space<hbm>> -> memref<2000x16xf32, #tpu.memory_space<hbm>>
          tpu.enqueue_dma source(%dma_start3A_91 : memref<2000x16xf32, #tpu.memory_space<hbm>>) target(%arg7 : memref<2000x16xf32, #tpu.memory_space<vmem>>) target_semaphore(%run_scoped3A : memref<!tpu.dma_semaphore, #tpu.memory_space<semaphore_mem>>)
          %dma_wait3A = arith.constant 0 : i32
          %dma_wait3A_92 = tpu.memref_slice %arg2[%add3A_88, %dma_wait3A] : memref<320000x16xf32, #tpu.memory_space<hbm>> -> memref<2000x16xf32, #tpu.memory_space<hbm>>
          %dma_wait3A_93 = arith.constant 0 : i32
          %dma_wait3A_94 = tpu.memref_slice %arg2[%add3A_88, %dma_wait3A_93] : memref<320000x16xf32, #tpu.memory_space<hbm>> -> memref<2000x16xf32, #tpu.memory_space<hbm>>
          tpu.wait_dma2 semaphore(%run_scoped3A : memref<!tpu.dma_semaphore, #tpu.memory_space<semaphore_mem>>) src(%dma_wait3A_94 : memref<2000x16xf32, #tpu.memory_space<hbm>>) dst(%arg7 : memref<2000x16xf32, #tpu.memory_space<vmem>>)
          tpu.yield
        }) : () -> ()
      } else {
      }
      %mul3A_28 = arith.constant 80 : i32
      %mul3A_29 = arith.muli %scan3A_23, %mul3A_28 : i32
      %add3A_30 = arith.constant 0 : i32
      %add3A_31 = arith.addi %mul3A_29, %add3A_30 : i32
      %get3A = arith.index_cast %add3A_31 : i32 to index
      %get3A_32 = tpu.vector_load %arg5[%get3A] {strides = array<i32>} : memref<10000xi32, #tpu.memory_space<vmem>>, vector<16xi32>,
      %get3A_33 = vector.shape_cast %get3A_32 : vector<16xi32> to vector<16xi32>
      %swap3A = arith.constant 0 : index
      %swap3A_34 = tpu.vector_load %arg6[%swap3A] {strides = array<i32>} : memref<80xi32, #tpu.memory_space<vmem>>, vector<16xi32>,
      %swap3A_35 = vector.shape_cast %swap3A_34 : vector<16xi32> to vector<16xi32>
      %swap3A_36 = vector.shape_cast %get3A_33 : vector<16xi32> to vector<16xi32>
      tpu.vector_store %arg6[%swap3A], %swap3A_36 {strides = array<i32>} : memref<80xi32, #tpu.memory_space<vmem>>, vector<16xi32>,
      %mul3A_37 = arith.constant 80 : i32
      %mul3A_38 = arith.muli %scan3A_23, %mul3A_37 : i32
      %add3A_39 = arith.constant 16 : i32
      %add3A_40 = arith.addi %mul3A_38, %add3A_39 : i32
      %get3A_41 = arith.index_cast %add3A_40 : i32 to index
      %get3A_42 = tpu.vector_load %arg5[%get3A_41] {strides = array<i32>} : memref<10000xi32, #tpu.memory_space<vmem>>, vector<16xi32>,
      %get3A_43 = vector.shape_cast %get3A_42 : vector<16xi32> to vector<16xi32>
      %swap3A_44 = arith.constant 16 : index
      %swap3A_45 = tpu.vector_load %arg6[%swap3A_44] {strides = array<i32>} : memref<80xi32, #tpu.memory_space<vmem>>, vector<16xi32>,
      %swap3A_46 = vector.shape_cast %swap3A_45 : vector<16xi32> to vector<16xi32>
      %swap3A_47 = vector.shape_cast %get3A_43 : vector<16xi32> to vector<16xi32>
      tpu.vector_store %arg6[%swap3A_44], %swap3A_47 {strides = array<i32>} : memref<80xi32, #tpu.memory_space<vmem>>, vector<16xi32>,
      %mul3A_48 = arith.constant 80 : i32
      %mul3A_49 = arith.muli %scan3A_23, %mul3A_48 : i32
      %add3A_50 = arith.constant 32 : i32
      %add3A_51 = arith.addi %mul3A_49, %add3A_50 : i32
      %get3A_52 = arith.index_cast %add3A_51 : i32 to index
      %get3A_53 = tpu.vector_load %arg5[%get3A_52] {strides = array<i32>} : memref<10000xi32, #tpu.memory_space<vmem>>, vector<16xi32>,
      %get3A_54 = vector.shape_cast %get3A_53 : vector<16xi32> to vector<16xi32>
      %swap3A_55 = arith.constant 32 : index
      %swap3A_56 = tpu.vector_load %arg6[%swap3A_55] {strides = array<i32>} : memref<80xi32, #tpu.memory_space<vmem>>, vector<16xi32>,
      %swap3A_57 = vector.shape_cast %swap3A_56 : vector<16xi32> to vector<16xi32>
      %swap3A_58 = vector.shape_cast %get3A_54 : vector<16xi32> to vector<16xi32>
      tpu.vector_store %arg6[%swap3A_55], %swap3A_58 {strides = array<i32>} : memref<80xi32, #tpu.memory_space<vmem>>, vector<16xi32>,
      %mul3A_59 = arith.constant 80 : i32
      %mul3A_60 = arith.muli %scan3A_23, %mul3A_59 : i32
      %add3A_61 = arith.constant 48 : i32
      %add3A_62 = arith.addi %mul3A_60, %add3A_61 : i32
      %get3A_63 = arith.index_cast %add3A_62 : i32 to index
      %get3A_64 = tpu.vector_load %arg5[%get3A_63] {strides = array<i32>} : memref<10000xi32, #tpu.memory_space<vmem>>, vector<16xi32>,
      %get3A_65 = vector.shape_cast %get3A_64 : vector<16xi32> to vector<16xi32>
      %swap3A_66 = arith.constant 48 : index
      %swap3A_67 = tpu.vector_load %arg6[%swap3A_66] {strides = array<i32>} : memref<80xi32, #tpu.memory_space<vmem>>, vector<16xi32>,
      %swap3A_68 = vector.shape_cast %swap3A_67 : vector<16xi32> to vector<16xi32>
      %swap3A_69 = vector.shape_cast %get3A_65 : vector<16xi32> to vector<16xi32>
      tpu.vector_store %arg6[%swap3A_66], %swap3A_69 {strides = array<i32>} : memref<80xi32, #tpu.memory_space<vmem>>, vector<16xi32>,
      %mul3A_70 = arith.constant 80 : i32
      %mul3A_71 = arith.muli %scan3A_23, %mul3A_70 : i32
      %add3A_72 = arith.constant 64 : i32
      %add3A_73 = arith.addi %mul3A_71, %add3A_72 : i32
      %get3A_74 = arith.index_cast %add3A_73 : i32 to index
      %get3A_75 = tpu.vector_load %arg5[%get3A_74] {strides = array<i32>} : memref<10000xi32, #tpu.memory_space<vmem>>, vector<16xi32>,
      %get3A_76 = vector.shape_cast %get3A_75 : vector<16xi32> to vector<16xi32>
      %swap3A_77 = arith.constant 64 : index
      %swap3A_78 = tpu.vector_load %arg6[%swap3A_77] {strides = array<i32>} : memref<80xi32, #tpu.memory_space<vmem>>, vector<16xi32>,
      %swap3A_79 = vector.shape_cast %swap3A_78 : vector<16xi32> to vector<16xi32>
      %swap3A_80 = vector.shape_cast %get3A_76 : vector<16xi32> to vector<16xi32>
      tpu.vector_store %arg6[%swap3A_77], %swap3A_80 {strides = array<i32>} : memref<80xi32, #tpu.memory_space<vmem>>, vector<16xi32>,
      %rem3A_81 = arith.constant 25 : i32
      %rem3A_82 = arith.remsi %scan3A_23, %rem3A_81 : i32
      %mul3A_83 = arith.constant 80 : i32
      %mul3A_84 = arith.muli %rem3A_82, %mul3A_83 : i32
      "tpu.region"() ({
        %run_scoped3A = tpu.sem_alloc : memref<!tpu.dma_semaphore, #tpu.memory_space<semaphore_mem>>
        %dma_start3A = arith.constant 0 : i32
        %dma_start3A_86 = tpu.memref_slice %arg7[%mul3A_84, %dma_start3A] : memref<2000x16xf32, #tpu.memory_space<vmem>> -> memref<80x16xf32, #tpu.memory_space<vmem>>
        %dma_start3A_87 = arith.constant 0 : i32
        %dma_start3A_88 = arith.constant 0 : i32
        %dma_start3A_89 = tpu.memref_slice %arg9[%dma_start3A_87, %dma_start3A_88] : memref<10240x16xf32, #tpu.memory_space<vmem_shared>> -> memref<10240x16xf32, #tpu.memory_space<vmem_shared>>
        tpu.enqueue_indirect_dma source(%dma_start3A_86 : memref<80x16xf32, #tpu.memory_space<vmem>>) target(%dma_start3A_89 : memref<10240x16xf32, #tpu.memory_space<vmem_shared>>) offsets(%arg6 : memref<80xi32, #tpu.memory_space<vmem>>) semaphore(%run_scoped3A : memref<!tpu.dma_semaphore, #tpu.memory_space<semaphore_mem>>) {add = true}
        %dma_wait3A = arith.constant 0 : i32
        %dma_wait3A_90 = tpu.memref_slice %arg7[%mul3A_84, %dma_wait3A] : memref<2000x16xf32, #tpu.memory_space<vmem>> -> memref<80x16xf32, #tpu.memory_space<vmem>>
        %dma_wait3A_91 = arith.constant 0 : i32
        %dma_wait3A_92 = arith.constant 0 : i32
        %dma_wait3A_93 = tpu.memref_slice %arg9[%dma_wait3A_91, %dma_wait3A_92] : memref<10240x16xf32, #tpu.memory_space<vmem_shared>> -> memref<10240x16xf32, #tpu.memory_space<vmem_shared>>
        tpu.wait_indirect_dma semaphore(%run_scoped3A : memref<!tpu.dma_semaphore, #tpu.memory_space<semaphore_mem>>) src(%dma_wait3A_90 : memref<80x16xf32, #tpu.memory_space<vmem>>) dst(%dma_wait3A_93 : memref<10240x16xf32, #tpu.memory_space<vmem_shared>>)
        tpu.yield
      }) : () -> ()
      %scan3A_85 = arith.constant 0 : i32
      scf.yield %scan3A_85 : i32
    }
    %scan3A_17 = arith.constant 125 : i32
    %barrier3A_18 = arith.constant 0 : index
    tpu.barrier barrier_id(%barrier3A_18)
    %mul3A_19 = arith.constant 640 : i32
    %mul3A_20 = arith.muli %arg1, %mul3A_19 : i32
    %mul3A_21 = arith.constant 640 : i32
    %mul3A_22 = arith.muli %arg1, %mul3A_21 : i32
    "tpu.region"() ({
      %run_scoped3A = tpu.sem_alloc : memref<!tpu.dma_semaphore, #tpu.memory_space<semaphore_mem>>
      %dma_start3A = arith.constant 0 : i32
      %dma_start3A_23 = tpu.memref_slice %arg4[%arg0, %mul3A_22, %dma_start3A] : memref<2x10240x16xf32, #tpu.memory_space<hbm>> -> memref<1x640x16xf32, #tpu.memory_space<hbm>>
      %dma_start3A_24 = tpu.memref_squeeze %dma_start3A_23 : memref<1x640x16xf32, #tpu.memory_space<hbm>> -> memref<640x16xf32, #tpu.memory_space<hbm>>
      %dma_start3A_25 = arith.constant 0 : i32
      %dma_start3A_26 = tpu.memref_slice %arg9[%mul3A_20, %dma_start3A_25] : memref<10240x16xf32, #tpu.memory_space<vmem_shared>> -> memref<640x16xf32, #tpu.memory_space<vmem_shared>>
      tpu.enqueue_dma source(%dma_start3A_26 : memref<640x16xf32, #tpu.memory_space<vmem_shared>>) target(%dma_start3A_24 : memref<640x16xf32, #tpu.memory_space<hbm>>) target_semaphore(%run_scoped3A : memref<!tpu.dma_semaphore, #tpu.memory_space<semaphore_mem>>)
      %dma_wait3A = arith.constant 0 : i32
      %dma_wait3A_27 = tpu.memref_slice %arg4[%arg0, %mul3A_22, %dma_wait3A] : memref<2x10240x16xf32, #tpu.memory_space<hbm>> -> memref<1x640x16xf32, #tpu.memory_space<hbm>>
      %dma_wait3A_28 = tpu.memref_squeeze %dma_wait3A_27 : memref<1x640x16xf32, #tpu.memory_space<hbm>> -> memref<640x16xf32, #tpu.memory_space<hbm>>
      %dma_wait3A_29 = arith.constant 0 : i32
      %dma_wait3A_30 = tpu.memref_slice %arg9[%mul3A_20, %dma_wait3A_29] : memref<10240x16xf32, #tpu.memory_space<vmem_shared>> -> memref<640x16xf32, #tpu.memory_space<vmem_shared>>
      tpu.wait_dma2 semaphore(%run_scoped3A : memref<!tpu.dma_semaphore, #tpu.memory_space<semaphore_mem>>) src(%dma_wait3A_30 : memref<640x16xf32, #tpu.memory_space<vmem_shared>>) dst(%dma_wait3A_28 : memref<640x16xf32, #tpu.memory_space<hbm>>)
      tpu.yield
    }) : () -> ()
    return
  }
}

module attributes {stable_mosaic.version = 14 : i64} {
  func.func @_h0_body(%arg0: i32, %arg1: memref<2560x16xf32, #tpu.memory_space<vmem>>, %arg2: memref<128x128xf32, #tpu.memory_space<vmem>>, %arg3: memref<1x128xf32, #tpu.memory_space<vmem>>, %arg4: memref<128x128xf32, #tpu.memory_space<vmem>>, %arg5: memref<1x128xf32, #tpu.memory_space<vmem>>, %arg6: memref<320x128xf32, #tpu.memory_space<vmem>>) attributes {dimension_semantics = [#tpu.dimension_semantics<arbitrary>], iteration_bounds = array<i64: 125>, scalar_prefetch = 0 : i64, scratch_operands = 0 : i64, tpu.core_type = #tpu.core_type<tc>, window_params = [{transform_indices = @transform_0, window_bounds = array<i64: 2560, 16>}, {pipeline_mode = #tpu.pipeline_mode<synchronous>, transform_indices = @transform_1, window_bounds = array<i64: 128, 128>}, {pipeline_mode = #tpu.pipeline_mode<synchronous>, transform_indices = @transform_2, window_bounds = array<i64: 1, 128>}, {pipeline_mode = #tpu.pipeline_mode<synchronous>, transform_indices = @transform_3, window_bounds = array<i64: 128, 128>}, {pipeline_mode = #tpu.pipeline_mode<synchronous>, transform_indices = @transform_4, window_bounds = array<i64: 1, 128>}, {transform_indices = @transform_5, window_bounds = array<i64: 320, 128>}]} {
    %get3A = arith.constant 0 : index
    %get3A_0 = arith.constant 0 : index
    %get3A_1 = vector.load %arg1[%get3A, %get3A_0] : memref<2560x16xf32, #tpu.memory_space<vmem>>, vector<2560x16xf32>
    %slice3A = vector.extract_strided_slice %get3A_1 {offsets = [0, 0], sizes = [320, 16], strides = [1, 1]} : vector<2560x16xf32> to vector<320x16xf32>
    %slice3A_2 = vector.extract_strided_slice %get3A_1 {offsets = [320, 0], sizes = [320, 16], strides = [1, 1]} : vector<2560x16xf32> to vector<320x16xf32>
    %slice3A_3 = vector.extract_strided_slice %get3A_1 {offsets = [640, 0], sizes = [320, 16], strides = [1, 1]} : vector<2560x16xf32> to vector<320x16xf32>
    %slice3A_4 = vector.extract_strided_slice %get3A_1 {offsets = [960, 0], sizes = [320, 16], strides = [1, 1]} : vector<2560x16xf32> to vector<320x16xf32>
    %slice3A_5 = vector.extract_strided_slice %get3A_1 {offsets = [1280, 0], sizes = [320, 16], strides = [1, 1]} : vector<2560x16xf32> to vector<320x16xf32>
    %slice3A_6 = vector.extract_strided_slice %get3A_1 {offsets = [1600, 0], sizes = [320, 16], strides = [1, 1]} : vector<2560x16xf32> to vector<320x16xf32>
    %slice3A_7 = vector.extract_strided_slice %get3A_1 {offsets = [1920, 0], sizes = [320, 16], strides = [1, 1]} : vector<2560x16xf32> to vector<320x16xf32>
    %slice3A_8 = vector.extract_strided_slice %get3A_1 {offsets = [2240, 0], sizes = [320, 16], strides = [1, 1]} : vector<2560x16xf32> to vector<320x16xf32>
    %concatenate3A = tpu.concatenate %slice3A, %slice3A_2, %slice3A_3, %slice3A_4, %slice3A_5, %slice3A_6, %slice3A_7, %slice3A_8 in 1 : vector<320x16xf32>, vector<320x16xf32>, vector<320x16xf32>, vector<320x16xf32>, vector<320x16xf32>, vector<320x16xf32>, vector<320x16xf32>, vector<320x16xf32> -> vector<320x128xf32>
    %convert_element_type3A = arith.truncf %concatenate3A : vector<320x128xf32> to vector<320x128xbf16>
    %get3A_9 = arith.constant 0 : index
    %get3A_10 = arith.constant 0 : index
    %get3A_11 = vector.load %arg2[%get3A_9, %get3A_10] : memref<128x128xf32, #tpu.memory_space<vmem>>, vector<128x128xf32>
    %convert_element_type3A_12 = arith.truncf %get3A_11 : vector<128x128xf32> to vector<128x128xbf16>
    %dot_general3A = arith.constant dense<0.000000e+00> : vector<320x128xf32>
    %dot_general3A_13 = tpu.matmul %convert_element_type3A, %convert_element_type3A_12, %dot_general3A {dimension_numbers = #tpu.dot_dimension_numbers<[1], [0], [0], [1], [0, 0, 1, 1], [], []>, transpose_lhs_hint = false} : vector<320x128xbf16>, vector<128x128xbf16>, vector<320x128xf32> -> vector<320x128xf32>
    %get3A_14 = arith.constant 0 : index
    %get3A_15 = arith.constant 0 : index
    %get3A_16 = vector.load %arg3[%get3A_14, %get3A_15] : memref<1x128xf32, #tpu.memory_space<vmem>>, vector<1x128xf32>
    %add3A = vector.broadcast %get3A_16 : vector<1x128xf32> to vector<320x128xf32>
    %add3A_17 = arith.addf %dot_general3A_13, %add3A : vector<320x128xf32>
    %max3A = arith.constant 0.000000e+00 : f32
    %max3A_18 = vector.broadcast %max3A : f32 to vector<320x128xf32>
    %max3A_19 = arith.maximumf %add3A_17, %max3A_18 : vector<320x128xf32>
    %convert_element_type3A_20 = arith.truncf %max3A_19 : vector<320x128xf32> to vector<320x128xbf16>
    %get3A_21 = arith.constant 0 : index
    %get3A_22 = arith.constant 0 : index
    %get3A_23 = vector.load %arg4[%get3A_21, %get3A_22] : memref<128x128xf32, #tpu.memory_space<vmem>>, vector<128x128xf32>
    %convert_element_type3A_24 = arith.truncf %get3A_23 : vector<128x128xf32> to vector<128x128xbf16>
    %dot_general3A_25 = arith.constant dense<0.000000e+00> : vector<320x128xf32>
    %dot_general3A_26 = tpu.matmul %convert_element_type3A_20, %convert_element_type3A_24, %dot_general3A_25 {dimension_numbers = #tpu.dot_dimension_numbers<[1], [0], [0], [1], [0, 0, 1, 1], [], []>, transpose_lhs_hint = false} : vector<320x128xbf16>, vector<128x128xbf16>, vector<320x128xf32> -> vector<320x128xf32>
    %get3A_27 = arith.constant 0 : index
    %get3A_28 = arith.constant 0 : index
    %get3A_29 = vector.load %arg5[%get3A_27, %get3A_28] : memref<1x128xf32, #tpu.memory_space<vmem>>, vector<1x128xf32>
    %add3A_30 = vector.broadcast %get3A_29 : vector<1x128xf32> to vector<320x128xf32>
    %add3A_31 = arith.addf %dot_general3A_26, %add3A_30 : vector<320x128xf32>
    %swap3A = arith.constant 0 : index
    %swap3A_32 = arith.constant 0 : index
    %swap3A_33 = vector.load %arg6[%swap3A, %swap3A_32] : memref<320x128xf32, #tpu.memory_space<vmem>>, vector<320x128xf32>
    tpu.vector_store %arg6[%swap3A, %swap3A_32], %add3A_31 {strides = array<i32>} : memref<320x128xf32, #tpu.memory_space<vmem>>, vector<320x128xf32>,
    return
  }
  func.func @transform_0(%arg0: i32) -> (i32, i32) {
    %c0_i32 = arith.constant 0 : i32
    %c0_i32_0 = arith.constant 0 : i32
    return %arg0, %c0_i32 : i32, i32
  }
  func.func @transform_1(%arg0: i32) -> (i32, i32) {
    %c0_i32 = arith.constant 0 : i32
    %c0_i32_0 = arith.constant 0 : i32
    %c0_i32_1 = arith.constant 0 : i32
    return %c0_i32, %c0_i32_0 : i32, i32
  }
  func.func @transform_2(%arg0: i32) -> (i32, i32) {
    %c0_i32 = arith.constant 0 : i32
    %c0_i32_0 = arith.constant 0 : i32
    %c0_i32_1 = arith.constant 0 : i32
    return %c0_i32, %c0_i32_0 : i32, i32
  }
  func.func @transform_3(%arg0: i32) -> (i32, i32) {
    %c0_i32 = arith.constant 0 : i32
    %c0_i32_0 = arith.constant 0 : i32
    %c0_i32_1 = arith.constant 0 : i32
    return %c0_i32, %c0_i32_0 : i32, i32
  }
  func.func @transform_4(%arg0: i32) -> (i32, i32) {
    %c0_i32 = arith.constant 0 : i32
    %c0_i32_0 = arith.constant 0 : i32
    %c0_i32_1 = arith.constant 0 : i32
    return %c0_i32, %c0_i32_0 : i32, i32
  }
  func.func @transform_5(%arg0: i32) -> (i32, i32) {
    %c0_i32 = arith.constant 0 : i32
    %c0_i32_0 = arith.constant 0 : i32
    return %arg0, %c0_i32 : i32, i32
  }
}

module attributes {stable_mosaic.version = 14 : i64} {
  func.func @_node0_body(%arg0: memref<1280x128xf32, #tpu.memory_space<vmem>>, %arg1: memref<1280x128xf32, #tpu.memory_space<vmem>>, %arg2: memref<1280x128xf32, #tpu.memory_space<vmem>>, %arg3: memref<1280x128xf32, #tpu.memory_space<vmem>>, %arg4: memref<1250x128xf32, #tpu.memory_space<vmem>>, %arg5: memref<1x128xf32, #tpu.memory_space<vmem>>, %arg6: memref<1x128xf32, #tpu.memory_space<vmem>>, %arg7: memref<10000x16xf32, #tpu.memory_space<vmem>>, %arg8: memref<1250x128xf32, #tpu.memory_space<vmem>>, %arg9: memref<1250x128xf32, #tpu.memory_space<vmem>>) attributes {dimension_semantics = [], scalar_prefetch = 0 : i64, scratch_operands = 0 : i64, tpu.core_type = #tpu.core_type<tc>} {
    %get3A = arith.constant 0 : index
    %get3A_0 = arith.constant 0 : index
    %get3A_1 = vector.load %arg2[%get3A, %get3A_0] : memref<1280x128xf32, #tpu.memory_space<vmem>>, vector<1250x128xf32>
    %get3A_2 = arith.constant 0 : index
    %get3A_3 = arith.constant 0 : index
    %get3A_4 = vector.load %arg3[%get3A_2, %get3A_3] : memref<1280x128xf32, #tpu.memory_space<vmem>>, vector<1250x128xf32>
    %add3A = arith.addf %get3A_1, %get3A_4 : vector<1250x128xf32>
    %max3A = arith.constant 1.000000e+00 : f32
    %max3A_5 = vector.broadcast %max3A : f32 to vector<1250x128xf32>
    %max3A_6 = arith.maximumf %add3A, %max3A_5 : vector<1250x128xf32>
    %div3A = arith.constant 1.000000e+00 : f32
    %div3A_7 = vector.broadcast %div3A : f32 to vector<1250x128xf32>
    %div3A_8 = arith.divf %div3A_7, %max3A_6 : vector<1250x128xf32>
    %get3A_9 = arith.constant 0 : index
    %get3A_10 = arith.constant 0 : index
    %get3A_11 = vector.load %arg0[%get3A_9, %get3A_10] : memref<1280x128xf32, #tpu.memory_space<vmem>>, vector<1250x128xf32>
    %get3A_12 = arith.constant 0 : index
    %get3A_13 = arith.constant 0 : index
    %get3A_14 = vector.load %arg1[%get3A_12, %get3A_13] : memref<1280x128xf32, #tpu.memory_space<vmem>>, vector<1250x128xf32>
    %add3A_15 = arith.addf %get3A_11, %get3A_14 : vector<1250x128xf32>
    %mul3A = arith.mulf %add3A_15, %div3A_8 : vector<1250x128xf32>
    %get3A_16 = arith.constant 0 : index
    %get3A_17 = arith.constant 0 : index
    %get3A_18 = vector.load %arg4[%get3A_16, %get3A_17] : memref<1250x128xf32, #tpu.memory_space<vmem>>, vector<1250x128xf32>
    %get3A_19 = arith.constant 0 : index
    %get3A_20 = arith.constant 0 : index
    %get3A_21 = vector.load %arg5[%get3A_19, %get3A_20] : memref<1x128xf32, #tpu.memory_space<vmem>>, vector<1x128xf32>
    %mul3A_22 = vector.broadcast %get3A_21 : vector<1x128xf32> to vector<1250x128xf32>
    %mul3A_23 = arith.mulf %get3A_18, %mul3A_22 : vector<1250x128xf32>
    %add3A_24 = arith.addf %mul3A, %mul3A_23 : vector<1250x128xf32>
    %get3A_25 = arith.constant 0 : index
    %get3A_26 = arith.constant 0 : index
    %get3A_27 = vector.load %arg6[%get3A_25, %get3A_26] : memref<1x128xf32, #tpu.memory_space<vmem>>, vector<1x128xf32>
    %add3A_28 = vector.broadcast %get3A_27 : vector<1x128xf32> to vector<1250x128xf32>
    %add3A_29 = arith.addf %add3A_24, %add3A_28 : vector<1250x128xf32>
    %max3A_30 = arith.constant 0.000000e+00 : f32
    %max3A_31 = vector.broadcast %max3A_30 : f32 to vector<1250x128xf32>
    %max3A_32 = arith.maximumf %add3A_29, %max3A_31 : vector<1250x128xf32>
    %slice3A = vector.extract_strided_slice %max3A_32 {offsets = [0, 0], sizes = [1250, 16], strides = [1, 1]} : vector<1250x128xf32> to vector<1250x16xf32>
    %slice3A_33 = vector.extract_strided_slice %max3A_32 {offsets = [0, 16], sizes = [1250, 16], strides = [1, 1]} : vector<1250x128xf32> to vector<1250x16xf32>
    %slice3A_34 = vector.extract_strided_slice %max3A_32 {offsets = [0, 32], sizes = [1250, 16], strides = [1, 1]} : vector<1250x128xf32> to vector<1250x16xf32>
    %slice3A_35 = vector.extract_strided_slice %max3A_32 {offsets = [0, 48], sizes = [1250, 16], strides = [1, 1]} : vector<1250x128xf32> to vector<1250x16xf32>
    %slice3A_36 = vector.extract_strided_slice %max3A_32 {offsets = [0, 64], sizes = [1250, 16], strides = [1, 1]} : vector<1250x128xf32> to vector<1250x16xf32>
    %slice3A_37 = vector.extract_strided_slice %max3A_32 {offsets = [0, 80], sizes = [1250, 16], strides = [1, 1]} : vector<1250x128xf32> to vector<1250x16xf32>
    %slice3A_38 = vector.extract_strided_slice %max3A_32 {offsets = [0, 96], sizes = [1250, 16], strides = [1, 1]} : vector<1250x128xf32> to vector<1250x16xf32>
    %slice3A_39 = vector.extract_strided_slice %max3A_32 {offsets = [0, 112], sizes = [1250, 16], strides = [1, 1]} : vector<1250x128xf32> to vector<1250x16xf32>
    %concatenate3A = tpu.concatenate %slice3A, %slice3A_33, %slice3A_34, %slice3A_35, %slice3A_36, %slice3A_37, %slice3A_38, %slice3A_39 in 0 : vector<1250x16xf32>, vector<1250x16xf32>, vector<1250x16xf32>, vector<1250x16xf32>, vector<1250x16xf32>, vector<1250x16xf32>, vector<1250x16xf32>, vector<1250x16xf32> -> vector<10000x16xf32>
    %swap3A = arith.constant 0 : index
    %swap3A_40 = arith.constant 0 : index
    %swap3A_41 = vector.load %arg7[%swap3A, %swap3A_40] : memref<10000x16xf32, #tpu.memory_space<vmem>>, vector<10000x16xf32>
    tpu.vector_store %arg7[%swap3A, %swap3A_40], %concatenate3A {strides = array<i32>} : memref<10000x16xf32, #tpu.memory_space<vmem>>, vector<10000x16xf32>,
    %swap3A_42 = arith.constant 0 : index
    %swap3A_43 = arith.constant 0 : index
    %swap3A_44 = vector.load %arg8[%swap3A_42, %swap3A_43] : memref<1250x128xf32, #tpu.memory_space<vmem>>, vector<1250x128xf32>
    tpu.vector_store %arg8[%swap3A_42, %swap3A_43], %max3A_32 {strides = array<i32>} : memref<1250x128xf32, #tpu.memory_space<vmem>>, vector<1250x128xf32>,
    %swap3A_45 = arith.constant 0 : index
    %swap3A_46 = arith.constant 0 : index
    %swap3A_47 = vector.load %arg9[%swap3A_45, %swap3A_46] : memref<1250x128xf32, #tpu.memory_space<vmem>>, vector<1250x128xf32>
    tpu.vector_store %arg9[%swap3A_45, %swap3A_46], %div3A_8 {strides = array<i32>} : memref<1250x128xf32, #tpu.memory_space<vmem>>, vector<1250x128xf32>,
    return
  }
}

module attributes {stable_mosaic.version = 14 : i64} {
  func.func @_msg1_body(%arg0: i32, %arg1: memref<2560x16xf32, #tpu.memory_space<vmem>>, %arg2: memref<320x128xf32, #tpu.memory_space<vmem>>, %arg3: memref<16x256xf32, #tpu.memory_space<vmem>>, %arg4: memref<1x256xf32, #tpu.memory_space<vmem>>, %arg5: memref<256x256xf32, #tpu.memory_space<vmem>>, %arg6: memref<1x256xf32, #tpu.memory_space<vmem>>, %arg7: memref<16x256xf32, #tpu.memory_space<vmem>>, %arg8: memref<256x16xf32, #tpu.memory_space<vmem>>, %arg9: memref<320x128xf32, #tpu.memory_space<vmem>>) attributes {dimension_semantics = [#tpu.dimension_semantics<arbitrary>], iteration_bounds = array<i64: 125>, scalar_prefetch = 0 : i64, scratch_operands = 0 : i64, tpu.core_type = #tpu.core_type<tc>, window_params = [{transform_indices = @transform_0, window_bounds = array<i64: 2560, 16>}, {transform_indices = @transform_1, window_bounds = array<i64: 320, 128>}, {pipeline_mode = #tpu.pipeline_mode<synchronous>, transform_indices = @transform_2, window_bounds = array<i64: 16, 256>}, {pipeline_mode = #tpu.pipeline_mode<synchronous>, transform_indices = @transform_3, window_bounds = array<i64: 1, 256>}, {pipeline_mode = #tpu.pipeline_mode<synchronous>, transform_indices = @transform_4, window_bounds = array<i64: 256, 256>}, {pipeline_mode = #tpu.pipeline_mode<synchronous>, transform_indices = @transform_5, window_bounds = array<i64: 1, 256>}, {pipeline_mode = #tpu.pipeline_mode<synchronous>, transform_indices = @transform_6, window_bounds = array<i64: 16, 256>}, {pipeline_mode = #tpu.pipeline_mode<synchronous>, transform_indices = @transform_7, window_bounds = array<i64: 256, 16>}, {transform_indices = @transform_8, window_bounds = array<i64: 320, 128>}]} {
    %get3A = arith.constant 0 : index
    %get3A_0 = arith.constant 0 : index
    %get3A_1 = vector.load %arg1[%get3A, %get3A_0] : memref<2560x16xf32, #tpu.memory_space<vmem>>, vector<2560x16xf32>
    %convert_element_type3A = arith.truncf %get3A_1 : vector<2560x16xf32> to vector<2560x16xbf16>
    %get3A_2 = arith.constant 0 : index
    %get3A_3 = arith.constant 0 : index
    %get3A_4 = vector.load %arg3[%get3A_2, %get3A_3] : memref<16x256xf32, #tpu.memory_space<vmem>>, vector<16x256xf32>
    %convert_element_type3A_5 = arith.truncf %get3A_4 : vector<16x256xf32> to vector<16x256xbf16>
    %dot_general3A = arith.constant dense<0.000000e+00> : vector<2560x256xf32>
    %dot_general3A_6 = tpu.matmul %convert_element_type3A, %convert_element_type3A_5, %dot_general3A {dimension_numbers = #tpu.dot_dimension_numbers<[1], [0], [0], [1], [0, 0, 1, 1], [], []>, transpose_lhs_hint = false} : vector<2560x16xbf16>, vector<16x256xbf16>, vector<2560x256xf32> -> vector<2560x256xf32>
    %get3A_7 = arith.constant 0 : index
    %get3A_8 = arith.constant 0 : index
    %get3A_9 = vector.load %arg4[%get3A_7, %get3A_8] : memref<1x256xf32, #tpu.memory_space<vmem>>, vector<1x256xf32>
    %add3A = vector.broadcast %get3A_9 : vector<1x256xf32> to vector<2560x256xf32>
    %add3A_10 = arith.addf %dot_general3A_6, %add3A : vector<2560x256xf32>
    %max3A = arith.constant 0.000000e+00 : f32
    %max3A_11 = vector.broadcast %max3A : f32 to vector<2560x256xf32>
    %max3A_12 = arith.maximumf %add3A_10, %max3A_11 : vector<2560x256xf32>
    %convert_element_type3A_13 = arith.truncf %max3A_12 : vector<2560x256xf32> to vector<2560x256xbf16>
    %get3A_14 = arith.constant 0 : index
    %get3A_15 = arith.constant 0 : index
    %get3A_16 = vector.load %arg5[%get3A_14, %get3A_15] : memref<256x256xf32, #tpu.memory_space<vmem>>, vector<256x256xf32>
    %convert_element_type3A_17 = arith.truncf %get3A_16 : vector<256x256xf32> to vector<256x256xbf16>
    %dot_general3A_18 = arith.constant dense<0.000000e+00> : vector<2560x256xf32>
    %dot_general3A_19 = tpu.matmul %convert_element_type3A_13, %convert_element_type3A_17, %dot_general3A_18 {dimension_numbers = #tpu.dot_dimension_numbers<[1], [0], [0], [1], [0, 0, 1, 1], [], []>, transpose_lhs_hint = false} : vector<2560x256xbf16>, vector<256x256xbf16>, vector<2560x256xf32> -> vector<2560x256xf32>
    %get3A_20 = arith.constant 0 : index
    %get3A_21 = arith.constant 0 : index
    %get3A_22 = vector.load %arg6[%get3A_20, %get3A_21] : memref<1x256xf32, #tpu.memory_space<vmem>>, vector<1x256xf32>
    %add3A_23 = vector.broadcast %get3A_22 : vector<1x256xf32> to vector<2560x256xf32>
    %add3A_24 = arith.addf %dot_general3A_19, %add3A_23 : vector<2560x256xf32>
    %get3A_25 = arith.constant 0 : index
    %get3A_26 = arith.constant 0 : index
    %get3A_27 = vector.load %arg2[%get3A_25, %get3A_26] : memref<320x128xf32, #tpu.memory_space<vmem>>, vector<320x128xf32>
    %slice3A = vector.extract_strided_slice %get3A_27 {offsets = [0, 0], sizes = [320, 16], strides = [1, 1]} : vector<320x128xf32> to vector<320x16xf32>
    %slice3A_28 = vector.extract_strided_slice %get3A_27 {offsets = [0, 16], sizes = [320, 16], strides = [1, 1]} : vector<320x128xf32> to vector<320x16xf32>
    %slice3A_29 = vector.extract_strided_slice %get3A_27 {offsets = [0, 32], sizes = [320, 16], strides = [1, 1]} : vector<320x128xf32> to vector<320x16xf32>
    %slice3A_30 = vector.extract_strided_slice %get3A_27 {offsets = [0, 48], sizes = [320, 16], strides = [1, 1]} : vector<320x128xf32> to vector<320x16xf32>
    %slice3A_31 = vector.extract_strided_slice %get3A_27 {offsets = [0, 64], sizes = [320, 16], strides = [1, 1]} : vector<320x128xf32> to vector<320x16xf32>
    %slice3A_32 = vector.extract_strided_slice %get3A_27 {offsets = [0, 80], sizes = [320, 16], strides = [1, 1]} : vector<320x128xf32> to vector<320x16xf32>
    %slice3A_33 = vector.extract_strided_slice %get3A_27 {offsets = [0, 96], sizes = [320, 16], strides = [1, 1]} : vector<320x128xf32> to vector<320x16xf32>
    %slice3A_34 = vector.extract_strided_slice %get3A_27 {offsets = [0, 112], sizes = [320, 16], strides = [1, 1]} : vector<320x128xf32> to vector<320x16xf32>
    %concatenate3A = tpu.concatenate %slice3A, %slice3A_28, %slice3A_29, %slice3A_30, %slice3A_31, %slice3A_32, %slice3A_33, %slice3A_34 in 0 : vector<320x16xf32>, vector<320x16xf32>, vector<320x16xf32>, vector<320x16xf32>, vector<320x16xf32>, vector<320x16xf32>, vector<320x16xf32>, vector<320x16xf32> -> vector<2560x16xf32>
    %convert_element_type3A_35 = arith.truncf %concatenate3A : vector<2560x16xf32> to vector<2560x16xbf16>
    %get3A_36 = arith.constant 0 : index
    %get3A_37 = arith.constant 0 : index
    %get3A_38 = vector.load %arg7[%get3A_36, %get3A_37] : memref<16x256xf32, #tpu.memory_space<vmem>>, vector<16x256xf32>
    %convert_element_type3A_39 = arith.truncf %get3A_38 : vector<16x256xf32> to vector<16x256xbf16>
    %dot_general3A_40 = arith.constant dense<0.000000e+00> : vector<2560x256xf32>
    %dot_general3A_41 = tpu.matmul %convert_element_type3A_35, %convert_element_type3A_39, %dot_general3A_40 {dimension_numbers = #tpu.dot_dimension_numbers<[1], [0], [0], [1], [0, 0, 1, 1], [], []>, transpose_lhs_hint = false} : vector<2560x16xbf16>, vector<16x256xbf16>, vector<2560x256xf32> -> vector<2560x256xf32>
    %mul3A = arith.mulf %add3A_24, %dot_general3A_41 : vector<2560x256xf32>
    %convert_element_type3A_42 = arith.truncf %mul3A : vector<2560x256xf32> to vector<2560x256xbf16>
    %get3A_43 = arith.constant 0 : index
    %get3A_44 = arith.constant 0 : index
    %get3A_45 = vector.load %arg8[%get3A_43, %get3A_44] : memref<256x16xf32, #tpu.memory_space<vmem>>, vector<256x16xf32>
    %convert_element_type3A_46 = arith.truncf %get3A_45 : vector<256x16xf32> to vector<256x16xbf16>
    %dot_general3A_47 = arith.constant dense<0.000000e+00> : vector<2560x16xf32>
    %dot_general3A_48 = tpu.matmul %convert_element_type3A_42, %convert_element_type3A_46, %dot_general3A_47 {dimension_numbers = #tpu.dot_dimension_numbers<[1], [0], [0], [1], [0, 0, 1, 1], [], []>, transpose_lhs_hint = false} : vector<2560x256xbf16>, vector<256x16xbf16>, vector<2560x16xf32> -> vector<2560x16xf32>
    %slice3A_49 = vector.extract_strided_slice %dot_general3A_48 {offsets = [0, 0], sizes = [320, 16], strides = [1, 1]} : vector<2560x16xf32> to vector<320x16xf32>
    %slice3A_50 = vector.extract_strided_slice %dot_general3A_48 {offsets = [320, 0], sizes = [320, 16], strides = [1, 1]} : vector<2560x16xf32> to vector<320x16xf32>
    %slice3A_51 = vector.extract_strided_slice %dot_general3A_48 {offsets = [640, 0], sizes = [320, 16], strides = [1, 1]} : vector<2560x16xf32> to vector<320x16xf32>
    %slice3A_52 = vector.extract_strided_slice %dot_general3A_48 {offsets = [960, 0], sizes = [320, 16], strides = [1, 1]} : vector<2560x16xf32> to vector<320x16xf32>
    %slice3A_53 = vector.extract_strided_slice %dot_general3A_48 {offsets = [1280, 0], sizes = [320, 16], strides = [1, 1]} : vector<2560x16xf32> to vector<320x16xf32>
    %slice3A_54 = vector.extract_strided_slice %dot_general3A_48 {offsets = [1600, 0], sizes = [320, 16], strides = [1, 1]} : vector<2560x16xf32> to vector<320x16xf32>
    %slice3A_55 = vector.extract_strided_slice %dot_general3A_48 {offsets = [1920, 0], sizes = [320, 16], strides = [1, 1]} : vector<2560x16xf32> to vector<320x16xf32>
    %slice3A_56 = vector.extract_strided_slice %dot_general3A_48 {offsets = [2240, 0], sizes = [320, 16], strides = [1, 1]} : vector<2560x16xf32> to vector<320x16xf32>
    %concatenate3A_57 = tpu.concatenate %slice3A_49, %slice3A_50, %slice3A_51, %slice3A_52, %slice3A_53, %slice3A_54, %slice3A_55, %slice3A_56 in 1 : vector<320x16xf32>, vector<320x16xf32>, vector<320x16xf32>, vector<320x16xf32>, vector<320x16xf32>, vector<320x16xf32>, vector<320x16xf32>, vector<320x16xf32> -> vector<320x128xf32>
    %swap3A = arith.constant 0 : index
    %swap3A_58 = arith.constant 0 : index
    %swap3A_59 = vector.load %arg9[%swap3A, %swap3A_58] : memref<320x128xf32, #tpu.memory_space<vmem>>, vector<320x128xf32>
    tpu.vector_store %arg9[%swap3A, %swap3A_58], %concatenate3A_57 {strides = array<i32>} : memref<320x128xf32, #tpu.memory_space<vmem>>, vector<320x128xf32>,
    return
  }
  func.func @transform_0(%arg0: i32) -> (i32, i32) {
    %c0_i32 = arith.constant 0 : i32
    %c0_i32_0 = arith.constant 0 : i32
    return %arg0, %c0_i32 : i32, i32
  }
  func.func @transform_1(%arg0: i32) -> (i32, i32) {
    %c0_i32 = arith.constant 0 : i32
    %c0_i32_0 = arith.constant 0 : i32
    return %arg0, %c0_i32 : i32, i32
  }
  func.func @transform_2(%arg0: i32) -> (i32, i32) {
    %c0_i32 = arith.constant 0 : i32
    %c0_i32_0 = arith.constant 0 : i32
    %c0_i32_1 = arith.constant 0 : i32
    return %c0_i32, %c0_i32_0 : i32, i32
  }
  func.func @transform_3(%arg0: i32) -> (i32, i32) {
    %c0_i32 = arith.constant 0 : i32
    %c0_i32_0 = arith.constant 0 : i32
    %c0_i32_1 = arith.constant 0 : i32
    return %c0_i32, %c0_i32_0 : i32, i32
  }
  func.func @transform_4(%arg0: i32) -> (i32, i32) {
    %c0_i32 = arith.constant 0 : i32
    %c0_i32_0 = arith.constant 0 : i32
    %c0_i32_1 = arith.constant 0 : i32
    return %c0_i32, %c0_i32_0 : i32, i32
  }
  func.func @transform_5(%arg0: i32) -> (i32, i32) {
    %c0_i32 = arith.constant 0 : i32
    %c0_i32_0 = arith.constant 0 : i32
    %c0_i32_1 = arith.constant 0 : i32
    return %c0_i32, %c0_i32_0 : i32, i32
  }
  func.func @transform_6(%arg0: i32) -> (i32, i32) {
    %c0_i32 = arith.constant 0 : i32
    %c0_i32_0 = arith.constant 0 : i32
    %c0_i32_1 = arith.constant 0 : i32
    return %c0_i32, %c0_i32_0 : i32, i32
  }
  func.func @transform_7(%arg0: i32) -> (i32, i32) {
    %c0_i32 = arith.constant 0 : i32
    %c0_i32_0 = arith.constant 0 : i32
    %c0_i32_1 = arith.constant 0 : i32
    return %c0_i32, %c0_i32_0 : i32, i32
  }
  func.func @transform_8(%arg0: i32) -> (i32, i32) {
    %c0_i32 = arith.constant 0 : i32
    %c0_i32_0 = arith.constant 0 : i32
    return %arg0, %c0_i32 : i32, i32
  }
}

module attributes {stable_mosaic.version = 14 : i64} {
  func.func @_final_body(%arg0: memref<1280x128xf32, #tpu.memory_space<vmem>>, %arg1: memref<1280x128xf32, #tpu.memory_space<vmem>>, %arg2: memref<1250x128xf32, #tpu.memory_space<vmem>>, %arg3: memref<1250x128xf32, #tpu.memory_space<vmem>>, %arg4: memref<128x128xf32, #tpu.memory_space<vmem>>, %arg5: memref<1x128xf32, #tpu.memory_space<vmem>>, %arg6: memref<1x10000xi32, #tpu.memory_space<vmem>>, %arg7: memref<16x16xf32, #tpu.memory_space<vmem>>, %arg8: memref<1x16xf32, #tpu.memory_space<vmem>>, %arg9: memref<16x4xf32, #tpu.memory_space<vmem>>, %arg10: memref<1x4xf32, #tpu.memory_space<vmem>>, %arg11: memref<64x4xf32, #tpu.memory_space<vmem>>) attributes {dimension_semantics = [], scalar_prefetch = 0 : i64, scratch_operands = 0 : i64, tpu.core_type = #tpu.core_type<tc>} {
    %get3A = arith.constant 0 : index
    %get3A_0 = arith.constant 0 : index
    %get3A_1 = vector.load %arg0[%get3A, %get3A_0] : memref<1280x128xf32, #tpu.memory_space<vmem>>, vector<1250x128xf32>
    %get3A_2 = arith.constant 0 : index
    %get3A_3 = arith.constant 0 : index
    %get3A_4 = vector.load %arg1[%get3A_2, %get3A_3] : memref<1280x128xf32, #tpu.memory_space<vmem>>, vector<1250x128xf32>
    %add3A = arith.addf %get3A_1, %get3A_4 : vector<1250x128xf32>
    %get3A_5 = arith.constant 0 : index
    %get3A_6 = arith.constant 0 : index
    %get3A_7 = vector.load %arg2[%get3A_5, %get3A_6] : memref<1250x128xf32, #tpu.memory_space<vmem>>, vector<1250x128xf32>
    %mul3A = arith.mulf %add3A, %get3A_7 : vector<1250x128xf32>
    %get3A_8 = arith.constant 0 : index
    %get3A_9 = arith.constant 0 : index
    %get3A_10 = vector.load %arg3[%get3A_8, %get3A_9] : memref<1250x128xf32, #tpu.memory_space<vmem>>, vector<1250x128xf32>
    %get3A_11 = arith.constant 0 : index
    %get3A_12 = arith.constant 0 : index
    %get3A_13 = vector.load %arg4[%get3A_11, %get3A_12] : memref<128x128xf32, #tpu.memory_space<vmem>>, vector<128x128xf32>
    %dot_general3A = arith.constant dense<0.000000e+00> : vector<1250x128xf32>
    %dot_general3A_14 = tpu.matmul %get3A_10, %get3A_13, %dot_general3A {dimension_numbers = #tpu.dot_dimension_numbers<[1], [0], [0], [1], [0, 0, 1, 1], [], []>, transpose_lhs_hint = false} : vector<1250x128xf32>, vector<128x128xf32>, vector<1250x128xf32> -> vector<1250x128xf32>
    %add3A_15 = arith.addf %mul3A, %dot_general3A_14 : vector<1250x128xf32>
    %get3A_16 = arith.constant 0 : index
    %get3A_17 = arith.constant 0 : index
    %get3A_18 = vector.load %arg5[%get3A_16, %get3A_17] : memref<1x128xf32, #tpu.memory_space<vmem>>, vector<1x128xf32>
    %add3A_19 = vector.broadcast %get3A_18 : vector<1x128xf32> to vector<1250x128xf32>
    %add3A_20 = arith.addf %add3A_15, %add3A_19 : vector<1250x128xf32>
    %max3A = arith.constant 0.000000e+00 : f32
    %max3A_21 = vector.broadcast %max3A : f32 to vector<1250x128xf32>
    %max3A_22 = arith.maximumf %add3A_20, %max3A_21 : vector<1250x128xf32>
    %slice3A = vector.extract_strided_slice %max3A_22 {offsets = [0, 0], sizes = [1250, 16], strides = [1, 1]} : vector<1250x128xf32> to vector<1250x16xf32>
    %slice3A_23 = vector.extract_strided_slice %max3A_22 {offsets = [0, 16], sizes = [1250, 16], strides = [1, 1]} : vector<1250x128xf32> to vector<1250x16xf32>
    %slice3A_24 = vector.extract_strided_slice %max3A_22 {offsets = [0, 32], sizes = [1250, 16], strides = [1, 1]} : vector<1250x128xf32> to vector<1250x16xf32>
    %slice3A_25 = vector.extract_strided_slice %max3A_22 {offsets = [0, 48], sizes = [1250, 16], strides = [1, 1]} : vector<1250x128xf32> to vector<1250x16xf32>
    %slice3A_26 = vector.extract_strided_slice %max3A_22 {offsets = [0, 64], sizes = [1250, 16], strides = [1, 1]} : vector<1250x128xf32> to vector<1250x16xf32>
    %slice3A_27 = vector.extract_strided_slice %max3A_22 {offsets = [0, 80], sizes = [1250, 16], strides = [1, 1]} : vector<1250x128xf32> to vector<1250x16xf32>
    %slice3A_28 = vector.extract_strided_slice %max3A_22 {offsets = [0, 96], sizes = [1250, 16], strides = [1, 1]} : vector<1250x128xf32> to vector<1250x16xf32>
    %slice3A_29 = vector.extract_strided_slice %max3A_22 {offsets = [0, 112], sizes = [1250, 16], strides = [1, 1]} : vector<1250x128xf32> to vector<1250x16xf32>
    %concatenate3A = tpu.concatenate %slice3A, %slice3A_23, %slice3A_24, %slice3A_25, %slice3A_26, %slice3A_27, %slice3A_28, %slice3A_29 in 0 : vector<1250x16xf32>, vector<1250x16xf32>, vector<1250x16xf32>, vector<1250x16xf32>, vector<1250x16xf32>, vector<1250x16xf32>, vector<1250x16xf32>, vector<1250x16xf32> -> vector<10000x16xf32>
    %iota3A = tpu.iota {dimensions = array<i32: 0>} : vector<64x10000xi32>
    %get3A_30 = arith.constant 0 : index
    %get3A_31 = arith.constant 0 : index
    %get3A_32 = vector.load %arg6[%get3A_30, %get3A_31] : memref<1x10000xi32, #tpu.memory_space<vmem>>, vector<1x10000xi32>
    %eq3A = vector.broadcast %get3A_32 : vector<1x10000xi32> to vector<64x10000xi32>
    %eq3A_33 = arith.cmpi eq, %eq3A, %iota3A : vector<64x10000xi32>
    %convert_element_type3A = arith.extui %eq3A_33 : vector<64x10000xi1> to vector<64x10000xi32>
    %convert_element_type3A_34 = arith.sitofp %convert_element_type3A : vector<64x10000xi32> to vector<64x10000xf32>
    %dot_general3A_35 = arith.constant dense<0.000000e+00> : vector<64x16xf32>
    %dot_general3A_36 = tpu.matmul %convert_element_type3A_34, %concatenate3A, %dot_general3A_35 {dimension_numbers = #tpu.dot_dimension_numbers<[1], [0], [0], [1], [0, 0, 1, 1], [], []>, transpose_lhs_hint = false} : vector<64x10000xf32>, vector<10000x16xf32>, vector<64x16xf32> -> vector<64x16xf32>
    %reduce_sum3A = arith.constant dense<0.000000e+00> : vector<64xf32>
    %reduce_sum3A_37 = vector.multi_reduction <add>, %convert_element_type3A_34, %reduce_sum3A [1] : vector<64x10000xf32> to vector<64xf32>
    %broadcast_in_dim3A = vector.shape_cast %reduce_sum3A_37 : vector<64xf32> to vector<64x1xf32>
    %max3A_38 = arith.constant 1.000000e+00 : f32
    %max3A_39 = vector.broadcast %max3A_38 : f32 to vector<64x1xf32>
    %max3A_40 = arith.maximumf %broadcast_in_dim3A, %max3A_39 : vector<64x1xf32>
    %div3A = vector.broadcast %max3A_40 : vector<64x1xf32> to vector<64x16xf32>
    %div3A_41 = arith.divf %dot_general3A_36, %div3A : vector<64x16xf32>
    %get3A_42 = arith.constant 0 : index
    %get3A_43 = arith.constant 0 : index
    %get3A_44 = vector.load %arg7[%get3A_42, %get3A_43] : memref<16x16xf32, #tpu.memory_space<vmem>>, vector<16x16xf32>
    %dot_general3A_45 = arith.constant dense<0.000000e+00> : vector<64x16xf32>
    %dot_general3A_46 = tpu.matmul %div3A_41, %get3A_44, %dot_general3A_45 {dimension_numbers = #tpu.dot_dimension_numbers<[1], [0], [0], [1], [0, 0, 1, 1], [], []>, transpose_lhs_hint = false} : vector<64x16xf32>, vector<16x16xf32>, vector<64x16xf32> -> vector<64x16xf32>
    %get3A_47 = arith.constant 0 : index
    %get3A_48 = arith.constant 0 : index
    %get3A_49 = vector.load %arg8[%get3A_47, %get3A_48] : memref<1x16xf32, #tpu.memory_space<vmem>>, vector<1x16xf32>
    %add3A_50 = vector.broadcast %get3A_49 : vector<1x16xf32> to vector<64x16xf32>
    %add3A_51 = arith.addf %dot_general3A_46, %add3A_50 : vector<64x16xf32>
    %max3A_52 = arith.constant 0.000000e+00 : f32
    %max3A_53 = vector.broadcast %max3A_52 : f32 to vector<64x16xf32>
    %max3A_54 = arith.maximumf %add3A_51, %max3A_53 : vector<64x16xf32>
    %get3A_55 = arith.constant 0 : index
    %get3A_56 = arith.constant 0 : index
    %get3A_57 = vector.load %arg9[%get3A_55, %get3A_56] : memref<16x4xf32, #tpu.memory_space<vmem>>, vector<16x4xf32>
    %dot_general3A_58 = arith.constant dense<0.000000e+00> : vector<64x4xf32>
    %dot_general3A_59 = tpu.matmul %max3A_54, %get3A_57, %dot_general3A_58 {dimension_numbers = #tpu.dot_dimension_numbers<[1], [0], [0], [1], [0, 0, 1, 1], [], []>, transpose_lhs_hint = false} : vector<64x16xf32>, vector<16x4xf32>, vector<64x4xf32> -> vector<64x4xf32>
    %get3A_60 = arith.constant 0 : index
    %get3A_61 = arith.constant 0 : index
    %get3A_62 = vector.load %arg10[%get3A_60, %get3A_61] : memref<1x4xf32, #tpu.memory_space<vmem>>, vector<1x4xf32>
    %add3A_63 = vector.broadcast %get3A_62 : vector<1x4xf32> to vector<64x4xf32>
    %add3A_64 = arith.addf %dot_general3A_59, %add3A_63 : vector<64x4xf32>
    %swap3A = arith.constant 0 : index
    %swap3A_65 = arith.constant 0 : index
    %swap3A_66 = vector.load %arg11[%swap3A, %swap3A_65] : memref<64x4xf32, #tpu.memory_space<vmem>>, vector<64x4xf32>
    tpu.vector_store %arg11[%swap3A, %swap3A_65], %add3A_64 {strides = array<i32>} : memref<64x4xf32, #tpu.memory_space<vmem>>, vector<64x4xf32>,
    return
  }
}

</mosaic_0001>

<sc_bundles>
// kernel: kernel.11.cloned.1.call-start
scs
__scs_entry_jumppad:
0x0: {  	(pc) =	sbr.rel $0x88, $3  }
0x1: {  	(tag) =	ssettag $0x0;
	lr =	simm.s32 $0x1  }
0x2: {  	[smem:$0x3F8D] =	sst lr;
	_ =	strace $0xD0000000  }
0x3: {  	_ = 	snop  }
0x4: {  	_ = 	snop  }
0x5: {  	_ = 	snop  }
0x6: {  	_ = 	snop  }
0x7: {  	_ = 	snop  }
__scs_overlays_trampoline_lowered:
0x8: {  	[smem:$0x3F9C] =	sst s0  }
0x9: {  	[smem:$0x3F9D] =	sst s1  }
0xa: {  	[smem:$0x3F9E] =	sst s2  }
0xb: {  	[smem:$0x3F9F] =	sst s3  }
0xc: {  	[smem:$0x3FA0] =	sst s4  }
0xd: {  	[smem:$0x3FA1] =	sst s5  }
0xe: {  	[smem:$0x3FA2] =	sst s6  }
0xf: {  	[smem:$0x3FA3] =	sst s7  }
0x10: {  	[smem:$0x3FA4] =	sst s8  }
0x11: {  	[smem:$0x3FA5] =	sst s9;
	s0 =	simm.s32 @!p0 $0x0  }
0x12: {  	s1 =	sld [smem:$0x3F8B];
	s0 =	simm.s32 @p0 $0x1  }
0x13: {  	[smem:$0x3FA6] =	sst s0;
	s0 =	simm.s32 @!p1 $0x0  }
0x14: {  	s2 =	sld [smem:$0x3F8A];
	s0 =	simm.s32 @p1 $0x1  }
0x15: {  	[smem:$0x3FA7] =	sst s0;
	s0 =	simm.s32 @!p2 $0x0  }
0x16: {  	s3 =	sld [smem:$0x3FDB];
	s0 =	simm.s32 @p2 $0x1  }
0x17: {  	s4 =	simm.s32 $0x1BF5;
	[smem:$0x3FA9] =	sst s0  }
0x18: {  	s0 =	sld [smem:$0x3F8C];
	_ =	swait.ge [sflag:s4], $0x0  }
0x19: {  	s7 =	sld [smem:$0x3F8D]  }
0x1a: {  	s8 =	sadd.s32 $0xFFFFE003, lr  }
0x1b: {  	s9 =	sadd.s32 $0xFFFFFEF7, lr;
	s5 =	simm.s32 $0xFFFFFFFF;
	p2 =	slt.u32 s8, $0xFFFFF086  }
0x1c: {  	p1 =	slt.u32 s9, $0xF7A;
	s5 =	simm.s32 @!p2 $0x0  }
0x1d: {  	s5 =	simm.s32 @p1 $0x1;
	p0 =	seq.s32 s7, s2  }
0x1e: {  	s7 =	smul.u32 @!p0 $0xF7A, s2;
	p2 =	seq.s32 @!p0 s5, $0x0  }
0x1f: {  	s9 =	smul.u32 $0xF7A, s1;
	s8 =	simm.s32 @!p0 $0x1BF5;
	p2 =	por !p2, p0  }
0x20: {  	[sflag:s8] =	ssyncset.s32 @!p0 $0xFFFFF086;
	s6 =	sadd.s32 @!p0 s3, s7;
	s7 =	simm.s32 @!p0 $0x108  }
0x21: {  	s3 =	sadd.s32 s3, s9;
	s6 =	sadd.s32 @!p0 $0x88, s6;
	s7 =	simm.s32 @p2 $0x1082  }
0x22: {  	[simem:s7], [sflag:s8] =	dma.local @!p0 [hbm:s6], $0xF7A  }
0x23: {  	s9 =	sor.u32 $0xD0000000, s2;
	s6 =	simm.s32 $0x108;
	_ =	swait.ge @!p0 [sflag:s8], $0x0  }
0x24: {  	s3 =	sadd.s32 $0x88, s3;
	s6 =	simm.s32 @!p1 $0x1082;
	[sflag:s4] =	ssyncset.s32 $0xFFFFF086  }
0x25: {  	[simem:s6], [sflag:s4] =	dma.local [hbm:s3], $0xF7A  }
0x26: {  	[smem:$0x3F8D] =	sst s1;
	(tag) =	ssettag s2;
	_ =	strace s9  }
0x27: {  	s1 =	sld [smem:$0x3F9D]  }
0x28: {  	s2 =	sld [smem:$0x3F9E]  }
0x29: {  	s4 =	sld [smem:$0x3FA0]  }
0x2a: {  	p0 =	seq.s32 s5, $0x0;
	s5 =	sld [smem:$0x3FA1]  }
0x2b: {  	s6 =	sld [smem:$0x3FA2]  }
0x2c: {  	s7 =	sld [smem:$0x3FA3]  }
0x2d: {  	s3 =	simm.s32 $0x108;
	s8 =	sld [smem:$0x3FA4]  }
0x2e: {  	s3 =	simm.s32 @!p0 $0x1082;
	s9 =	sld [smem:$0x3FA5]  }
0x2f: {  	lr =	sadd.s32 s0, s3;
	s0 =	sld [smem:$0x3F9C]  }
0x30: {  	s3 =	sld [smem:$0x3F9F]  }
0x31: {  	[smem:$0x3FA8] =	sst s10  }
0x32: {  	s10 =	sld [smem:$0x3FA6];
	_ =	sdelay $0x3  }
0x33: {  	p0 =	seq.s32 s10, $0x1;
	s10 =	sld [smem:$0x3FA8];
	_ =	sdelay $0x3  }
0x34: {  	[smem:$0x3FA8] =	sst s10  }
0x35: {  	s10 =	sld [smem:$0x3FA7];
	_ =	sdelay $0x3  }
0x36: {  	p1 =	seq.s32 s10, $0x1;
	s10 =	sld [smem:$0x3FA8];
	_ =	sdelay $0x3  }
0x37: {  	[smem:$0x3FA8] =	sst s10  }
0x38: {  	s10 =	sld [smem:$0x3FA9]  }
0x39: {  	_ = 	snop;
	(pc) =	sbr.ind lr, $3  }
0x3a: {  	_ = 	snop  }
0x3b: {  	_ = 	snop  }
0x3c: {  	p2 =	seq.s32 s10, $0x1;
	s10 =	sld [smem:$0x3FA8]  }
0x3d: {  	_ =	shalt  }
0x3e: {  	_ =	shalt  }
0x3f: {  	_ =	shalt  }
0x40: {  	_ =	shalt  }
0x41: {  	_ =	shalt  }
0x42: {  	_ =	shalt  }
0x43: {  	_ =	shalt  }
0x44: {  	_ =	shalt  }
0x45: {  	_ =	shalt  }
0x46: {  	_ =	shalt  }
0x47: {  	_ =	shalt  }
0x48: {  	_ =	shalt  }
0x49: {  	_ =	shalt  }
0x4a: {  	_ =	shalt  }
0x4b: {  	_ =	shalt  }
0x4c: {  	_ =	shalt  }
0x4d: {  	_ =	shalt  }
0x4e: {  	_ =	shalt  }
0x4f: {  	_ =	shalt  }
0x50: {  	_ =	shalt  }
0x51: {  	_ =	shalt  }
0x52: {  	_ =	shalt  }
0x53: {  	_ =	shalt  }
0x54: {  	_ =	shalt  }
0x55: {  	_ =	shalt  }
0x56: {  	_ =	shalt  }
0x57: {  	_ =	shalt  }
0x58: {  	_ =	shalt  }
0x59: {  	_ =	shalt  }
0x5a: {  	_ =	shalt  }
0x5b: {  	_ =	shalt  }
0x5c: {  	_ =	shalt  }
0x5d: {  	_ =	shalt  }
0x5e: {  	_ =	shalt  }
0x5f: {  	_ =	shalt  }
0x60: {  	_ =	shalt  }
0x61: {  	_ =	shalt  }
0x62: {  	_ =	shalt  }
0x63: {  	_ =	shalt  }
0x64: {  	_ =	shalt  }
0x65: {  	_ =	shalt  }
0x66: {  	_ =	shalt  }
0x67: {  	_ =	shalt  }
0x68: {  	_ =	shalt  }
0x69: {  	_ =	shalt  }
0x6a: {  	_ =	shalt  }
0x6b: {  	_ =	shalt  }
0x6c: {  	_ =	shalt  }
0x6d: {  	_ =	shalt  }
0x6e: {  	_ =	shalt  }
0x6f: {  	_ =	shalt  }
0x70: {  	_ =	shalt  }
0x71: {  	_ =	shalt  }
0x72: {  	_ =	shalt  }
0x73: {  	_ =	shalt  }
0x74: {  	_ =	shalt  }
0x75: {  	_ =	shalt  }
0x76: {  	_ =	shalt  }
0x77: {  	_ =	shalt  }
0x78: {  	_ =	shalt  }
0x79: {  	_ =	shalt  }
0x7a: {  	_ =	shalt  }
0x7b: {  	_ =	shalt  }
0x7c: {  	_ =	shalt  }
0x7d: {  	_ =	shalt  }
0x7e: {  	_ =	shalt  }
0x7f: {  	_ =	shalt  }
0x80: {  	_ =	shalt  }
0x81: {  	_ =	shalt  }
0x82: {  	_ =	shalt  }
0x83: {  	_ =	shalt  }
0x84: {  	_ =	shalt  }
0x85: {  	_ =	shalt  }
0x86: {  	_ =	shalt  }
0x87: {  	_ =	shalt  }
.Lfunc_end0:
.L_simem_size_0:
called_computation_lowered:
.L_overlay_start_0:
0x88: {  	s2 =	sld [smem:$0x3FD9]  }
0x89: {  	s3 =	sld [smem:$0x3FFE];
	_ =	sdelay $0x1  }
0x8a: {  	s1 =	srdreg.scid  }
0x8b: {  	s0 =	sand.u32 $0x1, s1  }
0x8c: {  	s17 =	sshll.u32 s0, $0xA;
	s2 =	sadd.s32 s3, s2  }
0x8d: {  	s2 =	sadd.s32 s2, s17  }
0x8e: {  	[smem:$0x3FB4] =	sst s2  }
0x8f: {  	_ = 	snop  }
0x90: {  	(tm) =	ssettm $0x1  }
0x91: {  	s18 =	sld [smem:$0x3FFB];
	_ =	sdelay $0x3  }
0x92: {  	_ =	strace s18  }
0x93: {  	s2 =	sld [smem:$0x3FFC];
	_ =	sdelay $0x3  }
0x94: {  	_ =	strace s2  }
0x95: {  	s2 =	sld [smem:$0x3FFD];
	_ =	sdelay $0x3  }
0x96: {  	_ =	strace s2  }
0x97: {  	_ =	strace $0x8FFFFFFF  }
0x98: {  	s19 =	sld [smem:$0x3FDB];
	_ =	sdelay $0x1  }
0x99: {  	s20 =	simm.s32 $_scs_section_size  }
0x9a: {  	s4 =	simm.s32 $_size__tile_overlayer_lowered;
	s5 =	simm.s32 $_tile_overlayer_lowered  }
0x9b: {  	s6 =	simm.s32 $0x1BFF;
	s21 =	sshll.u32 s5, $0x1;
	s3 =	sadd.s32 s20, s19  }
0x9c: {  	s22 =	simm.s32 $0x0;
	s4 =	sshll.u32 s4, $0x1;
	s5 =	sadd.s32 s21, s3  }
0x9d: {  	[timem:s22], [sflag:s6] =	dma.local [hbm:s5], s4  }
0x9e: {  	_ =	swait.ge [sflag:s6], s4  }
0x9f: {  	s4 =	ssub.s32 $0x0, s4;
	[sflag:s6] =	ssyncset.done $0x0  }
0xa0: {  	[sflag:s6] =	ssyncadd.s32 s4;
	_ =	sdelay $0x1  }
0xa1: {  	s23 =	simm.s32 $0x1B8B  }
0xa2: {  	_ =	swait.ge [sflag:s23], $0x1  }
0xa3: {  	[sflag:s23] =	ssyncset.done $0x0  }
0xa4: {  	[sflag:s23] =	ssyncadd.s32 $0xFFFFFFFF  }
0xa5: {  	s4 =	sld [smem:$0x0]  }
0xa6: {  	s5 =	sand.u32 $0xFFFFFFFE, s1  }
0xa7: {  	p0 =	sne.s32 s1, s5  }
0xa8: {  	s5 =	sshll.u32 @p0 s5, $0xE  }
0xa9: {  	s5 =	sadd.s32 @p0 $0x11B8D, s5;
	s6 =	sshll.u32 @p0 s4, $0x11  }
0xaa: {  	s5 =	sor.u32 @p0 s6, s5  }
0xab: {  	[sflag:s5] =	ssyncadd.remote.s32 @p0 $0x1;
	_ =	sdelay $0x1  }
0xac: {  	s5 =	simm.s32 @p0 $0x1B8D  }
0xad: {  	_ =	swait.eq @p0 [sflag:s5], $0x1  }
0xae: {  	[sflag:s5] =	ssyncadd.s32 @p0 $0xFFFFFFFF  }
0xaf: {  	s6 =	sshll.u32 @!p0 s1, $0xE  }
0xb0: {  	s6 =	sor.u32 @!p0 $0x4000, s6;
	s5 =	simm.s32 @!p0 $0x1B8D  }
0xb1: {  	s4 =	sshll.u32 @!p0 s4, $0x11;
	s6 =	sadd.s32 @!p0 $0x11B8D, s6;
	_ =	swait.eq @!p0 [sflag:s5], $0x1  }
0xb2: {  	s4 =	sor.u32 @!p0 s4, s6;
	[sflag:s5] =	ssyncadd.s32 @!p0 $0xFFFFFFFF  }
0xb3: {  	s25 =	simm.s32 $0x1B8E;
	s24 =	sld [smem:$0x3FFE];
	[sflag:s4] =	ssyncadd.remote.s32 @!p0 $0x1  }
0xb4: {  	s26 =	simm.s32 $execute0_lowered;
	[smem:$0x3FD2] =	sst s25  }
0xb5: {  	s5 =	sshll.u32 s26, $0x1;
	_ =	strace $0x80000049;
	[dreg:$0x1] =	wrdreg $0xFFFFFFFF  }
0xb6: {  	s28 =	simm.s32 $_size_execute0_lowered;
	s3 =	sadd.s32 s3, s5;
	[dreg:$0x0] =	wrdreg $0x0  }
0xb7: {  	s5 =	sshll.u32 s28, $0x1;
	[dreg:$0x2] =	wrdreg s3  }
0xb8: {  	[dreg:$0x3] =	wrdreg s5  }
0xb9: {  	[dreg:$0x4] =	wrdreg $0xC0  }
0xba: {  	_ =	task [dreg:s22], $0x5FFFF  }
0xbb: {  	[dreg:$0x1] =	wrdreg $0xFFFFFFFF  }
0xbc: {  	[dreg:$0x0] =	wrdreg $0x60  }
0xbd: {  	[dreg:$0x2] =	wrdreg s24  }
0xbe: {  	[dreg:$0x3] =	wrdreg $0x54600  }
0xbf: {  	[dreg:$0x4] =	wrdreg $0x9  }
0xc0: {  	_ =	task.clear_ibuf [dreg:s22], $0x5FFFF;
	_ =	strace $0x90000049  }
0xc1: {  	s29 =	simm.s32 $0x9;
	_ =	strace $0x8000004B  }
0xc2: {  	_ =	swait.ge [sflag:s29], $0x1  }
0xc3: {  	[sflag:s29] =	ssyncadd.s32 $0xFFFFFFFF  }
0xc4: {  	_ =	strace $0x9000004B  }
0xc5: {  	_ =	sfence  }
0xc6: {  	s30 =	sld [smem:$0x0];
	_ =	sdelay $0x2  }
0xc7: {  	s31 =	sshll.u32 s1, $0xD;
	s1 =	sshrl.u32 s1, $0x2  }
0xc8: {  	s4 =	sand.u32 $0x4000, s31;
	s1 =	sadd.s32 s1, s30  }
0xc9: {  	s0 =	sor.u32 s4, s0;
	s1 =	sshll.u32 s1, $0x11  }
0xca: {  	s0 =	sor.u32 s1, s0  }
0xcb: {  	s0 =	sadd.s32 $0x8F2B, s0  }
0xcc: {  	[sflag:s0] =	ssyncadd.remote.s32 $0x1  }
0xcd: {  	_ =	sfence.sel $0xFFFF  }
0xce: {  	[dreg:$0x0] =	wrdreg $0xFFFFFFFF;
	(pc) =	sbr.abs _section_cstart, $3  }
0xcf: {  	[dreg:$0x1] =	wrdreg $0xFFFFFFFF  }
0xd0: {  	_ =	task.clear_ibuf [dreg:s22], $0x2FFFF;
	_ =	strace $0x9FFFFFFF  }
0xd1: {  	(tm) =	ssettm $0x7FFFFFFF  }
tec
execute0_lowered:
.L_overlay_start_1:
0x0: {  	(tag) =	ssettag $0x1  }
0x1: {  	s4 =	rddreg [dreg:$0x0]  }
0x2: {  	s2 =	rddreg [dreg:$0x1];
	s3 =	srdreg.scid  }
0x3: {  	s1 =	stileid.u32;
	s0 =	rddreg [dreg:$0x2];
	s10 =	simm.s32 $0x50  }
0x4: {  	s11 =	simm.s32 $0x2710;
	s12 =	simm.s32 $0x2760;
	s5 =	sand.u32 $0x1, s3  }
0x5: {  	s6 =	smul.u32 $0x2800, s1;
	s3 =	simm.s32 $0x0;
	s7 =	sshll.u32 s1, $0x1  }
0x6: {  	s13 =	sshll.u32 s1, $0x6;
	s8 =	smul.u32 $0x28000, s5;
	[smem:$0x7FF] =	sst s3  }
0x7: {  	s7 =	sor.u32 s5, s7;
	s5 =	ssub.s32 $0x2, s5;
	s13 =	sor.u32 $0x1C01, s13  }
0x8: {  	s7 =	smul.u32 $0x4E2, s7;
	s9 =	sshrl.u32 s5, $0x1;
	s8 =	sadd.s32 s6, s8  }
0x9: {  	_ =	strace $0x8000004A;
	s9 =	ssub.s32 s5, s9;
	s8 =	sshrl.u32 s8, $0x3  }
0xa: {  	s7 =	sadd.s32 s7, s4;
	s8 =	sadd.s32 s8, s4;
	s4 =	sadd.s32 s6, s2  }
0xb: {  	s5 =	sadd.s32 $0xAF800, s7;
	s7 =	smax.u32 s9, $0x1;
	s9 =	simm.s32 $0x1  }
0xc: {  	v0 =	vimm.f32 $1.000000000e+00;
	v1 =	vimm.f32 $0.0e+00;
	s6 =	sadd.s32 $0xB9600, s8;
	s8 =	simm.s32 $0x2C60;
	s14 =	sshrl.u32 s4, $0x3  }
.LBB2_1:
0xd: {  	[tilespmem:$0x2760] =	vst v0  }
0xe: {  	[tilespmem:$0x2770] =	vst v0  }
0xf: {  	[tilespmem:$0x2780] =	vst v0  }
0x10: {  	[tilespmem:$0x2790] =	vst v0  }
0x11: {  	[tilespmem:$0x27A0] =	vst v0  }
0x12: {  	[tilespmem:$0x27B0] =	vst v0  }
0x13: {  	[tilespmem:$0x27C0] =	vst v0  }
0x14: {  	[tilespmem:$0x27D0] =	vst v0  }
0x15: {  	[tilespmem:$0x27E0] =	vst v0  }
0x16: {  	[tilespmem:$0x27F0] =	vst v0  }
0x17: {  	[tilespmem:$0x2800] =	vst v0  }
0x18: {  	[tilespmem:$0x2810] =	vst v0  }
0x19: {  	[tilespmem:$0x2820] =	vst v0  }
0x1a: {  	[tilespmem:$0x2830] =	vst v0  }
0x1b: {  	[tilespmem:$0x2840] =	vst v0  }
0x1c: {  	[tilespmem:$0x2850] =	vst v0  }
0x1d: {  	[tilespmem:$0x2860] =	vst v0  }
0x1e: {  	[tilespmem:$0x2870] =	vst v0  }
0x1f: {  	[tilespmem:$0x2880] =	vst v0  }
0x20: {  	[tilespmem:$0x2890] =	vst v0  }
0x21: {  	[tilespmem:$0x28A0] =	vst v0  }
0x22: {  	[tilespmem:$0x28B0] =	vst v0  }
0x23: {  	[tilespmem:$0x28C0] =	vst v0  }
0x24: {  	[tilespmem:$0x28D0] =	vst v0  }
0x25: {  	[tilespmem:$0x28E0] =	vst v0  }
0x26: {  	[tilespmem:$0x28F0] =	vst v0  }
0x27: {  	[tilespmem:$0x2900] =	vst v0  }
0x28: {  	[tilespmem:$0x2910] =	vst v0  }
0x29: {  	[tilespmem:$0x2920] =	vst v0  }
0x2a: {  	[tilespmem:$0x2930] =	vst v0  }
0x2b: {  	[tilespmem:$0x2940] =	vst v0  }
0x2c: {  	[tilespmem:$0x2950] =	vst v0  }
0x2d: {  	[tilespmem:$0x2960] =	vst v0  }
0x2e: {  	[tilespmem:$0x2970] =	vst v0  }
0x2f: {  	[tilespmem:$0x2980] =	vst v0  }
0x30: {  	[tilespmem:$0x2990] =	vst v0  }
0x31: {  	[tilespmem:$0x29A0] =	vst v0  }
0x32: {  	[tilespmem:$0x29B0] =	vst v0  }
0x33: {  	[tilespmem:$0x29C0] =	vst v0  }
0x34: {  	[tilespmem:$0x29D0] =	vst v0  }
0x35: {  	[tilespmem:$0x29E0] =	vst v0  }
0x36: {  	[tilespmem:$0x29F0] =	vst v0  }
0x37: {  	[tilespmem:$0x2A00] =	vst v0  }
0x38: {  	[tilespmem:$0x2A10] =	vst v0  }
0x39: {  	[tilespmem:$0x2A20] =	vst v0  }
0x3a: {  	[tilespmem:$0x2A30] =	vst v0  }
0x3b: {  	[tilespmem:$0x2A40] =	vst v0  }
0x3c: {  	[tilespmem:$0x2A50] =	vst v0  }
0x3d: {  	[tilespmem:$0x2A60] =	vst v0  }
0x3e: {  	[tilespmem:$0x2A70] =	vst v0  }
0x3f: {  	[tilespmem:$0x2A80] =	vst v0  }
0x40: {  	[tilespmem:$0x2A90] =	vst v0  }
0x41: {  	[tilespmem:$0x2AA0] =	vst v0  }
0x42: {  	[tilespmem:$0x2AB0] =	vst v0  }
0x43: {  	[tilespmem:$0x2AC0] =	vst v0  }
0x44: {  	[tilespmem:$0x2AD0] =	vst v0  }
0x45: {  	[tilespmem:$0x2AE0] =	vst v0  }
0x46: {  	[tilespmem:$0x2AF0] =	vst v0  }
0x47: {  	[tilespmem:$0x2B00] =	vst v0  }
0x48: {  	[tilespmem:$0x2B10] =	vst v0  }
0x49: {  	[tilespmem:$0x2B20] =	vst v0  }
0x4a: {  	[tilespmem:$0x2B30] =	vst v0  }
0x4b: {  	[tilespmem:$0x2B40] =	vst v0  }
0x4c: {  	[tilespmem:$0x2B50] =	vst v0  }
0x4d: {  	[tilespmem:$0x2B60] =	vst v0  }
0x4e: {  	[tilespmem:$0x2B70] =	vst v0  }
0x4f: {  	[tilespmem:$0x2B80] =	vst v0  }
0x50: {  	[tilespmem:$0x2B90] =	vst v0  }
0x51: {  	[tilespmem:$0x2BA0] =	vst v0  }
0x52: {  	[tilespmem:$0x2BB0] =	vst v0  }
0x53: {  	[tilespmem:$0x2BC0] =	vst v0  }
0x54: {  	[tilespmem:$0x2BD0] =	vst v0  }
0x55: {  	[tilespmem:$0x2BE0] =	vst v0  }
0x56: {  	[tilespmem:$0x2BF0] =	vst v0  }
0x57: {  	[tilespmem:$0x2C00] =	vst v0  }
0x58: {  	[tilespmem:$0x2C10] =	vst v0  }
0x59: {  	[tilespmem:$0x2C20] =	vst v0  }
0x5a: {  	[tilespmem:$0x2C30] =	vst v0  }
0x5b: {  	[tilespmem:$0x2C40] =	vst v0  }
0x5c: {  	[tilespmem:$0x2C50] =	vst v0;
	s15 =	simm.s32 $0x2CA0  }
0x5d: {  	[tilespmem:s15+$0xFFFFFFC0] =	vst v1  }
0x5e: {  	[tilespmem:s15+$0x30] =	vst v1  }
0x5f: {  	[tilespmem:s15+$0x20] =	vst v1  }
0x60: {  	[tilespmem:s15+$0x10] =	vst v1  }
0x61: {  	[tilespmem:s15+$0x0] =	vst v1  }
0x62: {  	[tilespmem:s15+$0xFFFFFFF0] =	vst v1  }
0x63: {  	s16 =	simm.s32 $0x0;
	[tilespmem:s15+$0xFFFFFFE0] =	vst v1  }
.LBB2_2:
0x64: {  	s16 =	sadd.s32 $0x8, s16;
	[tilespmem:s15+$0xFFFFFFD0] =	vst v1;
	s15 =	sadd.s32 $0x80, s15  }
0x65: {  	[tilespmem:s15+$0xFFFFFFC0] =	vst v1;
	p0 =	slt.u32 s16, $0x278  }
0x66: {  	[tilespmem:s15+$0x30] =	vst v1  }
.Ltmp0:
0x67: {  	[tilespmem:s15+$0x20] =	vst v1;
	(pc) =	sbr.rel @p0 .LBB2_2-.Ltmp0, $4  }
0x68: {  	[tilespmem:s15+$0x10] =	vst v1  }
0x69: {  	[tilespmem:s15+$0x0] =	vst v1  }
0x6a: {  	[tilespmem:s15+$0xFFFFFFF0] =	vst v1  }
0x6b: {  	[tilespmem:s15+$0xFFFFFFE0] =	vst v1  }
0x6c: {  	[tilespmem:s15+$0xFFFFFFD0] =	vst v1  }
0x6d: {  	[spmem:s4] =	stream.linear.scatter [tilespmem:s8], [sflag:$0x1], $0x2800, $0x38;
	[tilespmem:$0x7C60] =	vst v63  }
0x6e: {  	_ =	swait.ge [sflag:s9], $0x2800  }
0x6f: {  	[sflag:s9] =	ssyncset.done $0x0  }
0x70: {  	s30 =	simm.s32 $0x0;
	[sflag:s9] =	ssyncadd.s32 $0xFFFFD800  }
0x71: {  	[tilespmem:s30], [sflag:$0x1] =	stream.linear.gather [hbm4b:s5+s30], $0x2710, $0x38;
	[tilespmem:$0x7C60] =	vst v63  }
0x72: {  	_ =	swait.ge [sflag:s9], $0x2710  }
0x73: {  	[sflag:s9] =	ssyncset.done $0x0  }
0x74: {  	[sflag:s9] =	ssyncadd.s32 $0xFFFFD8F0  }
0x75: {  	s31 =	simm.s32 $0x0;
	[bflag:$0x0] =	sbarrier.arrive $0xFFFF  }
0x76: {  	v2 =	vld [tilespmem:s31+$0x0];
	_ =	sdelay $0x4  }
0x77: {  	[tilespmem:$0x2710] =	vst v2  }
0x78: {  	v2 =	vld [tilespmem:s31+$0x10];
	_ =	sdelay $0x4  }
0x79: {  	[tilespmem:$0x2720] =	vst v2  }
0x7a: {  	v2 =	vld [tilespmem:s31+$0x20];
	_ =	sdelay $0x4  }
0x7b: {  	[tilespmem:$0x2730] =	vst v2  }
0x7c: {  	v2 =	vld [tilespmem:s31+$0x30];
	_ =	sdelay $0x4  }
0x7d: {  	[tilespmem:$0x2740] =	vst v2  }
0x7e: {  	v2 =	vld [tilespmem:s31+$0x40];
	_ =	sdelay $0x4  }
0x7f: {  	[tilespmem:$0x2750] =	vst v2  }
0x80: {  	[spmem:s2] =	stream.indirect.scatter.add.f32 [tilespmem:s12], [sflag:$0x1], $0x10, s11, s10, $0xb8;
	[tilespmem:$0x7C60] =	vst v63  }
0x81: {  	_ =	swait.ge [sflag:s9], $0x500  }
0x82: {  	s15 =	simm.s32 $0x140;
	s16 =	simm.s32 $0x280;
	[sflag:s9] =	ssyncset.done $0x0  }
.LBB2_4:
0x83: {  	s17 =	sshra.s32 s15, $0x2  }
0x84: {  	[sflag:s9] =	ssyncadd.s32 $0xFFFFFB00;
	s15 =	smov.u32 s16;
	s18 =	sadd.s32 $0x140, s16  }
0x85: {  	p0 =	sne.s32 s16, $0x9B00;
	v2 =	vld [tilespmem:s17+$0x0];
	_ =	sdelay $0x4  }
0x86: {  	[tilespmem:$0x2710] =	vst v2  }
0x87: {  	v2 =	vld [tilespmem:s17+$0x10];
	_ =	sdelay $0x4  }
0x88: {  	[tilespmem:$0x2720] =	vst v2  }
0x89: {  	v2 =	vld [tilespmem:s17+$0x20];
	_ =	sdelay $0x4  }
0x8a: {  	[tilespmem:$0x2730] =	vst v2  }
0x8b: {  	v2 =	vld [tilespmem:s17+$0x30];
	_ =	sdelay $0x4  }
0x8c: {  	[tilespmem:$0x2740] =	vst v2  }
0x8d: {  	v2 =	vld [tilespmem:s17+$0x40];
	_ =	sdelay $0x3  }
.Ltmp1:
0x8e: {  	(pc) =	sbr.rel @p0 .LBB2_4-.Ltmp1, $4  }
0x8f: {  	[tilespmem:$0x2750] =	vst v2  }
0x90: {  	[spmem:s2] =	stream.indirect.scatter.add.f32 [tilespmem:s12], [sflag:$0x1], $0x10, s11, s10, $0xb8;
	[tilespmem:$0x7C60] =	vst v63  }
0x91: {  	_ =	swait.ge [sflag:s9], $0x500  }
0x92: {  	s16 =	smov.u32 s18;
	[sflag:s9] =	ssyncset.done $0x0  }
0x93: {  	s15 =	sshra.s32 s15, $0x2;
	[sflag:s9] =	ssyncadd.s32 $0xFFFFFB00  }
0x94: {  	v2 =	vld [tilespmem:s15+$0x0];
	_ =	sdelay $0x4  }
0x95: {  	[tilespmem:$0x2710] =	vst v2  }
0x96: {  	v2 =	vld [tilespmem:s15+$0x10];
	_ =	sdelay $0x4  }
0x97: {  	[tilespmem:$0x2720] =	vst v2  }
0x98: {  	v2 =	vld [tilespmem:s15+$0x20];
	_ =	sdelay $0x4  }
0x99: {  	[tilespmem:$0x2730] =	vst v2  }
0x9a: {  	v2 =	vld [tilespmem:s15+$0x30];
	_ =	sdelay $0x4  }
0x9b: {  	[tilespmem:$0x2740] =	vst v2  }
0x9c: {  	v2 =	vld [tilespmem:s15+$0x40];
	_ =	sdelay $0x4  }
0x9d: {  	[tilespmem:$0x2750] =	vst v2  }
0x9e: {  	[spmem:s2] =	stream.indirect.scatter.add.f32 [tilespmem:s12], [sflag:$0x1], $0x10, s11, s10, $0xb8;
	[tilespmem:$0x7C60] =	vst v63  }
0x9f: {  	_ =	swait.ge [sflag:s9], $0x500  }
0xa0: {  	s3 =	sadd.s32 $0x1, s3;
	[sflag:s9] =	ssyncset.done $0x0  }
0xa1: {  	p0 =	sne.s32 s3, s7;
	[sflag:s9] =	ssyncadd.s32 $0xFFFFFB00  }
.Ltmp2:
0xa2: {  	[bflag:$0x0] =	sbarrier.arrive $0xFFFF;
	(pc) =	sbr.rel @p0 .LBB2_1-.Ltmp2, $4  }
0xa3: {  	[hbm:s6], [sflag:s13] =	dma.local [spmem:s14], $0x500  }
0xa4: {  	_ =	swait.ge [sflag:s9], $0x500  }
0xa5: {  	[sflag:s9] =	ssyncset.done $0x0  }
0xa6: {  	[sflag:s9] =	ssyncadd.s32 $0xFFFFFB00  }
0xa7: {  	_ =	sfence.sel $0x180000  }
0xa8: {  	[bflag:$0x0] =	sbarrier.arrive $0xFFFF  }
0xa9: {  	p0 =	sne.s32 s1, $0x0;
	_ =	strace $0x9000004A  }
0xaa: {  	s0 =	sadd.s32 @!p0 $0x100000, s0;
	[bflag:$0x2] =	sbarrier.arrive $0xFFFF  }
0xab: {  	[sflag:s0] =	ssyncadd.tile.s32 @!p0 $0x1;
	_ =	shalt  }
.Lfunc_end2:
_tile_overlayer_lowered:
.L_overlay_start_2:
0xac: {  	(tag) =	ssettag $0x2  }
0xad: {  	s0 =	rddreg [dreg:$0x0];
	s2 =	stileid.u32  }
0xae: {  	s1 =	rddreg [dreg:$0x1];
	p0 =	sne.s32 s2, $0x0  }
0xaf: {  	s3 =	rddreg [dreg:$0x2];
	[bflag:$0x3] =	sbarrier.arrive $0xFFFF;
	s2 =	simm.s32 @!p0 $0x1C01  }
0xb0: {  	[timem:s3], [sflag:s2] =	dma.local @!p0 [hbm:s0], s1  }
0xb1: {  	s0 =	simm.s32 @!p0 $0x1  }
0xb2: {  	_ =	swait.ge @!p0 [sflag:s0], s1  }
0xb3: {  	s1 =	ssub.s32 @!p0 $0x0, s1;
	[sflag:s0] =	ssyncset.done @!p0 $0x0  }
0xb4: {  	[sflag:s0] =	ssyncadd.s32 @!p0 s1  }
0xb5: {  	[bflag:$0x3] =	sbarrier.arrive $0xFFFF  }
0xb6: {  	_ =	shalt  }

// kernel: kernel.14.cloned.1.call-start
scs
__scs_entry_jumppad:
0x0: {  	(pc) =	sbr.rel $0x88, $3  }
0x1: {  	(tag) =	ssettag $0x0;
	lr =	simm.s32 $0x1  }
0x2: {  	[smem:$0x3F8D] =	sst lr;
	_ =	strace $0xD0000000  }
0x3: {  	_ = 	snop  }
0x4: {  	_ = 	snop  }
0x5: {  	_ = 	snop  }
0x6: {  	_ = 	snop  }
0x7: {  	_ = 	snop  }
__scs_overlays_trampoline_lowered:
0x8: {  	[smem:$0x3F9C] =	sst s0  }
0x9: {  	[smem:$0x3F9D] =	sst s1  }
0xa: {  	[smem:$0x3F9E] =	sst s2  }
0xb: {  	[smem:$0x3F9F] =	sst s3  }
0xc: {  	[smem:$0x3FA0] =	sst s4  }
0xd: {  	[smem:$0x3FA1] =	sst s5  }
0xe: {  	[smem:$0x3FA2] =	sst s6  }
0xf: {  	[smem:$0x3FA3] =	sst s7  }
0x10: {  	[smem:$0x3FA4] =	sst s8  }
0x11: {  	[smem:$0x3FA5] =	sst s9;
	s0 =	simm.s32 @!p0 $0x0  }
0x12: {  	s1 =	sld [smem:$0x3F8B];
	s0 =	simm.s32 @p0 $0x1  }
0x13: {  	[smem:$0x3FA6] =	sst s0;
	s0 =	simm.s32 @!p1 $0x0  }
0x14: {  	s2 =	sld [smem:$0x3F8A];
	s0 =	simm.s32 @p1 $0x1  }
0x15: {  	[smem:$0x3FA7] =	sst s0;
	s0 =	simm.s32 @!p2 $0x0  }
0x16: {  	s3 =	sld [smem:$0x3FDB];
	s0 =	simm.s32 @p2 $0x1  }
0x17: {  	s4 =	simm.s32 $0x1BF5;
	[smem:$0x3FA9] =	sst s0  }
0x18: {  	s0 =	sld [smem:$0x3F8C];
	_ =	swait.ge [sflag:s4], $0x0  }
0x19: {  	s7 =	sld [smem:$0x3F8D]  }
0x1a: {  	s8 =	sadd.s32 $0xFFFFE003, lr  }
0x1b: {  	s9 =	sadd.s32 $0xFFFFFEF7, lr;
	s5 =	simm.s32 $0xFFFFFFFF;
	p2 =	slt.u32 s8, $0xFFFFF086  }
0x1c: {  	p1 =	slt.u32 s9, $0xF7A;
	s5 =	simm.s32 @!p2 $0x0  }
0x1d: {  	s5 =	simm.s32 @p1 $0x1;
	p0 =	seq.s32 s7, s2  }
0x1e: {  	s7 =	smul.u32 @!p0 $0xF7A, s2;
	p2 =	seq.s32 @!p0 s5, $0x0  }
0x1f: {  	s9 =	smul.u32 $0xF7A, s1;
	s8 =	simm.s32 @!p0 $0x1BF5;
	p2 =	por !p2, p0  }
0x20: {  	[sflag:s8] =	ssyncset.s32 @!p0 $0xFFFFF086;
	s6 =	sadd.s32 @!p0 s3, s7;
	s7 =	simm.s32 @!p0 $0x108  }
0x21: {  	s3 =	sadd.s32 s3, s9;
	s6 =	sadd.s32 @!p0 $0x88, s6;
	s7 =	simm.s32 @p2 $0x1082  }
0x22: {  	[simem:s7], [sflag:s8] =	dma.local @!p0 [hbm:s6], $0xF7A  }
0x23: {  	s9 =	sor.u32 $0xD0000000, s2;
	s6 =	simm.s32 $0x108;
	_ =	swait.ge @!p0 [sflag:s8], $0x0  }
0x24: {  	s3 =	sadd.s32 $0x88, s3;
	s6 =	simm.s32 @!p1 $0x1082;
	[sflag:s4] =	ssyncset.s32 $0xFFFFF086  }
0x25: {  	[simem:s6], [sflag:s4] =	dma.local [hbm:s3], $0xF7A  }
0x26: {  	[smem:$0x3F8D] =	sst s1;
	(tag) =	ssettag s2;
	_ =	strace s9  }
0x27: {  	s1 =	sld [smem:$0x3F9D]  }
0x28: {  	s2 =	sld [smem:$0x3F9E]  }
0x29: {  	s4 =	sld [smem:$0x3FA0]  }
0x2a: {  	p0 =	seq.s32 s5, $0x0;
	s5 =	sld [smem:$0x3FA1]  }
0x2b: {  	s6 =	sld [smem:$0x3FA2]  }
0x2c: {  	s7 =	sld [smem:$0x3FA3]  }
0x2d: {  	s3 =	simm.s32 $0x108;
	s8 =	sld [smem:$0x3FA4]  }
0x2e: {  	s3 =	simm.s32 @!p0 $0x1082;
	s9 =	sld [smem:$0x3FA5]  }
0x2f: {  	lr =	sadd.s32 s0, s3;
	s0 =	sld [smem:$0x3F9C]  }
0x30: {  	s3 =	sld [smem:$0x3F9F]  }
0x31: {  	[smem:$0x3FA8] =	sst s10  }
0x32: {  	s10 =	sld [smem:$0x3FA6];
	_ =	sdelay $0x3  }
0x33: {  	p0 =	seq.s32 s10, $0x1;
	s10 =	sld [smem:$0x3FA8];
	_ =	sdelay $0x3  }
0x34: {  	[smem:$0x3FA8] =	sst s10  }
0x35: {  	s10 =	sld [smem:$0x3FA7];
	_ =	sdelay $0x3  }
0x36: {  	p1 =	seq.s32 s10, $0x1;
	s10 =	sld [smem:$0x3FA8];
	_ =	sdelay $0x3  }
0x37: {  	[smem:$0x3FA8] =	sst s10  }
0x38: {  	s10 =	sld [smem:$0x3FA9]  }
0x39: {  	_ = 	snop;
	(pc) =	sbr.ind lr, $3  }
0x3a: {  	_ = 	snop  }
0x3b: {  	_ = 	snop  }
0x3c: {  	p2 =	seq.s32 s10, $0x1;
	s10 =	sld [smem:$0x3FA8]  }
0x3d: {  	_ =	shalt  }
0x3e: {  	_ =	shalt  }
0x3f: {  	_ =	shalt  }
0x40: {  	_ =	shalt  }
0x41: {  	_ =	shalt  }
0x42: {  	_ =	shalt  }
0x43: {  	_ =	shalt  }
0x44: {  	_ =	shalt  }
0x45: {  	_ =	shalt  }
0x46: {  	_ =	shalt  }
0x47: {  	_ =	shalt  }
0x48: {  	_ =	shalt  }
0x49: {  	_ =	shalt  }
0x4a: {  	_ =	shalt  }
0x4b: {  	_ =	shalt  }
0x4c: {  	_ =	shalt  }
0x4d: {  	_ =	shalt  }
0x4e: {  	_ =	shalt  }
0x4f: {  	_ =	shalt  }
0x50: {  	_ =	shalt  }
0x51: {  	_ =	shalt  }
0x52: {  	_ =	shalt  }
0x53: {  	_ =	shalt  }
0x54: {  	_ =	shalt  }
0x55: {  	_ =	shalt  }
0x56: {  	_ =	shalt  }
0x57: {  	_ =	shalt  }
0x58: {  	_ =	shalt  }
0x59: {  	_ =	shalt  }
0x5a: {  	_ =	shalt  }
0x5b: {  	_ =	shalt  }
0x5c: {  	_ =	shalt  }
0x5d: {  	_ =	shalt  }
0x5e: {  	_ =	shalt  }
0x5f: {  	_ =	shalt  }
0x60: {  	_ =	shalt  }
0x61: {  	_ =	shalt  }
0x62: {  	_ =	shalt  }
0x63: {  	_ =	shalt  }
0x64: {  	_ =	shalt  }
0x65: {  	_ =	shalt  }
0x66: {  	_ =	shalt  }
0x67: {  	_ =	shalt  }
0x68: {  	_ =	shalt  }
0x69: {  	_ =	shalt  }
0x6a: {  	_ =	shalt  }
0x6b: {  	_ =	shalt  }
0x6c: {  	_ =	shalt  }
0x6d: {  	_ =	shalt  }
0x6e: {  	_ =	shalt  }
0x6f: {  	_ =	shalt  }
0x70: {  	_ =	shalt  }
0x71: {  	_ =	shalt  }
0x72: {  	_ =	shalt  }
0x73: {  	_ =	shalt  }
0x74: {  	_ =	shalt  }
0x75: {  	_ =	shalt  }
0x76: {  	_ =	shalt  }
0x77: {  	_ =	shalt  }
0x78: {  	_ =	shalt  }
0x79: {  	_ =	shalt  }
0x7a: {  	_ =	shalt  }
0x7b: {  	_ =	shalt  }
0x7c: {  	_ =	shalt  }
0x7d: {  	_ =	shalt  }
0x7e: {  	_ =	shalt  }
0x7f: {  	_ =	shalt  }
0x80: {  	_ =	shalt  }
0x81: {  	_ =	shalt  }
0x82: {  	_ =	shalt  }
0x83: {  	_ =	shalt  }
0x84: {  	_ =	shalt  }
0x85: {  	_ =	shalt  }
0x86: {  	_ =	shalt  }
0x87: {  	_ =	shalt  }
.Lfunc_end0:
.L_simem_size_0:
called_computation.1_lowered:
.L_overlay_start_0:
0x88: {  	s2 =	sld [smem:$0x3FD9]  }
0x89: {  	s3 =	sld [smem:$0x3FFE];
	_ =	sdelay $0x1  }
0x8a: {  	s1 =	srdreg.scid  }
0x8b: {  	s0 =	sand.u32 $0x1, s1  }
0x8c: {  	s16 =	sshll.u32 s0, $0xA;
	s2 =	sadd.s32 s3, s2  }
0x8d: {  	s2 =	sadd.s32 s2, s16  }
0x8e: {  	[smem:$0x3FB4] =	sst s2  }
0x8f: {  	_ = 	snop  }
0x90: {  	(tm) =	ssettm $0x1  }
0x91: {  	s17 =	sld [smem:$0x3FFB];
	_ =	sdelay $0x3  }
0x92: {  	_ =	strace s17  }
0x93: {  	s2 =	sld [smem:$0x3FFC];
	_ =	sdelay $0x3  }
0x94: {  	_ =	strace s2  }
0x95: {  	s2 =	sld [smem:$0x3FFD];
	_ =	sdelay $0x3  }
0x96: {  	_ =	strace s2  }
0x97: {  	_ =	strace $0x8FFFFFFF  }
0x98: {  	s18 =	sld [smem:$0x3FDB];
	_ =	sdelay $0x1  }
0x99: {  	s19 =	simm.s32 $_scs_section_size  }
0x9a: {  	s4 =	simm.s32 $_size__tile_overlayer_lowered;
	s5 =	simm.s32 $_tile_overlayer_lowered  }
0x9b: {  	s22 =	simm.s32 $0x1BFF;
	s21 =	sshll.u32 s5, $0x1;
	s2 =	sadd.s32 s19, s18  }
0x9c: {  	s6 =	simm.s32 $0x0;
	s20 =	sshll.u32 s4, $0x1;
	s4 =	sadd.s32 s21, s2  }
0x9d: {  	[timem:s6], [sflag:s22] =	dma.local [hbm:s4], s20  }
0x9e: {  	_ =	swait.ge [sflag:s22], s20  }
0x9f: {  	s3 =	ssub.s32 $0x0, s20;
	[sflag:s22] =	ssyncset.done $0x0  }
0xa0: {  	[sflag:s22] =	ssyncadd.s32 s3;
	_ =	sdelay $0x1  }
0xa1: {  	s23 =	simm.s32 $0x1B8B  }
0xa2: {  	_ =	swait.ge [sflag:s23], $0x1  }
0xa3: {  	[sflag:s23] =	ssyncset.done $0x0  }
0xa4: {  	s25 =	simm.s32 $0x1B8E;
	s24 =	sld [smem:$0x3FFE];
	[sflag:s23] =	ssyncadd.s32 $0xFFFFFFFF  }
0xa5: {  	s26 =	simm.s32 $execute0_lowered;
	[smem:$0x3FD2] =	sst s25  }
0xa6: {  	s4 =	sshll.u32 s26, $0x1;
	_ =	strace $0x80000046;
	[dreg:$0x1] =	wrdreg $0xFFFFFFFF  }
0xa7: {  	s28 =	simm.s32 $_size_execute0_lowered;
	s2 =	sadd.s32 s2, s4;
	[dreg:$0x0] =	wrdreg $0x0  }
0xa8: {  	s4 =	sshll.u32 s28, $0x1;
	[dreg:$0x2] =	wrdreg s2  }
0xa9: {  	[dreg:$0x3] =	wrdreg s4  }
0xaa: {  	[dreg:$0x4] =	wrdreg $0xC0  }
0xab: {  	_ =	task [dreg:s6], $0x5FFFF  }
0xac: {  	[dreg:$0x1] =	wrdreg $0xFFFFFFFF  }
0xad: {  	[dreg:$0x0] =	wrdreg $0x60  }
0xae: {  	[dreg:$0x2] =	wrdreg s24  }
0xaf: {  	[dreg:$0x3] =	wrdreg $0xA  }
0xb0: {  	_ =	task.clear_ibuf [dreg:s6], $0x4FFFF;
	_ =	strace $0x90000046  }
0xb1: {  	s29 =	simm.s32 $0xA;
	_ =	strace $0x80000048  }
0xb2: {  	_ =	swait.ge [sflag:s29], $0x1  }
0xb3: {  	[sflag:s29] =	ssyncadd.s32 $0xFFFFFFFF  }
0xb4: {  	_ =	strace $0x90000048  }
0xb5: {  	_ =	sfence  }
0xb6: {  	s30 =	sld [smem:$0x0];
	_ =	sdelay $0x2  }
0xb7: {  	s31 =	sshll.u32 s1, $0xD;
	s1 =	sshrl.u32 s1, $0x2  }
0xb8: {  	s3 =	sand.u32 $0x4000, s31;
	s1 =	sadd.s32 s1, s30  }
0xb9: {  	s0 =	sor.u32 s3, s0;
	s1 =	sshll.u32 s1, $0x11  }
0xba: {  	s0 =	sor.u32 s1, s0  }
0xbb: {  	s0 =	sadd.s32 $0x8F2B, s0  }
0xbc: {  	[sflag:s0] =	ssyncadd.remote.s32 $0x1  }
0xbd: {  	_ =	sfence.sel $0xFFFF  }
0xbe: {  	[dreg:$0x0] =	wrdreg $0xFFFFFFFF;
	(pc) =	sbr.abs _section_cstart, $3  }
0xbf: {  	[dreg:$0x1] =	wrdreg $0xFFFFFFFF  }
0xc0: {  	_ =	task.clear_ibuf [dreg:s6], $0x2FFFF;
	_ =	strace $0x9FFFFFFF  }
0xc1: {  	(tm) =	ssettm $0x7FFFFFFF  }
tec
execute0_lowered:
.L_overlay_start_1:
0x0: {  	(tag) =	ssettag $0x1  }
0x1: {  	s1 =	srdreg.scid;
	s0 =	stileid.u32  }
0x2: {  	s5 =	rddreg [dreg:$0x0];
	s2 =	simm.s32 $0x0;
	s10 =	simm.s32 $0x50  }
0x3: {  	s11 =	simm.s32 $0x2710;
	s12 =	simm.s32 $0x2850;
	s13 =	simm.s32 $0x2760  }
0x4: {  	s15 =	simm.s32 $0x27B0;
	s14 =	simm.s32 $0x2D50;
	s17 =	simm.s32 $0x2800  }
0x5: {  	s16 =	simm.s32 $0x1;
	s18 =	simm.s32 $0x2;
	s19 =	simm.s32 $0x0  }
0x6: {  	s4 =	sand.u32 $0x1, s1;
	s3 =	sshll.u32 s0, $0x1;
	[smem:$0x7FF] =	sst s2  }
0x7: {  	s1 =	rddreg [dreg:$0x1];
	s6 =	sor.u32 s4, s3;
	_ =	strace $0x80000047  }
0x8: {  	s8 =	ssub.s32 $0x2, s4;
	s4 =	sadd.s32 $0x4600, s5;
	s3 =	smul.u32 $0x2710, s6  }
0x9: {  	[dreg:$0x2] =	wrdreg s15;
	s15 =	simm.s32 $0x3250;
	s6 =	smul.u32 $0x27100, s6  }
0xa: {  	[dreg:$0x3] =	wrdreg s17;
	s17 =	simm.s32 $0x3750;
	s9 =	sshrl.u32 s8, $0x1  }
0xb: {  	s8 =	ssub.s32 s8, s9;
	s7 =	sshrl.u32 s3, $0x3;
	s30 =	sshrl.u32 s6, $0x3  }
0xc: {  	s31 =	sadd.s32 $0x50, s3;
	s7 =	sadd.s32 s7, s5;
	s5 =	sadd.s32 $0x13400, s5  }
0xd: {  	s8 =	smax.u32 s8, $0x1;
	[dreg:$0x4] =	wrdreg s31;
	s9 =	sadd.s32 s5, s30  }
0xe: {  	s6 =	sadd.s32 $0x9600, s7;
	s7 =	sadd.s32 $0x4D80, s9;
	s9 =	simm.s32 $0x3  }
.LBB2_1:
0xf: {  	[tilespmem:s2], [sflag:$0x3] =	stream.linear.gather [hbm4b:s6+s2], $0x2710, $0x38;
	[tilespmem:$0x3C50] =	vst v63  }
0x10: {  	_ =	swait.ge [sflag:s9], $0x2710  }
0x11: {  	[sflag:s9] =	ssyncset.done $0x0  }
0x12: {  	[sflag:s9] =	ssyncadd.s32 $0xFFFFD8F0  }
0x13: {  	v0 =	vld [tilespmem:$0x0]  }
0x14: {  	v1 =	vld [tilespmem:$0x10]  }
0x15: {  	v2 =	vld [tilespmem:$0x20]  }
0x16: {  	v3 =	vld [tilespmem:$0x30]  }
0x17: {  	v4 =	vld [tilespmem:$0x40]  }
0x18: {  	[tilespmem:$0x2710] =	vst v0  }
0x19: {  	[tilespmem:$0x2720] =	vst v1  }
0x1a: {  	[tilespmem:$0x2730] =	vst v2  }
0x1b: {  	[tilespmem:$0x2740] =	vst v3  }
0x1c: {  	[tilespmem:$0x2750] =	vst v4  }
0x1d: {  	[tilespmem:s12], [sflag:$0x1] =	stream.indirect.gather [hbm4b:s4+s10], $0x10, s11, s10, $0xb8;
	[tilespmem:$0x3C50] =	vst v63  }
0x1e: {  	v56 =	vld [tilespmem:$0x50]  }
0x1f: {  	v57 =	vld [tilespmem:$0x60]  }
0x20: {  	v58 =	vld [tilespmem:$0x70]  }
0x21: {  	v59 =	vld [tilespmem:$0x80]  }
0x22: {  	v60 =	vld [tilespmem:$0x90]  }
0x23: {  	[tilespmem:$0x2760] =	vst v56  }
0x24: {  	[tilespmem:$0x2770] =	vst v57  }
0x25: {  	[tilespmem:$0x2780] =	vst v58  }
0x26: {  	p0 =	por $0x1, $0x1;
	[tilespmem:$0x2790] =	vst v59  }
0x27: {  	s21 =	simm.s32 @!p0 $0x2;
	[tilespmem:$0x27A0] =	vst v60  }
0x28: {  	[tilespmem:s14], [sflag:$0x1] =	stream.indirect.gather [hbm4b:s4+s10], $0x10, s13, s10, $0xb8;
	[tilespmem:$0x3C50] =	vst v63  }
0x29: {  	_ =	swait.ge @!p0 [sflag:s21], $0x500  }
0x2a: {  	s22 =	simm.s32 @!p0 $0xA0;
	[sflag:s21] =	ssyncset.done @!p0 $0x0  }
0x2b: {  	s22 =	simm.s32 @p0 $0xA0;
	[sflag:s21] =	ssyncadd.s32 @!p0 $0xFFFFFB00  }
0x2c: {  	v61 =	vld [tilespmem:s22+$0x0];
	_ =	sdelay $0x4  }
0x2d: {  	[tilespmem:$0x27B0] =	vst v61  }
0x2e: {  	v0 =	vld [tilespmem:s22+$0x10];
	_ =	sdelay $0x4  }
0x2f: {  	[tilespmem:$0x27C0] =	vst v0  }
0x30: {  	v0 =	vld [tilespmem:s22+$0x20];
	_ =	sdelay $0x4  }
0x31: {  	[tilespmem:$0x27D0] =	vst v0  }
0x32: {  	v0 =	vld [tilespmem:s22+$0x30];
	_ =	sdelay $0x4  }
0x33: {  	[tilespmem:$0x27E0] =	vst v0  }
0x34: {  	v0 =	vld [tilespmem:s22+$0x40];
	_ =	sdelay $0x3  }
0x35: {  	s20 =	simm.s32 $0x0  }
0x36: {  	s20 =	simm.s32 @p0 $0x0;
	s23 =	rddreg [dreg:$0x2];
	[tilespmem:$0x27F0] =	vst v0  }
0x37: {  	[tilespmem:s15], [sflag:$0x1] =	stream.indirect.gather [hbm4b:s4+s10], $0x10, s23, s10, $0xb8;
	[tilespmem:$0x3C50] =	vst v63  }
0x38: {  	s25 =	sadd.s32 s3, s20;
	_ =	swait.ge [sflag:s16], $0x500  }
0x39: {  	s23 =	sshll.u32 s25, $0x1;
	[sflag:s16] =	ssyncset.done $0x0  }
0x3a: {  	s23 =	sadd.s32 s5, s23;
	[sflag:s16] =	ssyncadd.s32 $0xFFFFFB00  }
0x3b: {  	[hbm4b:s23+s2] =	stream.linear.scatter [tilespmem:s12], [sflag:$0x2], $0x500, $0x38;
	[tilespmem:$0x3C50] =	vst v63  }
0x3c: {  	_ =	swait.ge @!p0 [sflag:s21], $0x500  }
0x3d: {  	s23 =	sadd.s32 @!p0 $0xF0, s20;
	[sflag:s21] =	ssyncset.done @!p0 $0x0  }
0x3e: {  	s23 =	simm.s32 @p0 $0xF0;
	[sflag:s21] =	ssyncadd.s32 @!p0 $0xFFFFFB00  }
0x3f: {  	v62 =	vld [tilespmem:s23+$0x0];
	_ =	sdelay $0x4  }
0x40: {  	[tilespmem:$0x2800] =	vst v62  }
0x41: {  	v0 =	vld [tilespmem:s23+$0x10];
	_ =	sdelay $0x4  }
0x42: {  	[tilespmem:$0x2810] =	vst v0  }
0x43: {  	v0 =	vld [tilespmem:s23+$0x20];
	_ =	sdelay $0x4  }
0x44: {  	[tilespmem:$0x2820] =	vst v0  }
0x45: {  	v0 =	vld [tilespmem:s23+$0x30];
	_ =	sdelay $0x4  }
0x46: {  	[tilespmem:$0x2830] =	vst v0  }
0x47: {  	v0 =	vld [tilespmem:s23+$0x40];
	_ =	sdelay $0x4  }
0x48: {  	s26 =	rddreg [dreg:$0x3];
	[tilespmem:$0x2840] =	vst v0  }
0x49: {  	[tilespmem:s17], [sflag:$0x1] =	stream.indirect.gather [hbm4b:s4+s10], $0x10, s26, s10, $0xb8;
	[tilespmem:$0x3C50] =	vst v63  }
0x4a: {  	_ =	swait.ge [sflag:s16], $0x500  }
0x4b: {  	s28 =	rddreg [dreg:$0x4]  }
0x4c: {  	s21 =	sadd.s32 s20, s28  }
0x4d: {  	s21 =	sshll.u32 s21, $0x1  }
0x4e: {  	[sflag:s16] =	ssyncset.done $0x0;
	s21 =	sand.u32 $0x1FFFFFE0, s21  }
0x4f: {  	[sflag:s16] =	ssyncadd.s32 $0xFFFFFB00;
	s21 =	sadd.s32 s5, s21  }
0x50: {  	[hbm4b:s21+s2] =	stream.linear.scatter [tilespmem:s14], [sflag:$0x2], $0x500, $0x38;
	[tilespmem:$0x3C50] =	vst v63  }
0x51: {  	_ =	swait.ge [sflag:s18], $0x500  }
0x52: {  	[sflag:s18] =	ssyncset.done $0x0  }
0x53: {  	[sflag:s18] =	ssyncadd.s32 $0xFFFFFB00  }
0x54: {  	v63 =	vld [tilespmem:s20+$0x140];
	_ =	sdelay $0x4  }
0x55: {  	[tilespmem:$0x2710] =	vst v63  }
0x56: {  	v0 =	vld [tilespmem:s20+$0x150];
	_ =	sdelay $0x4  }
0x57: {  	[tilespmem:$0x2720] =	vst v0  }
0x58: {  	v0 =	vld [tilespmem:s20+$0x160];
	_ =	sdelay $0x4  }
0x59: {  	[tilespmem:$0x2730] =	vst v0  }
0x5a: {  	v0 =	vld [tilespmem:s20+$0x170];
	_ =	sdelay $0x4  }
0x5b: {  	[tilespmem:$0x2740] =	vst v0  }
0x5c: {  	v0 =	vld [tilespmem:s20+$0x180];
	_ =	sdelay $0x4  }
0x5d: {  	s29 =	sadd.s32 s3, s22;
	[tilespmem:$0x2750] =	vst v0  }
0x5e: {  	[tilespmem:s12], [sflag:$0x1] =	stream.indirect.gather [hbm4b:s4+s10], $0x10, s11, s10, $0xb8;
	[tilespmem:$0x3C50] =	vst v63  }
0x5f: {  	s21 =	sshll.u32 s29, $0x1;
	_ =	swait.ge [sflag:s16], $0x500  }
0x60: {  	s21 =	sand.u32 $0x1FFFFFE0, s21;
	[sflag:s16] =	ssyncset.done $0x0  }
0x61: {  	s21 =	sadd.s32 s5, s21;
	[sflag:s16] =	ssyncadd.s32 $0xFFFFFB00  }
0x62: {  	[hbm4b:s21+s2] =	stream.linear.scatter [tilespmem:s15], [sflag:$0x2], $0x500, $0x38;
	[tilespmem:$0x3C50] =	vst v63  }
0x63: {  	_ =	swait.ge [sflag:s18], $0x500  }
0x64: {  	[sflag:s18] =	ssyncset.done $0x0  }
0x65: {  	p0 =	por $0x0, $0x0;
	[sflag:s18] =	ssyncadd.s32 $0xFFFFFB00  }
0x66: {  	v0 =	vld @!p0 [tilespmem:s20+$0x190];
	_ =	sdelay $0x4  }
0x67: {  	[tilespmem:$0x2760] =	vst @!p0 v0  }
0x68: {  	v0 =	vld @!p0 [tilespmem:s20+$0x1A0];
	_ =	sdelay $0x4  }
0x69: {  	[tilespmem:$0x2770] =	vst @!p0 v0  }
0x6a: {  	v0 =	vld @!p0 [tilespmem:s20+$0x1B0];
	_ =	sdelay $0x4  }
0x6b: {  	[tilespmem:$0x2780] =	vst @!p0 v0  }
0x6c: {  	v0 =	vld @!p0 [tilespmem:s20+$0x1C0];
	_ =	sdelay $0x4  }
0x6d: {  	[tilespmem:$0x2790] =	vst @!p0 v0  }
0x6e: {  	v0 =	vld @!p0 [tilespmem:s20+$0x1D0];
	_ =	sdelay $0x2  }
0x6f: {  	s30 =	sadd.s32 s3, s23  }
0x70: {  	p1 =	por $0x0, $0x0;
	s31 =	sshll.u32 s30, $0x1  }
0x71: {  	s24 =	simm.s32 @!p0 $0x2D50;
	s23 =	simm.s32 @!p0 $0x2760;
	s21 =	simm.s32 @!p0 $0x50;
	[tilespmem:$0x27A0] =	vst @!p0 v0  }
0x72: {  	[tilespmem:s24], [sflag:$0x1] =	stream.indirect.gather @!p0 [hbm4b:s4+s21], $0x10, s23, s21, $0xb8;
	[tilespmem:$0x3C50] =	vst v63  }
0x73: {  	s22 =	sand.u32 $0x1FFFFFE0, s31;
	s20 =	simm.s32 $0x140;
	_ =	swait.ge [sflag:s16], $0x500  }
0x74: {  	s21 =	simm.s32 $0x280;
	s23 =	sadd.s32 s5, s22;
	[sflag:s16] =	ssyncset.done $0x0  }
.LBB2_2:
0x75: {  	s25 =	simm.s32 @!p1 $0x2;
	[sflag:s16] =	ssyncadd.s32 $0xFFFFFB00  }
0x76: {  	[hbm4b:s23+s2] =	stream.linear.scatter [tilespmem:s17], [sflag:$0x2], $0x500, $0x38;
	[tilespmem:$0x3C50] =	vst v63  }
0x77: {  	_ =	swait.ge @!p1 [sflag:s25], $0x500  }
0x78: {  	s23 =	sadd.s32 @!p1 $0xA0, s20;
	[sflag:s25] =	ssyncset.done @!p1 $0x0  }
0x79: {  	s23 =	simm.s32 @p1 $0xA0;
	[sflag:s25] =	ssyncadd.s32 @!p1 $0xFFFFFB00  }
0x7a: {  	v0 =	vld [tilespmem:s23+$0x0];
	_ =	sdelay $0x4  }
0x7b: {  	[tilespmem:$0x27B0] =	vst v0  }
0x7c: {  	v0 =	vld [tilespmem:s23+$0x10];
	_ =	sdelay $0x4  }
0x7d: {  	[tilespmem:$0x27C0] =	vst v0  }
0x7e: {  	v0 =	vld [tilespmem:s23+$0x20];
	_ =	sdelay $0x4  }
0x7f: {  	[tilespmem:$0x27D0] =	vst v0  }
0x80: {  	v0 =	vld [tilespmem:s23+$0x30];
	_ =	sdelay $0x4  }
0x81: {  	[tilespmem:$0x27E0] =	vst v0  }
0x82: {  	v0 =	vld [tilespmem:s23+$0x40];
	_ =	sdelay $0x3  }
0x83: {  	s24 =	sadd.s32 s3, s23;
	s23 =	smov.u32 s20  }
0x84: {  	s26 =	rddreg [dreg:$0x2];
	s23 =	simm.s32 @p1 $0x0;
	[tilespmem:$0x27F0] =	vst v0  }
0x85: {  	[tilespmem:s15], [sflag:$0x1] =	stream.indirect.gather [hbm4b:s4+s10], $0x10, s26, s10, $0xb8;
	[tilespmem:$0x3C50] =	vst v63  }
0x86: {  	s31 =	sadd.s32 s3, s23;
	_ =	swait.ge [sflag:s16], $0x500  }
0x87: {  	s26 =	sshll.u32 s31, $0x1;
	[sflag:s16] =	ssyncset.done $0x0  }
0x88: {  	s26 =	sadd.s32 s5, s26;
	[sflag:s16] =	ssyncadd.s32 $0xFFFFFB00  }
0x89: {  	[hbm4b:s26+s2] =	stream.linear.scatter [tilespmem:s12], [sflag:$0x2], $0x500, $0x38;
	[tilespmem:$0x3C50] =	vst v63  }
0x8a: {  	_ =	swait.ge @!p1 [sflag:s25], $0x500  }
0x8b: {  	s28 =	sadd.s32 @!p1 $0xF0, s23;
	[sflag:s25] =	ssyncset.done @!p1 $0x0  }
0x8c: {  	s28 =	simm.s32 @p1 $0xF0;
	[sflag:s25] =	ssyncadd.s32 @!p1 $0xFFFFFB00  }
0x8d: {  	v62 =	vld [tilespmem:s28+$0x0];
	_ =	sdelay $0x4  }
0x8e: {  	[tilespmem:$0x2800] =	vst v62  }
0x8f: {  	v0 =	vld [tilespmem:s28+$0x10];
	_ =	sdelay $0x4  }
0x90: {  	[tilespmem:$0x2810] =	vst v0  }
0x91: {  	v0 =	vld [tilespmem:s28+$0x20];
	_ =	sdelay $0x4  }
0x92: {  	[tilespmem:$0x2820] =	vst v0  }
0x93: {  	v0 =	vld [tilespmem:s28+$0x30];
	_ =	sdelay $0x4  }
0x94: {  	[tilespmem:$0x2830] =	vst v0  }
0x95: {  	v0 =	vld [tilespmem:s28+$0x40];
	_ =	sdelay $0x4  }
0x96: {  	s29 =	rddreg [dreg:$0x3];
	[tilespmem:$0x2840] =	vst v0  }
0x97: {  	[tilespmem:s17], [sflag:$0x1] =	stream.indirect.gather [hbm4b:s4+s10], $0x10, s29, s10, $0xb8;
	[tilespmem:$0x3C50] =	vst v63  }
0x98: {  	_ =	swait.ge [sflag:s16], $0x500  }
0x99: {  	s26 =	sadd.s32 s3, s28;
	s30 =	rddreg [dreg:$0x4]  }
0x9a: {  	s25 =	sshll.u32 s26, $0x1;
	s26 =	sadd.s32 s23, s30  }
0x9b: {  	s26 =	sshll.u32 s26, $0x1  }
0x9c: {  	[sflag:s16] =	ssyncset.done $0x0;
	s26 =	sand.u32 $0x1FFFFFE0, s26  }
0x9d: {  	[sflag:s16] =	ssyncadd.s32 $0xFFFFFB00;
	s26 =	sadd.s32 s5, s26  }
0x9e: {  	[hbm4b:s26+s2] =	stream.linear.scatter [tilespmem:s14], [sflag:$0x2], $0x500, $0x38;
	[tilespmem:$0x3C50] =	vst v63  }
0x9f: {  	_ =	swait.ge [sflag:s18], $0x500  }
0xa0: {  	[sflag:s18] =	ssyncset.done $0x0  }
0xa1: {  	[sflag:s18] =	ssyncadd.s32 $0xFFFFFB00  }
0xa2: {  	v63 =	vld [tilespmem:s23+$0x140];
	_ =	sdelay $0x4  }
0xa3: {  	[tilespmem:$0x2710] =	vst v63  }
0xa4: {  	v0 =	vld [tilespmem:s23+$0x150];
	_ =	sdelay $0x4  }
0xa5: {  	[tilespmem:$0x2720] =	vst v0  }
0xa6: {  	v0 =	vld [tilespmem:s23+$0x160];
	_ =	sdelay $0x4  }
0xa7: {  	[tilespmem:$0x2730] =	vst v0  }
0xa8: {  	v0 =	vld [tilespmem:s23+$0x170];
	_ =	sdelay $0x4  }
0xa9: {  	[tilespmem:$0x2740] =	vst v0  }
0xaa: {  	v0 =	vld [tilespmem:s23+$0x180];
	_ =	sdelay $0x4  }
0xab: {  	[tilespmem:$0x2750] =	vst v0  }
0xac: {  	[tilespmem:s12], [sflag:$0x1] =	stream.indirect.gather [hbm4b:s4+s10], $0x10, s11, s10, $0xb8;
	[tilespmem:$0x3C50] =	vst v63  }
0xad: {  	s24 =	sshll.u32 s24, $0x1;
	_ =	swait.ge [sflag:s16], $0x500  }
0xae: {  	s24 =	sand.u32 $0x1FFFFFE0, s24;
	[sflag:s16] =	ssyncset.done $0x0  }
0xaf: {  	s24 =	sadd.s32 s5, s24;
	[sflag:s16] =	ssyncadd.s32 $0xFFFFFB00  }
0xb0: {  	[hbm4b:s24+s2] =	stream.linear.scatter [tilespmem:s15], [sflag:$0x2], $0x500, $0x38;
	[tilespmem:$0x3C50] =	vst v63  }
0xb1: {  	_ =	swait.ge [sflag:s18], $0x500  }
0xb2: {  	[sflag:s18] =	ssyncset.done $0x0  }
0xb3: {  	p1 =	seq.s32 s20, $0x2580;
	[sflag:s18] =	ssyncadd.s32 $0xFFFFFB00  }
0xb4: {  	v0 =	vld @!p1 [tilespmem:s23+$0x190];
	_ =	sdelay $0x4  }
0xb5: {  	[tilespmem:$0x2760] =	vst @!p1 v0  }
0xb6: {  	v0 =	vld @!p1 [tilespmem:s23+$0x1A0];
	_ =	sdelay $0x4  }
0xb7: {  	[tilespmem:$0x2770] =	vst @!p1 v0  }
0xb8: {  	v0 =	vld @!p1 [tilespmem:s23+$0x1B0];
	_ =	sdelay $0x4  }
0xb9: {  	[tilespmem:$0x2780] =	vst @!p1 v0  }
0xba: {  	v0 =	vld @!p1 [tilespmem:s23+$0x1C0];
	_ =	sdelay $0x4  }
0xbb: {  	[tilespmem:$0x2790] =	vst @!p1 v0  }
0xbc: {  	v0 =	vld @!p1 [tilespmem:s23+$0x1D0];
	_ =	sdelay $0x1  }
0xbd: {  	s22 =	smov.u32 s21;
	s21 =	sadd.s32 $0x140, s21  }
0xbe: {  	p0 =	sne.s32 s21, $0x26C0  }
.Ltmp0:
0xbf: {  	s20 =	smov.u32 s22;
	(pc) =	sbr.rel @p0 .LBB2_2-.Ltmp0, $4  }
0xc0: {  	s22 =	simm.s32 @!p1 $0x50;
	s24 =	simm.s32 @!p1 $0x2D50;
	s23 =	simm.s32 @!p1 $0x2760;
	[tilespmem:$0x27A0] =	vst @!p1 v0  }
0xc1: {  	[tilespmem:s24], [sflag:$0x1] =	stream.indirect.gather @!p1 [hbm4b:s4+s22], $0x10, s23, s22, $0xb8;
	[tilespmem:$0x3C50] =	vst v63  }
0xc2: {  	s31 =	sand.u32 $0x1FFFFFE0, s25;
	_ =	swait.ge [sflag:s16], $0x500  }
0xc3: {  	p1 =	seq.s32 s20, $0x0;
	s23 =	sadd.s32 s5, s31;
	[sflag:s16] =	ssyncset.done $0x0  }
0xc4: {  	s22 =	simm.s32 @!p1 $0x2;
	[sflag:s16] =	ssyncadd.s32 $0xFFFFFB00  }
0xc5: {  	[hbm4b:s23+s2] =	stream.linear.scatter [tilespmem:s17], [sflag:$0x2], $0x500, $0x38;
	[tilespmem:$0x3C50] =	vst v63  }
0xc6: {  	_ =	swait.ge @!p1 [sflag:s22], $0x500  }
0xc7: {  	s23 =	sadd.s32 @!p1 $0xA0, s20;
	[sflag:s22] =	ssyncset.done @!p1 $0x0  }
0xc8: {  	s23 =	simm.s32 @p1 $0xA0;
	[sflag:s22] =	ssyncadd.s32 @!p1 $0xFFFFFB00  }
0xc9: {  	v0 =	vld [tilespmem:s23+$0x0];
	_ =	sdelay $0x4  }
0xca: {  	[tilespmem:$0x27B0] =	vst v0  }
0xcb: {  	v0 =	vld [tilespmem:s23+$0x10];
	_ =	sdelay $0x4  }
0xcc: {  	[tilespmem:$0x27C0] =	vst v0  }
0xcd: {  	v0 =	vld [tilespmem:s23+$0x20];
	_ =	sdelay $0x4  }
0xce: {  	[tilespmem:$0x27D0] =	vst v0  }
0xcf: {  	v0 =	vld [tilespmem:s23+$0x30];
	_ =	sdelay $0x4  }
0xd0: {  	[tilespmem:$0x27E0] =	vst v0  }
0xd1: {  	v0 =	vld [tilespmem:s23+$0x40];
	_ =	sdelay $0x3  }
0xd2: {  	s21 =	smov.u32 s20  }
0xd3: {  	s21 =	simm.s32 @p1 $0x0;
	s24 =	rddreg [dreg:$0x2];
	[tilespmem:$0x27F0] =	vst v0  }
0xd4: {  	[tilespmem:s15], [sflag:$0x1] =	stream.indirect.gather [hbm4b:s4+s10], $0x10, s24, s10, $0xb8;
	[tilespmem:$0x3C50] =	vst v63  }
0xd5: {  	s26 =	sadd.s32 s3, s21;
	_ =	swait.ge [sflag:s16], $0x500  }
0xd6: {  	s24 =	sshll.u32 s26, $0x1;
	[sflag:s16] =	ssyncset.done $0x0  }
0xd7: {  	s24 =	sadd.s32 s5, s24;
	[sflag:s16] =	ssyncadd.s32 $0xFFFFFB00  }
0xd8: {  	[hbm4b:s24+s2] =	stream.linear.scatter [tilespmem:s12], [sflag:$0x2], $0x500, $0x38;
	[tilespmem:$0x3C50] =	vst v63  }
0xd9: {  	_ =	swait.ge @!p1 [sflag:s22], $0x500  }
0xda: {  	s24 =	sadd.s32 @!p1 $0xF0, s21;
	[sflag:s22] =	ssyncset.done @!p1 $0x0  }
0xdb: {  	s24 =	simm.s32 @p1 $0xF0;
	[sflag:s22] =	ssyncadd.s32 @!p1 $0xFFFFFB00  }
0xdc: {  	v62 =	vld [tilespmem:s24+$0x0];
	_ =	sdelay $0x4  }
0xdd: {  	[tilespmem:$0x2800] =	vst v62  }
0xde: {  	v0 =	vld [tilespmem:s24+$0x10];
	_ =	sdelay $0x4  }
0xdf: {  	[tilespmem:$0x2810] =	vst v0  }
0xe0: {  	v0 =	vld [tilespmem:s24+$0x20];
	_ =	sdelay $0x4  }
0xe1: {  	[tilespmem:$0x2820] =	vst v0  }
0xe2: {  	v0 =	vld [tilespmem:s24+$0x30];
	_ =	sdelay $0x4  }
0xe3: {  	[tilespmem:$0x2830] =	vst v0  }
0xe4: {  	v0 =	vld [tilespmem:s24+$0x40];
	_ =	sdelay $0x4  }
0xe5: {  	s28 =	rddreg [dreg:$0x3];
	[tilespmem:$0x2840] =	vst v0  }
0xe6: {  	[tilespmem:s17], [sflag:$0x1] =	stream.indirect.gather [hbm4b:s4+s10], $0x10, s28, s10, $0xb8;
	[tilespmem:$0x3C50] =	vst v63  }
0xe7: {  	_ =	swait.ge [sflag:s16], $0x500  }
0xe8: {  	s29 =	rddreg [dreg:$0x4]  }
0xe9: {  	s22 =	sadd.s32 s21, s29  }
0xea: {  	s22 =	sshll.u32 s22, $0x1  }
0xeb: {  	[sflag:s16] =	ssyncset.done $0x0;
	s22 =	sand.u32 $0x1FFFFFE0, s22  }
0xec: {  	[sflag:s16] =	ssyncadd.s32 $0xFFFFFB00;
	s22 =	sadd.s32 s5, s22  }
0xed: {  	[hbm4b:s22+s2] =	stream.linear.scatter [tilespmem:s14], [sflag:$0x2], $0x500, $0x38;
	[tilespmem:$0x3C50] =	vst v63  }
0xee: {  	_ =	swait.ge [sflag:s18], $0x500  }
0xef: {  	[sflag:s18] =	ssyncset.done $0x0  }
0xf0: {  	[sflag:s18] =	ssyncadd.s32 $0xFFFFFB00  }
0xf1: {  	v63 =	vld [tilespmem:s21+$0x140];
	_ =	sdelay $0x4  }
0xf2: {  	[tilespmem:$0x2710] =	vst v63  }
0xf3: {  	v0 =	vld [tilespmem:s21+$0x150];
	_ =	sdelay $0x4  }
0xf4: {  	[tilespmem:$0x2720] =	vst v0  }
0xf5: {  	v0 =	vld [tilespmem:s21+$0x160];
	_ =	sdelay $0x4  }
0xf6: {  	[tilespmem:$0x2730] =	vst v0  }
0xf7: {  	v0 =	vld [tilespmem:s21+$0x170];
	_ =	sdelay $0x4  }
0xf8: {  	[tilespmem:$0x2740] =	vst v0  }
0xf9: {  	v0 =	vld [tilespmem:s21+$0x180];
	_ =	sdelay $0x4  }
0xfa: {  	s30 =	sadd.s32 s3, s23;
	[tilespmem:$0x2750] =	vst v0  }
0xfb: {  	[tilespmem:s12], [sflag:$0x1] =	stream.indirect.gather [hbm4b:s4+s10], $0x10, s11, s10, $0xb8;
	[tilespmem:$0x3C50] =	vst v63  }
0xfc: {  	s22 =	sshll.u32 s30, $0x1;
	_ =	swait.ge [sflag:s16], $0x500  }
0xfd: {  	s22 =	sand.u32 $0x1FFFFFE0, s22;
	[sflag:s16] =	ssyncset.done $0x0  }
0xfe: {  	s22 =	sadd.s32 s5, s22;
	[sflag:s16] =	ssyncadd.s32 $0xFFFFFB00  }
0xff: {  	[hbm4b:s22+s2] =	stream.linear.scatter [tilespmem:s15], [sflag:$0x2], $0x500, $0x38;
	[tilespmem:$0x3C50] =	vst v63  }
0x100: {  	_ =	swait.ge [sflag:s18], $0x500  }
0x101: {  	[sflag:s18] =	ssyncset.done $0x0  }
0x102: {  	p0 =	seq.s32 s20, $0x2580;
	[sflag:s18] =	ssyncadd.s32 $0xFFFFFB00  }
0x103: {  	v0 =	vld @!p0 [tilespmem:s21+$0x190];
	_ =	sdelay $0x4  }
0x104: {  	[tilespmem:$0x2760] =	vst @!p0 v0  }
0x105: {  	v0 =	vld @!p0 [tilespmem:s21+$0x1A0];
	_ =	sdelay $0x4  }
0x106: {  	[tilespmem:$0x2770] =	vst @!p0 v0  }
0x107: {  	v0 =	vld @!p0 [tilespmem:s21+$0x1B0];
	_ =	sdelay $0x4  }
0x108: {  	[tilespmem:$0x2780] =	vst @!p0 v0  }
0x109: {  	v0 =	vld @!p0 [tilespmem:s21+$0x1C0];
	_ =	sdelay $0x4  }
0x10a: {  	[tilespmem:$0x2790] =	vst @!p0 v0  }
0x10b: {  	v0 =	vld @!p0 [tilespmem:s21+$0x1D0];
	_ =	sdelay $0x3  }
0x10c: {  	s23 =	simm.s32 @!p0 $0x2D50  }
0x10d: {  	s31 =	sadd.s32 s3, s24;
	s22 =	simm.s32 @!p0 $0x2760;
	s21 =	simm.s32 @!p0 $0x50;
	[tilespmem:$0x27A0] =	vst @!p0 v0  }
0x10e: {  	[tilespmem:s23], [sflag:$0x1] =	stream.indirect.gather @!p0 [hbm4b:s4+s21], $0x10, s22, s21, $0xb8;
	[tilespmem:$0x3C50] =	vst v63  }
0x10f: {  	s20 =	sshll.u32 s31, $0x1;
	_ =	swait.ge [sflag:s16], $0x500  }
0x110: {  	s20 =	sand.u32 $0x1FFFFFE0, s20;
	[sflag:s16] =	ssyncset.done $0x0  }
0x111: {  	s20 =	sadd.s32 s5, s20;
	[sflag:s16] =	ssyncadd.s32 $0xFFFFFB00  }
0x112: {  	[hbm4b:s20+s2] =	stream.linear.scatter [tilespmem:s17], [sflag:$0x2], $0x500, $0x38;
	[tilespmem:$0x3C50] =	vst v63  }
0x113: {  	_ =	swait.ge [sflag:s16], $0x500  }
0x114: {  	[sflag:s16] =	ssyncset.done $0x0  }
0x115: {  	[sflag:s16] =	ssyncadd.s32 $0xFFFFFB00  }
0x116: {  	[hbm4b:s7+s2] =	stream.linear.scatter [tilespmem:s12], [sflag:$0x2], $0x500, $0x38;
	[tilespmem:$0x3C50] =	vst v63  }
0x117: {  	_ =	swait.ge [sflag:s18], $0x500  }
0x118: {  	[sflag:s18] =	ssyncset.done $0x0  }
0x119: {  	s19 =	sadd.s32 $0x1, s19;
	[sflag:s18] =	ssyncadd.s32 $0xFFFFFB00  }
0x11a: {  	p0 =	sne.s32 s19, s8;
	_ =	swait.ge [sflag:s18], $0x500  }
.Ltmp1:
0x11b: {  	[sflag:s18] =	ssyncset.done $0x0;
	(pc) =	sbr.rel @p0 .LBB2_1-.Ltmp1, $4  }
0x11c: {  	[sflag:s18] =	ssyncadd.s32 $0xFFFFFB00  }
0x11d: {  	_ =	swait.ge [sflag:s18], $0x500  }
0x11e: {  	[sflag:s18] =	ssyncset.done $0x0  }
0x11f: {  	[sflag:s18] =	ssyncadd.s32 $0xFFFFFB00  }
0x120: {  	_ =	sfence.sel $0x180000  }
0x121: {  	[bflag:$0x0] =	sbarrier.arrive $0xFFFF  }
0x122: {  	p0 =	sne.s32 s0, $0x0;
	_ =	strace $0x90000047  }
0x123: {  	s0 =	sadd.s32 @!p0 $0x100000, s1;
	[bflag:$0x2] =	sbarrier.arrive $0xFFFF  }
0x124: {  	[sflag:s0] =	ssyncadd.tile.s32 @!p0 $0x1;
	_ =	shalt  }
.Lfunc_end2:
_tile_overlayer_lowered:
.L_overlay_start_2:
0x125: {  	(tag) =	ssettag $0x2  }
0x126: {  	s0 =	rddreg [dreg:$0x0];
	s2 =	stileid.u32  }
0x127: {  	s1 =	rddreg [dreg:$0x1];
	p0 =	sne.s32 s2, $0x0  }
0x128: {  	s3 =	rddreg [dreg:$0x2];
	[bflag:$0x3] =	sbarrier.arrive $0xFFFF;
	s2 =	simm.s32 @!p0 $0x1C03  }
0x129: {  	[timem:s3], [sflag:s2] =	dma.local @!p0 [hbm:s0], s1  }
0x12a: {  	s0 =	simm.s32 @!p0 $0x3  }
0x12b: {  	_ =	swait.ge @!p0 [sflag:s0], s1  }
0x12c: {  	s1 =	ssub.s32 @!p0 $0x0, s1;
	[sflag:s0] =	ssyncset.done @!p0 $0x0  }
0x12d: {  	[sflag:s0] =	ssyncadd.s32 @!p0 s1  }
0x12e: {  	[bflag:$0x3] =	sbarrier.arrive $0xFFFF  }
0x12f: {  	_ =	shalt  }

// kernel: kernel.17.cloned.1.call-start
scs
__scs_entry_jumppad:
0x0: {  	(pc) =	sbr.rel $0x88, $3  }
0x1: {  	(tag) =	ssettag $0x0;
	lr =	simm.s32 $0x1  }
0x2: {  	[smem:$0x3F8D] =	sst lr;
	_ =	strace $0xD0000000  }
0x3: {  	_ = 	snop  }
0x4: {  	_ = 	snop  }
0x5: {  	_ = 	snop  }
0x6: {  	_ = 	snop  }
0x7: {  	_ = 	snop  }
__scs_overlays_trampoline_lowered:
0x8: {  	[smem:$0x3F9C] =	sst s0  }
0x9: {  	[smem:$0x3F9D] =	sst s1  }
0xa: {  	[smem:$0x3F9E] =	sst s2  }
0xb: {  	[smem:$0x3F9F] =	sst s3  }
0xc: {  	[smem:$0x3FA0] =	sst s4  }
0xd: {  	[smem:$0x3FA1] =	sst s5  }
0xe: {  	[smem:$0x3FA2] =	sst s6  }
0xf: {  	[smem:$0x3FA3] =	sst s7  }
0x10: {  	[smem:$0x3FA4] =	sst s8  }
0x11: {  	[smem:$0x3FA5] =	sst s9;
	s0 =	simm.s32 @!p0 $0x0  }
0x12: {  	s1 =	sld [smem:$0x3F8B];
	s0 =	simm.s32 @p0 $0x1  }
0x13: {  	[smem:$0x3FA6] =	sst s0;
	s0 =	simm.s32 @!p1 $0x0  }
0x14: {  	s2 =	sld [smem:$0x3F8A];
	s0 =	simm.s32 @p1 $0x1  }
0x15: {  	[smem:$0x3FA7] =	sst s0;
	s0 =	simm.s32 @!p2 $0x0  }
0x16: {  	s3 =	sld [smem:$0x3FDB];
	s0 =	simm.s32 @p2 $0x1  }
0x17: {  	s4 =	simm.s32 $0x1BF5;
	[smem:$0x3FA9] =	sst s0  }
0x18: {  	s0 =	sld [smem:$0x3F8C];
	_ =	swait.ge [sflag:s4], $0x0  }
0x19: {  	s7 =	sld [smem:$0x3F8D]  }
0x1a: {  	s8 =	sadd.s32 $0xFFFFE003, lr  }
0x1b: {  	s9 =	sadd.s32 $0xFFFFFEF7, lr;
	s5 =	simm.s32 $0xFFFFFFFF;
	p2 =	slt.u32 s8, $0xFFFFF086  }
0x1c: {  	p1 =	slt.u32 s9, $0xF7A;
	s5 =	simm.s32 @!p2 $0x0  }
0x1d: {  	s5 =	simm.s32 @p1 $0x1;
	p0 =	seq.s32 s7, s2  }
0x1e: {  	s7 =	smul.u32 @!p0 $0xF7A, s2;
	p2 =	seq.s32 @!p0 s5, $0x0  }
0x1f: {  	s9 =	smul.u32 $0xF7A, s1;
	s8 =	simm.s32 @!p0 $0x1BF5;
	p2 =	por !p2, p0  }
0x20: {  	[sflag:s8] =	ssyncset.s32 @!p0 $0xFFFFF086;
	s6 =	sadd.s32 @!p0 s3, s7;
	s7 =	simm.s32 @!p0 $0x108  }
0x21: {  	s3 =	sadd.s32 s3, s9;
	s6 =	sadd.s32 @!p0 $0x88, s6;
	s7 =	simm.s32 @p2 $0x1082  }
0x22: {  	[simem:s7], [sflag:s8] =	dma.local @!p0 [hbm:s6], $0xF7A  }
0x23: {  	s9 =	sor.u32 $0xD0000000, s2;
	s6 =	simm.s32 $0x108;
	_ =	swait.ge @!p0 [sflag:s8], $0x0  }
0x24: {  	s3 =	sadd.s32 $0x88, s3;
	s6 =	simm.s32 @!p1 $0x1082;
	[sflag:s4] =	ssyncset.s32 $0xFFFFF086  }
0x25: {  	[simem:s6], [sflag:s4] =	dma.local [hbm:s3], $0xF7A  }
0x26: {  	[smem:$0x3F8D] =	sst s1;
	(tag) =	ssettag s2;
	_ =	strace s9  }
0x27: {  	s1 =	sld [smem:$0x3F9D]  }
0x28: {  	s2 =	sld [smem:$0x3F9E]  }
0x29: {  	s4 =	sld [smem:$0x3FA0]  }
0x2a: {  	p0 =	seq.s32 s5, $0x0;
	s5 =	sld [smem:$0x3FA1]  }
0x2b: {  	s6 =	sld [smem:$0x3FA2]  }
0x2c: {  	s7 =	sld [smem:$0x3FA3]  }
0x2d: {  	s3 =	simm.s32 $0x108;
	s8 =	sld [smem:$0x3FA4]  }
0x2e: {  	s3 =	simm.s32 @!p0 $0x1082;
	s9 =	sld [smem:$0x3FA5]  }
0x2f: {  	lr =	sadd.s32 s0, s3;
	s0 =	sld [smem:$0x3F9C]  }
0x30: {  	s3 =	sld [smem:$0x3F9F]  }
0x31: {  	[smem:$0x3FA8] =	sst s10  }
0x32: {  	s10 =	sld [smem:$0x3FA6];
	_ =	sdelay $0x3  }
0x33: {  	p0 =	seq.s32 s10, $0x1;
	s10 =	sld [smem:$0x3FA8];
	_ =	sdelay $0x3  }
0x34: {  	[smem:$0x3FA8] =	sst s10  }
0x35: {  	s10 =	sld [smem:$0x3FA7];
	_ =	sdelay $0x3  }
0x36: {  	p1 =	seq.s32 s10, $0x1;
	s10 =	sld [smem:$0x3FA8];
	_ =	sdelay $0x3  }
0x37: {  	[smem:$0x3FA8] =	sst s10  }
0x38: {  	s10 =	sld [smem:$0x3FA9]  }
0x39: {  	_ = 	snop;
	(pc) =	sbr.ind lr, $3  }
0x3a: {  	_ = 	snop  }
0x3b: {  	_ = 	snop  }
0x3c: {  	p2 =	seq.s32 s10, $0x1;
	s10 =	sld [smem:$0x3FA8]  }
0x3d: {  	_ =	shalt  }
0x3e: {  	_ =	shalt  }
0x3f: {  	_ =	shalt  }
0x40: {  	_ =	shalt  }
0x41: {  	_ =	shalt  }
0x42: {  	_ =	shalt  }
0x43: {  	_ =	shalt  }
0x44: {  	_ =	shalt  }
0x45: {  	_ =	shalt  }
0x46: {  	_ =	shalt  }
0x47: {  	_ =	shalt  }
0x48: {  	_ =	shalt  }
0x49: {  	_ =	shalt  }
0x4a: {  	_ =	shalt  }
0x4b: {  	_ =	shalt  }
0x4c: {  	_ =	shalt  }
0x4d: {  	_ =	shalt  }
0x4e: {  	_ =	shalt  }
0x4f: {  	_ =	shalt  }
0x50: {  	_ =	shalt  }
0x51: {  	_ =	shalt  }
0x52: {  	_ =	shalt  }
0x53: {  	_ =	shalt  }
0x54: {  	_ =	shalt  }
0x55: {  	_ =	shalt  }
0x56: {  	_ =	shalt  }
0x57: {  	_ =	shalt  }
0x58: {  	_ =	shalt  }
0x59: {  	_ =	shalt  }
0x5a: {  	_ =	shalt  }
0x5b: {  	_ =	shalt  }
0x5c: {  	_ =	shalt  }
0x5d: {  	_ =	shalt  }
0x5e: {  	_ =	shalt  }
0x5f: {  	_ =	shalt  }
0x60: {  	_ =	shalt  }
0x61: {  	_ =	shalt  }
0x62: {  	_ =	shalt  }
0x63: {  	_ =	shalt  }
0x64: {  	_ =	shalt  }
0x65: {  	_ =	shalt  }
0x66: {  	_ =	shalt  }
0x67: {  	_ =	shalt  }
0x68: {  	_ =	shalt  }
0x69: {  	_ =	shalt  }
0x6a: {  	_ =	shalt  }
0x6b: {  	_ =	shalt  }
0x6c: {  	_ =	shalt  }
0x6d: {  	_ =	shalt  }
0x6e: {  	_ =	shalt  }
0x6f: {  	_ =	shalt  }
0x70: {  	_ =	shalt  }
0x71: {  	_ =	shalt  }
0x72: {  	_ =	shalt  }
0x73: {  	_ =	shalt  }
0x74: {  	_ =	shalt  }
0x75: {  	_ =	shalt  }
0x76: {  	_ =	shalt  }
0x77: {  	_ =	shalt  }
0x78: {  	_ =	shalt  }
0x79: {  	_ =	shalt  }
0x7a: {  	_ =	shalt  }
0x7b: {  	_ =	shalt  }
0x7c: {  	_ =	shalt  }
0x7d: {  	_ =	shalt  }
0x7e: {  	_ =	shalt  }
0x7f: {  	_ =	shalt  }
0x80: {  	_ =	shalt  }
0x81: {  	_ =	shalt  }
0x82: {  	_ =	shalt  }
0x83: {  	_ =	shalt  }
0x84: {  	_ =	shalt  }
0x85: {  	_ =	shalt  }
0x86: {  	_ =	shalt  }
0x87: {  	_ =	shalt  }
.Lfunc_end0:
.L_simem_size_0:
called_computation.2_lowered:
.L_overlay_start_0:
0x88: {  	s2 =	sld [smem:$0x3FD9]  }
0x89: {  	s3 =	sld [smem:$0x3FFE];
	_ =	sdelay $0x1  }
0x8a: {  	s1 =	srdreg.scid  }
0x8b: {  	s0 =	sand.u32 $0x1, s1  }
0x8c: {  	s17 =	sshll.u32 s0, $0xA;
	s2 =	sadd.s32 s3, s2  }
0x8d: {  	s2 =	sadd.s32 s2, s17  }
0x8e: {  	[smem:$0x3FB4] =	sst s2  }
0x8f: {  	_ = 	snop  }
0x90: {  	(tm) =	ssettm $0x1  }
0x91: {  	s18 =	sld [smem:$0x3FFB];
	_ =	sdelay $0x3  }
0x92: {  	_ =	strace s18  }
0x93: {  	s2 =	sld [smem:$0x3FFC];
	_ =	sdelay $0x3  }
0x94: {  	_ =	strace s2  }
0x95: {  	s2 =	sld [smem:$0x3FFD];
	_ =	sdelay $0x3  }
0x96: {  	_ =	strace s2  }
0x97: {  	_ =	strace $0x8FFFFFFF  }
0x98: {  	s19 =	sld [smem:$0x3FDB];
	_ =	sdelay $0x1  }
0x99: {  	s20 =	simm.s32 $_scs_section_size  }
0x9a: {  	s4 =	simm.s32 $_size__tile_overlayer_lowered;
	s5 =	simm.s32 $_tile_overlayer_lowered  }
0x9b: {  	s6 =	simm.s32 $0x1BFF;
	s21 =	sshll.u32 s5, $0x1;
	s3 =	sadd.s32 s20, s19  }
0x9c: {  	s22 =	simm.s32 $0x0;
	s4 =	sshll.u32 s4, $0x1;
	s5 =	sadd.s32 s21, s3  }
0x9d: {  	[timem:s22], [sflag:s6] =	dma.local [hbm:s5], s4  }
0x9e: {  	_ =	swait.ge [sflag:s6], s4  }
0x9f: {  	s4 =	ssub.s32 $0x0, s4;
	[sflag:s6] =	ssyncset.done $0x0  }
0xa0: {  	[sflag:s6] =	ssyncadd.s32 s4;
	_ =	sdelay $0x1  }
0xa1: {  	s23 =	simm.s32 $0x1B8B  }
0xa2: {  	_ =	swait.ge [sflag:s23], $0x1  }
0xa3: {  	[sflag:s23] =	ssyncset.done $0x0  }
0xa4: {  	[sflag:s23] =	ssyncadd.s32 $0xFFFFFFFF  }
0xa5: {  	s4 =	sld [smem:$0x0]  }
0xa6: {  	s5 =	sand.u32 $0xFFFFFFFE, s1  }
0xa7: {  	p0 =	sne.s32 s1, s5  }
0xa8: {  	s5 =	sshll.u32 @p0 s5, $0xE  }
0xa9: {  	s5 =	sadd.s32 @p0 $0x11B8D, s5;
	s6 =	sshll.u32 @p0 s4, $0x11  }
0xaa: {  	s5 =	sor.u32 @p0 s6, s5  }
0xab: {  	[sflag:s5] =	ssyncadd.remote.s32 @p0 $0x1;
	_ =	sdelay $0x1  }
0xac: {  	s5 =	simm.s32 @p0 $0x1B8D  }
0xad: {  	_ =	swait.eq @p0 [sflag:s5], $0x1  }
0xae: {  	[sflag:s5] =	ssyncadd.s32 @p0 $0xFFFFFFFF  }
0xaf: {  	s6 =	sshll.u32 @!p0 s1, $0xE  }
0xb0: {  	s6 =	sor.u32 @!p0 $0x4000, s6;
	s5 =	simm.s32 @!p0 $0x1B8D  }
0xb1: {  	s4 =	sshll.u32 @!p0 s4, $0x11;
	s6 =	sadd.s32 @!p0 $0x11B8D, s6;
	_ =	swait.eq @!p0 [sflag:s5], $0x1  }
0xb2: {  	s4 =	sor.u32 @!p0 s4, s6;
	[sflag:s5] =	ssyncadd.s32 @!p0 $0xFFFFFFFF  }
0xb3: {  	s25 =	simm.s32 $0x1B8E;
	s24 =	sld [smem:$0x3FFE];
	[sflag:s4] =	ssyncadd.remote.s32 @!p0 $0x1  }
0xb4: {  	s26 =	simm.s32 $execute0_lowered;
	[smem:$0x3FD2] =	sst s25  }
0xb5: {  	s5 =	sshll.u32 s26, $0x1;
	_ =	strace $0x8000004C;
	[dreg:$0x1] =	wrdreg $0xFFFFFFFF  }
0xb6: {  	s28 =	simm.s32 $_size_execute0_lowered;
	s3 =	sadd.s32 s3, s5;
	[dreg:$0x0] =	wrdreg $0x0  }
0xb7: {  	s5 =	sshll.u32 s28, $0x1;
	[dreg:$0x2] =	wrdreg s3  }
0xb8: {  	[dreg:$0x3] =	wrdreg s5  }
0xb9: {  	[dreg:$0x4] =	wrdreg $0xC0  }
0xba: {  	_ =	task [dreg:s22], $0x5FFFF  }
0xbb: {  	[dreg:$0x1] =	wrdreg $0xFFFFFFFF  }
0xbc: {  	[dreg:$0x0] =	wrdreg $0x60  }
0xbd: {  	[dreg:$0x2] =	wrdreg s24  }
0xbe: {  	[dreg:$0x3] =	wrdreg $0x14E600  }
0xbf: {  	[dreg:$0x4] =	wrdreg $0xA  }
0xc0: {  	_ =	task.clear_ibuf [dreg:s22], $0x5FFFF;
	_ =	strace $0x9000004C  }
0xc1: {  	s29 =	simm.s32 $0xA;
	_ =	strace $0x8000004E  }
0xc2: {  	_ =	swait.ge [sflag:s29], $0x1  }
0xc3: {  	[sflag:s29] =	ssyncadd.s32 $0xFFFFFFFF  }
0xc4: {  	_ =	strace $0x9000004E  }
0xc5: {  	_ =	sfence  }
0xc6: {  	s30 =	sld [smem:$0x0];
	_ =	sdelay $0x2  }
0xc7: {  	s31 =	sshll.u32 s1, $0xD;
	s1 =	sshrl.u32 s1, $0x2  }
0xc8: {  	s4 =	sand.u32 $0x4000, s31;
	s1 =	sadd.s32 s1, s30  }
0xc9: {  	s0 =	sor.u32 s4, s0;
	s1 =	sshll.u32 s1, $0x11  }
0xca: {  	s0 =	sor.u32 s1, s0  }
0xcb: {  	s0 =	sadd.s32 $0x8F2B, s0  }
0xcc: {  	[sflag:s0] =	ssyncadd.remote.s32 $0x1  }
0xcd: {  	_ =	sfence.sel $0xFFFF  }
0xce: {  	[dreg:$0x0] =	wrdreg $0xFFFFFFFF;
	(pc) =	sbr.abs _section_cstart, $3  }
0xcf: {  	[dreg:$0x1] =	wrdreg $0xFFFFFFFF  }
0xd0: {  	_ =	task.clear_ibuf [dreg:s22], $0x2FFFF;
	_ =	strace $0x9FFFFFFF  }
0xd1: {  	(tm) =	ssettm $0x7FFFFFFF  }
tec
execute0_lowered:
.L_overlay_start_1:
0x0: {  	(tag) =	ssettag $0x1  }
0x1: {  	s0 =	stileid.u32;
	s5 =	rddreg [dreg:$0x0]  }
0x2: {  	s1 =	srdreg.scid;
	s2 =	rddreg [dreg:$0x1]  }
0x3: {  	s3 =	simm.s32 $0x0;
	s13 =	simm.s32 $0x2710;
	s6 =	smul.u32 $0x9C40, s0  }
0x4: {  	s14 =	simm.s32 $0x12160;
	s4 =	sand.u32 $0x1, s1;
	s8 =	smul.u32 $0x2800, s0  }
0x5: {  	s30 =	sshll.u32 s0, $0x1;
	[smem:$0x7FF] =	sst s3;
	s9 =	smul.u32 $0x28000, s4  }
0x6: {  	s1 =	sor.u32 s4, s30;
	s10 =	ssub.s32 $0x2, s4;
	s12 =	smul.u32 $0x4E20, s4  }
0x7: {  	s7 =	smul.u32 $0x2710, s1;
	s1 =	rddreg [dreg:$0x2];
	_ =	strace $0x8000004D  }
0x8: {  	s6 =	sadd.s32 s6, s5;
	s11 =	sshrl.u32 s10, $0x1;
	s4 =	sadd.s32 s8, s2  }
0x9: {  	s9 =	sadd.s32 s8, s9;
	s10 =	ssub.s32 s10, s11;
	s31 =	sadd.s32 s12, s6  }
0xa: {  	s11 =	simm.s32 $0x1;
	s7 =	sshrl.u32 s7, $0x3;
	s9 =	sshrl.u32 s9, $0x3  }
0xb: {  	s12 =	simm.s32 $0x50;
	s7 =	sadd.s32 s7, s5;
	s9 =	sadd.s32 s9, s5  }
0xc: {  	s8 =	sadd.s32 $0x13400, s31;
	s5 =	sadd.s32 $0xAF800, s7;
	s6 =	sadd.s32 $0x645A00, s9  }
0xd: {  	v0 =	vimm.f32 $0.0e+00;
	s7 =	smax.u32 s10, $0x1;
	s9 =	sadd.s32 $0x5A9600, s31;
	s10 =	simm.s32 $0x12660  }
.LBB2_1:
0xe: {  	s15 =	simm.s32 $0x126A0  }
0xf: {  	[tilespmem:s15+$0xFFFFFFC0] =	vst v0  }
0x10: {  	[tilespmem:s15+$0x30] =	vst v0  }
0x11: {  	[tilespmem:s15+$0x20] =	vst v0  }
0x12: {  	[tilespmem:s15+$0x10] =	vst v0  }
0x13: {  	[tilespmem:s15+$0x0] =	vst v0  }
0x14: {  	[tilespmem:s15+$0xFFFFFFF0] =	vst v0  }
0x15: {  	s16 =	simm.s32 $0x0;
	[tilespmem:s15+$0xFFFFFFE0] =	vst v0  }
.LBB2_2:
0x16: {  	s16 =	sadd.s32 $0x8, s16;
	[tilespmem:s15+$0xFFFFFFD0] =	vst v0;
	s15 =	sadd.s32 $0x80, s15  }
0x17: {  	[tilespmem:s15+$0xFFFFFFC0] =	vst v0;
	p0 =	slt.u32 s16, $0x278  }
0x18: {  	[tilespmem:s15+$0x30] =	vst v0  }
.Ltmp0:
0x19: {  	[tilespmem:s15+$0x20] =	vst v0;
	(pc) =	sbr.rel @p0 .LBB2_2-.Ltmp0, $4  }
0x1a: {  	[tilespmem:s15+$0x10] =	vst v0  }
0x1b: {  	[tilespmem:s15+$0x0] =	vst v0  }
0x1c: {  	[tilespmem:s15+$0xFFFFFFF0] =	vst v0  }
0x1d: {  	[tilespmem:s15+$0xFFFFFFE0] =	vst v0  }
0x1e: {  	[tilespmem:s15+$0xFFFFFFD0] =	vst v0  }
0x1f: {  	[spmem:s4] =	stream.linear.scatter [tilespmem:s10], [sflag:$0x1], $0x2800, $0x38;
	[tilespmem:$0x17660] =	vst v63  }
0x20: {  	_ =	swait.ge [sflag:s11], $0x2800  }
0x21: {  	[sflag:s11] =	ssyncset.done $0x0  }
0x22: {  	s15 =	simm.s32 $0x0;
	[sflag:s11] =	ssyncadd.s32 $0xFFFFD800  }
0x23: {  	[tilespmem:s15], [sflag:$0x1] =	stream.linear.gather [hbm4b:s5+s15], $0x2710, $0x38;
	[tilespmem:$0x17660] =	vst v63  }
0x24: {  	_ =	swait.ge [sflag:s11], $0x2710  }
0x25: {  	[sflag:s11] =	ssyncset.done $0x0  }
0x26: {  	s16 =	simm.s32 $0x20;
	[sflag:s11] =	ssyncadd.s32 $0xFFFFD8F0  }
0x27: {  	s17 =	smov.u32 s9;
	s18 =	smov.u32 s8;
	[bflag:$0x0] =	sbarrier.arrive $0xFFFF  }
.LBB2_4:
0x28: {  	s19 =	smul.u32 $0x29, s15;
	_ =	sdelay $0x1  }
0x29: {  	s19 =	sshrl.u32 s19, $0xA  }
0x2a: {  	s19 =	sand.u32 $0x3F, s19  }
0x2b: {  	s19 =	smul.u32 $0x19, s19;
	_ =	sdelay $0x1  }
0x2c: {  	s19 =	ssub.s32 s15, s19  }
0x2d: {  	s19 =	sand.u32 $0xFF, s19  }
0x2e: {  	p0 =	sne.s32 s19, $0x0  }
0x2f: {  	s20 =	simm.s32 @!p0 $0x0;
	s21 =	simm.s32 @!p0 $0x2760  }
0x30: {  	[tilespmem:s21], [sflag:$0x1] =	stream.linear.gather @!p0 [hbm4b:s18+s20], $0x7D00, $0x38;
	[tilespmem:$0x17660] =	vst v63  }
0x31: {  	s21 =	simm.s32 @!p0 $0x1  }
0x32: {  	_ =	swait.ge @!p0 [sflag:s21], $0x7D00  }
0x33: {  	[sflag:s21] =	ssyncset.done @!p0 $0x0  }
0x34: {  	s22 =	simm.s32 @!p0 $0xA460;
	[sflag:s21] =	ssyncadd.s32 @!p0 $0xFFFF8300  }
0x35: {  	[tilespmem:s22], [sflag:$0x1] =	stream.linear.gather @!p0 [hbm4b:s17+s20], $0x7D00, $0x38;
	[tilespmem:$0x17660] =	vst v63  }
0x36: {  	s19 =	smul.u32 $0x1400, s19;
	_ =	swait.ge @!p0 [sflag:s21], $0x7D00  }
0x37: {  	[sflag:s21] =	ssyncset.done @!p0 $0x0  }
0x38: {  	s19 =	sshrl.u32 s19, $0x2;
	[sflag:s21] =	ssyncadd.s32 @!p0 $0xFFFF8300  }
0x39: {  	v1 =	vld [tilespmem:s19+$0x2760]  }
0x3a: {  	v2 =	vld [tilespmem:s19+$0xA460];
	_ =	sdelay $0x4  }
0x3b: {  	v1 =	vmul.f32 v2, v1;
	_ =	sdelay $0x1  }
0x3c: {  	[tilespmem:$0x12160] =	vst v1  }
0x3d: {  	v1 =	vld [tilespmem:s19+$0x2770]  }
0x3e: {  	v2 =	vld [tilespmem:s19+$0xA470];
	_ =	sdelay $0x4  }
0x3f: {  	v1 =	vmul.f32 v2, v1;
	_ =	sdelay $0x1  }
0x40: {  	[tilespmem:$0x12170] =	vst v1  }
0x41: {  	v1 =	vld [tilespmem:s19+$0x2780]  }
0x42: {  	v2 =	vld [tilespmem:s19+$0xA480];
	_ =	sdelay $0x4  }
0x43: {  	v1 =	vmul.f32 v2, v1;
	_ =	sdelay $0x1  }
0x44: {  	[tilespmem:$0x12180] =	vst v1  }
0x45: {  	v1 =	vld [tilespmem:s19+$0x2790]  }
0x46: {  	v2 =	vld [tilespmem:s19+$0xA490];
	_ =	sdelay $0x4  }
0x47: {  	v1 =	vmul.f32 v2, v1;
	_ =	sdelay $0x1  }
0x48: {  	[tilespmem:$0x12190] =	vst v1  }
0x49: {  	v1 =	vld [tilespmem:s19+$0x27A0]  }
0x4a: {  	v2 =	vld [tilespmem:s19+$0xA4A0];
	_ =	sdelay $0x4  }
0x4b: {  	v1 =	vmul.f32 v2, v1;
	_ =	sdelay $0x1  }
0x4c: {  	[tilespmem:$0x121A0] =	vst v1  }
0x4d: {  	v1 =	vld [tilespmem:s19+$0x27B0]  }
0x4e: {  	v2 =	vld [tilespmem:s19+$0xA4B0];
	_ =	sdelay $0x4  }
0x4f: {  	v1 =	vmul.f32 v2, v1;
	_ =	sdelay $0x1  }
0x50: {  	[tilespmem:$0x121B0] =	vst v1  }
0x51: {  	v1 =	vld [tilespmem:s19+$0x27C0]  }
0x52: {  	v2 =	vld [tilespmem:s19+$0xA4C0];
	_ =	sdelay $0x4  }
0x53: {  	v1 =	vmul.f32 v2, v1;
	_ =	sdelay $0x1  }
0x54: {  	[tilespmem:$0x121C0] =	vst v1  }
0x55: {  	v1 =	vld [tilespmem:s19+$0x27D0]  }
0x56: {  	v2 =	vld [tilespmem:s19+$0xA4D0];
	_ =	sdelay $0x4  }
0x57: {  	v1 =	vmul.f32 v2, v1;
	_ =	sdelay $0x1  }
0x58: {  	[tilespmem:$0x121D0] =	vst v1  }
0x59: {  	v1 =	vld [tilespmem:s19+$0x27E0]  }
0x5a: {  	v2 =	vld [tilespmem:s19+$0xA4E0];
	_ =	sdelay $0x4  }
0x5b: {  	v1 =	vmul.f32 v2, v1;
	_ =	sdelay $0x1  }
0x5c: {  	[tilespmem:$0x121E0] =	vst v1  }
0x5d: {  	v1 =	vld [tilespmem:s19+$0x27F0]  }
0x5e: {  	v2 =	vld [tilespmem:s19+$0xA4F0];
	_ =	sdelay $0x4  }
0x5f: {  	v1 =	vmul.f32 v2, v1;
	_ =	sdelay $0x1  }
0x60: {  	[tilespmem:$0x121F0] =	vst v1  }
0x61: {  	v1 =	vld [tilespmem:s19+$0x2800]  }
0x62: {  	v2 =	vld [tilespmem:s19+$0xA500];
	_ =	sdelay $0x4  }
0x63: {  	v1 =	vmul.f32 v2, v1;
	_ =	sdelay $0x1  }
0x64: {  	[tilespmem:$0x12200] =	vst v1  }
0x65: {  	v1 =	vld [tilespmem:s19+$0x2810]  }
0x66: {  	v2 =	vld [tilespmem:s19+$0xA510];
	_ =	sdelay $0x4  }
0x67: {  	v1 =	vmul.f32 v2, v1;
	_ =	sdelay $0x1  }
0x68: {  	[tilespmem:$0x12210] =	vst v1  }
0x69: {  	v1 =	vld [tilespmem:s19+$0x2820]  }
0x6a: {  	v2 =	vld [tilespmem:s19+$0xA520];
	_ =	sdelay $0x4  }
0x6b: {  	v1 =	vmul.f32 v2, v1;
	_ =	sdelay $0x1  }
0x6c: {  	[tilespmem:$0x12220] =	vst v1  }
0x6d: {  	v1 =	vld [tilespmem:s19+$0x2830]  }
0x6e: {  	v2 =	vld [tilespmem:s19+$0xA530];
	_ =	sdelay $0x4  }
0x6f: {  	v1 =	vmul.f32 v2, v1;
	_ =	sdelay $0x1  }
0x70: {  	[tilespmem:$0x12230] =	vst v1  }
0x71: {  	v1 =	vld [tilespmem:s19+$0x2840]  }
0x72: {  	v2 =	vld [tilespmem:s19+$0xA540];
	_ =	sdelay $0x4  }
0x73: {  	v1 =	vmul.f32 v2, v1;
	_ =	sdelay $0x1  }
0x74: {  	[tilespmem:$0x12240] =	vst v1  }
0x75: {  	v1 =	vld [tilespmem:s19+$0x2850]  }
0x76: {  	v2 =	vld [tilespmem:s19+$0xA550];
	_ =	sdelay $0x4  }
0x77: {  	v1 =	vmul.f32 v2, v1;
	_ =	sdelay $0x1  }
0x78: {  	[tilespmem:$0x12250] =	vst v1  }
0x79: {  	v1 =	vld [tilespmem:s19+$0x2860]  }
0x7a: {  	v2 =	vld [tilespmem:s19+$0xA560];
	_ =	sdelay $0x4  }
0x7b: {  	v1 =	vmul.f32 v2, v1;
	_ =	sdelay $0x1  }
0x7c: {  	[tilespmem:$0x12260] =	vst v1  }
0x7d: {  	v1 =	vld [tilespmem:s19+$0x2870]  }
0x7e: {  	v2 =	vld [tilespmem:s19+$0xA570];
	_ =	sdelay $0x4  }
0x7f: {  	v1 =	vmul.f32 v2, v1;
	_ =	sdelay $0x1  }
0x80: {  	[tilespmem:$0x12270] =	vst v1  }
0x81: {  	v1 =	vld [tilespmem:s19+$0x2880]  }
0x82: {  	v2 =	vld [tilespmem:s19+$0xA580];
	_ =	sdelay $0x4  }
0x83: {  	v1 =	vmul.f32 v2, v1;
	_ =	sdelay $0x1  }
0x84: {  	[tilespmem:$0x12280] =	vst v1  }
0x85: {  	v1 =	vld [tilespmem:s19+$0x2890]  }
0x86: {  	v2 =	vld [tilespmem:s19+$0xA590];
	_ =	sdelay $0x4  }
0x87: {  	v1 =	vmul.f32 v2, v1;
	_ =	sdelay $0x1  }
0x88: {  	[tilespmem:$0x12290] =	vst v1  }
0x89: {  	v1 =	vld [tilespmem:s19+$0x28A0]  }
0x8a: {  	v2 =	vld [tilespmem:s19+$0xA5A0];
	_ =	sdelay $0x4  }
0x8b: {  	v1 =	vmul.f32 v2, v1;
	_ =	sdelay $0x1  }
0x8c: {  	[tilespmem:$0x122A0] =	vst v1  }
0x8d: {  	v1 =	vld [tilespmem:s19+$0x28B0]  }
0x8e: {  	v2 =	vld [tilespmem:s19+$0xA5B0];
	_ =	sdelay $0x4  }
0x8f: {  	v1 =	vmul.f32 v2, v1;
	_ =	sdelay $0x1  }
0x90: {  	[tilespmem:$0x122B0] =	vst v1  }
0x91: {  	v1 =	vld [tilespmem:s19+$0x28C0]  }
0x92: {  	v2 =	vld [tilespmem:s19+$0xA5C0];
	_ =	sdelay $0x4  }
0x93: {  	v1 =	vmul.f32 v2, v1;
	_ =	sdelay $0x1  }
0x94: {  	[tilespmem:$0x122C0] =	vst v1  }
0x95: {  	v1 =	vld [tilespmem:s19+$0x28D0]  }
0x96: {  	v2 =	vld [tilespmem:s19+$0xA5D0];
	_ =	sdelay $0x4  }
0x97: {  	v1 =	vmul.f32 v2, v1;
	_ =	sdelay $0x1  }
0x98: {  	[tilespmem:$0x122D0] =	vst v1  }
0x99: {  	v1 =	vld [tilespmem:s19+$0x28E0]  }
0x9a: {  	v2 =	vld [tilespmem:s19+$0xA5E0];
	_ =	sdelay $0x4  }
0x9b: {  	v1 =	vmul.f32 v2, v1;
	_ =	sdelay $0x1  }
0x9c: {  	[tilespmem:$0x122E0] =	vst v1  }
0x9d: {  	v1 =	vld [tilespmem:s19+$0x28F0]  }
0x9e: {  	v2 =	vld [tilespmem:s19+$0xA5F0];
	_ =	sdelay $0x4  }
0x9f: {  	v1 =	vmul.f32 v2, v1;
	_ =	sdelay $0x1  }
0xa0: {  	[tilespmem:$0x122F0] =	vst v1  }
0xa1: {  	v1 =	vld [tilespmem:s19+$0x2900]  }
0xa2: {  	v2 =	vld [tilespmem:s19+$0xA600];
	_ =	sdelay $0x4  }
0xa3: {  	v1 =	vmul.f32 v2, v1;
	_ =	sdelay $0x1  }
0xa4: {  	[tilespmem:$0x12300] =	vst v1  }
0xa5: {  	v1 =	vld [tilespmem:s19+$0x2910]  }
0xa6: {  	v2 =	vld [tilespmem:s19+$0xA610];
	_ =	sdelay $0x4  }
0xa7: {  	v1 =	vmul.f32 v2, v1;
	_ =	sdelay $0x1  }
0xa8: {  	[tilespmem:$0x12310] =	vst v1  }
0xa9: {  	v1 =	vld [tilespmem:s19+$0x2920]  }
0xaa: {  	v2 =	vld [tilespmem:s19+$0xA620];
	_ =	sdelay $0x4  }
0xab: {  	v1 =	vmul.f32 v2, v1;
	_ =	sdelay $0x1  }
0xac: {  	[tilespmem:$0x12320] =	vst v1  }
0xad: {  	v1 =	vld [tilespmem:s19+$0x2930]  }
0xae: {  	v2 =	vld [tilespmem:s19+$0xA630];
	_ =	sdelay $0x4  }
0xaf: {  	v1 =	vmul.f32 v2, v1;
	_ =	sdelay $0x1  }
0xb0: {  	[tilespmem:$0x12330] =	vst v1  }
0xb1: {  	v1 =	vld [tilespmem:s19+$0x2940]  }
0xb2: {  	v2 =	vld [tilespmem:s19+$0xA640];
	_ =	sdelay $0x4  }
0xb3: {  	v1 =	vmul.f32 v2, v1;
	_ =	sdelay $0x1  }
0xb4: {  	[tilespmem:$0x12340] =	vst v1  }
0xb5: {  	v1 =	vld [tilespmem:s19+$0x2950]  }
0xb6: {  	v2 =	vld [tilespmem:s19+$0xA650];
	_ =	sdelay $0x4  }
0xb7: {  	v1 =	vmul.f32 v2, v1;
	_ =	sdelay $0x1  }
0xb8: {  	[tilespmem:$0x12350] =	vst v1  }
0xb9: {  	v1 =	vld [tilespmem:s19+$0x2960]  }
0xba: {  	v2 =	vld [tilespmem:s19+$0xA660];
	_ =	sdelay $0x4  }
0xbb: {  	v1 =	vmul.f32 v2, v1;
	_ =	sdelay $0x1  }
0xbc: {  	[tilespmem:$0x12360] =	vst v1  }
0xbd: {  	v1 =	vld [tilespmem:s19+$0x2970]  }
0xbe: {  	v2 =	vld [tilespmem:s19+$0xA670];
	_ =	sdelay $0x4  }
0xbf: {  	v1 =	vmul.f32 v2, v1;
	_ =	sdelay $0x1  }
0xc0: {  	[tilespmem:$0x12370] =	vst v1  }
0xc1: {  	v1 =	vld [tilespmem:s19+$0x2980]  }
0xc2: {  	v2 =	vld [tilespmem:s19+$0xA680];
	_ =	sdelay $0x4  }
0xc3: {  	v1 =	vmul.f32 v2, v1;
	_ =	sdelay $0x1  }
0xc4: {  	[tilespmem:$0x12380] =	vst v1  }
0xc5: {  	v1 =	vld [tilespmem:s19+$0x2990]  }
0xc6: {  	v2 =	vld [tilespmem:s19+$0xA690];
	_ =	sdelay $0x4  }
0xc7: {  	v1 =	vmul.f32 v2, v1;
	_ =	sdelay $0x1  }
0xc8: {  	[tilespmem:$0x12390] =	vst v1  }
0xc9: {  	v1 =	vld [tilespmem:s19+$0x29A0]  }
0xca: {  	v2 =	vld [tilespmem:s19+$0xA6A0];
	_ =	sdelay $0x4  }
0xcb: {  	v1 =	vmul.f32 v2, v1;
	_ =	sdelay $0x1  }
0xcc: {  	[tilespmem:$0x123A0] =	vst v1  }
0xcd: {  	v1 =	vld [tilespmem:s19+$0x29B0]  }
0xce: {  	v2 =	vld [tilespmem:s19+$0xA6B0];
	_ =	sdelay $0x4  }
0xcf: {  	v1 =	vmul.f32 v2, v1;
	_ =	sdelay $0x1  }
0xd0: {  	[tilespmem:$0x123B0] =	vst v1  }
0xd1: {  	v1 =	vld [tilespmem:s19+$0x29C0]  }
0xd2: {  	v2 =	vld [tilespmem:s19+$0xA6C0];
	_ =	sdelay $0x4  }
0xd3: {  	v1 =	vmul.f32 v2, v1;
	_ =	sdelay $0x1  }
0xd4: {  	[tilespmem:$0x123C0] =	vst v1  }
0xd5: {  	v1 =	vld [tilespmem:s19+$0x29D0]  }
0xd6: {  	v2 =	vld [tilespmem:s19+$0xA6D0];
	_ =	sdelay $0x4  }
0xd7: {  	v1 =	vmul.f32 v2, v1;
	_ =	sdelay $0x1  }
0xd8: {  	[tilespmem:$0x123D0] =	vst v1  }
0xd9: {  	v1 =	vld [tilespmem:s19+$0x29E0]  }
0xda: {  	v2 =	vld [tilespmem:s19+$0xA6E0];
	_ =	sdelay $0x4  }
0xdb: {  	v1 =	vmul.f32 v2, v1;
	_ =	sdelay $0x1  }
0xdc: {  	[tilespmem:$0x123E0] =	vst v1  }
0xdd: {  	v1 =	vld [tilespmem:s19+$0x29F0]  }
0xde: {  	v2 =	vld [tilespmem:s19+$0xA6F0];
	_ =	sdelay $0x4  }
0xdf: {  	v1 =	vmul.f32 v2, v1;
	_ =	sdelay $0x1  }
0xe0: {  	[tilespmem:$0x123F0] =	vst v1  }
0xe1: {  	v1 =	vld [tilespmem:s19+$0x2A00]  }
0xe2: {  	v2 =	vld [tilespmem:s19+$0xA700];
	_ =	sdelay $0x4  }
0xe3: {  	v1 =	vmul.f32 v2, v1;
	_ =	sdelay $0x1  }
0xe4: {  	[tilespmem:$0x12400] =	vst v1  }
0xe5: {  	v1 =	vld [tilespmem:s19+$0x2A10]  }
0xe6: {  	v2 =	vld [tilespmem:s19+$0xA710];
	_ =	sdelay $0x4  }
0xe7: {  	v1 =	vmul.f32 v2, v1;
	_ =	sdelay $0x1  }
0xe8: {  	[tilespmem:$0x12410] =	vst v1  }
0xe9: {  	v1 =	vld [tilespmem:s19+$0x2A20]  }
0xea: {  	v2 =	vld [tilespmem:s19+$0xA720];
	_ =	sdelay $0x4  }
0xeb: {  	v1 =	vmul.f32 v2, v1;
	_ =	sdelay $0x1  }
0xec: {  	[tilespmem:$0x12420] =	vst v1  }
0xed: {  	v1 =	vld [tilespmem:s19+$0x2A30]  }
0xee: {  	v2 =	vld [tilespmem:s19+$0xA730];
	_ =	sdelay $0x4  }
0xef: {  	v1 =	vmul.f32 v2, v1;
	_ =	sdelay $0x1  }
0xf0: {  	[tilespmem:$0x12430] =	vst v1  }
0xf1: {  	v1 =	vld [tilespmem:s19+$0x2A40]  }
0xf2: {  	v2 =	vld [tilespmem:s19+$0xA740];
	_ =	sdelay $0x4  }
0xf3: {  	v1 =	vmul.f32 v2, v1;
	_ =	sdelay $0x1  }
0xf4: {  	[tilespmem:$0x12440] =	vst v1  }
0xf5: {  	v1 =	vld [tilespmem:s19+$0x2A50]  }
0xf6: {  	v2 =	vld [tilespmem:s19+$0xA750];
	_ =	sdelay $0x4  }
0xf7: {  	v1 =	vmul.f32 v2, v1;
	_ =	sdelay $0x1  }
0xf8: {  	[tilespmem:$0x12450] =	vst v1  }
0xf9: {  	v1 =	vld [tilespmem:s19+$0x2A60]  }
0xfa: {  	v2 =	vld [tilespmem:s19+$0xA760];
	_ =	sdelay $0x4  }
0xfb: {  	v1 =	vmul.f32 v2, v1;
	_ =	sdelay $0x1  }
0xfc: {  	[tilespmem:$0x12460] =	vst v1  }
0xfd: {  	v1 =	vld [tilespmem:s19+$0x2A70]  }
0xfe: {  	v2 =	vld [tilespmem:s19+$0xA770];
	_ =	sdelay $0x4  }
0xff: {  	v1 =	vmul.f32 v2, v1;
	_ =	sdelay $0x1  }
0x100: {  	[tilespmem:$0x12470] =	vst v1  }
0x101: {  	v1 =	vld [tilespmem:s19+$0x2A80]  }
0x102: {  	v2 =	vld [tilespmem:s19+$0xA780];
	_ =	sdelay $0x4  }
0x103: {  	v1 =	vmul.f32 v2, v1;
	_ =	sdelay $0x1  }
0x104: {  	[tilespmem:$0x12480] =	vst v1  }
0x105: {  	v1 =	vld [tilespmem:s19+$0x2A90]  }
0x106: {  	v2 =	vld [tilespmem:s19+$0xA790];
	_ =	sdelay $0x4  }
0x107: {  	v1 =	vmul.f32 v2, v1;
	_ =	sdelay $0x1  }
0x108: {  	[tilespmem:$0x12490] =	vst v1  }
0x109: {  	v1 =	vld [tilespmem:s19+$0x2AA0]  }
0x10a: {  	v2 =	vld [tilespmem:s19+$0xA7A0];
	_ =	sdelay $0x4  }
0x10b: {  	v1 =	vmul.f32 v2, v1;
	_ =	sdelay $0x1  }
0x10c: {  	[tilespmem:$0x124A0] =	vst v1  }
0x10d: {  	v1 =	vld [tilespmem:s19+$0x2AB0]  }
0x10e: {  	v2 =	vld [tilespmem:s19+$0xA7B0];
	_ =	sdelay $0x4  }
0x10f: {  	v1 =	vmul.f32 v2, v1;
	_ =	sdelay $0x1  }
0x110: {  	[tilespmem:$0x124B0] =	vst v1  }
0x111: {  	v1 =	vld [tilespmem:s19+$0x2AC0]  }
0x112: {  	v2 =	vld [tilespmem:s19+$0xA7C0];
	_ =	sdelay $0x4  }
0x113: {  	v1 =	vmul.f32 v2, v1;
	_ =	sdelay $0x1  }
0x114: {  	[tilespmem:$0x124C0] =	vst v1  }
0x115: {  	v1 =	vld [tilespmem:s19+$0x2AD0]  }
0x116: {  	v2 =	vld [tilespmem:s19+$0xA7D0];
	_ =	sdelay $0x4  }
0x117: {  	v1 =	vmul.f32 v2, v1;
	_ =	sdelay $0x1  }
0x118: {  	[tilespmem:$0x124D0] =	vst v1  }
0x119: {  	v1 =	vld [tilespmem:s19+$0x2AE0]  }
0x11a: {  	v2 =	vld [tilespmem:s19+$0xA7E0];
	_ =	sdelay $0x4  }
0x11b: {  	v1 =	vmul.f32 v2, v1;
	_ =	sdelay $0x1  }
0x11c: {  	[tilespmem:$0x124E0] =	vst v1  }
0x11d: {  	v1 =	vld [tilespmem:s19+$0x2AF0]  }
0x11e: {  	v2 =	vld [tilespmem:s19+$0xA7F0];
	_ =	sdelay $0x4  }
0x11f: {  	v1 =	vmul.f32 v2, v1;
	_ =	sdelay $0x1  }
0x120: {  	[tilespmem:$0x124F0] =	vst v1  }
0x121: {  	v1 =	vld [tilespmem:s19+$0x2B00]  }
0x122: {  	v2 =	vld [tilespmem:s19+$0xA800];
	_ =	sdelay $0x4  }
0x123: {  	v1 =	vmul.f32 v2, v1;
	_ =	sdelay $0x1  }
0x124: {  	[tilespmem:$0x12500] =	vst v1  }
0x125: {  	v1 =	vld [tilespmem:s19+$0x2B10]  }
0x126: {  	v2 =	vld [tilespmem:s19+$0xA810];
	_ =	sdelay $0x4  }
0x127: {  	v1 =	vmul.f32 v2, v1;
	_ =	sdelay $0x1  }
0x128: {  	[tilespmem:$0x12510] =	vst v1  }
0x129: {  	v1 =	vld [tilespmem:s19+$0x2B20]  }
0x12a: {  	v2 =	vld [tilespmem:s19+$0xA820];
	_ =	sdelay $0x4  }
0x12b: {  	v1 =	vmul.f32 v2, v1;
	_ =	sdelay $0x1  }
0x12c: {  	[tilespmem:$0x12520] =	vst v1  }
0x12d: {  	v1 =	vld [tilespmem:s19+$0x2B30]  }
0x12e: {  	v2 =	vld [tilespmem:s19+$0xA830];
	_ =	sdelay $0x4  }
0x12f: {  	v1 =	vmul.f32 v2, v1;
	_ =	sdelay $0x1  }
0x130: {  	[tilespmem:$0x12530] =	vst v1  }
0x131: {  	v1 =	vld [tilespmem:s19+$0x2B40]  }
0x132: {  	v2 =	vld [tilespmem:s19+$0xA840];
	_ =	sdelay $0x4  }
0x133: {  	v1 =	vmul.f32 v2, v1;
	_ =	sdelay $0x1  }
0x134: {  	[tilespmem:$0x12540] =	vst v1  }
0x135: {  	v1 =	vld [tilespmem:s19+$0x2B50]  }
0x136: {  	v2 =	vld [tilespmem:s19+$0xA850];
	_ =	sdelay $0x4  }
0x137: {  	v1 =	vmul.f32 v2, v1;
	_ =	sdelay $0x1  }
0x138: {  	[tilespmem:$0x12550] =	vst v1  }
0x139: {  	v1 =	vld [tilespmem:s19+$0x2B60]  }
0x13a: {  	v2 =	vld [tilespmem:s19+$0xA860];
	_ =	sdelay $0x4  }
0x13b: {  	v1 =	vmul.f32 v2, v1;
	_ =	sdelay $0x1  }
0x13c: {  	[tilespmem:$0x12560] =	vst v1  }
0x13d: {  	v1 =	vld [tilespmem:s19+$0x2B70]  }
0x13e: {  	v2 =	vld [tilespmem:s19+$0xA870];
	_ =	sdelay $0x4  }
0x13f: {  	v1 =	vmul.f32 v2, v1;
	_ =	sdelay $0x1  }
0x140: {  	[tilespmem:$0x12570] =	vst v1  }
0x141: {  	v1 =	vld [tilespmem:s19+$0x2B80]  }
0x142: {  	v2 =	vld [tilespmem:s19+$0xA880];
	_ =	sdelay $0x4  }
0x143: {  	v1 =	vmul.f32 v2, v1;
	_ =	sdelay $0x1  }
0x144: {  	[tilespmem:$0x12580] =	vst v1  }
0x145: {  	v1 =	vld [tilespmem:s19+$0x2B90]  }
0x146: {  	v2 =	vld [tilespmem:s19+$0xA890];
	_ =	sdelay $0x4  }
0x147: {  	v1 =	vmul.f32 v2, v1;
	_ =	sdelay $0x1  }
0x148: {  	[tilespmem:$0x12590] =	vst v1  }
0x149: {  	v1 =	vld [tilespmem:s19+$0x2BA0]  }
0x14a: {  	v2 =	vld [tilespmem:s19+$0xA8A0];
	_ =	sdelay $0x4  }
0x14b: {  	v1 =	vmul.f32 v2, v1;
	_ =	sdelay $0x1  }
0x14c: {  	[tilespmem:$0x125A0] =	vst v1  }
0x14d: {  	v1 =	vld [tilespmem:s19+$0x2BB0]  }
0x14e: {  	v2 =	vld [tilespmem:s19+$0xA8B0];
	_ =	sdelay $0x4  }
0x14f: {  	v1 =	vmul.f32 v2, v1;
	_ =	sdelay $0x1  }
0x150: {  	[tilespmem:$0x125B0] =	vst v1  }
0x151: {  	v1 =	vld [tilespmem:s19+$0x2BC0]  }
0x152: {  	v2 =	vld [tilespmem:s19+$0xA8C0];
	_ =	sdelay $0x4  }
0x153: {  	v1 =	vmul.f32 v2, v1;
	_ =	sdelay $0x1  }
0x154: {  	[tilespmem:$0x125C0] =	vst v1  }
0x155: {  	v1 =	vld [tilespmem:s19+$0x2BD0]  }
0x156: {  	v2 =	vld [tilespmem:s19+$0xA8D0];
	_ =	sdelay $0x4  }
0x157: {  	v1 =	vmul.f32 v2, v1;
	_ =	sdelay $0x1  }
0x158: {  	[tilespmem:$0x125D0] =	vst v1  }
0x159: {  	v1 =	vld [tilespmem:s19+$0x2BE0]  }
0x15a: {  	v2 =	vld [tilespmem:s19+$0xA8E0];
	_ =	sdelay $0x4  }
0x15b: {  	v1 =	vmul.f32 v2, v1;
	_ =	sdelay $0x1  }
0x15c: {  	[tilespmem:$0x125E0] =	vst v1  }
0x15d: {  	v1 =	vld [tilespmem:s19+$0x2BF0]  }
0x15e: {  	v2 =	vld [tilespmem:s19+$0xA8F0];
	_ =	sdelay $0x4  }
0x15f: {  	v1 =	vmul.f32 v2, v1;
	_ =	sdelay $0x1  }
0x160: {  	[tilespmem:$0x125F0] =	vst v1  }
0x161: {  	v1 =	vld [tilespmem:s19+$0x2C00]  }
0x162: {  	v2 =	vld [tilespmem:s19+$0xA900];
	_ =	sdelay $0x4  }
0x163: {  	v1 =	vmul.f32 v2, v1;
	_ =	sdelay $0x1  }
0x164: {  	[tilespmem:$0x12600] =	vst v1  }
0x165: {  	v1 =	vld [tilespmem:s19+$0x2C10]  }
0x166: {  	v2 =	vld [tilespmem:s19+$0xA910];
	_ =	sdelay $0x4  }
0x167: {  	v1 =	vmul.f32 v2, v1;
	_ =	sdelay $0x1  }
0x168: {  	[tilespmem:$0x12610] =	vst v1  }
0x169: {  	v1 =	vld [tilespmem:s19+$0x2C20]  }
0x16a: {  	v2 =	vld [tilespmem:s19+$0xA920];
	_ =	sdelay $0x4  }
0x16b: {  	v1 =	vmul.f32 v2, v1;
	_ =	sdelay $0x1  }
0x16c: {  	[tilespmem:$0x12620] =	vst v1  }
0x16d: {  	v1 =	vld [tilespmem:s19+$0x2C30]  }
0x16e: {  	v2 =	vld [tilespmem:s19+$0xA930];
	_ =	sdelay $0x4  }
0x16f: {  	v1 =	vmul.f32 v2, v1;
	_ =	sdelay $0x1  }
0x170: {  	[tilespmem:$0x12630] =	vst v1  }
0x171: {  	v1 =	vld [tilespmem:s19+$0x2C40]  }
0x172: {  	v2 =	vld [tilespmem:s19+$0xA940];
	_ =	sdelay $0x4  }
0x173: {  	v1 =	vmul.f32 v2, v1;
	_ =	sdelay $0x1  }
0x174: {  	[tilespmem:$0x12640] =	vst v1  }
0x175: {  	v1 =	vld [tilespmem:s19+$0x2C50]  }
0x176: {  	v2 =	vld [tilespmem:s19+$0xA950];
	_ =	sdelay $0x4  }
0x177: {  	v1 =	vmul.f32 v2, v1;
	_ =	sdelay $0x1  }
0x178: {  	[tilespmem:$0x12650] =	vst v1  }
0x179: {  	v1 =	vld [tilespmem:s16+$0xFFFFFFE0];
	_ =	sdelay $0x4  }
0x17a: {  	[tilespmem:$0x2710] =	vst v1  }
0x17b: {  	v1 =	vld [tilespmem:s16+$0xFFFFFFF0];
	_ =	sdelay $0x4  }
0x17c: {  	[tilespmem:$0x2720] =	vst v1  }
0x17d: {  	v1 =	vld [tilespmem:s16+$0x0];
	_ =	sdelay $0x4  }
0x17e: {  	[tilespmem:$0x2730] =	vst v1  }
0x17f: {  	v1 =	vld [tilespmem:s16+$0x10];
	_ =	sdelay $0x4  }
0x180: {  	[tilespmem:$0x2740] =	vst v1  }
0x181: {  	v1 =	vld [tilespmem:s16+$0x20];
	_ =	sdelay $0x2  }
0x182: {  	s15 =	sadd.s32 $0x1, s15  }
0x183: {  	p0 =	sne.s32 s15, $0x7D  }
.Ltmp1:
0x184: {  	[tilespmem:$0x2750] =	vst v1;
	(pc) =	sbr.rel @p0 .LBB2_4-.Ltmp1, $4  }
0x185: {  	[spmem:s2] =	stream.indirect.scatter.add.f32 [tilespmem:s14], [sflag:$0x1], $0x10, s13, s12, $0xb8;
	[tilespmem:$0x17660] =	vst v63  }
0x186: {  	_ =	swait.ge [sflag:s11], $0x500  }
0x187: {  	s18 =	sadd.s32 $0xA0, s18;
	[sflag:s11] =	ssyncset.done $0x0  }
0x188: {  	s17 =	sadd.s32 $0xA0, s17;
	s16 =	sadd.s32 $0x50, s16;
	[sflag:s11] =	ssyncadd.s32 $0xFFFFFB00  }
0x189: {  	s3 =	sadd.s32 $0x1, s3  }
0x18a: {  	s15 =	sshll.u32 s0, $0x6;
	[bflag:$0x0] =	sbarrier.arrive $0xFFFF;
	p0 =	sne.s32 s3, s7  }
.Ltmp2:
0x18b: {  	s16 =	sshrl.u32 s4, $0x3;
	s15 =	sor.u32 $0x1C01, s15;
	(pc) =	sbr.rel @p0 .LBB2_1-.Ltmp2, $4  }
0x18c: {  	[hbm:s6], [sflag:s15] =	dma.local [spmem:s16], $0x500  }
0x18d: {  	_ =	swait.ge [sflag:s11], $0x500  }
0x18e: {  	[sflag:s11] =	ssyncset.done $0x0  }
0x18f: {  	[sflag:s11] =	ssyncadd.s32 $0xFFFFFB00  }
0x190: {  	_ =	sfence.sel $0x180000  }
0x191: {  	[bflag:$0x0] =	sbarrier.arrive $0xFFFF  }
0x192: {  	p0 =	sne.s32 s0, $0x0;
	_ =	strace $0x9000004D  }
0x193: {  	s0 =	sadd.s32 @!p0 $0x100000, s1;
	[bflag:$0x2] =	sbarrier.arrive $0xFFFF  }
0x194: {  	[sflag:s0] =	ssyncadd.tile.s32 @!p0 $0x1;
	_ =	shalt  }
.Lfunc_end2:
_tile_overlayer_lowered:
.L_overlay_start_2:
0x195: {  	(tag) =	ssettag $0x2  }
0x196: {  	s0 =	rddreg [dreg:$0x0];
	s2 =	stileid.u32  }
0x197: {  	s1 =	rddreg [dreg:$0x1];
	p0 =	sne.s32 s2, $0x0  }
0x198: {  	s3 =	rddreg [dreg:$0x2];
	[bflag:$0x3] =	sbarrier.arrive $0xFFFF;
	s2 =	simm.s32 @!p0 $0x1C01  }
0x199: {  	[timem:s3], [sflag:s2] =	dma.local @!p0 [hbm:s0], s1  }
0x19a: {  	s0 =	simm.s32 @!p0 $0x1  }
0x19b: {  	_ =	swait.ge @!p0 [sflag:s0], s1  }
0x19c: {  	s1 =	ssub.s32 @!p0 $0x0, s1;
	[sflag:s0] =	ssyncset.done @!p0 $0x0  }
0x19d: {  	[sflag:s0] =	ssyncadd.s32 @!p0 s1  }
0x19e: {  	[bflag:$0x3] =	sbarrier.arrive $0xFFFF  }
0x19f: {  	_ =	shalt  }

// kernel: kernel.20.cloned.1.call-start
scs
__scs_entry_jumppad:
0x0: {  	(pc) =	sbr.rel $0x88, $3  }
0x1: {  	(tag) =	ssettag $0x0;
	lr =	simm.s32 $0x1  }
0x2: {  	[smem:$0x3F8D] =	sst lr;
	_ =	strace $0xD0000000  }
0x3: {  	_ = 	snop  }
0x4: {  	_ = 	snop  }
0x5: {  	_ = 	snop  }
0x6: {  	_ = 	snop  }
0x7: {  	_ = 	snop  }
__scs_overlays_trampoline_lowered:
0x8: {  	[smem:$0x3F9C] =	sst s0  }
0x9: {  	[smem:$0x3F9D] =	sst s1  }
0xa: {  	[smem:$0x3F9E] =	sst s2  }
0xb: {  	[smem:$0x3F9F] =	sst s3  }
0xc: {  	[smem:$0x3FA0] =	sst s4  }
0xd: {  	[smem:$0x3FA1] =	sst s5  }
0xe: {  	[smem:$0x3FA2] =	sst s6  }
0xf: {  	[smem:$0x3FA3] =	sst s7  }
0x10: {  	[smem:$0x3FA4] =	sst s8  }
0x11: {  	[smem:$0x3FA5] =	sst s9;
	s0 =	simm.s32 @!p0 $0x0  }
0x12: {  	s1 =	sld [smem:$0x3F8B];
	s0 =	simm.s32 @p0 $0x1  }
0x13: {  	[smem:$0x3FA6] =	sst s0;
	s0 =	simm.s32 @!p1 $0x0  }
0x14: {  	s2 =	sld [smem:$0x3F8A];
	s0 =	simm.s32 @p1 $0x1  }
0x15: {  	[smem:$0x3FA7] =	sst s0;
	s0 =	simm.s32 @!p2 $0x0  }
0x16: {  	s3 =	sld [smem:$0x3FDB];
	s0 =	simm.s32 @p2 $0x1  }
0x17: {  	s4 =	simm.s32 $0x1BF5;
	[smem:$0x3FA9] =	sst s0  }
0x18: {  	s0 =	sld [smem:$0x3F8C];
	_ =	swait.ge [sflag:s4], $0x0  }
0x19: {  	s7 =	sld [smem:$0x3F8D]  }
0x1a: {  	s8 =	sadd.s32 $0xFFFFE003, lr  }
0x1b: {  	s9 =	sadd.s32 $0xFFFFFEF7, lr;
	s5 =	simm.s32 $0xFFFFFFFF;
	p2 =	slt.u32 s8, $0xFFFFF086  }
0x1c: {  	p1 =	slt.u32 s9, $0xF7A;
	s5 =	simm.s32 @!p2 $0x0  }
0x1d: {  	s5 =	simm.s32 @p1 $0x1;
	p0 =	seq.s32 s7, s2  }
0x1e: {  	s7 =	smul.u32 @!p0 $0xF7A, s2;
	p2 =	seq.s32 @!p0 s5, $0x0  }
0x1f: {  	s9 =	smul.u32 $0xF7A, s1;
	s8 =	simm.s32 @!p0 $0x1BF5;
	p2 =	por !p2, p0  }
0x20: {  	[sflag:s8] =	ssyncset.s32 @!p0 $0xFFFFF086;
	s6 =	sadd.s32 @!p0 s3, s7;
	s7 =	simm.s32 @!p0 $0x108  }
0x21: {  	s3 =	sadd.s32 s3, s9;
	s6 =	sadd.s32 @!p0 $0x88, s6;
	s7 =	simm.s32 @p2 $0x1082  }
0x22: {  	[simem:s7], [sflag:s8] =	dma.local @!p0 [hbm:s6], $0xF7A  }
0x23: {  	s9 =	sor.u32 $0xD0000000, s2;
	s6 =	simm.s32 $0x108;
	_ =	swait.ge @!p0 [sflag:s8], $0x0  }
0x24: {  	s3 =	sadd.s32 $0x88, s3;
	s6 =	simm.s32 @!p1 $0x1082;
	[sflag:s4] =	ssyncset.s32 $0xFFFFF086  }
0x25: {  	[simem:s6], [sflag:s4] =	dma.local [hbm:s3], $0xF7A  }
0x26: {  	[smem:$0x3F8D] =	sst s1;
	(tag) =	ssettag s2;
	_ =	strace s9  }
0x27: {  	s1 =	sld [smem:$0x3F9D]  }
0x28: {  	s2 =	sld [smem:$0x3F9E]  }
0x29: {  	s4 =	sld [smem:$0x3FA0]  }
0x2a: {  	p0 =	seq.s32 s5, $0x0;
	s5 =	sld [smem:$0x3FA1]  }
0x2b: {  	s6 =	sld [smem:$0x3FA2]  }
0x2c: {  	s7 =	sld [smem:$0x3FA3]  }
0x2d: {  	s3 =	simm.s32 $0x108;
	s8 =	sld [smem:$0x3FA4]  }
0x2e: {  	s3 =	simm.s32 @!p0 $0x1082;
	s9 =	sld [smem:$0x3FA5]  }
0x2f: {  	lr =	sadd.s32 s0, s3;
	s0 =	sld [smem:$0x3F9C]  }
0x30: {  	s3 =	sld [smem:$0x3F9F]  }
0x31: {  	[smem:$0x3FA8] =	sst s10  }
0x32: {  	s10 =	sld [smem:$0x3FA6];
	_ =	sdelay $0x3  }
0x33: {  	p0 =	seq.s32 s10, $0x1;
	s10 =	sld [smem:$0x3FA8];
	_ =	sdelay $0x3  }
0x34: {  	[smem:$0x3FA8] =	sst s10  }
0x35: {  	s10 =	sld [smem:$0x3FA7];
	_ =	sdelay $0x3  }
0x36: {  	p1 =	seq.s32 s10, $0x1;
	s10 =	sld [smem:$0x3FA8];
	_ =	sdelay $0x3  }
0x37: {  	[smem:$0x3FA8] =	sst s10  }
0x38: {  	s10 =	sld [smem:$0x3FA9]  }
0x39: {  	_ = 	snop;
	(pc) =	sbr.ind lr, $3  }
0x3a: {  	_ = 	snop  }
0x3b: {  	_ = 	snop  }
0x3c: {  	p2 =	seq.s32 s10, $0x1;
	s10 =	sld [smem:$0x3FA8]  }
0x3d: {  	_ =	shalt  }
0x3e: {  	_ =	shalt  }
0x3f: {  	_ =	shalt  }
0x40: {  	_ =	shalt  }
0x41: {  	_ =	shalt  }
0x42: {  	_ =	shalt  }
0x43: {  	_ =	shalt  }
0x44: {  	_ =	shalt  }
0x45: {  	_ =	shalt  }
0x46: {  	_ =	shalt  }
0x47: {  	_ =	shalt  }
0x48: {  	_ =	shalt  }
0x49: {  	_ =	shalt  }
0x4a: {  	_ =	shalt  }
0x4b: {  	_ =	shalt  }
0x4c: {  	_ =	shalt  }
0x4d: {  	_ =	shalt  }
0x4e: {  	_ =	shalt  }
0x4f: {  	_ =	shalt  }
0x50: {  	_ =	shalt  }
0x51: {  	_ =	shalt  }
0x52: {  	_ =	shalt  }
0x53: {  	_ =	shalt  }
0x54: {  	_ =	shalt  }
0x55: {  	_ =	shalt  }
0x56: {  	_ =	shalt  }
0x57: {  	_ =	shalt  }
0x58: {  	_ =	shalt  }
0x59: {  	_ =	shalt  }
0x5a: {  	_ =	shalt  }
0x5b: {  	_ =	shalt  }
0x5c: {  	_ =	shalt  }
0x5d: {  	_ =	shalt  }
0x5e: {  	_ =	shalt  }
0x5f: {  	_ =	shalt  }
0x60: {  	_ =	shalt  }
0x61: {  	_ =	shalt  }
0x62: {  	_ =	shalt  }
0x63: {  	_ =	shalt  }
0x64: {  	_ =	shalt  }
0x65: {  	_ =	shalt  }
0x66: {  	_ =	shalt  }
0x67: {  	_ =	shalt  }
0x68: {  	_ =	shalt  }
0x69: {  	_ =	shalt  }
0x6a: {  	_ =	shalt  }
0x6b: {  	_ =	shalt  }
0x6c: {  	_ =	shalt  }
0x6d: {  	_ =	shalt  }
0x6e: {  	_ =	shalt  }
0x6f: {  	_ =	shalt  }
0x70: {  	_ =	shalt  }
0x71: {  	_ =	shalt  }
0x72: {  	_ =	shalt  }
0x73: {  	_ =	shalt  }
0x74: {  	_ =	shalt  }
0x75: {  	_ =	shalt  }
0x76: {  	_ =	shalt  }
0x77: {  	_ =	shalt  }
0x78: {  	_ =	shalt  }
0x79: {  	_ =	shalt  }
0x7a: {  	_ =	shalt  }
0x7b: {  	_ =	shalt  }
0x7c: {  	_ =	shalt  }
0x7d: {  	_ =	shalt  }
0x7e: {  	_ =	shalt  }
0x7f: {  	_ =	shalt  }
0x80: {  	_ =	shalt  }
0x81: {  	_ =	shalt  }
0x82: {  	_ =	shalt  }
0x83: {  	_ =	shalt  }
0x84: {  	_ =	shalt  }
0x85: {  	_ =	shalt  }
0x86: {  	_ =	shalt  }
0x87: {  	_ =	shalt  }
.Lfunc_end0:
.L_simem_size_0:
called_computation.3_lowered:
.L_overlay_start_0:
0x88: {  	s2 =	sld [smem:$0x3FD9]  }
0x89: {  	s3 =	sld [smem:$0x3FFE];
	_ =	sdelay $0x1  }
0x8a: {  	s1 =	srdreg.scid  }
0x8b: {  	s0 =	sand.u32 $0x1, s1  }
0x8c: {  	s16 =	sshll.u32 s0, $0xA;
	s2 =	sadd.s32 s3, s2  }
0x8d: {  	s2 =	sadd.s32 s2, s16  }
0x8e: {  	[smem:$0x3FB4] =	sst s2  }
0x8f: {  	_ = 	snop  }
0x90: {  	(tm) =	ssettm $0x1  }
0x91: {  	s17 =	sld [smem:$0x3FFB];
	_ =	sdelay $0x3  }
0x92: {  	_ =	strace s17  }
0x93: {  	s2 =	sld [smem:$0x3FFC];
	_ =	sdelay $0x3  }
0x94: {  	_ =	strace s2  }
0x95: {  	s2 =	sld [smem:$0x3FFD];
	_ =	sdelay $0x3  }
0x96: {  	_ =	strace s2  }
0x97: {  	_ =	strace $0x8FFFFFFF  }
0x98: {  	s18 =	sld [smem:$0x3FDB];
	_ =	sdelay $0x1  }
0x99: {  	s19 =	simm.s32 $_scs_section_size  }
0x9a: {  	s4 =	simm.s32 $_size__tile_overlayer_lowered;
	s5 =	simm.s32 $_tile_overlayer_lowered  }
0x9b: {  	s22 =	simm.s32 $0x1BFF;
	s21 =	sshll.u32 s5, $0x1;
	s2 =	sadd.s32 s19, s18  }
0x9c: {  	s6 =	simm.s32 $0x0;
	s20 =	sshll.u32 s4, $0x1;
	s4 =	sadd.s32 s21, s2  }
0x9d: {  	[timem:s6], [sflag:s22] =	dma.local [hbm:s4], s20  }
0x9e: {  	_ =	swait.ge [sflag:s22], s20  }
0x9f: {  	s3 =	ssub.s32 $0x0, s20;
	[sflag:s22] =	ssyncset.done $0x0  }
0xa0: {  	[sflag:s22] =	ssyncadd.s32 s3;
	_ =	sdelay $0x1  }
0xa1: {  	s23 =	simm.s32 $0x1B8B  }
0xa2: {  	_ =	swait.ge [sflag:s23], $0x1  }
0xa3: {  	[sflag:s23] =	ssyncset.done $0x0  }
0xa4: {  	s25 =	simm.s32 $0x1B8E;
	s24 =	sld [smem:$0x3FFE];
	[sflag:s23] =	ssyncadd.s32 $0xFFFFFFFF  }
0xa5: {  	s26 =	simm.s32 $execute0_lowered;
	[smem:$0x3FD2] =	sst s25  }
0xa6: {  	s4 =	sshll.u32 s26, $0x1;
	_ =	strace $0x8000004F;
	[dreg:$0x1] =	wrdreg $0xFFFFFFFF  }
0xa7: {  	s28 =	simm.s32 $_size_execute0_lowered;
	s2 =	sadd.s32 s2, s4;
	[dreg:$0x0] =	wrdreg $0x0  }
0xa8: {  	s4 =	sshll.u32 s28, $0x1;
	[dreg:$0x2] =	wrdreg s2  }
0xa9: {  	[dreg:$0x3] =	wrdreg s4  }
0xaa: {  	[dreg:$0x4] =	wrdreg $0xC0  }
0xab: {  	_ =	task [dreg:s6], $0x5FFFF  }
0xac: {  	[dreg:$0x1] =	wrdreg $0xFFFFFFFF  }
0xad: {  	[dreg:$0x0] =	wrdreg $0x60  }
0xae: {  	[dreg:$0x2] =	wrdreg s24  }
0xaf: {  	[dreg:$0x3] =	wrdreg $0x9  }
0xb0: {  	_ =	task.clear_ibuf [dreg:s6], $0x4FFFF;
	_ =	strace $0x9000004F  }
0xb1: {  	s29 =	simm.s32 $0x9;
	_ =	strace $0x80000051  }
0xb2: {  	_ =	swait.ge [sflag:s29], $0x1  }
0xb3: {  	[sflag:s29] =	ssyncadd.s32 $0xFFFFFFFF  }
0xb4: {  	_ =	strace $0x90000051  }
0xb5: {  	_ =	sfence  }
0xb6: {  	s30 =	sld [smem:$0x0];
	_ =	sdelay $0x2  }
0xb7: {  	s31 =	sshll.u32 s1, $0xD;
	s1 =	sshrl.u32 s1, $0x2  }
0xb8: {  	s3 =	sand.u32 $0x4000, s31;
	s1 =	sadd.s32 s1, s30  }
0xb9: {  	s0 =	sor.u32 s3, s0;
	s1 =	sshll.u32 s1, $0x11  }
0xba: {  	s0 =	sor.u32 s1, s0  }
0xbb: {  	s0 =	sadd.s32 $0x8F2B, s0  }
0xbc: {  	[sflag:s0] =	ssyncadd.remote.s32 $0x1  }
0xbd: {  	_ =	sfence.sel $0xFFFF  }
0xbe: {  	[dreg:$0x0] =	wrdreg $0xFFFFFFFF;
	(pc) =	sbr.abs _section_cstart, $3  }
0xbf: {  	[dreg:$0x1] =	wrdreg $0xFFFFFFFF  }
0xc0: {  	_ =	task.clear_ibuf [dreg:s6], $0x2FFFF;
	_ =	strace $0x9FFFFFFF  }
0xc1: {  	(tm) =	ssettm $0x7FFFFFFF  }
tec
execute0_lowered:
.L_overlay_start_1:
0x0: {  	(tag) =	ssettag $0x1  }
0x1: {  	s1 =	srdreg.scid;
	s0 =	stileid.u32  }
0x2: {  	s5 =	rddreg [dreg:$0x0];
	s2 =	simm.s32 $0x0;
	s10 =	simm.s32 $0x50  }
0x3: {  	s11 =	simm.s32 $0x2710;
	s12 =	simm.s32 $0x2850;
	s13 =	simm.s32 $0x2760  }
0x4: {  	s15 =	simm.s32 $0x27B0;
	s14 =	simm.s32 $0x2D50;
	s17 =	simm.s32 $0x2800  }
0x5: {  	s16 =	simm.s32 $0x1;
	s18 =	simm.s32 $0x2;
	s19 =	simm.s32 $0x0  }
0x6: {  	s4 =	sand.u32 $0x1, s1;
	s3 =	sshll.u32 s0, $0x1;
	[smem:$0x7FF] =	sst s2  }
0x7: {  	s1 =	rddreg [dreg:$0x1];
	s6 =	sor.u32 s4, s3;
	_ =	strace $0x80000050  }
0x8: {  	s8 =	ssub.s32 $0x2, s4;
	s4 =	sadd.s32 $0xB9600, s5;
	s3 =	smul.u32 $0x2710, s6  }
0x9: {  	[dreg:$0x2] =	wrdreg s15;
	s15 =	simm.s32 $0x3250;
	s6 =	smul.u32 $0x27100, s6  }
0xa: {  	[dreg:$0x3] =	wrdreg s17;
	s17 =	simm.s32 $0x3750;
	s9 =	sshrl.u32 s8, $0x1  }
0xb: {  	s8 =	ssub.s32 s8, s9;
	s7 =	sshrl.u32 s3, $0x3;
	s30 =	sshrl.u32 s6, $0x3  }
0xc: {  	s31 =	sadd.s32 $0x50, s3;
	s7 =	sadd.s32 s7, s5;
	s5 =	sadd.s32 $0xDE00, s5  }
0xd: {  	s8 =	smax.u32 s8, $0x1;
	[dreg:$0x4] =	wrdreg s31;
	s9 =	sadd.s32 s5, s30  }
0xe: {  	s6 =	sadd.s32 $0x4000, s7;
	s7 =	sadd.s32 $0x4D80, s9;
	s9 =	simm.s32 $0x3  }
.LBB2_1:
0xf: {  	[tilespmem:s2], [sflag:$0x3] =	stream.linear.gather [hbm4b:s6+s2], $0x2710, $0x38;
	[tilespmem:$0x3C50] =	vst v63  }
0x10: {  	_ =	swait.ge [sflag:s9], $0x2710  }
0x11: {  	[sflag:s9] =	ssyncset.done $0x0  }
0x12: {  	[sflag:s9] =	ssyncadd.s32 $0xFFFFD8F0  }
0x13: {  	v0 =	vld [tilespmem:$0x0]  }
0x14: {  	v1 =	vld [tilespmem:$0x10]  }
0x15: {  	v2 =	vld [tilespmem:$0x20]  }
0x16: {  	v3 =	vld [tilespmem:$0x30]  }
0x17: {  	v4 =	vld [tilespmem:$0x40]  }
0x18: {  	[tilespmem:$0x2710] =	vst v0  }
0x19: {  	[tilespmem:$0x2720] =	vst v1  }
0x1a: {  	[tilespmem:$0x2730] =	vst v2  }
0x1b: {  	[tilespmem:$0x2740] =	vst v3  }
0x1c: {  	[tilespmem:$0x2750] =	vst v4  }
0x1d: {  	[tilespmem:s12], [sflag:$0x1] =	stream.indirect.gather [hbm4b:s4+s10], $0x10, s11, s10, $0xb8;
	[tilespmem:$0x3C50] =	vst v63  }
0x1e: {  	v56 =	vld [tilespmem:$0x50]  }
0x1f: {  	v57 =	vld [tilespmem:$0x60]  }
0x20: {  	v58 =	vld [tilespmem:$0x70]  }
0x21: {  	v59 =	vld [tilespmem:$0x80]  }
0x22: {  	v60 =	vld [tilespmem:$0x90]  }
0x23: {  	[tilespmem:$0x2760] =	vst v56  }
0x24: {  	[tilespmem:$0x2770] =	vst v57  }
0x25: {  	[tilespmem:$0x2780] =	vst v58  }
0x26: {  	p0 =	por $0x1, $0x1;
	[tilespmem:$0x2790] =	vst v59  }
0x27: {  	s21 =	simm.s32 @!p0 $0x2;
	[tilespmem:$0x27A0] =	vst v60  }
0x28: {  	[tilespmem:s14], [sflag:$0x1] =	stream.indirect.gather [hbm4b:s4+s10], $0x10, s13, s10, $0xb8;
	[tilespmem:$0x3C50] =	vst v63  }
0x29: {  	_ =	swait.ge @!p0 [sflag:s21], $0x500  }
0x2a: {  	s22 =	simm.s32 @!p0 $0xA0;
	[sflag:s21] =	ssyncset.done @!p0 $0x0  }
0x2b: {  	s22 =	simm.s32 @p0 $0xA0;
	[sflag:s21] =	ssyncadd.s32 @!p0 $0xFFFFFB00  }
0x2c: {  	v61 =	vld [tilespmem:s22+$0x0];
	_ =	sdelay $0x4  }
0x2d: {  	[tilespmem:$0x27B0] =	vst v61  }
0x2e: {  	v0 =	vld [tilespmem:s22+$0x10];
	_ =	sdelay $0x4  }
0x2f: {  	[tilespmem:$0x27C0] =	vst v0  }
0x30: {  	v0 =	vld [tilespmem:s22+$0x20];
	_ =	sdelay $0x4  }
0x31: {  	[tilespmem:$0x27D0] =	vst v0  }
0x32: {  	v0 =	vld [tilespmem:s22+$0x30];
	_ =	sdelay $0x4  }
0x33: {  	[tilespmem:$0x27E0] =	vst v0  }
0x34: {  	v0 =	vld [tilespmem:s22+$0x40];
	_ =	sdelay $0x3  }
0x35: {  	s20 =	simm.s32 $0x0  }
0x36: {  	s20 =	simm.s32 @p0 $0x0;
	s23 =	rddreg [dreg:$0x2];
	[tilespmem:$0x27F0] =	vst v0  }
0x37: {  	[tilespmem:s15], [sflag:$0x1] =	stream.indirect.gather [hbm4b:s4+s10], $0x10, s23, s10, $0xb8;
	[tilespmem:$0x3C50] =	vst v63  }
0x38: {  	s25 =	sadd.s32 s3, s20;
	_ =	swait.ge [sflag:s16], $0x500  }
0x39: {  	s23 =	sshll.u32 s25, $0x1;
	[sflag:s16] =	ssyncset.done $0x0  }
0x3a: {  	s23 =	sadd.s32 s5, s23;
	[sflag:s16] =	ssyncadd.s32 $0xFFFFFB00  }
0x3b: {  	[hbm4b:s23+s2] =	stream.linear.scatter [tilespmem:s12], [sflag:$0x2], $0x500, $0x38;
	[tilespmem:$0x3C50] =	vst v63  }
0x3c: {  	_ =	swait.ge @!p0 [sflag:s21], $0x500  }
0x3d: {  	s23 =	sadd.s32 @!p0 $0xF0, s20;
	[sflag:s21] =	ssyncset.done @!p0 $0x0  }
0x3e: {  	s23 =	simm.s32 @p0 $0xF0;
	[sflag:s21] =	ssyncadd.s32 @!p0 $0xFFFFFB00  }
0x3f: {  	v62 =	vld [tilespmem:s23+$0x0];
	_ =	sdelay $0x4  }
0x40: {  	[tilespmem:$0x2800] =	vst v62  }
0x41: {  	v0 =	vld [tilespmem:s23+$0x10];
	_ =	sdelay $0x4  }
0x42: {  	[tilespmem:$0x2810] =	vst v0  }
0x43: {  	v0 =	vld [tilespmem:s23+$0x20];
	_ =	sdelay $0x4  }
0x44: {  	[tilespmem:$0x2820] =	vst v0  }
0x45: {  	v0 =	vld [tilespmem:s23+$0x30];
	_ =	sdelay $0x4  }
0x46: {  	[tilespmem:$0x2830] =	vst v0  }
0x47: {  	v0 =	vld [tilespmem:s23+$0x40];
	_ =	sdelay $0x4  }
0x48: {  	s26 =	rddreg [dreg:$0x3];
	[tilespmem:$0x2840] =	vst v0  }
0x49: {  	[tilespmem:s17], [sflag:$0x1] =	stream.indirect.gather [hbm4b:s4+s10], $0x10, s26, s10, $0xb8;
	[tilespmem:$0x3C50] =	vst v63  }
0x4a: {  	_ =	swait.ge [sflag:s16], $0x500  }
0x4b: {  	s28 =	rddreg [dreg:$0x4]  }
0x4c: {  	s21 =	sadd.s32 s20, s28  }
0x4d: {  	s21 =	sshll.u32 s21, $0x1  }
0x4e: {  	[sflag:s16] =	ssyncset.done $0x0;
	s21 =	sand.u32 $0x1FFFFFE0, s21  }
0x4f: {  	[sflag:s16] =	ssyncadd.s32 $0xFFFFFB00;
	s21 =	sadd.s32 s5, s21  }
0x50: {  	[hbm4b:s21+s2] =	stream.linear.scatter [tilespmem:s14], [sflag:$0x2], $0x500, $0x38;
	[tilespmem:$0x3C50] =	vst v63  }
0x51: {  	_ =	swait.ge [sflag:s18], $0x500  }
0x52: {  	[sflag:s18] =	ssyncset.done $0x0  }
0x53: {  	[sflag:s18] =	ssyncadd.s32 $0xFFFFFB00  }
0x54: {  	v63 =	vld [tilespmem:s20+$0x140];
	_ =	sdelay $0x4  }
0x55: {  	[tilespmem:$0x2710] =	vst v63  }
0x56: {  	v0 =	vld [tilespmem:s20+$0x150];
	_ =	sdelay $0x4  }
0x57: {  	[tilespmem:$0x2720] =	vst v0  }
0x58: {  	v0 =	vld [tilespmem:s20+$0x160];
	_ =	sdelay $0x4  }
0x59: {  	[tilespmem:$0x2730] =	vst v0  }
0x5a: {  	v0 =	vld [tilespmem:s20+$0x170];
	_ =	sdelay $0x4  }
0x5b: {  	[tilespmem:$0x2740] =	vst v0  }
0x5c: {  	v0 =	vld [tilespmem:s20+$0x180];
	_ =	sdelay $0x4  }
0x5d: {  	s29 =	sadd.s32 s3, s22;
	[tilespmem:$0x2750] =	vst v0  }
0x5e: {  	[tilespmem:s12], [sflag:$0x1] =	stream.indirect.gather [hbm4b:s4+s10], $0x10, s11, s10, $0xb8;
	[tilespmem:$0x3C50] =	vst v63  }
0x5f: {  	s21 =	sshll.u32 s29, $0x1;
	_ =	swait.ge [sflag:s16], $0x500  }
0x60: {  	s21 =	sand.u32 $0x1FFFFFE0, s21;
	[sflag:s16] =	ssyncset.done $0x0  }
0x61: {  	s21 =	sadd.s32 s5, s21;
	[sflag:s16] =	ssyncadd.s32 $0xFFFFFB00  }
0x62: {  	[hbm4b:s21+s2] =	stream.linear.scatter [tilespmem:s15], [sflag:$0x2], $0x500, $0x38;
	[tilespmem:$0x3C50] =	vst v63  }
0x63: {  	_ =	swait.ge [sflag:s18], $0x500  }
0x64: {  	[sflag:s18] =	ssyncset.done $0x0  }
0x65: {  	p0 =	por $0x0, $0x0;
	[sflag:s18] =	ssyncadd.s32 $0xFFFFFB00  }
0x66: {  	v0 =	vld @!p0 [tilespmem:s20+$0x190];
	_ =	sdelay $0x4  }
0x67: {  	[tilespmem:$0x2760] =	vst @!p0 v0  }
0x68: {  	v0 =	vld @!p0 [tilespmem:s20+$0x1A0];
	_ =	sdelay $0x4  }
0x69: {  	[tilespmem:$0x2770] =	vst @!p0 v0  }
0x6a: {  	v0 =	vld @!p0 [tilespmem:s20+$0x1B0];
	_ =	sdelay $0x4  }
0x6b: {  	[tilespmem:$0x2780] =	vst @!p0 v0  }
0x6c: {  	v0 =	vld @!p0 [tilespmem:s20+$0x1C0];
	_ =	sdelay $0x4  }
0x6d: {  	[tilespmem:$0x2790] =	vst @!p0 v0  }
0x6e: {  	v0 =	vld @!p0 [tilespmem:s20+$0x1D0];
	_ =	sdelay $0x2  }
0x6f: {  	s30 =	sadd.s32 s3, s23  }
0x70: {  	p1 =	por $0x0, $0x0;
	s31 =	sshll.u32 s30, $0x1  }
0x71: {  	s24 =	simm.s32 @!p0 $0x2D50;
	s23 =	simm.s32 @!p0 $0x2760;
	s21 =	simm.s32 @!p0 $0x50;
	[tilespmem:$0x27A0] =	vst @!p0 v0  }
0x72: {  	[tilespmem:s24], [sflag:$0x1] =	stream.indirect.gather @!p0 [hbm4b:s4+s21], $0x10, s23, s21, $0xb8;
	[tilespmem:$0x3C50] =	vst v63  }
0x73: {  	s22 =	sand.u32 $0x1FFFFFE0, s31;
	s20 =	simm.s32 $0x140;
	_ =	swait.ge [sflag:s16], $0x500  }
0x74: {  	s21 =	simm.s32 $0x280;
	s23 =	sadd.s32 s5, s22;
	[sflag:s16] =	ssyncset.done $0x0  }
.LBB2_2:
0x75: {  	s25 =	simm.s32 @!p1 $0x2;
	[sflag:s16] =	ssyncadd.s32 $0xFFFFFB00  }
0x76: {  	[hbm4b:s23+s2] =	stream.linear.scatter [tilespmem:s17], [sflag:$0x2], $0x500, $0x38;
	[tilespmem:$0x3C50] =	vst v63  }
0x77: {  	_ =	swait.ge @!p1 [sflag:s25], $0x500  }
0x78: {  	s23 =	sadd.s32 @!p1 $0xA0, s20;
	[sflag:s25] =	ssyncset.done @!p1 $0x0  }
0x79: {  	s23 =	simm.s32 @p1 $0xA0;
	[sflag:s25] =	ssyncadd.s32 @!p1 $0xFFFFFB00  }
0x7a: {  	v0 =	vld [tilespmem:s23+$0x0];
	_ =	sdelay $0x4  }
0x7b: {  	[tilespmem:$0x27B0] =	vst v0  }
0x7c: {  	v0 =	vld [tilespmem:s23+$0x10];
	_ =	sdelay $0x4  }
0x7d: {  	[tilespmem:$0x27C0] =	vst v0  }
0x7e: {  	v0 =	vld [tilespmem:s23+$0x20];
	_ =	sdelay $0x4  }
0x7f: {  	[tilespmem:$0x27D0] =	vst v0  }
0x80: {  	v0 =	vld [tilespmem:s23+$0x30];
	_ =	sdelay $0x4  }
0x81: {  	[tilespmem:$0x27E0] =	vst v0  }
0x82: {  	v0 =	vld [tilespmem:s23+$0x40];
	_ =	sdelay $0x3  }
0x83: {  	s24 =	sadd.s32 s3, s23;
	s23 =	smov.u32 s20  }
0x84: {  	s26 =	rddreg [dreg:$0x2];
	s23 =	simm.s32 @p1 $0x0;
	[tilespmem:$0x27F0] =	vst v0  }
0x85: {  	[tilespmem:s15], [sflag:$0x1] =	stream.indirect.gather [hbm4b:s4+s10], $0x10, s26, s10, $0xb8;
	[tilespmem:$0x3C50] =	vst v63  }
0x86: {  	s31 =	sadd.s32 s3, s23;
	_ =	swait.ge [sflag:s16], $0x500  }
0x87: {  	s26 =	sshll.u32 s31, $0x1;
	[sflag:s16] =	ssyncset.done $0x0  }
0x88: {  	s26 =	sadd.s32 s5, s26;
	[sflag:s16] =	ssyncadd.s32 $0xFFFFFB00  }
0x89: {  	[hbm4b:s26+s2] =	stream.linear.scatter [tilespmem:s12], [sflag:$0x2], $0x500, $0x38;
	[tilespmem:$0x3C50] =	vst v63  }
0x8a: {  	_ =	swait.ge @!p1 [sflag:s25], $0x500  }
0x8b: {  	s28 =	sadd.s32 @!p1 $0xF0, s23;
	[sflag:s25] =	ssyncset.done @!p1 $0x0  }
0x8c: {  	s28 =	simm.s32 @p1 $0xF0;
	[sflag:s25] =	ssyncadd.s32 @!p1 $0xFFFFFB00  }
0x8d: {  	v62 =	vld [tilespmem:s28+$0x0];
	_ =	sdelay $0x4  }
0x8e: {  	[tilespmem:$0x2800] =	vst v62  }
0x8f: {  	v0 =	vld [tilespmem:s28+$0x10];
	_ =	sdelay $0x4  }
0x90: {  	[tilespmem:$0x2810] =	vst v0  }
0x91: {  	v0 =	vld [tilespmem:s28+$0x20];
	_ =	sdelay $0x4  }
0x92: {  	[tilespmem:$0x2820] =	vst v0  }
0x93: {  	v0 =	vld [tilespmem:s28+$0x30];
	_ =	sdelay $0x4  }
0x94: {  	[tilespmem:$0x2830] =	vst v0  }
0x95: {  	v0 =	vld [tilespmem:s28+$0x40];
	_ =	sdelay $0x4  }
0x96: {  	s29 =	rddreg [dreg:$0x3];
	[tilespmem:$0x2840] =	vst v0  }
0x97: {  	[tilespmem:s17], [sflag:$0x1] =	stream.indirect.gather [hbm4b:s4+s10], $0x10, s29, s10, $0xb8;
	[tilespmem:$0x3C50] =	vst v63  }
0x98: {  	_ =	swait.ge [sflag:s16], $0x500  }
0x99: {  	s26 =	sadd.s32 s3, s28;
	s30 =	rddreg [dreg:$0x4]  }
0x9a: {  	s25 =	sshll.u32 s26, $0x1;
	s26 =	sadd.s32 s23, s30  }
0x9b: {  	s26 =	sshll.u32 s26, $0x1  }
0x9c: {  	[sflag:s16] =	ssyncset.done $0x0;
	s26 =	sand.u32 $0x1FFFFFE0, s26  }
0x9d: {  	[sflag:s16] =	ssyncadd.s32 $0xFFFFFB00;
	s26 =	sadd.s32 s5, s26  }
0x9e: {  	[hbm4b:s26+s2] =	stream.linear.scatter [tilespmem:s14], [sflag:$0x2], $0x500, $0x38;
	[tilespmem:$0x3C50] =	vst v63  }
0x9f: {  	_ =	swait.ge [sflag:s18], $0x500  }
0xa0: {  	[sflag:s18] =	ssyncset.done $0x0  }
0xa1: {  	[sflag:s18] =	ssyncadd.s32 $0xFFFFFB00  }
0xa2: {  	v63 =	vld [tilespmem:s23+$0x140];
	_ =	sdelay $0x4  }
0xa3: {  	[tilespmem:$0x2710] =	vst v63  }
0xa4: {  	v0 =	vld [tilespmem:s23+$0x150];
	_ =	sdelay $0x4  }
0xa5: {  	[tilespmem:$0x2720] =	vst v0  }
0xa6: {  	v0 =	vld [tilespmem:s23+$0x160];
	_ =	sdelay $0x4  }
0xa7: {  	[tilespmem:$0x2730] =	vst v0  }
0xa8: {  	v0 =	vld [tilespmem:s23+$0x170];
	_ =	sdelay $0x4  }
0xa9: {  	[tilespmem:$0x2740] =	vst v0  }
0xaa: {  	v0 =	vld [tilespmem:s23+$0x180];
	_ =	sdelay $0x4  }
0xab: {  	[tilespmem:$0x2750] =	vst v0  }
0xac: {  	[tilespmem:s12], [sflag:$0x1] =	stream.indirect.gather [hbm4b:s4+s10], $0x10, s11, s10, $0xb8;
	[tilespmem:$0x3C50] =	vst v63  }
0xad: {  	s24 =	sshll.u32 s24, $0x1;
	_ =	swait.ge [sflag:s16], $0x500  }
0xae: {  	s24 =	sand.u32 $0x1FFFFFE0, s24;
	[sflag:s16] =	ssyncset.done $0x0  }
0xaf: {  	s24 =	sadd.s32 s5, s24;
	[sflag:s16] =	ssyncadd.s32 $0xFFFFFB00  }
0xb0: {  	[hbm4b:s24+s2] =	stream.linear.scatter [tilespmem:s15], [sflag:$0x2], $0x500, $0x38;
	[tilespmem:$0x3C50] =	vst v63  }
0xb1: {  	_ =	swait.ge [sflag:s18], $0x500  }
0xb2: {  	[sflag:s18] =	ssyncset.done $0x0  }
0xb3: {  	p1 =	seq.s32 s20, $0x2580;
	[sflag:s18] =	ssyncadd.s32 $0xFFFFFB00  }
0xb4: {  	v0 =	vld @!p1 [tilespmem:s23+$0x190];
	_ =	sdelay $0x4  }
0xb5: {  	[tilespmem:$0x2760] =	vst @!p1 v0  }
0xb6: {  	v0 =	vld @!p1 [tilespmem:s23+$0x1A0];
	_ =	sdelay $0x4  }
0xb7: {  	[tilespmem:$0x2770] =	vst @!p1 v0  }
0xb8: {  	v0 =	vld @!p1 [tilespmem:s23+$0x1B0];
	_ =	sdelay $0x4  }
0xb9: {  	[tilespmem:$0x2780] =	vst @!p1 v0  }
0xba: {  	v0 =	vld @!p1 [tilespmem:s23+$0x1C0];
	_ =	sdelay $0x4  }
0xbb: {  	[tilespmem:$0x2790] =	vst @!p1 v0  }
0xbc: {  	v0 =	vld @!p1 [tilespmem:s23+$0x1D0];
	_ =	sdelay $0x1  }
0xbd: {  	s22 =	smov.u32 s21;
	s21 =	sadd.s32 $0x140, s21  }
0xbe: {  	p0 =	sne.s32 s21, $0x26C0  }
.Ltmp0:
0xbf: {  	s20 =	smov.u32 s22;
	(pc) =	sbr.rel @p0 .LBB2_2-.Ltmp0, $4  }
0xc0: {  	s22 =	simm.s32 @!p1 $0x50;
	s24 =	simm.s32 @!p1 $0x2D50;
	s23 =	simm.s32 @!p1 $0x2760;
	[tilespmem:$0x27A0] =	vst @!p1 v0  }
0xc1: {  	[tilespmem:s24], [sflag:$0x1] =	stream.indirect.gather @!p1 [hbm4b:s4+s22], $0x10, s23, s22, $0xb8;
	[tilespmem:$0x3C50] =	vst v63  }
0xc2: {  	s31 =	sand.u32 $0x1FFFFFE0, s25;
	_ =	swait.ge [sflag:s16], $0x500  }
0xc3: {  	p1 =	seq.s32 s20, $0x0;
	s23 =	sadd.s32 s5, s31;
	[sflag:s16] =	ssyncset.done $0x0  }
0xc4: {  	s22 =	simm.s32 @!p1 $0x2;
	[sflag:s16] =	ssyncadd.s32 $0xFFFFFB00  }
0xc5: {  	[hbm4b:s23+s2] =	stream.linear.scatter [tilespmem:s17], [sflag:$0x2], $0x500, $0x38;
	[tilespmem:$0x3C50] =	vst v63  }
0xc6: {  	_ =	swait.ge @!p1 [sflag:s22], $0x500  }
0xc7: {  	s23 =	sadd.s32 @!p1 $0xA0, s20;
	[sflag:s22] =	ssyncset.done @!p1 $0x0  }
0xc8: {  	s23 =	simm.s32 @p1 $0xA0;
	[sflag:s22] =	ssyncadd.s32 @!p1 $0xFFFFFB00  }
0xc9: {  	v0 =	vld [tilespmem:s23+$0x0];
	_ =	sdelay $0x4  }
0xca: {  	[tilespmem:$0x27B0] =	vst v0  }
0xcb: {  	v0 =	vld [tilespmem:s23+$0x10];
	_ =	sdelay $0x4  }
0xcc: {  	[tilespmem:$0x27C0] =	vst v0  }
0xcd: {  	v0 =	vld [tilespmem:s23+$0x20];
	_ =	sdelay $0x4  }
0xce: {  	[tilespmem:$0x27D0] =	vst v0  }
0xcf: {  	v0 =	vld [tilespmem:s23+$0x30];
	_ =	sdelay $0x4  }
0xd0: {  	[tilespmem:$0x27E0] =	vst v0  }
0xd1: {  	v0 =	vld [tilespmem:s23+$0x40];
	_ =	sdelay $0x3  }
0xd2: {  	s21 =	smov.u32 s20  }
0xd3: {  	s21 =	simm.s32 @p1 $0x0;
	s24 =	rddreg [dreg:$0x2];
	[tilespmem:$0x27F0] =	vst v0  }
0xd4: {  	[tilespmem:s15], [sflag:$0x1] =	stream.indirect.gather [hbm4b:s4+s10], $0x10, s24, s10, $0xb8;
	[tilespmem:$0x3C50] =	vst v63  }
0xd5: {  	s26 =	sadd.s32 s3, s21;
	_ =	swait.ge [sflag:s16], $0x500  }
0xd6: {  	s24 =	sshll.u32 s26, $0x1;
	[sflag:s16] =	ssyncset.done $0x0  }
0xd7: {  	s24 =	sadd.s32 s5, s24;
	[sflag:s16] =	ssyncadd.s32 $0xFFFFFB00  }
0xd8: {  	[hbm4b:s24+s2] =	stream.linear.scatter [tilespmem:s12], [sflag:$0x2], $0x500, $0x38;
	[tilespmem:$0x3C50] =	vst v63  }
0xd9: {  	_ =	swait.ge @!p1 [sflag:s22], $0x500  }
0xda: {  	s24 =	sadd.s32 @!p1 $0xF0, s21;
	[sflag:s22] =	ssyncset.done @!p1 $0x0  }
0xdb: {  	s24 =	simm.s32 @p1 $0xF0;
	[sflag:s22] =	ssyncadd.s32 @!p1 $0xFFFFFB00  }
0xdc: {  	v62 =	vld [tilespmem:s24+$0x0];
	_ =	sdelay $0x4  }
0xdd: {  	[tilespmem:$0x2800] =	vst v62  }
0xde: {  	v0 =	vld [tilespmem:s24+$0x10];
	_ =	sdelay $0x4  }
0xdf: {  	[tilespmem:$0x2810] =	vst v0  }
0xe0: {  	v0 =	vld [tilespmem:s24+$0x20];
	_ =	sdelay $0x4  }
0xe1: {  	[tilespmem:$0x2820] =	vst v0  }
0xe2: {  	v0 =	vld [tilespmem:s24+$0x30];
	_ =	sdelay $0x4  }
0xe3: {  	[tilespmem:$0x2830] =	vst v0  }
0xe4: {  	v0 =	vld [tilespmem:s24+$0x40];
	_ =	sdelay $0x4  }
0xe5: {  	s28 =	rddreg [dreg:$0x3];
	[tilespmem:$0x2840] =	vst v0  }
0xe6: {  	[tilespmem:s17], [sflag:$0x1] =	stream.indirect.gather [hbm4b:s4+s10], $0x10, s28, s10, $0xb8;
	[tilespmem:$0x3C50] =	vst v63  }
0xe7: {  	_ =	swait.ge [sflag:s16], $0x500  }
0xe8: {  	s29 =	rddreg [dreg:$0x4]  }
0xe9: {  	s22 =	sadd.s32 s21, s29  }
0xea: {  	s22 =	sshll.u32 s22, $0x1  }
0xeb: {  	[sflag:s16] =	ssyncset.done $0x0;
	s22 =	sand.u32 $0x1FFFFFE0, s22  }
0xec: {  	[sflag:s16] =	ssyncadd.s32 $0xFFFFFB00;
	s22 =	sadd.s32 s5, s22  }
0xed: {  	[hbm4b:s22+s2] =	stream.linear.scatter [tilespmem:s14], [sflag:$0x2], $0x500, $0x38;
	[tilespmem:$0x3C50] =	vst v63  }
0xee: {  	_ =	swait.ge [sflag:s18], $0x500  }
0xef: {  	[sflag:s18] =	ssyncset.done $0x0  }
0xf0: {  	[sflag:s18] =	ssyncadd.s32 $0xFFFFFB00  }
0xf1: {  	v63 =	vld [tilespmem:s21+$0x140];
	_ =	sdelay $0x4  }
0xf2: {  	[tilespmem:$0x2710] =	vst v63  }
0xf3: {  	v0 =	vld [tilespmem:s21+$0x150];
	_ =	sdelay $0x4  }
0xf4: {  	[tilespmem:$0x2720] =	vst v0  }
0xf5: {  	v0 =	vld [tilespmem:s21+$0x160];
	_ =	sdelay $0x4  }
0xf6: {  	[tilespmem:$0x2730] =	vst v0  }
0xf7: {  	v0 =	vld [tilespmem:s21+$0x170];
	_ =	sdelay $0x4  }
0xf8: {  	[tilespmem:$0x2740] =	vst v0  }
0xf9: {  	v0 =	vld [tilespmem:s21+$0x180];
	_ =	sdelay $0x4  }
0xfa: {  	s30 =	sadd.s32 s3, s23;
	[tilespmem:$0x2750] =	vst v0  }
0xfb: {  	[tilespmem:s12], [sflag:$0x1] =	stream.indirect.gather [hbm4b:s4+s10], $0x10, s11, s10, $0xb8;
	[tilespmem:$0x3C50] =	vst v63  }
0xfc: {  	s22 =	sshll.u32 s30, $0x1;
	_ =	swait.ge [sflag:s16], $0x500  }
0xfd: {  	s22 =	sand.u32 $0x1FFFFFE0, s22;
	[sflag:s16] =	ssyncset.done $0x0  }
0xfe: {  	s22 =	sadd.s32 s5, s22;
	[sflag:s16] =	ssyncadd.s32 $0xFFFFFB00  }
0xff: {  	[hbm4b:s22+s2] =	stream.linear.scatter [tilespmem:s15], [sflag:$0x2], $0x500, $0x38;
	[tilespmem:$0x3C50] =	vst v63  }
0x100: {  	_ =	swait.ge [sflag:s18], $0x500  }
0x101: {  	[sflag:s18] =	ssyncset.done $0x0  }
0x102: {  	p0 =	seq.s32 s20, $0x2580;
	[sflag:s18] =	ssyncadd.s32 $0xFFFFFB00  }
0x103: {  	v0 =	vld @!p0 [tilespmem:s21+$0x190];
	_ =	sdelay $0x4  }
0x104: {  	[tilespmem:$0x2760] =	vst @!p0 v0  }
0x105: {  	v0 =	vld @!p0 [tilespmem:s21+$0x1A0];
	_ =	sdelay $0x4  }
0x106: {  	[tilespmem:$0x2770] =	vst @!p0 v0  }
0x107: {  	v0 =	vld @!p0 [tilespmem:s21+$0x1B0];
	_ =	sdelay $0x4  }
0x108: {  	[tilespmem:$0x2780] =	vst @!p0 v0  }
0x109: {  	v0 =	vld @!p0 [tilespmem:s21+$0x1C0];
	_ =	sdelay $0x4  }
0x10a: {  	[tilespmem:$0x2790] =	vst @!p0 v0  }
0x10b: {  	v0 =	vld @!p0 [tilespmem:s21+$0x1D0];
	_ =	sdelay $0x3  }
0x10c: {  	s23 =	simm.s32 @!p0 $0x2D50  }
0x10d: {  	s31 =	sadd.s32 s3, s24;
	s22 =	simm.s32 @!p0 $0x2760;
	s21 =	simm.s32 @!p0 $0x50;
	[tilespmem:$0x27A0] =	vst @!p0 v0  }
0x10e: {  	[tilespmem:s23], [sflag:$0x1] =	stream.indirect.gather @!p0 [hbm4b:s4+s21], $0x10, s22, s21, $0xb8;
	[tilespmem:$0x3C50] =	vst v63  }
0x10f: {  	s20 =	sshll.u32 s31, $0x1;
	_ =	swait.ge [sflag:s16], $0x500  }
0x110: {  	s20 =	sand.u32 $0x1FFFFFE0, s20;
	[sflag:s16] =	ssyncset.done $0x0  }
0x111: {  	s20 =	sadd.s32 s5, s20;
	[sflag:s16] =	ssyncadd.s32 $0xFFFFFB00  }
0x112: {  	[hbm4b:s20+s2] =	stream.linear.scatter [tilespmem:s17], [sflag:$0x2], $0x500, $0x38;
	[tilespmem:$0x3C50] =	vst v63  }
0x113: {  	_ =	swait.ge [sflag:s16], $0x500  }
0x114: {  	[sflag:s16] =	ssyncset.done $0x0  }
0x115: {  	[sflag:s16] =	ssyncadd.s32 $0xFFFFFB00  }
0x116: {  	[hbm4b:s7+s2] =	stream.linear.scatter [tilespmem:s12], [sflag:$0x2], $0x500, $0x38;
	[tilespmem:$0x3C50] =	vst v63  }
0x117: {  	_ =	swait.ge [sflag:s18], $0x500  }
0x118: {  	[sflag:s18] =	ssyncset.done $0x0  }
0x119: {  	s19 =	sadd.s32 $0x1, s19;
	[sflag:s18] =	ssyncadd.s32 $0xFFFFFB00  }
0x11a: {  	p0 =	sne.s32 s19, s8;
	_ =	swait.ge [sflag:s18], $0x500  }
.Ltmp1:
0x11b: {  	[sflag:s18] =	ssyncset.done $0x0;
	(pc) =	sbr.rel @p0 .LBB2_1-.Ltmp1, $4  }
0x11c: {  	[sflag:s18] =	ssyncadd.s32 $0xFFFFFB00  }
0x11d: {  	_ =	swait.ge [sflag:s18], $0x500  }
0x11e: {  	[sflag:s18] =	ssyncset.done $0x0  }
0x11f: {  	[sflag:s18] =	ssyncadd.s32 $0xFFFFFB00  }
0x120: {  	_ =	sfence.sel $0x180000  }
0x121: {  	[bflag:$0x0] =	sbarrier.arrive $0xFFFF  }
0x122: {  	p0 =	sne.s32 s0, $0x0;
	_ =	strace $0x90000050  }
0x123: {  	s0 =	sadd.s32 @!p0 $0x100000, s1;
	[bflag:$0x2] =	sbarrier.arrive $0xFFFF  }
0x124: {  	[sflag:s0] =	ssyncadd.tile.s32 @!p0 $0x1;
	_ =	shalt  }
.Lfunc_end2:
_tile_overlayer_lowered:
.L_overlay_start_2:
0x125: {  	(tag) =	ssettag $0x2  }
0x126: {  	s0 =	rddreg [dreg:$0x0];
	s2 =	stileid.u32  }
0x127: {  	s1 =	rddreg [dreg:$0x1];
	p0 =	sne.s32 s2, $0x0  }
0x128: {  	s3 =	rddreg [dreg:$0x2];
	[bflag:$0x3] =	sbarrier.arrive $0xFFFF;
	s2 =	simm.s32 @!p0 $0x1C03  }
0x129: {  	[timem:s3], [sflag:s2] =	dma.local @!p0 [hbm:s0], s1  }
0x12a: {  	s0 =	simm.s32 @!p0 $0x3  }
0x12b: {  	_ =	swait.ge @!p0 [sflag:s0], s1  }
0x12c: {  	s1 =	ssub.s32 @!p0 $0x0, s1;
	[sflag:s0] =	ssyncset.done @!p0 $0x0  }
0x12d: {  	[sflag:s0] =	ssyncadd.s32 @!p0 s1  }
0x12e: {  	[bflag:$0x3] =	sbarrier.arrive $0xFFFF  }
0x12f: {  	_ =	shalt  }

// kernel: kernel.23.cloned.1.call-start
scs
__scs_entry_jumppad:
0x0: {  	(pc) =	sbr.rel $0x88, $3  }
0x1: {  	(tag) =	ssettag $0x0;
	lr =	simm.s32 $0x1  }
0x2: {  	[smem:$0x3F8D] =	sst lr;
	_ =	strace $0xD0000000  }
0x3: {  	_ = 	snop  }
0x4: {  	_ = 	snop  }
0x5: {  	_ = 	snop  }
0x6: {  	_ = 	snop  }
0x7: {  	_ = 	snop  }
__scs_overlays_trampoline_lowered:
0x8: {  	[smem:$0x3F9C] =	sst s0  }
0x9: {  	[smem:$0x3F9D] =	sst s1  }
0xa: {  	[smem:$0x3F9E] =	sst s2  }
0xb: {  	[smem:$0x3F9F] =	sst s3  }
0xc: {  	[smem:$0x3FA0] =	sst s4  }
0xd: {  	[smem:$0x3FA1] =	sst s5  }
0xe: {  	[smem:$0x3FA2] =	sst s6  }
0xf: {  	[smem:$0x3FA3] =	sst s7  }
0x10: {  	[smem:$0x3FA4] =	sst s8  }
0x11: {  	[smem:$0x3FA5] =	sst s9;
	s0 =	simm.s32 @!p0 $0x0  }
0x12: {  	s1 =	sld [smem:$0x3F8B];
	s0 =	simm.s32 @p0 $0x1  }
0x13: {  	[smem:$0x3FA6] =	sst s0;
	s0 =	simm.s32 @!p1 $0x0  }
0x14: {  	s2 =	sld [smem:$0x3F8A];
	s0 =	simm.s32 @p1 $0x1  }
0x15: {  	[smem:$0x3FA7] =	sst s0;
	s0 =	simm.s32 @!p2 $0x0  }
0x16: {  	s3 =	sld [smem:$0x3FDB];
	s0 =	simm.s32 @p2 $0x1  }
0x17: {  	s4 =	simm.s32 $0x1BF5;
	[smem:$0x3FA9] =	sst s0  }
0x18: {  	s0 =	sld [smem:$0x3F8C];
	_ =	swait.ge [sflag:s4], $0x0  }
0x19: {  	s7 =	sld [smem:$0x3F8D]  }
0x1a: {  	s8 =	sadd.s32 $0xFFFFE003, lr  }
0x1b: {  	s9 =	sadd.s32 $0xFFFFFEF7, lr;
	s5 =	simm.s32 $0xFFFFFFFF;
	p2 =	slt.u32 s8, $0xFFFFF086  }
0x1c: {  	p1 =	slt.u32 s9, $0xF7A;
	s5 =	simm.s32 @!p2 $0x0  }
0x1d: {  	s5 =	simm.s32 @p1 $0x1;
	p0 =	seq.s32 s7, s2  }
0x1e: {  	s7 =	smul.u32 @!p0 $0xF7A, s2;
	p2 =	seq.s32 @!p0 s5, $0x0  }
0x1f: {  	s9 =	smul.u32 $0xF7A, s1;
	s8 =	simm.s32 @!p0 $0x1BF5;
	p2 =	por !p2, p0  }
0x20: {  	[sflag:s8] =	ssyncset.s32 @!p0 $0xFFFFF086;
	s6 =	sadd.s32 @!p0 s3, s7;
	s7 =	simm.s32 @!p0 $0x108  }
0x21: {  	s3 =	sadd.s32 s3, s9;
	s6 =	sadd.s32 @!p0 $0x88, s6;
	s7 =	simm.s32 @p2 $0x1082  }
0x22: {  	[simem:s7], [sflag:s8] =	dma.local @!p0 [hbm:s6], $0xF7A  }
0x23: {  	s9 =	sor.u32 $0xD0000000, s2;
	s6 =	simm.s32 $0x108;
	_ =	swait.ge @!p0 [sflag:s8], $0x0  }
0x24: {  	s3 =	sadd.s32 $0x88, s3;
	s6 =	simm.s32 @!p1 $0x1082;
	[sflag:s4] =	ssyncset.s32 $0xFFFFF086  }
0x25: {  	[simem:s6], [sflag:s4] =	dma.local [hbm:s3], $0xF7A  }
0x26: {  	[smem:$0x3F8D] =	sst s1;
	(tag) =	ssettag s2;
	_ =	strace s9  }
0x27: {  	s1 =	sld [smem:$0x3F9D]  }
0x28: {  	s2 =	sld [smem:$0x3F9E]  }
0x29: {  	s4 =	sld [smem:$0x3FA0]  }
0x2a: {  	p0 =	seq.s32 s5, $0x0;
	s5 =	sld [smem:$0x3FA1]  }
0x2b: {  	s6 =	sld [smem:$0x3FA2]  }
0x2c: {  	s7 =	sld [smem:$0x3FA3]  }
0x2d: {  	s3 =	simm.s32 $0x108;
	s8 =	sld [smem:$0x3FA4]  }
0x2e: {  	s3 =	simm.s32 @!p0 $0x1082;
	s9 =	sld [smem:$0x3FA5]  }
0x2f: {  	lr =	sadd.s32 s0, s3;
	s0 =	sld [smem:$0x3F9C]  }
0x30: {  	s3 =	sld [smem:$0x3F9F]  }
0x31: {  	[smem:$0x3FA8] =	sst s10  }
0x32: {  	s10 =	sld [smem:$0x3FA6];
	_ =	sdelay $0x3  }
0x33: {  	p0 =	seq.s32 s10, $0x1;
	s10 =	sld [smem:$0x3FA8];
	_ =	sdelay $0x3  }
0x34: {  	[smem:$0x3FA8] =	sst s10  }
0x35: {  	s10 =	sld [smem:$0x3FA7];
	_ =	sdelay $0x3  }
0x36: {  	p1 =	seq.s32 s10, $0x1;
	s10 =	sld [smem:$0x3FA8];
	_ =	sdelay $0x3  }
0x37: {  	[smem:$0x3FA8] =	sst s10  }
0x38: {  	s10 =	sld [smem:$0x3FA9]  }
0x39: {  	_ = 	snop;
	(pc) =	sbr.ind lr, $3  }
0x3a: {  	_ = 	snop  }
0x3b: {  	_ = 	snop  }
0x3c: {  	p2 =	seq.s32 s10, $0x1;
	s10 =	sld [smem:$0x3FA8]  }
0x3d: {  	_ =	shalt  }
0x3e: {  	_ =	shalt  }
0x3f: {  	_ =	shalt  }
0x40: {  	_ =	shalt  }
0x41: {  	_ =	shalt  }
0x42: {  	_ =	shalt  }
0x43: {  	_ =	shalt  }
0x44: {  	_ =	shalt  }
0x45: {  	_ =	shalt  }
0x46: {  	_ =	shalt  }
0x47: {  	_ =	shalt  }
0x48: {  	_ =	shalt  }
0x49: {  	_ =	shalt  }
0x4a: {  	_ =	shalt  }
0x4b: {  	_ =	shalt  }
0x4c: {  	_ =	shalt  }
0x4d: {  	_ =	shalt  }
0x4e: {  	_ =	shalt  }
0x4f: {  	_ =	shalt  }
0x50: {  	_ =	shalt  }
0x51: {  	_ =	shalt  }
0x52: {  	_ =	shalt  }
0x53: {  	_ =	shalt  }
0x54: {  	_ =	shalt  }
0x55: {  	_ =	shalt  }
0x56: {  	_ =	shalt  }
0x57: {  	_ =	shalt  }
0x58: {  	_ =	shalt  }
0x59: {  	_ =	shalt  }
0x5a: {  	_ =	shalt  }
0x5b: {  	_ =	shalt  }
0x5c: {  	_ =	shalt  }
0x5d: {  	_ =	shalt  }
0x5e: {  	_ =	shalt  }
0x5f: {  	_ =	shalt  }
0x60: {  	_ =	shalt  }
0x61: {  	_ =	shalt  }
0x62: {  	_ =	shalt  }
0x63: {  	_ =	shalt  }
0x64: {  	_ =	shalt  }
0x65: {  	_ =	shalt  }
0x66: {  	_ =	shalt  }
0x67: {  	_ =	shalt  }
0x68: {  	_ =	shalt  }
0x69: {  	_ =	shalt  }
0x6a: {  	_ =	shalt  }
0x6b: {  	_ =	shalt  }
0x6c: {  	_ =	shalt  }
0x6d: {  	_ =	shalt  }
0x6e: {  	_ =	shalt  }
0x6f: {  	_ =	shalt  }
0x70: {  	_ =	shalt  }
0x71: {  	_ =	shalt  }
0x72: {  	_ =	shalt  }
0x73: {  	_ =	shalt  }
0x74: {  	_ =	shalt  }
0x75: {  	_ =	shalt  }
0x76: {  	_ =	shalt  }
0x77: {  	_ =	shalt  }
0x78: {  	_ =	shalt  }
0x79: {  	_ =	shalt  }
0x7a: {  	_ =	shalt  }
0x7b: {  	_ =	shalt  }
0x7c: {  	_ =	shalt  }
0x7d: {  	_ =	shalt  }
0x7e: {  	_ =	shalt  }
0x7f: {  	_ =	shalt  }
0x80: {  	_ =	shalt  }
0x81: {  	_ =	shalt  }
0x82: {  	_ =	shalt  }
0x83: {  	_ =	shalt  }
0x84: {  	_ =	shalt  }
0x85: {  	_ =	shalt  }
0x86: {  	_ =	shalt  }
0x87: {  	_ =	shalt  }
.Lfunc_end0:
.L_simem_size_0:
called_computation.4_lowered:
.L_overlay_start_0:
0x88: {  	s2 =	sld [smem:$0x3FD9]  }
0x89: {  	s3 =	sld [smem:$0x3FFE];
	_ =	sdelay $0x1  }
0x8a: {  	s1 =	srdreg.scid  }
0x8b: {  	s0 =	sand.u32 $0x1, s1  }
0x8c: {  	s16 =	sshll.u32 s0, $0xA;
	s2 =	sadd.s32 s3, s2  }
0x8d: {  	s2 =	sadd.s32 s2, s16  }
0x8e: {  	[smem:$0x3FB4] =	sst s2  }
0x8f: {  	_ = 	snop  }
0x90: {  	(tm) =	ssettm $0x1  }
0x91: {  	s17 =	sld [smem:$0x3FFB];
	_ =	sdelay $0x3  }
0x92: {  	_ =	strace s17  }
0x93: {  	s2 =	sld [smem:$0x3FFC];
	_ =	sdelay $0x3  }
0x94: {  	_ =	strace s2  }
0x95: {  	s2 =	sld [smem:$0x3FFD];
	_ =	sdelay $0x3  }
0x96: {  	_ =	strace s2  }
0x97: {  	_ =	strace $0x8FFFFFFF  }
0x98: {  	s18 =	sld [smem:$0x3FDB];
	_ =	sdelay $0x1  }
0x99: {  	s19 =	simm.s32 $_scs_section_size  }
0x9a: {  	s4 =	simm.s32 $_size__tile_overlayer_lowered;
	s5 =	simm.s32 $_tile_overlayer_lowered  }
0x9b: {  	s22 =	simm.s32 $0x1BFF;
	s21 =	sshll.u32 s5, $0x1;
	s2 =	sadd.s32 s19, s18  }
0x9c: {  	s6 =	simm.s32 $0x0;
	s20 =	sshll.u32 s4, $0x1;
	s4 =	sadd.s32 s21, s2  }
0x9d: {  	[timem:s6], [sflag:s22] =	dma.local [hbm:s4], s20  }
0x9e: {  	_ =	swait.ge [sflag:s22], s20  }
0x9f: {  	s3 =	ssub.s32 $0x0, s20;
	[sflag:s22] =	ssyncset.done $0x0  }
0xa0: {  	[sflag:s22] =	ssyncadd.s32 s3;
	_ =	sdelay $0x1  }
0xa1: {  	s23 =	simm.s32 $0x1B8B  }
0xa2: {  	_ =	swait.ge [sflag:s23], $0x1  }
0xa3: {  	[sflag:s23] =	ssyncset.done $0x0  }
0xa4: {  	s25 =	simm.s32 $0x1B8E;
	s24 =	sld [smem:$0x3FFE];
	[sflag:s23] =	ssyncadd.s32 $0xFFFFFFFF  }
0xa5: {  	s26 =	simm.s32 $execute0_lowered;
	[smem:$0x3FD2] =	sst s25  }
0xa6: {  	s4 =	sshll.u32 s26, $0x1;
	_ =	strace $0x80000052;
	[dreg:$0x1] =	wrdreg $0xFFFFFFFF  }
0xa7: {  	s28 =	simm.s32 $_size_execute0_lowered;
	s2 =	sadd.s32 s2, s4;
	[dreg:$0x0] =	wrdreg $0x0  }
0xa8: {  	s4 =	sshll.u32 s28, $0x1;
	[dreg:$0x2] =	wrdreg s2  }
0xa9: {  	[dreg:$0x3] =	wrdreg s4  }
0xaa: {  	[dreg:$0x4] =	wrdreg $0xC0  }
0xab: {  	_ =	task [dreg:s6], $0x5FFFF  }
0xac: {  	[dreg:$0x1] =	wrdreg $0xFFFFFFFF  }
0xad: {  	[dreg:$0x0] =	wrdreg $0x60  }
0xae: {  	[dreg:$0x2] =	wrdreg s24  }
0xaf: {  	[dreg:$0x3] =	wrdreg $0xCC600  }
0xb0: {  	[dreg:$0x4] =	wrdreg $0x9  }
0xb1: {  	_ =	task.clear_ibuf [dreg:s6], $0x5FFFF;
	_ =	strace $0x90000052  }
0xb2: {  	s29 =	simm.s32 $0x9;
	_ =	strace $0x80000054  }
0xb3: {  	_ =	swait.ge [sflag:s29], $0x1  }
0xb4: {  	[sflag:s29] =	ssyncadd.s32 $0xFFFFFFFF  }
0xb5: {  	_ =	strace $0x90000054  }
0xb6: {  	_ =	sfence  }
0xb7: {  	s30 =	sld [smem:$0x0];
	_ =	sdelay $0x2  }
0xb8: {  	s31 =	sshll.u32 s1, $0xD;
	s1 =	sshrl.u32 s1, $0x2  }
0xb9: {  	s3 =	sand.u32 $0x4000, s31;
	s1 =	sadd.s32 s1, s30  }
0xba: {  	s0 =	sor.u32 s3, s0;
	s1 =	sshll.u32 s1, $0x11  }
0xbb: {  	s0 =	sor.u32 s1, s0  }
0xbc: {  	s0 =	sadd.s32 $0x8F2B, s0  }
0xbd: {  	[sflag:s0] =	ssyncadd.remote.s32 $0x1  }
0xbe: {  	_ =	sfence.sel $0xFFFF  }
0xbf: {  	[dreg:$0x0] =	wrdreg $0xFFFFFFFF;
	(pc) =	sbr.abs _section_cstart, $3  }
0xc0: {  	[dreg:$0x1] =	wrdreg $0xFFFFFFFF  }
0xc1: {  	_ =	task.clear_ibuf [dreg:s6], $0x2FFFF;
	_ =	strace $0x9FFFFFFF  }
0xc2: {  	(tm) =	ssettm $0x7FFFFFFF  }
0xc3: {  	_ =	shalt  }
tec
execute0_lowered:
.L_overlay_start_1:
0x0: {  	(tag) =	ssettag $0x1  }
0x1: {  	s0 =	stileid.u32  }
0x2: {  	s1 =	srdreg.scid;
	s5 =	rddreg [dreg:$0x0]  }
0x3: {  	s2 =	rddreg [dreg:$0x1];
	s6 =	smul.u32 $0x9C40, s0  }
0x4: {  	s3 =	simm.s32 $0x0;
	s4 =	sand.u32 $0x1, s1;
	s8 =	smul.u32 $0x2800, s0  }
0x5: {  	s26 =	sshll.u32 s0, $0x1;
	[smem:$0x7FF] =	sst s3;
	s9 =	smul.u32 $0x28000, s4  }
0x6: {  	s13 =	sshll.u32 s0, $0x6;
	s1 =	sor.u32 s4, s26;
	s12 =	smul.u32 $0x4E20, s4  }
0x7: {  	s30 =	ssub.s32 $0x2, s4;
	s13 =	sor.u32 $0x1C01, s13;
	s7 =	smul.u32 $0x2710, s1  }
0x8: {  	s1 =	rddreg [dreg:$0x2];
	_ =	strace $0x80000053;
	s10 =	sadd.s32 s6, s5  }
0x9: {  	s11 =	sshrl.u32 s30, $0x1;
	s4 =	sadd.s32 s8, s2;
	s29 =	sadd.s32 s8, s9  }
0xa: {  	s9 =	ssub.s32 s30, s11;
	s31 =	sadd.s32 s12, s10;
	s10 =	simm.s32 $0x1  }
0xb: {  	s11 =	simm.s32 $0x50;
	s12 =	simm.s32 $0x2710;
	s28 =	sshrl.u32 s7, $0x3  }
0xc: {  	s14 =	sshrl.u32 s4, $0x3;
	s7 =	sshrl.u32 s29, $0x3;
	s6 =	sadd.s32 s28, s5  }
0xd: {  	s8 =	sadd.s32 $0x4000, s31;
	s7 =	sadd.s32 s7, s5;
	s5 =	sadd.s32 $0xAF800, s6  }
0xe: {  	v0 =	vimm.f32 $0.0e+00;
	s6 =	sadd.s32 $0xB9600, s7;
	s7 =	smax.u32 s9, $0x1;
	s9 =	simm.s32 $0xA460  }
.LBB2_1:
0xf: {  	s15 =	simm.s32 $0xA4A0  }
0x10: {  	[tilespmem:s15+$0xFFFFFFC0] =	vst v0  }
0x11: {  	[tilespmem:s15+$0x30] =	vst v0  }
0x12: {  	[tilespmem:s15+$0x20] =	vst v0  }
0x13: {  	[tilespmem:s15+$0x10] =	vst v0  }
0x14: {  	[tilespmem:s15+$0x0] =	vst v0  }
0x15: {  	[tilespmem:s15+$0xFFFFFFF0] =	vst v0  }
0x16: {  	s16 =	simm.s32 $0x0;
	[tilespmem:s15+$0xFFFFFFE0] =	vst v0  }
.LBB2_2:
0x17: {  	s16 =	sadd.s32 $0x8, s16;
	[tilespmem:s15+$0xFFFFFFD0] =	vst v0;
	s15 =	sadd.s32 $0x80, s15  }
0x18: {  	[tilespmem:s15+$0xFFFFFFC0] =	vst v0;
	p0 =	slt.u32 s16, $0x278  }
0x19: {  	[tilespmem:s15+$0x30] =	vst v0  }
.Ltmp0:
0x1a: {  	[tilespmem:s15+$0x20] =	vst v0;
	(pc) =	sbr.rel @p0 .LBB2_2-.Ltmp0, $4  }
0x1b: {  	[tilespmem:s15+$0x10] =	vst v0  }
0x1c: {  	[tilespmem:s15+$0x0] =	vst v0  }
0x1d: {  	[tilespmem:s15+$0xFFFFFFF0] =	vst v0  }
0x1e: {  	[tilespmem:s15+$0xFFFFFFE0] =	vst v0  }
0x1f: {  	[tilespmem:s15+$0xFFFFFFD0] =	vst v0;
	s25 =	simm.s32 $0x0  }
0x20: {  	[spmem:s4] =	stream.linear.scatter [tilespmem:s9], [sflag:$0x1], $0x2800, $0x38;
	[tilespmem:$0xF460] =	vst v63  }
0x21: {  	s16 =	smul.u32 $0x29, s25  }
0x22: {  	_ =	swait.ge [sflag:s10], $0x2800  }
0x23: {  	[sflag:s10] =	ssyncset.done $0x0;
	s26 =	sshrl.u32 s16, $0xA  }
0x24: {  	[sflag:s10] =	ssyncadd.s32 $0xFFFFD800;
	s15 =	sand.u32 $0x3F, s26  }
0x25: {  	[tilespmem:s25], [sflag:$0x1] =	stream.linear.gather [hbm4b:s5+s25], $0x2710, $0x38;
	[tilespmem:$0xF460] =	vst v63  }
0x26: {  	s15 =	smul.u32 $0x19, s15  }
0x27: {  	_ =	swait.ge [sflag:s10], $0x2710  }
0x28: {  	[sflag:s10] =	ssyncset.done $0x0;
	s15 =	ssub.s32 $0x0, s15  }
0x29: {  	[sflag:s10] =	ssyncadd.s32 $0xFFFFD8F0;
	s15 =	sand.u32 $0xFF, s15  }
0x2a: {  	[bflag:$0x0] =	sbarrier.arrive $0xFFFF;
	p0 =	sne.s32 s15, $0x0  }
0x2b: {  	s16 =	simm.s32 @!p0 $0x0;
	s17 =	simm.s32 @!p0 $0x2760;
	s18 =	simm.s32 @!p0 $0x1  }
0x2c: {  	[tilespmem:s17], [sflag:$0x1] =	stream.linear.gather @!p0 [hbm4b:s8+s16], $0x7D00, $0x38;
	[tilespmem:$0xF460] =	vst v63  }
0x2d: {  	_ =	swait.ge @!p0 [sflag:s18], $0x7D00  }
0x2e: {  	[sflag:s18] =	ssyncset.done @!p0 $0x0  }
0x2f: {  	s28 =	simm.s32 $0x20;
	[sflag:s18] =	ssyncadd.s32 @!p0 $0xFFFF8300  }
0x30: {  	v1 =	vld [tilespmem:s28+$0xFFFFFFE0];
	_ =	sdelay $0x4  }
0x31: {  	[tilespmem:$0x2710] =	vst v1  }
0x32: {  	v1 =	vld [tilespmem:s28+$0xFFFFFFF0];
	_ =	sdelay $0x4  }
0x33: {  	[tilespmem:$0x2720] =	vst v1  }
0x34: {  	v1 =	vld [tilespmem:s28+$0x0];
	_ =	sdelay $0x4  }
0x35: {  	[tilespmem:$0x2730] =	vst v1  }
0x36: {  	v1 =	vld [tilespmem:s28+$0x10];
	_ =	sdelay $0x3  }
0x37: {  	s29 =	simm.s32 $0x1  }
0x38: {  	s30 =	smul.u32 $0x29, s29;
	[tilespmem:$0x2740] =	vst v1  }
0x39: {  	v1 =	vld [tilespmem:s28+$0x20]  }
0x3a: {  	s16 =	sshrl.u32 s30, $0xA  }
0x3b: {  	s15 =	smul.u32 $0x1400, s15;
	s31 =	sand.u32 $0x3F, s16  }
0x3c: {  	s17 =	smul.u32 $0x19, s31  }
0x3d: {  	s15 =	sshrl.u32 s15, $0x2  }
0x3e: {  	s15 =	sadd.s32 $0x2760, s15;
	s17 =	ssub.s32 $0x1, s17;
	[tilespmem:$0x2750] =	vst v1  }
0x3f: {  	[spmem:s2] =	stream.indirect.scatter.add.f32 [tilespmem:s15], [sflag:$0x1], $0x10, s12, s11, $0xb8;
	[tilespmem:$0xF460] =	vst v63  }
0x40: {  	s16 =	simm.s32 $0x2;
	s18 =	sand.u32 $0xFF, s17;
	_ =	swait.ge [sflag:s10], $0x500  }
0x41: {  	s17 =	sadd.s32 $0xA0, s8;
	s15 =	simm.s32 $0x70;
	[sflag:s10] =	ssyncset.done $0x0  }
.LBB2_4:
0x42: {  	p1 =	sne.s32 s18, $0x0  }
0x43: {  	[sflag:s10] =	ssyncadd.s32 $0xFFFFFB00;
	s19 =	smov.u32 s16;
	s16 =	sadd.s32 $0x1, s16  }
0x44: {  	s20 =	simm.s32 @!p1 $0x0;
	s21 =	simm.s32 @!p1 $0x2760;
	s22 =	simm.s32 @!p1 $0x1  }
0x45: {  	[tilespmem:s21], [sflag:$0x1] =	stream.linear.gather @!p1 [hbm4b:s17+s20], $0x7D00, $0x38;
	[tilespmem:$0xF460] =	vst v63  }
0x46: {  	p0 =	sne.s32 s16, $0x7D;
	_ =	swait.ge @!p1 [sflag:s22], $0x7D00  }
0x47: {  	[sflag:s22] =	ssyncset.done @!p1 $0x0  }
0x48: {  	[sflag:s22] =	ssyncadd.s32 @!p1 $0xFFFF8300  }
0x49: {  	v1 =	vld [tilespmem:s15+$0xFFFFFFE0];
	_ =	sdelay $0x4  }
0x4a: {  	[tilespmem:$0x2710] =	vst v1  }
0x4b: {  	v1 =	vld [tilespmem:s15+$0xFFFFFFF0];
	_ =	sdelay $0x4  }
0x4c: {  	[tilespmem:$0x2720] =	vst v1  }
0x4d: {  	v1 =	vld [tilespmem:s15+$0x0];
	_ =	sdelay $0x4  }
0x4e: {  	[tilespmem:$0x2730] =	vst v1  }
0x4f: {  	v1 =	vld [tilespmem:s15+$0x10];
	_ =	sdelay $0x4  }
0x50: {  	[tilespmem:$0x2740] =	vst v1  }
0x51: {  	v1 =	vld [tilespmem:s15+$0x20]  }
0x52: {  	s20 =	smul.u32 $0x29, s19  }
0x53: {  	s18 =	smul.u32 $0x1400, s18  }
0x54: {  	s20 =	sshrl.u32 s20, $0xA  }
.Ltmp1:
0x55: {  	s18 =	sshrl.u32 s18, $0x2;
	s20 =	sand.u32 $0x3F, s20;
	(pc) =	sbr.rel @p0 .LBB2_4-.Ltmp1, $4  }
0x56: {  	s18 =	sadd.s32 $0x2760, s18;
	s20 =	smul.u32 $0x19, s20;
	[tilespmem:$0x2750] =	vst v1  }
0x57: {  	[spmem:s2] =	stream.indirect.scatter.add.f32 [tilespmem:s18], [sflag:$0x1], $0x10, s12, s11, $0xb8;
	[tilespmem:$0xF460] =	vst v63  }
0x58: {  	s15 =	sadd.s32 $0x50, s15;
	s18 =	ssub.s32 s19, s20;
	_ =	swait.ge [sflag:s10], $0x500  }
0x59: {  	s17 =	sadd.s32 $0xA0, s17;
	s18 =	sand.u32 $0xFF, s18;
	[sflag:s10] =	ssyncset.done $0x0  }
0x5a: {  	p0 =	sne.s32 s18, $0x0;
	[sflag:s10] =	ssyncadd.s32 $0xFFFFFB00  }
0x5b: {  	s16 =	simm.s32 @!p0 $0x0;
	s19 =	simm.s32 @!p0 $0x2760;
	s20 =	simm.s32 @!p0 $0x1  }
0x5c: {  	[tilespmem:s19], [sflag:$0x1] =	stream.linear.gather @!p0 [hbm4b:s17+s16], $0x7D00, $0x38;
	[tilespmem:$0xF460] =	vst v63  }
0x5d: {  	_ =	swait.ge @!p0 [sflag:s20], $0x7D00  }
0x5e: {  	[sflag:s20] =	ssyncset.done @!p0 $0x0  }
0x5f: {  	[sflag:s20] =	ssyncadd.s32 @!p0 $0xFFFF8300  }
0x60: {  	v1 =	vld [tilespmem:s15+$0xFFFFFFE0];
	_ =	sdelay $0x4  }
0x61: {  	[tilespmem:$0x2710] =	vst v1  }
0x62: {  	v1 =	vld [tilespmem:s15+$0xFFFFFFF0];
	_ =	sdelay $0x4  }
0x63: {  	[tilespmem:$0x2720] =	vst v1  }
0x64: {  	v1 =	vld [tilespmem:s15+$0x0];
	_ =	sdelay $0x4  }
0x65: {  	[tilespmem:$0x2730] =	vst v1  }
0x66: {  	v1 =	vld [tilespmem:s15+$0x10];
	_ =	sdelay $0x4  }
0x67: {  	[tilespmem:$0x2740] =	vst v1  }
0x68: {  	v1 =	vld [tilespmem:s15+$0x20];
	_ =	sdelay $0x1  }
0x69: {  	s31 =	smul.u32 $0x1400, s18;
	_ =	sdelay $0x1  }
0x6a: {  	s15 =	sshrl.u32 s31, $0x2  }
0x6b: {  	s15 =	sadd.s32 $0x2760, s15;
	[tilespmem:$0x2750] =	vst v1  }
0x6c: {  	[spmem:s2] =	stream.indirect.scatter.add.f32 [tilespmem:s15], [sflag:$0x1], $0x10, s12, s11, $0xb8;
	[tilespmem:$0xF460] =	vst v63  }
0x6d: {  	_ =	swait.ge [sflag:s10], $0x500  }
0x6e: {  	s3 =	sadd.s32 $0x1, s3;
	[sflag:s10] =	ssyncset.done $0x0  }
0x6f: {  	p0 =	sne.s32 s3, s7;
	[sflag:s10] =	ssyncadd.s32 $0xFFFFFB00  }
.Ltmp2:
0x70: {  	[bflag:$0x0] =	sbarrier.arrive $0xFFFF;
	(pc) =	sbr.rel @p0 .LBB2_1-.Ltmp2, $4  }
0x71: {  	[hbm:s6], [sflag:s13] =	dma.local [spmem:s14], $0x500  }
0x72: {  	_ =	swait.ge [sflag:s10], $0x500  }
0x73: {  	[sflag:s10] =	ssyncset.done $0x0  }
0x74: {  	[sflag:s10] =	ssyncadd.s32 $0xFFFFFB00  }
0x75: {  	_ =	sfence.sel $0x180000  }
0x76: {  	[bflag:$0x0] =	sbarrier.arrive $0xFFFF  }
0x77: {  	p0 =	sne.s32 s0, $0x0;
	_ =	strace $0x90000053  }
0x78: {  	s0 =	sadd.s32 @!p0 $0x100000, s1;
	[bflag:$0x2] =	sbarrier.arrive $0xFFFF  }
0x79: {  	[sflag:s0] =	ssyncadd.tile.s32 @!p0 $0x1;
	_ =	shalt  }
.Lfunc_end2:
_tile_overlayer_lowered:
.L_overlay_start_2:
0x7a: {  	(tag) =	ssettag $0x2  }
0x7b: {  	s0 =	rddreg [dreg:$0x0];
	s2 =	stileid.u32  }
0x7c: {  	s1 =	rddreg [dreg:$0x1];
	p0 =	sne.s32 s2, $0x0  }
0x7d: {  	s3 =	rddreg [dreg:$0x2];
	[bflag:$0x3] =	sbarrier.arrive $0xFFFF;
	s2 =	simm.s32 @!p0 $0x1C01  }
0x7e: {  	[timem:s3], [sflag:s2] =	dma.local @!p0 [hbm:s0], s1  }
0x7f: {  	s0 =	simm.s32 @!p0 $0x1  }
0x80: {  	_ =	swait.ge @!p0 [sflag:s0], s1  }
0x81: {  	s1 =	ssub.s32 @!p0 $0x0, s1;
	[sflag:s0] =	ssyncset.done @!p0 $0x0  }
0x82: {  	[sflag:s0] =	ssyncadd.s32 @!p0 s1  }
0x83: {  	[bflag:$0x3] =	sbarrier.arrive $0xFFFF  }
0x84: {  	_ =	shalt  }

</sc_bundles>
